<compile_context>
chip_gen: v7x
topology: tpu7x:2x2x1
jax: 0.10.2.dev20260603
libtpu: 0.0.44.dev20260713+nightly
codegen_flags: <defaults>
</compile_context>

<pallas_src>
import functools

import jax
import jax.numpy as jnp
from jax import lax
from jax.experimental import pallas as pl
from jax.experimental.pallas import tpu as pltpu
from jax.experimental.pallas import tpu_sc as plsc

N_CLS = 1000
PRE = 5
NCTX = 16
TOT = 77
SUF = TOT - PRE - NCTX
D = 512
NW = 32
CHUNK = 112
NCHUNK = 9
TAIL = N_CLS - 8 * CHUNK

PRE_ROWS = PRE * N_CLS
CTX_ROW0 = PRE_ROWS
SUF_ROW0 = (PRE + NCTX) * N_CLS

_mesh = plsc.VectorSubcoreMesh(core_axis_name="c", subcore_axis_name="s")


@functools.partial(
    pl.kernel,
    mesh=_mesh,
    out_type=jax.ShapeDtypeStruct((TOT * N_CLS, D), jnp.float32),
    scratch_types=[
        pltpu.VMEM((CHUNK,), jnp.int32),
        pltpu.VMEM((CHUNK,), jnp.int32),
        pltpu.VMEM((16,), jnp.int32),
        pltpu.VMEM((CHUNK, D), jnp.float32),
        pltpu.VMEM((CHUNK, D), jnp.float32),
        pltpu.VMEM((16, D), jnp.float32),
        pltpu.SemaphoreType.DMA,
        pltpu.SemaphoreType.DMA,
        pltpu.SemaphoreType.DMA,
        pltpu.SemaphoreType.DMA,
        pltpu.SemaphoreType.DMA,
    ],
)
def _assemble(ctx_hbm, pre_hbm, suf_hbm, out_hbm,
              ia, ib, ic, ra, rb, crep, ga, gb, oa, ob, oc):
    idx = [ia, ib]
    rows = [ra, rb]
    gsem = [ga, gb]
    osem = [oa, ob]
    wid = lax.axis_index("s") * 2 + lax.axis_index("c")
    j16 = lax.iota(jnp.int32, 16)

    a = jnp.minimum(wid * 160, PRE_ROWS - 160)
    pcp = [
        pltpu.make_async_copy(
            pre_hbm.at[pl.ds(a + 80 * h, 80)], rows[h].at[pl.ds(0, 80)],
            gsem[h])
        for h in range(2)
    ]
    ocp = [
        pltpu.make_async_copy(
            rows[h].at[pl.ds(0, 80)], out_hbm.at[pl.ds(a + 80 * h, 80)],
            osem[h])
        for h in range(2)
    ]
    pcp[0].start()
    pcp[1].start()
    for h in range(2):
        pcp[h].wait()
        ocp[h].start()

    k = wid // 2
    ic[pl.ds(0, 16)] = k + j16 * 0
    cg = pltpu.make_async_copy(ctx_hbm.at[ic], crep, oc)
    cg.start()
    cg.wait()
    cbase = CTX_ROW0 + k * N_CLS + jnp.minimum((wid % 2) * 504, N_CLS - 504)
    ccp = [
        pltpu.make_async_copy(
            crep, out_hbm.at[pl.ds(cbase + 16 * u, 16)], oc)
        for u in range(31)
    ] + [
        pltpu.make_async_copy(
            crep.at[pl.ds(0, 8)],
            out_hbm.at[pl.ds(cbase + 16 * 31, 8)], oc)
    ]
    for cp in ccp:
        cp.start()
    for h in range(2):
        ocp[h].wait()
    for cp in ccp:
        cp.wait()

    def build_sidx(s, ci, t):
        c0 = CHUNK * ci
        for n in range(7):
            c = jnp.minimum(c0 + 16 * n + j16, N_CLS - 1)
            idx[s][pl.ds(16 * n, 16)] = c * SUF + t

    def g_copy(s):
        return pltpu.make_async_copy(suf_hbm.at[idx[s]], rows[s], gsem[s])

    def o_copy(s, ci, t):
        c0 = CHUNK * ci
        ln = CHUNK if ci < NCHUNK - 1 else TAIL
        return pltpu.make_async_copy(
            rows[s].at[pl.ds(0, ln)],
            out_hbm.at[pl.ds(SUF_ROW0 + t * N_CLS + c0, ln)], osem[s])

    def do_plane(t):
        build_sidx(0, 0, t)
        g_copy(0).start()
        build_sidx(1, 1, t)
        g_copy(1).start()
        for ci in range(NCHUNK):
            s = ci % 2
            g_copy(s).wait()
            o_copy(s, ci, t).start()
            if ci + 2 < NCHUNK:
                o_copy(s, ci, t).wait()
                build_sidx(s, ci + 2, t)
                g_copy(s).start()
        for ci in (NCHUNK - 2, NCHUNK - 1):
            o_copy(ci % 2, ci, t).wait()

    do_plane(wid)

    @pl.when(wid < SUF - 32)
    def _():
        do_plane(wid + 32)


def kernel(ctx, token_prefix, token_suffix):
    pre2d = jnp.transpose(token_prefix, (1, 0, 2)).reshape(PRE * N_CLS, D)
    suf2d = token_suffix.reshape(N_CLS * SUF, D)
    out2d = _assemble(ctx, pre2d, suf2d)
    out_t = out2d.reshape(TOT, N_CLS, D)
    return jnp.transpose(out_t, (1, 0, 2))

# --- scband reference (transcript-rebuilt; emitter-appended) ---
"""Pipeline reference for scband-prompt-learner-57312043598061 (READ-ONLY COPY).

The authoritative reference and input builder live on the scoring server;
editing this copy changes nothing except your own understanding.
"""

import jax, jax.numpy as jnp
import numpy as np

N_CLS = 1000
N_CTX = 16
CTX_DIM = 512
PREFIX_LEN = 4  # 'a photo of a'
TOTAL_LEN = 77

def setup_inputs(seed: int = 0) -> dict:
    key = jax.random.key(seed)
    k1, k2, k3 = jax.random.split(key, 3)
    ctx = jax.random.normal(k1, (N_CTX, CTX_DIM), dtype=jnp.float32) * 0.02
    token_prefix = jax.random.normal(k2, (N_CLS, 1 + PREFIX_LEN, CTX_DIM), dtype=jnp.float32)
    token_suffix = jax.random.normal(k3, (N_CLS, TOTAL_LEN - (1 + PREFIX_LEN) - N_CTX, CTX_DIM), dtype=jnp.float32)
    return {"ctx": ctx, "token_prefix": token_prefix, "token_suffix": token_suffix}

def reference(ctx, token_prefix, token_suffix):
    # ctx.dim() == 2 -> broadcast/expand over classes
    if ctx.ndim == 2:
        n_cls = token_prefix.shape[0]
        ctx = jnp.broadcast_to(ctx[None, :, :], (n_cls, ctx.shape[0], ctx.shape[1]))
    prompts = jnp.concatenate([token_prefix, ctx, token_suffix], axis=1)
    return prompts

if __name__ == "__main__":
    import jax
    _d = setup_inputs()
    print(jax.jit(kernel)(*tuple(_d.values())))

</pallas_src>

<mosaic_0001>
#map = affine_map<(d0, d1) -> (0, 0)>
module attributes {stable_mosaic.version = 14 : i64} {
  func.func @_assemble(%arg0: i32, %arg1: i32, %arg2: memref<16x512xf32, #tpu.memory_space<hbm>>, %arg3: memref<5000x512xf32, #tpu.memory_space<hbm>>, %arg4: memref<56000x512xf32, #tpu.memory_space<hbm>>, %arg5: memref<77000x512xf32, #tpu.memory_space<hbm>>, %arg6: memref<112xi32, #tpu.memory_space<vmem>>, %arg7: memref<112xi32, #tpu.memory_space<vmem>>, %arg8: memref<16xi32, #tpu.memory_space<vmem>>, %arg9: memref<112x512xf32, #tpu.memory_space<vmem>>, %arg10: memref<112x512xf32, #tpu.memory_space<vmem>>, %arg11: memref<16x512xf32, #tpu.memory_space<vmem>>, %arg12: memref<!tpu.dma_semaphore, #tpu.memory_space<semaphore_mem>>, %arg13: memref<!tpu.dma_semaphore, #tpu.memory_space<semaphore_mem>>, %arg14: memref<!tpu.dma_semaphore, #tpu.memory_space<semaphore_mem>>, %arg15: memref<!tpu.dma_semaphore, #tpu.memory_space<semaphore_mem>>, %arg16: memref<!tpu.dma_semaphore, #tpu.memory_space<semaphore_mem>>) attributes {dimension_semantics = [#tpu.dimension_semantics<core_parallel>, #tpu.dimension_semantics<subcore_parallel>], iteration_bounds = array<i64: 2, 16>, scalar_prefetch = 0 : i64, scratch_operands = 11 : i64, tpu.core_type = #tpu.core_type<sc_vector_subcore>, window_params = [{transform_indices = #map}, {transform_indices = #map}, {transform_indices = #map}, {transform_indices = #map}]} {
    %mul3A = arith.constant 2 : i32
    %mul3A_0 = arith.muli %arg1, %mul3A : i32
    %add3A = arith.addi %mul3A_0, %arg0 : i32
    %iota3A = tpu.iota {dimensions = array<i32: 0>} : vector<16xi32>
    %mul3A_1 = arith.constant 160 : i32
    %mul3A_2 = arith.muli %add3A, %mul3A_1 : i32
    %min3A = arith.constant 4840 : i32
    %min3A_3 = arith.minsi %mul3A_2, %min3A : i32
    %add3A_4 = arith.constant 0 : i32
    %add3A_5 = arith.addi %min3A_3, %add3A_4 : i32
    %add3A_6 = arith.constant 80 : i32
    %add3A_7 = arith.addi %min3A_3, %add3A_6 : i32
    %add3A_8 = arith.constant 0 : i32
    %add3A_9 = arith.addi %min3A_3, %add3A_8 : i32
    %add3A_10 = arith.constant 80 : i32
    %add3A_11 = arith.addi %min3A_3, %add3A_10 : i32
    %dma_start3A = arith.constant 0 : i32
    %dma_start3A_12 = arith.constant 0 : i32
    %dma_start3A_13 = tpu.memref_slice %arg9[%dma_start3A, %dma_start3A_12] : memref<112x512xf32, #tpu.memory_space<vmem>> -> memref<80x512xf32, #tpu.memory_space<vmem>>
    %dma_start3A_14 = arith.constant 0 : i32
    %dma_start3A_15 = tpu.memref_slice %arg3[%add3A_5, %dma_start3A_14] : memref<5000x512xf32, #tpu.memory_space<hbm>> -> memref<80x512xf32, #tpu.memory_space<hbm>>
    %dma_start3A_16 = arith.constant 0 : i32
    %dma_start3A_17 = arith.constant 0 : i32
    %dma_start3A_18 = tpu.memref_slice %arg9[%dma_start3A_16, %dma_start3A_17] : memref<112x512xf32, #tpu.memory_space<vmem>> -> memref<80x512xf32, #tpu.memory_space<vmem>>
    %dma_start3A_19 = arith.constant 0 : i32
    %dma_start3A_20 = tpu.memref_slice %arg3[%add3A_5, %dma_start3A_19] : memref<5000x512xf32, #tpu.memory_space<hbm>> -> memref<80x512xf32, #tpu.memory_space<hbm>>
    tpu.enqueue_dma source(%dma_start3A_20 : memref<80x512xf32, #tpu.memory_space<hbm>>) target(%dma_start3A_18 : memref<80x512xf32, #tpu.memory_space<vmem>>) target_semaphore(%arg12 : memref<!tpu.dma_semaphore, #tpu.memory_space<semaphore_mem>>)
    %dma_start3A_21 = arith.constant 0 : i32
    %dma_start3A_22 = arith.constant 0 : i32
    %dma_start3A_23 = tpu.memref_slice %arg10[%dma_start3A_21, %dma_start3A_22] : memref<112x512xf32, #tpu.memory_space<vmem>> -> memref<80x512xf32, #tpu.memory_space<vmem>>
    %dma_start3A_24 = arith.constant 0 : i32
    %dma_start3A_25 = tpu.memref_slice %arg3[%add3A_7, %dma_start3A_24] : memref<5000x512xf32, #tpu.memory_space<hbm>> -> memref<80x512xf32, #tpu.memory_space<hbm>>
    %dma_start3A_26 = arith.constant 0 : i32
    %dma_start3A_27 = arith.constant 0 : i32
    %dma_start3A_28 = tpu.memref_slice %arg10[%dma_start3A_26, %dma_start3A_27] : memref<112x512xf32, #tpu.memory_space<vmem>> -> memref<80x512xf32, #tpu.memory_space<vmem>>
    %dma_start3A_29 = arith.constant 0 : i32
    %dma_start3A_30 = tpu.memref_slice %arg3[%add3A_7, %dma_start3A_29] : memref<5000x512xf32, #tpu.memory_space<hbm>> -> memref<80x512xf32, #tpu.memory_space<hbm>>
    tpu.enqueue_dma source(%dma_start3A_30 : memref<80x512xf32, #tpu.memory_space<hbm>>) target(%dma_start3A_28 : memref<80x512xf32, #tpu.memory_space<vmem>>) target_semaphore(%arg13 : memref<!tpu.dma_semaphore, #tpu.memory_space<semaphore_mem>>)
    %dma_wait3A = arith.constant 0 : i32
    %dma_wait3A_31 = arith.constant 0 : i32
    %dma_wait3A_32 = tpu.memref_slice %arg9[%dma_wait3A, %dma_wait3A_31] : memref<112x512xf32, #tpu.memory_space<vmem>> -> memref<80x512xf32, #tpu.memory_space<vmem>>
    %dma_wait3A_33 = arith.constant 0 : i32
    %dma_wait3A_34 = tpu.memref_slice %arg3[%add3A_5, %dma_wait3A_33] : memref<5000x512xf32, #tpu.memory_space<hbm>> -> memref<80x512xf32, #tpu.memory_space<hbm>>
    %dma_wait3A_35 = arith.constant 0 : i32
    %dma_wait3A_36 = arith.constant 0 : i32
    %dma_wait3A_37 = tpu.memref_slice %arg9[%dma_wait3A_35, %dma_wait3A_36] : memref<112x512xf32, #tpu.memory_space<vmem>> -> memref<80x512xf32, #tpu.memory_space<vmem>>
    %dma_wait3A_38 = arith.constant 0 : i32
    %dma_wait3A_39 = tpu.memref_slice %arg3[%add3A_5, %dma_wait3A_38] : memref<5000x512xf32, #tpu.memory_space<hbm>> -> memref<80x512xf32, #tpu.memory_space<hbm>>
    tpu.wait_dma2 semaphore(%arg12 : memref<!tpu.dma_semaphore, #tpu.memory_space<semaphore_mem>>) src(%dma_wait3A_39 : memref<80x512xf32, #tpu.memory_space<hbm>>) dst(%dma_wait3A_37 : memref<80x512xf32, #tpu.memory_space<vmem>>)
    %dma_start3A_40 = arith.constant 0 : i32
    %dma_start3A_41 = arith.constant 0 : i32
    %dma_start3A_42 = tpu.memref_slice %arg9[%dma_start3A_40, %dma_start3A_41] : memref<112x512xf32, #tpu.memory_space<vmem>> -> memref<80x512xf32, #tpu.memory_space<vmem>>
    %dma_start3A_43 = arith.constant 0 : i32
    %dma_start3A_44 = tpu.memref_slice %arg5[%add3A_9, %dma_start3A_43] : memref<77000x512xf32, #tpu.memory_space<hbm>> -> memref<80x512xf32, #tpu.memory_space<hbm>>
    %dma_start3A_45 = arith.constant 0 : i32
    %dma_start3A_46 = tpu.memref_slice %arg5[%add3A_9, %dma_start3A_45] : memref<77000x512xf32, #tpu.memory_space<hbm>> -> memref<80x512xf32, #tpu.memory_space<hbm>>
    %dma_start3A_47 = arith.constant 0 : i32
    %dma_start3A_48 = arith.constant 0 : i32
    %dma_start3A_49 = tpu.memref_slice %arg9[%dma_start3A_47, %dma_start3A_48] : memref<112x512xf32, #tpu.memory_space<vmem>> -> memref<80x512xf32, #tpu.memory_space<vmem>>
    tpu.enqueue_dma source(%dma_start3A_49 : memref<80x512xf32, #tpu.memory_space<vmem>>) target(%dma_start3A_46 : memref<80x512xf32, #tpu.memory_space<hbm>>) target_semaphore(%arg14 : memref<!tpu.dma_semaphore, #tpu.memory_space<semaphore_mem>>)
    %dma_wait3A_50 = arith.constant 0 : i32
    %dma_wait3A_51 = arith.constant 0 : i32
    %dma_wait3A_52 = tpu.memref_slice %arg10[%dma_wait3A_50, %dma_wait3A_51] : memref<112x512xf32, #tpu.memory_space<vmem>> -> memref<80x512xf32, #tpu.memory_space<vmem>>
    %dma_wait3A_53 = arith.constant 0 : i32
    %dma_wait3A_54 = tpu.memref_slice %arg3[%add3A_7, %dma_wait3A_53] : memref<5000x512xf32, #tpu.memory_space<hbm>> -> memref<80x512xf32, #tpu.memory_space<hbm>>
    %dma_wait3A_55 = arith.constant 0 : i32
    %dma_wait3A_56 = arith.constant 0 : i32
    %dma_wait3A_57 = tpu.memref_slice %arg10[%dma_wait3A_55, %dma_wait3A_56] : memref<112x512xf32, #tpu.memory_space<vmem>> -> memref<80x512xf32, #tpu.memory_space<vmem>>
    %dma_wait3A_58 = arith.constant 0 : i32
    %dma_wait3A_59 = tpu.memref_slice %arg3[%add3A_7, %dma_wait3A_58] : memref<5000x512xf32, #tpu.memory_space<hbm>> -> memref<80x512xf32, #tpu.memory_space<hbm>>
    tpu.wait_dma2 semaphore(%arg13 : memref<!tpu.dma_semaphore, #tpu.memory_space<semaphore_mem>>) src(%dma_wait3A_59 : memref<80x512xf32, #tpu.memory_space<hbm>>) dst(%dma_wait3A_57 : memref<80x512xf32, #tpu.memory_space<vmem>>)
    %dma_start3A_60 = arith.constant 0 : i32
    %dma_start3A_61 = arith.constant 0 : i32
    %dma_start3A_62 = tpu.memref_slice %arg10[%dma_start3A_60, %dma_start3A_61] : memref<112x512xf32, #tpu.memory_space<vmem>> -> memref<80x512xf32, #tpu.memory_space<vmem>>
    %dma_start3A_63 = arith.constant 0 : i32
    %dma_start3A_64 = tpu.memref_slice %arg5[%add3A_11, %dma_start3A_63] : memref<77000x512xf32, #tpu.memory_space<hbm>> -> memref<80x512xf32, #tpu.memory_space<hbm>>
    %dma_start3A_65 = arith.constant 0 : i32
    %dma_start3A_66 = tpu.memref_slice %arg5[%add3A_11, %dma_start3A_65] : memref<77000x512xf32, #tpu.memory_space<hbm>> -> memref<80x512xf32, #tpu.memory_space<hbm>>
    %dma_start3A_67 = arith.constant 0 : i32
    %dma_start3A_68 = arith.constant 0 : i32
    %dma_start3A_69 = tpu.memref_slice %arg10[%dma_start3A_67, %dma_start3A_68] : memref<112x512xf32, #tpu.memory_space<vmem>> -> memref<80x512xf32, #tpu.memory_space<vmem>>
    tpu.enqueue_dma source(%dma_start3A_69 : memref<80x512xf32, #tpu.memory_space<vmem>>) target(%dma_start3A_66 : memref<80x512xf32, #tpu.memory_space<hbm>>) target_semaphore(%arg15 : memref<!tpu.dma_semaphore, #tpu.memory_space<semaphore_mem>>)
    %jit3A = arith.constant 2 : i32
    %div3A = arith.divsi %add3A, %jit3A : i32
    %sign3A = arith.constant 0 : i32
    %sign3A_70 = arith.cmpi sgt, %add3A, %sign3A : i32
    %sign3A_71 = arith.extui %sign3A_70 : i1 to i32
    %sign3A_72 = arith.constant 0 : i32
    %sign3A_73 = arith.cmpi slt, %add3A, %sign3A_72 : i32
    %sign3A_74 = arith.extui %sign3A_73 : i1 to i32
    %sign3A_75 = arith.subi %sign3A_71, %sign3A_74 : i32
    %sign3A_76 = arith.constant 0 : i32
    %sign3A_77 = arith.cmpi sgt, %jit3A, %sign3A_76 : i32
    %sign3A_78 = arith.extui %sign3A_77 : i1 to i32
    %sign3A_79 = arith.constant 0 : i32
    %sign3A_80 = arith.cmpi slt, %jit3A, %sign3A_79 : i32
    %sign3A_81 = arith.extui %sign3A_80 : i1 to i32
    %sign3A_82 = arith.subi %sign3A_78, %sign3A_81 : i32
    %ne3A = arith.cmpi ne, %sign3A_75, %sign3A_82 : i32
    %rem3A = arith.remsi %add3A, %jit3A : i32
    %ne3A_83 = arith.constant 0 : i32
    %ne3A_84 = arith.cmpi ne, %rem3A, %ne3A_83 : i32
    %and3A = arith.andi %ne3A, %ne3A_84 : i1
    %sub3A = arith.constant 1 : i32
    %sub3A_85 = arith.subi %div3A, %sub3A : i32
    %select_n3A = arith.select %and3A, %sub3A_85, %div3A : i32
    %mul3A_86 = arith.constant 0 : i32
    %mul3A_87 = vector.broadcast %mul3A_86 : i32 to vector<16xi32>
    %mul3A_88 = arith.muli %iota3A, %mul3A_87 : vector<16xi32>
    %add3A_89 = vector.broadcast %select_n3A : i32 to vector<16xi32>
    %add3A_90 = arith.addi %add3A_89, %mul3A_88 : vector<16xi32>
    %swap3A = arith.constant 0 : index
    %swap3A_91 = tpu.vector_load %arg8[%swap3A] {strides = array<i32>} : memref<16xi32, #tpu.memory_space<vmem>>, vector<16xi32>,
    %swap3A_92 = vector.shape_cast %swap3A_91 : vector<16xi32> to vector<16xi32>
    %swap3A_93 = vector.shape_cast %add3A_90 : vector<16xi32> to vector<16xi32>
    tpu.vector_store %arg8[%swap3A], %swap3A_93 {strides = array<i32>} : memref<16xi32, #tpu.memory_space<vmem>>, vector<16xi32>,
    %dma_start3A_94 = arith.constant 0 : i32
    %dma_start3A_95 = arith.constant 0 : i32
    %dma_start3A_96 = tpu.memref_slice %arg2[%dma_start3A_94, %dma_start3A_95] : memref<16x512xf32, #tpu.memory_space<hbm>> -> memref<16x512xf32, #tpu.memory_space<hbm>>
    tpu.enqueue_indirect_dma source(%dma_start3A_96 : memref<16x512xf32, #tpu.memory_space<hbm>>) target(%arg11 : memref<16x512xf32, #tpu.memory_space<vmem>>) offsets(%arg8 : memref<16xi32, #tpu.memory_space<vmem>>) semaphore(%arg16 : memref<!tpu.dma_semaphore, #tpu.memory_space<semaphore_mem>>)
    %dma_wait3A_97 = arith.constant 0 : i32
    %dma_wait3A_98 = arith.constant 0 : i32
    %dma_wait3A_99 = tpu.memref_slice %arg2[%dma_wait3A_97, %dma_wait3A_98] : memref<16x512xf32, #tpu.memory_space<hbm>> -> memref<16x512xf32, #tpu.memory_space<hbm>>
    tpu.wait_indirect_dma semaphore(%arg16 : memref<!tpu.dma_semaphore, #tpu.memory_space<semaphore_mem>>) src(%dma_wait3A_99 : memref<16x512xf32, #tpu.memory_space<hbm>>) dst(%arg11 : memref<16x512xf32, #tpu.memory_space<vmem>>)
    %mul3A_100 = arith.constant 1000 : i32
    %mul3A_101 = arith.muli %select_n3A, %mul3A_100 : i32
    %add3A_102 = arith.constant 5000 : i32
    %add3A_103 = arith.addi %add3A_102, %mul3A_101 : i32
    %jit3A_104 = arith.constant 2 : i32
    %eq3A = arith.constant 0 : i32
    %eq3A_105 = arith.cmpi eq, %jit3A_104, %eq3A : i32
    %jit3A_106 = arith.constant 1 : i32
    %select_n3A_107 = arith.select %eq3A_105, %jit3A_106, %jit3A_104 : i32
    %rem3A_108 = arith.remsi %add3A, %select_n3A_107 : i32
    %ne3A_109 = arith.constant 0 : i32
    %ne3A_110 = arith.cmpi ne, %rem3A_108, %ne3A_109 : i32
    %lt3A = arith.constant 0 : i32
    %lt3A_111 = arith.cmpi slt, %rem3A_108, %lt3A : i32
    %lt3A_112 = arith.constant 0 : i32
    %lt3A_113 = arith.cmpi slt, %select_n3A_107, %lt3A_112 : i32
    %ne3A_114 = arith.xori %lt3A_111, %lt3A_113 : i1
    %and3A_115 = arith.andi %ne3A_114, %ne3A_110 : i1
    %add3A_116 = arith.addi %rem3A_108, %select_n3A_107 : i32
    %select_n3A_117 = arith.select %and3A_115, %add3A_116, %rem3A_108 : i32
    %mul3A_118 = arith.constant 504 : i32
    %mul3A_119 = arith.muli %select_n3A_117, %mul3A_118 : i32
    %min3A_120 = arith.constant 496 : i32
    %min3A_121 = arith.minsi %mul3A_119, %min3A_120 : i32
    %add3A_122 = arith.addi %add3A_103, %min3A_121 : i32
    %add3A_123 = arith.constant 0 : i32
    %add3A_124 = arith.addi %add3A_122, %add3A_123 : i32
    %add3A_125 = arith.constant 16 : i32
    %add3A_126 = arith.addi %add3A_122, %add3A_125 : i32
    %add3A_127 = arith.constant 32 : i32
    %add3A_128 = arith.addi %add3A_122, %add3A_127 : i32
    %add3A_129 = arith.constant 48 : i32
    %add3A_130 = arith.addi %add3A_122, %add3A_129 : i32
    %add3A_131 = arith.constant 64 : i32
    %add3A_132 = arith.addi %add3A_122, %add3A_131 : i32
    %add3A_133 = arith.constant 80 : i32
    %add3A_134 = arith.addi %add3A_122, %add3A_133 : i32
    %add3A_135 = arith.constant 96 : i32
    %add3A_136 = arith.addi %add3A_122, %add3A_135 : i32
    %add3A_137 = arith.constant 112 : i32
    %add3A_138 = arith.addi %add3A_122, %add3A_137 : i32
    %add3A_139 = arith.constant 128 : i32
    %add3A_140 = arith.addi %add3A_122, %add3A_139 : i32
    %add3A_141 = arith.constant 144 : i32
    %add3A_142 = arith.addi %add3A_122, %add3A_141 : i32
    %add3A_143 = arith.constant 160 : i32
    %add3A_144 = arith.addi %add3A_122, %add3A_143 : i32
    %add3A_145 = arith.constant 176 : i32
    %add3A_146 = arith.addi %add3A_122, %add3A_145 : i32
    %add3A_147 = arith.constant 192 : i32
    %add3A_148 = arith.addi %add3A_122, %add3A_147 : i32
    %add3A_149 = arith.constant 208 : i32
    %add3A_150 = arith.addi %add3A_122, %add3A_149 : i32
    %add3A_151 = arith.constant 224 : i32
    %add3A_152 = arith.addi %add3A_122, %add3A_151 : i32
    %add3A_153 = arith.constant 240 : i32
    %add3A_154 = arith.addi %add3A_122, %add3A_153 : i32
    %add3A_155 = arith.constant 256 : i32
    %add3A_156 = arith.addi %add3A_122, %add3A_155 : i32
    %add3A_157 = arith.constant 272 : i32
    %add3A_158 = arith.addi %add3A_122, %add3A_157 : i32
    %add3A_159 = arith.constant 288 : i32
    %add3A_160 = arith.addi %add3A_122, %add3A_159 : i32
    %add3A_161 = arith.constant 304 : i32
    %add3A_162 = arith.addi %add3A_122, %add3A_161 : i32
    %add3A_163 = arith.constant 320 : i32
    %add3A_164 = arith.addi %add3A_122, %add3A_163 : i32
    %add3A_165 = arith.constant 336 : i32
    %add3A_166 = arith.addi %add3A_122, %add3A_165 : i32
    %add3A_167 = arith.constant 352 : i32
    %add3A_168 = arith.addi %add3A_122, %add3A_167 : i32
    %add3A_169 = arith.constant 368 : i32
    %add3A_170 = arith.addi %add3A_122, %add3A_169 : i32
    %add3A_171 = arith.constant 384 : i32
    %add3A_172 = arith.addi %add3A_122, %add3A_171 : i32
    %add3A_173 = arith.constant 400 : i32
    %add3A_174 = arith.addi %add3A_122, %add3A_173 : i32
    %add3A_175 = arith.constant 416 : i32
    %add3A_176 = arith.addi %add3A_122, %add3A_175 : i32
    %add3A_177 = arith.constant 432 : i32
    %add3A_178 = arith.addi %add3A_122, %add3A_177 : i32
    %add3A_179 = arith.constant 448 : i32
    %add3A_180 = arith.addi %add3A_122, %add3A_179 : i32
    %add3A_181 = arith.constant 464 : i32
    %add3A_182 = arith.addi %add3A_122, %add3A_181 : i32
    %add3A_183 = arith.constant 480 : i32
    %add3A_184 = arith.addi %add3A_122, %add3A_183 : i32
    %add3A_185 = arith.constant 496 : i32
    %add3A_186 = arith.addi %add3A_122, %add3A_185 : i32
    %dma_start3A_187 = arith.constant 0 : i32
    %dma_start3A_188 = tpu.memref_slice %arg5[%add3A_124, %dma_start3A_187] : memref<77000x512xf32, #tpu.memory_space<hbm>> -> memref<16x512xf32, #tpu.memory_space<hbm>>
    %dma_start3A_189 = arith.constant 0 : i32
    %dma_start3A_190 = tpu.memref_slice %arg5[%add3A_124, %dma_start3A_189] : memref<77000x512xf32, #tpu.memory_space<hbm>> -> memref<16x512xf32, #tpu.memory_space<hbm>>
    tpu.enqueue_dma source(%arg11 : memref<16x512xf32, #tpu.memory_space<vmem>>) target(%dma_start3A_190 : memref<16x512xf32, #tpu.memory_space<hbm>>) target_semaphore(%arg16 : memref<!tpu.dma_semaphore, #tpu.memory_space<semaphore_mem>>)
    %dma_start3A_191 = arith.constant 0 : i32
    %dma_start3A_192 = tpu.memref_slice %arg5[%add3A_126, %dma_start3A_191] : memref<77000x512xf32, #tpu.memory_space<hbm>> -> memref<16x512xf32, #tpu.memory_space<hbm>>
    %dma_start3A_193 = arith.constant 0 : i32
    %dma_start3A_194 = tpu.memref_slice %arg5[%add3A_126, %dma_start3A_193] : memref<77000x512xf32, #tpu.memory_space<hbm>> -> memref<16x512xf32, #tpu.memory_space<hbm>>
    tpu.enqueue_dma source(%arg11 : memref<16x512xf32, #tpu.memory_space<vmem>>) target(%dma_start3A_194 : memref<16x512xf32, #tpu.memory_space<hbm>>) target_semaphore(%arg16 : memref<!tpu.dma_semaphore, #tpu.memory_space<semaphore_mem>>)
    %dma_start3A_195 = arith.constant 0 : i32
    %dma_start3A_196 = tpu.memref_slice %arg5[%add3A_128, %dma_start3A_195] : memref<77000x512xf32, #tpu.memory_space<hbm>> -> memref<16x512xf32, #tpu.memory_space<hbm>>
    %dma_start3A_197 = arith.constant 0 : i32
    %dma_start3A_198 = tpu.memref_slice %arg5[%add3A_128, %dma_start3A_197] : memref<77000x512xf32, #tpu.memory_space<hbm>> -> memref<16x512xf32, #tpu.memory_space<hbm>>
    tpu.enqueue_dma source(%arg11 : memref<16x512xf32, #tpu.memory_space<vmem>>) target(%dma_start3A_198 : memref<16x512xf32, #tpu.memory_space<hbm>>) target_semaphore(%arg16 : memref<!tpu.dma_semaphore, #tpu.memory_space<semaphore_mem>>)
    %dma_start3A_199 = arith.constant 0 : i32
    %dma_start3A_200 = tpu.memref_slice %arg5[%add3A_130, %dma_start3A_199] : memref<77000x512xf32, #tpu.memory_space<hbm>> -> memref<16x512xf32, #tpu.memory_space<hbm>>
    %dma_start3A_201 = arith.constant 0 : i32
    %dma_start3A_202 = tpu.memref_slice %arg5[%add3A_130, %dma_start3A_201] : memref<77000x512xf32, #tpu.memory_space<hbm>> -> memref<16x512xf32, #tpu.memory_space<hbm>>
    tpu.enqueue_dma source(%arg11 : memref<16x512xf32, #tpu.memory_space<vmem>>) target(%dma_start3A_202 : memref<16x512xf32, #tpu.memory_space<hbm>>) target_semaphore(%arg16 : memref<!tpu.dma_semaphore, #tpu.memory_space<semaphore_mem>>)
    %dma_start3A_203 = arith.constant 0 : i32
    %dma_start3A_204 = tpu.memref_slice %arg5[%add3A_132, %dma_start3A_203] : memref<77000x512xf32, #tpu.memory_space<hbm>> -> memref<16x512xf32, #tpu.memory_space<hbm>>
    %dma_start3A_205 = arith.constant 0 : i32
    %dma_start3A_206 = tpu.memref_slice %arg5[%add3A_132, %dma_start3A_205] : memref<77000x512xf32, #tpu.memory_space<hbm>> -> memref<16x512xf32, #tpu.memory_space<hbm>>
    tpu.enqueue_dma source(%arg11 : memref<16x512xf32, #tpu.memory_space<vmem>>) target(%dma_start3A_206 : memref<16x512xf32, #tpu.memory_space<hbm>>) target_semaphore(%arg16 : memref<!tpu.dma_semaphore, #tpu.memory_space<semaphore_mem>>)
    %dma_start3A_207 = arith.constant 0 : i32
    %dma_start3A_208 = tpu.memref_slice %arg5[%add3A_134, %dma_start3A_207] : memref<77000x512xf32, #tpu.memory_space<hbm>> -> memref<16x512xf32, #tpu.memory_space<hbm>>
    %dma_start3A_209 = arith.constant 0 : i32
    %dma_start3A_210 = tpu.memref_slice %arg5[%add3A_134, %dma_start3A_209] : memref<77000x512xf32, #tpu.memory_space<hbm>> -> memref<16x512xf32, #tpu.memory_space<hbm>>
    tpu.enqueue_dma source(%arg11 : memref<16x512xf32, #tpu.memory_space<vmem>>) target(%dma_start3A_210 : memref<16x512xf32, #tpu.memory_space<hbm>>) target_semaphore(%arg16 : memref<!tpu.dma_semaphore, #tpu.memory_space<semaphore_mem>>)
    %dma_start3A_211 = arith.constant 0 : i32
    %dma_start3A_212 = tpu.memref_slice %arg5[%add3A_136, %dma_start3A_211] : memref<77000x512xf32, #tpu.memory_space<hbm>> -> memref<16x512xf32, #tpu.memory_space<hbm>>
    %dma_start3A_213 = arith.constant 0 : i32
    %dma_start3A_214 = tpu.memref_slice %arg5[%add3A_136, %dma_start3A_213] : memref<77000x512xf32, #tpu.memory_space<hbm>> -> memref<16x512xf32, #tpu.memory_space<hbm>>
    tpu.enqueue_dma source(%arg11 : memref<16x512xf32, #tpu.memory_space<vmem>>) target(%dma_start3A_214 : memref<16x512xf32, #tpu.memory_space<hbm>>) target_semaphore(%arg16 : memref<!tpu.dma_semaphore, #tpu.memory_space<semaphore_mem>>)
    %dma_start3A_215 = arith.constant 0 : i32
    %dma_start3A_216 = tpu.memref_slice %arg5[%add3A_138, %dma_start3A_215] : memref<77000x512xf32, #tpu.memory_space<hbm>> -> memref<16x512xf32, #tpu.memory_space<hbm>>
    %dma_start3A_217 = arith.constant 0 : i32
    %dma_start3A_218 = tpu.memref_slice %arg5[%add3A_138, %dma_start3A_217] : memref<77000x512xf32, #tpu.memory_space<hbm>> -> memref<16x512xf32, #tpu.memory_space<hbm>>
    tpu.enqueue_dma source(%arg11 : memref<16x512xf32, #tpu.memory_space<vmem>>) target(%dma_start3A_218 : memref<16x512xf32, #tpu.memory_space<hbm>>) target_semaphore(%arg16 : memref<!tpu.dma_semaphore, #tpu.memory_space<semaphore_mem>>)
    %dma_start3A_219 = arith.constant 0 : i32
    %dma_start3A_220 = tpu.memref_slice %arg5[%add3A_140, %dma_start3A_219] : memref<77000x512xf32, #tpu.memory_space<hbm>> -> memref<16x512xf32, #tpu.memory_space<hbm>>
    %dma_start3A_221 = arith.constant 0 : i32
    %dma_start3A_222 = tpu.memref_slice %arg5[%add3A_140, %dma_start3A_221] : memref<77000x512xf32, #tpu.memory_space<hbm>> -> memref<16x512xf32, #tpu.memory_space<hbm>>
    tpu.enqueue_dma source(%arg11 : memref<16x512xf32, #tpu.memory_space<vmem>>) target(%dma_start3A_222 : memref<16x512xf32, #tpu.memory_space<hbm>>) target_semaphore(%arg16 : memref<!tpu.dma_semaphore, #tpu.memory_space<semaphore_mem>>)
    %dma_start3A_223 = arith.constant 0 : i32
    %dma_start3A_224 = tpu.memref_slice %arg5[%add3A_142, %dma_start3A_223] : memref<77000x512xf32, #tpu.memory_space<hbm>> -> memref<16x512xf32, #tpu.memory_space<hbm>>
    %dma_start3A_225 = arith.constant 0 : i32
    %dma_start3A_226 = tpu.memref_slice %arg5[%add3A_142, %dma_start3A_225] : memref<77000x512xf32, #tpu.memory_space<hbm>> -> memref<16x512xf32, #tpu.memory_space<hbm>>
    tpu.enqueue_dma source(%arg11 : memref<16x512xf32, #tpu.memory_space<vmem>>) target(%dma_start3A_226 : memref<16x512xf32, #tpu.memory_space<hbm>>) target_semaphore(%arg16 : memref<!tpu.dma_semaphore, #tpu.memory_space<semaphore_mem>>)
    %dma_start3A_227 = arith.constant 0 : i32
    %dma_start3A_228 = tpu.memref_slice %arg5[%add3A_144, %dma_start3A_227] : memref<77000x512xf32, #tpu.memory_space<hbm>> -> memref<16x512xf32, #tpu.memory_space<hbm>>
    %dma_start3A_229 = arith.constant 0 : i32
    %dma_start3A_230 = tpu.memref_slice %arg5[%add3A_144, %dma_start3A_229] : memref<77000x512xf32, #tpu.memory_space<hbm>> -> memref<16x512xf32, #tpu.memory_space<hbm>>
    tpu.enqueue_dma source(%arg11 : memref<16x512xf32, #tpu.memory_space<vmem>>) target(%dma_start3A_230 : memref<16x512xf32, #tpu.memory_space<hbm>>) target_semaphore(%arg16 : memref<!tpu.dma_semaphore, #tpu.memory_space<semaphore_mem>>)
    %dma_start3A_231 = arith.constant 0 : i32
    %dma_start3A_232 = tpu.memref_slice %arg5[%add3A_146, %dma_start3A_231] : memref<77000x512xf32, #tpu.memory_space<hbm>> -> memref<16x512xf32, #tpu.memory_space<hbm>>
    %dma_start3A_233 = arith.constant 0 : i32
    %dma_start3A_234 = tpu.memref_slice %arg5[%add3A_146, %dma_start3A_233] : memref<77000x512xf32, #tpu.memory_space<hbm>> -> memref<16x512xf32, #tpu.memory_space<hbm>>
    tpu.enqueue_dma source(%arg11 : memref<16x512xf32, #tpu.memory_space<vmem>>) target(%dma_start3A_234 : memref<16x512xf32, #tpu.memory_space<hbm>>) target_semaphore(%arg16 : memref<!tpu.dma_semaphore, #tpu.memory_space<semaphore_mem>>)
    %dma_start3A_235 = arith.constant 0 : i32
    %dma_start3A_236 = tpu.memref_slice %arg5[%add3A_148, %dma_start3A_235] : memref<77000x512xf32, #tpu.memory_space<hbm>> -> memref<16x512xf32, #tpu.memory_space<hbm>>
    %dma_start3A_237 = arith.constant 0 : i32
    %dma_start3A_238 = tpu.memref_slice %arg5[%add3A_148, %dma_start3A_237] : memref<77000x512xf32, #tpu.memory_space<hbm>> -> memref<16x512xf32, #tpu.memory_space<hbm>>
    tpu.enqueue_dma source(%arg11 : memref<16x512xf32, #tpu.memory_space<vmem>>) target(%dma_start3A_238 : memref<16x512xf32, #tpu.memory_space<hbm>>) target_semaphore(%arg16 : memref<!tpu.dma_semaphore, #tpu.memory_space<semaphore_mem>>)
    %dma_start3A_239 = arith.constant 0 : i32
    %dma_start3A_240 = tpu.memref_slice %arg5[%add3A_150, %dma_start3A_239] : memref<77000x512xf32, #tpu.memory_space<hbm>> -> memref<16x512xf32, #tpu.memory_space<hbm>>
    %dma_start3A_241 = arith.constant 0 : i32
    %dma_start3A_242 = tpu.memref_slice %arg5[%add3A_150, %dma_start3A_241] : memref<77000x512xf32, #tpu.memory_space<hbm>> -> memref<16x512xf32, #tpu.memory_space<hbm>>
    tpu.enqueue_dma source(%arg11 : memref<16x512xf32, #tpu.memory_space<vmem>>) target(%dma_start3A_242 : memref<16x512xf32, #tpu.memory_space<hbm>>) target_semaphore(%arg16 : memref<!tpu.dma_semaphore, #tpu.memory_space<semaphore_mem>>)
    %dma_start3A_243 = arith.constant 0 : i32
    %dma_start3A_244 = tpu.memref_slice %arg5[%add3A_152, %dma_start3A_243] : memref<77000x512xf32, #tpu.memory_space<hbm>> -> memref<16x512xf32, #tpu.memory_space<hbm>>
    %dma_start3A_245 = arith.constant 0 : i32
    %dma_start3A_246 = tpu.memref_slice %arg5[%add3A_152, %dma_start3A_245] : memref<77000x512xf32, #tpu.memory_space<hbm>> -> memref<16x512xf32, #tpu.memory_space<hbm>>
    tpu.enqueue_dma source(%arg11 : memref<16x512xf32, #tpu.memory_space<vmem>>) target(%dma_start3A_246 : memref<16x512xf32, #tpu.memory_space<hbm>>) target_semaphore(%arg16 : memref<!tpu.dma_semaphore, #tpu.memory_space<semaphore_mem>>)
    %dma_start3A_247 = arith.constant 0 : i32
    %dma_start3A_248 = tpu.memref_slice %arg5[%add3A_154, %dma_start3A_247] : memref<77000x512xf32, #tpu.memory_space<hbm>> -> memref<16x512xf32, #tpu.memory_space<hbm>>
    %dma_start3A_249 = arith.constant 0 : i32
    %dma_start3A_250 = tpu.memref_slice %arg5[%add3A_154, %dma_start3A_249] : memref<77000x512xf32, #tpu.memory_space<hbm>> -> memref<16x512xf32, #tpu.memory_space<hbm>>
    tpu.enqueue_dma source(%arg11 : memref<16x512xf32, #tpu.memory_space<vmem>>) target(%dma_start3A_250 : memref<16x512xf32, #tpu.memory_space<hbm>>) target_semaphore(%arg16 : memref<!tpu.dma_semaphore, #tpu.memory_space<semaphore_mem>>)
    %dma_start3A_251 = arith.constant 0 : i32
    %dma_start3A_252 = tpu.memref_slice %arg5[%add3A_156, %dma_start3A_251] : memref<77000x512xf32, #tpu.memory_space<hbm>> -> memref<16x512xf32, #tpu.memory_space<hbm>>
    %dma_start3A_253 = arith.constant 0 : i32
    %dma_start3A_254 = tpu.memref_slice %arg5[%add3A_156, %dma_start3A_253] : memref<77000x512xf32, #tpu.memory_space<hbm>> -> memref<16x512xf32, #tpu.memory_space<hbm>>
    tpu.enqueue_dma source(%arg11 : memref<16x512xf32, #tpu.memory_space<vmem>>) target(%dma_start3A_254 : memref<16x512xf32, #tpu.memory_space<hbm>>) target_semaphore(%arg16 : memref<!tpu.dma_semaphore, #tpu.memory_space<semaphore_mem>>)
    %dma_start3A_255 = arith.constant 0 : i32
    %dma_start3A_256 = tpu.memref_slice %arg5[%add3A_158, %dma_start3A_255] : memref<77000x512xf32, #tpu.memory_space<hbm>> -> memref<16x512xf32, #tpu.memory_space<hbm>>
    %dma_start3A_257 = arith.constant 0 : i32
    %dma_start3A_258 = tpu.memref_slice %arg5[%add3A_158, %dma_start3A_257] : memref<77000x512xf32, #tpu.memory_space<hbm>> -> memref<16x512xf32, #tpu.memory_space<hbm>>
    tpu.enqueue_dma source(%arg11 : memref<16x512xf32, #tpu.memory_space<vmem>>) target(%dma_start3A_258 : memref<16x512xf32, #tpu.memory_space<hbm>>) target_semaphore(%arg16 : memref<!tpu.dma_semaphore, #tpu.memory_space<semaphore_mem>>)
    %dma_start3A_259 = arith.constant 0 : i32
    %dma_start3A_260 = tpu.memref_slice %arg5[%add3A_160, %dma_start3A_259] : memref<77000x512xf32, #tpu.memory_space<hbm>> -> memref<16x512xf32, #tpu.memory_space<hbm>>
    %dma_start3A_261 = arith.constant 0 : i32
    %dma_start3A_262 = tpu.memref_slice %arg5[%add3A_160, %dma_start3A_261] : memref<77000x512xf32, #tpu.memory_space<hbm>> -> memref<16x512xf32, #tpu.memory_space<hbm>>
    tpu.enqueue_dma source(%arg11 : memref<16x512xf32, #tpu.memory_space<vmem>>) target(%dma_start3A_262 : memref<16x512xf32, #tpu.memory_space<hbm>>) target_semaphore(%arg16 : memref<!tpu.dma_semaphore, #tpu.memory_space<semaphore_mem>>)
    %dma_start3A_263 = arith.constant 0 : i32
    %dma_start3A_264 = tpu.memref_slice %arg5[%add3A_162, %dma_start3A_263] : memref<77000x512xf32, #tpu.memory_space<hbm>> -> memref<16x512xf32, #tpu.memory_space<hbm>>
    %dma_start3A_265 = arith.constant 0 : i32
    %dma_start3A_266 = tpu.memref_slice %arg5[%add3A_162, %dma_start3A_265] : memref<77000x512xf32, #tpu.memory_space<hbm>> -> memref<16x512xf32, #tpu.memory_space<hbm>>
    tpu.enqueue_dma source(%arg11 : memref<16x512xf32, #tpu.memory_space<vmem>>) target(%dma_start3A_266 : memref<16x512xf32, #tpu.memory_space<hbm>>) target_semaphore(%arg16 : memref<!tpu.dma_semaphore, #tpu.memory_space<semaphore_mem>>)
    %dma_start3A_267 = arith.constant 0 : i32
    %dma_start3A_268 = tpu.memref_slice %arg5[%add3A_164, %dma_start3A_267] : memref<77000x512xf32, #tpu.memory_space<hbm>> -> memref<16x512xf32, #tpu.memory_space<hbm>>
    %dma_start3A_269 = arith.constant 0 : i32
    %dma_start3A_270 = tpu.memref_slice %arg5[%add3A_164, %dma_start3A_269] : memref<77000x512xf32, #tpu.memory_space<hbm>> -> memref<16x512xf32, #tpu.memory_space<hbm>>
    tpu.enqueue_dma source(%arg11 : memref<16x512xf32, #tpu.memory_space<vmem>>) target(%dma_start3A_270 : memref<16x512xf32, #tpu.memory_space<hbm>>) target_semaphore(%arg16 : memref<!tpu.dma_semaphore, #tpu.memory_space<semaphore_mem>>)
    %dma_start3A_271 = arith.constant 0 : i32
    %dma_start3A_272 = tpu.memref_slice %arg5[%add3A_166, %dma_start3A_271] : memref<77000x512xf32, #tpu.memory_space<hbm>> -> memref<16x512xf32, #tpu.memory_space<hbm>>
    %dma_start3A_273 = arith.constant 0 : i32
    %dma_start3A_274 = tpu.memref_slice %arg5[%add3A_166, %dma_start3A_273] : memref<77000x512xf32, #tpu.memory_space<hbm>> -> memref<16x512xf32, #tpu.memory_space<hbm>>
    tpu.enqueue_dma source(%arg11 : memref<16x512xf32, #tpu.memory_space<vmem>>) target(%dma_start3A_274 : memref<16x512xf32, #tpu.memory_space<hbm>>) target_semaphore(%arg16 : memref<!tpu.dma_semaphore, #tpu.memory_space<semaphore_mem>>)
    %dma_start3A_275 = arith.constant 0 : i32
    %dma_start3A_276 = tpu.memref_slice %arg5[%add3A_168, %dma_start3A_275] : memref<77000x512xf32, #tpu.memory_space<hbm>> -> memref<16x512xf32, #tpu.memory_space<hbm>>
    %dma_start3A_277 = arith.constant 0 : i32
    %dma_start3A_278 = tpu.memref_slice %arg5[%add3A_168, %dma_start3A_277] : memref<77000x512xf32, #tpu.memory_space<hbm>> -> memref<16x512xf32, #tpu.memory_space<hbm>>
    tpu.enqueue_dma source(%arg11 : memref<16x512xf32, #tpu.memory_space<vmem>>) target(%dma_start3A_278 : memref<16x512xf32, #tpu.memory_space<hbm>>) target_semaphore(%arg16 : memref<!tpu.dma_semaphore, #tpu.memory_space<semaphore_mem>>)
    %dma_start3A_279 = arith.constant 0 : i32
    %dma_start3A_280 = tpu.memref_slice %arg5[%add3A_170, %dma_start3A_279] : memref<77000x512xf32, #tpu.memory_space<hbm>> -> memref<16x512xf32, #tpu.memory_space<hbm>>
    %dma_start3A_281 = arith.constant 0 : i32
    %dma_start3A_282 = tpu.memref_slice %arg5[%add3A_170, %dma_start3A_281] : memref<77000x512xf32, #tpu.memory_space<hbm>> -> memref<16x512xf32, #tpu.memory_space<hbm>>
    tpu.enqueue_dma source(%arg11 : memref<16x512xf32, #tpu.memory_space<vmem>>) target(%dma_start3A_282 : memref<16x512xf32, #tpu.memory_space<hbm>>) target_semaphore(%arg16 : memref<!tpu.dma_semaphore, #tpu.memory_space<semaphore_mem>>)
    %dma_start3A_283 = arith.constant 0 : i32
    %dma_start3A_284 = tpu.memref_slice %arg5[%add3A_172, %dma_start3A_283] : memref<77000x512xf32, #tpu.memory_space<hbm>> -> memref<16x512xf32, #tpu.memory_space<hbm>>
    %dma_start3A_285 = arith.constant 0 : i32
    %dma_start3A_286 = tpu.memref_slice %arg5[%add3A_172, %dma_start3A_285] : memref<77000x512xf32, #tpu.memory_space<hbm>> -> memref<16x512xf32, #tpu.memory_space<hbm>>
    tpu.enqueue_dma source(%arg11 : memref<16x512xf32, #tpu.memory_space<vmem>>) target(%dma_start3A_286 : memref<16x512xf32, #tpu.memory_space<hbm>>) target_semaphore(%arg16 : memref<!tpu.dma_semaphore, #tpu.memory_space<semaphore_mem>>)
    %dma_start3A_287 = arith.constant 0 : i32
    %dma_start3A_288 = tpu.memref_slice %arg5[%add3A_174, %dma_start3A_287] : memref<77000x512xf32, #tpu.memory_space<hbm>> -> memref<16x512xf32, #tpu.memory_space<hbm>>
    %dma_start3A_289 = arith.constant 0 : i32
    %dma_start3A_290 = tpu.memref_slice %arg5[%add3A_174, %dma_start3A_289] : memref<77000x512xf32, #tpu.memory_space<hbm>> -> memref<16x512xf32, #tpu.memory_space<hbm>>
    tpu.enqueue_dma source(%arg11 : memref<16x512xf32, #tpu.memory_space<vmem>>) target(%dma_start3A_290 : memref<16x512xf32, #tpu.memory_space<hbm>>) target_semaphore(%arg16 : memref<!tpu.dma_semaphore, #tpu.memory_space<semaphore_mem>>)
    %dma_start3A_291 = arith.constant 0 : i32
    %dma_start3A_292 = tpu.memref_slice %arg5[%add3A_176, %dma_start3A_291] : memref<77000x512xf32, #tpu.memory_space<hbm>> -> memref<16x512xf32, #tpu.memory_space<hbm>>
    %dma_start3A_293 = arith.constant 0 : i32
    %dma_start3A_294 = tpu.memref_slice %arg5[%add3A_176, %dma_start3A_293] : memref<77000x512xf32, #tpu.memory_space<hbm>> -> memref<16x512xf32, #tpu.memory_space<hbm>>
    tpu.enqueue_dma source(%arg11 : memref<16x512xf32, #tpu.memory_space<vmem>>) target(%dma_start3A_294 : memref<16x512xf32, #tpu.memory_space<hbm>>) target_semaphore(%arg16 : memref<!tpu.dma_semaphore, #tpu.memory_space<semaphore_mem>>)
    %dma_start3A_295 = arith.constant 0 : i32
    %dma_start3A_296 = tpu.memref_slice %arg5[%add3A_178, %dma_start3A_295] : memref<77000x512xf32, #tpu.memory_space<hbm>> -> memref<16x512xf32, #tpu.memory_space<hbm>>
    %dma_start3A_297 = arith.constant 0 : i32
    %dma_start3A_298 = tpu.memref_slice %arg5[%add3A_178, %dma_start3A_297] : memref<77000x512xf32, #tpu.memory_space<hbm>> -> memref<16x512xf32, #tpu.memory_space<hbm>>
    tpu.enqueue_dma source(%arg11 : memref<16x512xf32, #tpu.memory_space<vmem>>) target(%dma_start3A_298 : memref<16x512xf32, #tpu.memory_space<hbm>>) target_semaphore(%arg16 : memref<!tpu.dma_semaphore, #tpu.memory_space<semaphore_mem>>)
    %dma_start3A_299 = arith.constant 0 : i32
    %dma_start3A_300 = tpu.memref_slice %arg5[%add3A_180, %dma_start3A_299] : memref<77000x512xf32, #tpu.memory_space<hbm>> -> memref<16x512xf32, #tpu.memory_space<hbm>>
    %dma_start3A_301 = arith.constant 0 : i32
    %dma_start3A_302 = tpu.memref_slice %arg5[%add3A_180, %dma_start3A_301] : memref<77000x512xf32, #tpu.memory_space<hbm>> -> memref<16x512xf32, #tpu.memory_space<hbm>>
    tpu.enqueue_dma source(%arg11 : memref<16x512xf32, #tpu.memory_space<vmem>>) target(%dma_start3A_302 : memref<16x512xf32, #tpu.memory_space<hbm>>) target_semaphore(%arg16 : memref<!tpu.dma_semaphore, #tpu.memory_space<semaphore_mem>>)
    %dma_start3A_303 = arith.constant 0 : i32
    %dma_start3A_304 = tpu.memref_slice %arg5[%add3A_182, %dma_start3A_303] : memref<77000x512xf32, #tpu.memory_space<hbm>> -> memref<16x512xf32, #tpu.memory_space<hbm>>
    %dma_start3A_305 = arith.constant 0 : i32
    %dma_start3A_306 = tpu.memref_slice %arg5[%add3A_182, %dma_start3A_305] : memref<77000x512xf32, #tpu.memory_space<hbm>> -> memref<16x512xf32, #tpu.memory_space<hbm>>
    tpu.enqueue_dma source(%arg11 : memref<16x512xf32, #tpu.memory_space<vmem>>) target(%dma_start3A_306 : memref<16x512xf32, #tpu.memory_space<hbm>>) target_semaphore(%arg16 : memref<!tpu.dma_semaphore, #tpu.memory_space<semaphore_mem>>)
    %dma_start3A_307 = arith.constant 0 : i32
    %dma_start3A_308 = tpu.memref_slice %arg5[%add3A_184, %dma_start3A_307] : memref<77000x512xf32, #tpu.memory_space<hbm>> -> memref<16x512xf32, #tpu.memory_space<hbm>>
    %dma_start3A_309 = arith.constant 0 : i32
    %dma_start3A_310 = tpu.memref_slice %arg5[%add3A_184, %dma_start3A_309] : memref<77000x512xf32, #tpu.memory_space<hbm>> -> memref<16x512xf32, #tpu.memory_space<hbm>>
    tpu.enqueue_dma source(%arg11 : memref<16x512xf32, #tpu.memory_space<vmem>>) target(%dma_start3A_310 : memref<16x512xf32, #tpu.memory_space<hbm>>) target_semaphore(%arg16 : memref<!tpu.dma_semaphore, #tpu.memory_space<semaphore_mem>>)
    %dma_start3A_311 = arith.constant 0 : i32
    %dma_start3A_312 = arith.constant 0 : i32
    %dma_start3A_313 = tpu.memref_slice %arg11[%dma_start3A_311, %dma_start3A_312] : memref<16x512xf32, #tpu.memory_space<vmem>> -> memref<8x512xf32, #tpu.memory_space<vmem>>
    %dma_start3A_314 = arith.constant 0 : i32
    %dma_start3A_315 = tpu.memref_slice %arg5[%add3A_186, %dma_start3A_314] : memref<77000x512xf32, #tpu.memory_space<hbm>> -> memref<8x512xf32, #tpu.memory_space<hbm>>
    %dma_start3A_316 = arith.constant 0 : i32
    %dma_start3A_317 = tpu.memref_slice %arg5[%add3A_186, %dma_start3A_316] : memref<77000x512xf32, #tpu.memory_space<hbm>> -> memref<8x512xf32, #tpu.memory_space<hbm>>
    %dma_start3A_318 = arith.constant 0 : i32
    %dma_start3A_319 = arith.constant 0 : i32
    %dma_start3A_320 = tpu.memref_slice %arg11[%dma_start3A_318, %dma_start3A_319] : memref<16x512xf32, #tpu.memory_space<vmem>> -> memref<8x512xf32, #tpu.memory_space<vmem>>
    tpu.enqueue_dma source(%dma_start3A_320 : memref<8x512xf32, #tpu.memory_space<vmem>>) target(%dma_start3A_317 : memref<8x512xf32, #tpu.memory_space<hbm>>) target_semaphore(%arg16 : memref<!tpu.dma_semaphore, #tpu.memory_space<semaphore_mem>>)
    %dma_wait3A_321 = arith.constant 0 : i32
    %dma_wait3A_322 = arith.constant 0 : i32
    %dma_wait3A_323 = tpu.memref_slice %arg9[%dma_wait3A_321, %dma_wait3A_322] : memref<112x512xf32, #tpu.memory_space<vmem>> -> memref<80x512xf32, #tpu.memory_space<vmem>>
    %dma_wait3A_324 = arith.constant 0 : i32
    %dma_wait3A_325 = tpu.memref_slice %arg5[%add3A_9, %dma_wait3A_324] : memref<77000x512xf32, #tpu.memory_space<hbm>> -> memref<80x512xf32, #tpu.memory_space<hbm>>
    %dma_wait3A_326 = arith.constant 0 : i32
    %dma_wait3A_327 = tpu.memref_slice %arg5[%add3A_9, %dma_wait3A_326] : memref<77000x512xf32, #tpu.memory_space<hbm>> -> memref<80x512xf32, #tpu.memory_space<hbm>>
    %dma_wait3A_328 = arith.constant 0 : i32
    %dma_wait3A_329 = arith.constant 0 : i32
    %dma_wait3A_330 = tpu.memref_slice %arg9[%dma_wait3A_328, %dma_wait3A_329] : memref<112x512xf32, #tpu.memory_space<vmem>> -> memref<80x512xf32, #tpu.memory_space<vmem>>
    tpu.wait_dma2 semaphore(%arg14 : memref<!tpu.dma_semaphore, #tpu.memory_space<semaphore_mem>>) src(%dma_wait3A_330 : memref<80x512xf32, #tpu.memory_space<vmem>>) dst(%dma_wait3A_327 : memref<80x512xf32, #tpu.memory_space<hbm>>)
    %dma_wait3A_331 = arith.constant 0 : i32
    %dma_wait3A_332 = arith.constant 0 : i32
    %dma_wait3A_333 = tpu.memref_slice %arg10[%dma_wait3A_331, %dma_wait3A_332] : memref<112x512xf32, #tpu.memory_space<vmem>> -> memref<80x512xf32, #tpu.memory_space<vmem>>
    %dma_wait3A_334 = arith.constant 0 : i32
    %dma_wait3A_335 = tpu.memref_slice %arg5[%add3A_11, %dma_wait3A_334] : memref<77000x512xf32, #tpu.memory_space<hbm>> -> memref<80x512xf32, #tpu.memory_space<hbm>>
    %dma_wait3A_336 = arith.constant 0 : i32
    %dma_wait3A_337 = tpu.memref_slice %arg5[%add3A_11, %dma_wait3A_336] : memref<77000x512xf32, #tpu.memory_space<hbm>> -> memref<80x512xf32, #tpu.memory_space<hbm>>
    %dma_wait3A_338 = arith.constant 0 : i32
    %dma_wait3A_339 = arith.constant 0 : i32
    %dma_wait3A_340 = tpu.memref_slice %arg10[%dma_wait3A_338, %dma_wait3A_339] : memref<112x512xf32, #tpu.memory_space<vmem>> -> memref<80x512xf32, #tpu.memory_space<vmem>>
    tpu.wait_dma2 semaphore(%arg15 : memref<!tpu.dma_semaphore, #tpu.memory_space<semaphore_mem>>) src(%dma_wait3A_340 : memref<80x512xf32, #tpu.memory_space<vmem>>) dst(%dma_wait3A_337 : memref<80x512xf32, #tpu.memory_space<hbm>>)
    %dma_wait3A_341 = arith.constant 0 : i32
    %dma_wait3A_342 = tpu.memref_slice %arg5[%add3A_124, %dma_wait3A_341] : memref<77000x512xf32, #tpu.memory_space<hbm>> -> memref<16x512xf32, #tpu.memory_space<hbm>>
    %dma_wait3A_343 = arith.constant 0 : i32
    %dma_wait3A_344 = tpu.memref_slice %arg5[%add3A_124, %dma_wait3A_343] : memref<77000x512xf32, #tpu.memory_space<hbm>> -> memref<16x512xf32, #tpu.memory_space<hbm>>
    tpu.wait_dma2 semaphore(%arg16 : memref<!tpu.dma_semaphore, #tpu.memory_space<semaphore_mem>>) src(%arg11 : memref<16x512xf32, #tpu.memory_space<vmem>>) dst(%dma_wait3A_344 : memref<16x512xf32, #tpu.memory_space<hbm>>)
    %dma_wait3A_345 = arith.constant 0 : i32
    %dma_wait3A_346 = tpu.memref_slice %arg5[%add3A_126, %dma_wait3A_345] : memref<77000x512xf32, #tpu.memory_space<hbm>> -> memref<16x512xf32, #tpu.memory_space<hbm>>
    %dma_wait3A_347 = arith.constant 0 : i32
    %dma_wait3A_348 = tpu.memref_slice %arg5[%add3A_126, %dma_wait3A_347] : memref<77000x512xf32, #tpu.memory_space<hbm>> -> memref<16x512xf32, #tpu.memory_space<hbm>>
    tpu.wait_dma2 semaphore(%arg16 : memref<!tpu.dma_semaphore, #tpu.memory_space<semaphore_mem>>) src(%arg11 : memref<16x512xf32, #tpu.memory_space<vmem>>) dst(%dma_wait3A_348 : memref<16x512xf32, #tpu.memory_space<hbm>>)
    %dma_wait3A_349 = arith.constant 0 : i32
    %dma_wait3A_350 = tpu.memref_slice %arg5[%add3A_128, %dma_wait3A_349] : memref<77000x512xf32, #tpu.memory_space<hbm>> -> memref<16x512xf32, #tpu.memory_space<hbm>>
    %dma_wait3A_351 = arith.constant 0 : i32
    %dma_wait3A_352 = tpu.memref_slice %arg5[%add3A_128, %dma_wait3A_351] : memref<77000x512xf32, #tpu.memory_space<hbm>> -> memref<16x512xf32, #tpu.memory_space<hbm>>
    tpu.wait_dma2 semaphore(%arg16 : memref<!tpu.dma_semaphore, #tpu.memory_space<semaphore_mem>>) src(%arg11 : memref<16x512xf32, #tpu.memory_space<vmem>>) dst(%dma_wait3A_352 : memref<16x512xf32, #tpu.memory_space<hbm>>)
    %dma_wait3A_353 = arith.constant 0 : i32
    %dma_wait3A_354 = tpu.memref_slice %arg5[%add3A_130, %dma_wait3A_353] : memref<77000x512xf32, #tpu.memory_space<hbm>> -> memref<16x512xf32, #tpu.memory_space<hbm>>
    %dma_wait3A_355 = arith.constant 0 : i32
    %dma_wait3A_356 = tpu.memref_slice %arg5[%add3A_130, %dma_wait3A_355] : memref<77000x512xf32, #tpu.memory_space<hbm>> -> memref<16x512xf32, #tpu.memory_space<hbm>>
    tpu.wait_dma2 semaphore(%arg16 : memref<!tpu.dma_semaphore, #tpu.memory_space<semaphore_mem>>) src(%arg11 : memref<16x512xf32, #tpu.memory_space<vmem>>) dst(%dma_wait3A_356 : memref<16x512xf32, #tpu.memory_space<hbm>>)
    %dma_wait3A_357 = arith.constant 0 : i32
    %dma_wait3A_358 = tpu.memref_slice %arg5[%add3A_132, %dma_wait3A_357] : memref<77000x512xf32, #tpu.memory_space<hbm>> -> memref<16x512xf32, #tpu.memory_space<hbm>>
    %dma_wait3A_359 = arith.constant 0 : i32
    %dma_wait3A_360 = tpu.memref_slice %arg5[%add3A_132, %dma_wait3A_359] : memref<77000x512xf32, #tpu.memory_space<hbm>> -> memref<16x512xf32, #tpu.memory_space<hbm>>
    tpu.wait_dma2 semaphore(%arg16 : memref<!tpu.dma_semaphore, #tpu.memory_space<semaphore_mem>>) src(%arg11 : memref<16x512xf32, #tpu.memory_space<vmem>>) dst(%dma_wait3A_360 : memref<16x512xf32, #tpu.memory_space<hbm>>)
    %dma_wait3A_361 = arith.constant 0 : i32
    %dma_wait3A_362 = tpu.memref_slice %arg5[%add3A_134, %dma_wait3A_361] : memref<77000x512xf32, #tpu.memory_space<hbm>> -> memref<16x512xf32, #tpu.memory_space<hbm>>
    %dma_wait3A_363 = arith.constant 0 : i32
    %dma_wait3A_364 = tpu.memref_slice %arg5[%add3A_134, %dma_wait3A_363] : memref<77000x512xf32, #tpu.memory_space<hbm>> -> memref<16x512xf32, #tpu.memory_space<hbm>>
    tpu.wait_dma2 semaphore(%arg16 : memref<!tpu.dma_semaphore, #tpu.memory_space<semaphore_mem>>) src(%arg11 : memref<16x512xf32, #tpu.memory_space<vmem>>) dst(%dma_wait3A_364 : memref<16x512xf32, #tpu.memory_space<hbm>>)
    %dma_wait3A_365 = arith.constant 0 : i32
    %dma_wait3A_366 = tpu.memref_slice %arg5[%add3A_136, %dma_wait3A_365] : memref<77000x512xf32, #tpu.memory_space<hbm>> -> memref<16x512xf32, #tpu.memory_space<hbm>>
    %dma_wait3A_367 = arith.constant 0 : i32
    %dma_wait3A_368 = tpu.memref_slice %arg5[%add3A_136, %dma_wait3A_367] : memref<77000x512xf32, #tpu.memory_space<hbm>> -> memref<16x512xf32, #tpu.memory_space<hbm>>
    tpu.wait_dma2 semaphore(%arg16 : memref<!tpu.dma_semaphore, #tpu.memory_space<semaphore_mem>>) src(%arg11 : memref<16x512xf32, #tpu.memory_space<vmem>>) dst(%dma_wait3A_368 : memref<16x512xf32, #tpu.memory_space<hbm>>)
    %dma_wait3A_369 = arith.constant 0 : i32
    %dma_wait3A_370 = tpu.memref_slice %arg5[%add3A_138, %dma_wait3A_369] : memref<77000x512xf32, #tpu.memory_space<hbm>> -> memref<16x512xf32, #tpu.memory_space<hbm>>
    %dma_wait3A_371 = arith.constant 0 : i32
    %dma_wait3A_372 = tpu.memref_slice %arg5[%add3A_138, %dma_wait3A_371] : memref<77000x512xf32, #tpu.memory_space<hbm>> -> memref<16x512xf32, #tpu.memory_space<hbm>>
    tpu.wait_dma2 semaphore(%arg16 : memref<!tpu.dma_semaphore, #tpu.memory_space<semaphore_mem>>) src(%arg11 : memref<16x512xf32, #tpu.memory_space<vmem>>) dst(%dma_wait3A_372 : memref<16x512xf32, #tpu.memory_space<hbm>>)
    %dma_wait3A_373 = arith.constant 0 : i32
    %dma_wait3A_374 = tpu.memref_slice %arg5[%add3A_140, %dma_wait3A_373] : memref<77000x512xf32, #tpu.memory_space<hbm>> -> memref<16x512xf32, #tpu.memory_space<hbm>>
    %dma_wait3A_375 = arith.constant 0 : i32
    %dma_wait3A_376 = tpu.memref_slice %arg5[%add3A_140, %dma_wait3A_375] : memref<77000x512xf32, #tpu.memory_space<hbm>> -> memref<16x512xf32, #tpu.memory_space<hbm>>
    tpu.wait_dma2 semaphore(%arg16 : memref<!tpu.dma_semaphore, #tpu.memory_space<semaphore_mem>>) src(%arg11 : memref<16x512xf32, #tpu.memory_space<vmem>>) dst(%dma_wait3A_376 : memref<16x512xf32, #tpu.memory_space<hbm>>)
    %dma_wait3A_377 = arith.constant 0 : i32
    %dma_wait3A_378 = tpu.memref_slice %arg5[%add3A_142, %dma_wait3A_377] : memref<77000x512xf32, #tpu.memory_space<hbm>> -> memref<16x512xf32, #tpu.memory_space<hbm>>
    %dma_wait3A_379 = arith.constant 0 : i32
    %dma_wait3A_380 = tpu.memref_slice %arg5[%add3A_142, %dma_wait3A_379] : memref<77000x512xf32, #tpu.memory_space<hbm>> -> memref<16x512xf32, #tpu.memory_space<hbm>>
    tpu.wait_dma2 semaphore(%arg16 : memref<!tpu.dma_semaphore, #tpu.memory_space<semaphore_mem>>) src(%arg11 : memref<16x512xf32, #tpu.memory_space<vmem>>) dst(%dma_wait3A_380 : memref<16x512xf32, #tpu.memory_space<hbm>>)
    %dma_wait3A_381 = arith.constant 0 : i32
    %dma_wait3A_382 = tpu.memref_slice %arg5[%add3A_144, %dma_wait3A_381] : memref<77000x512xf32, #tpu.memory_space<hbm>> -> memref<16x512xf32, #tpu.memory_space<hbm>>
    %dma_wait3A_383 = arith.constant 0 : i32
    %dma_wait3A_384 = tpu.memref_slice %arg5[%add3A_144, %dma_wait3A_383] : memref<77000x512xf32, #tpu.memory_space<hbm>> -> memref<16x512xf32, #tpu.memory_space<hbm>>
    tpu.wait_dma2 semaphore(%arg16 : memref<!tpu.dma_semaphore, #tpu.memory_space<semaphore_mem>>) src(%arg11 : memref<16x512xf32, #tpu.memory_space<vmem>>) dst(%dma_wait3A_384 : memref<16x512xf32, #tpu.memory_space<hbm>>)
    %dma_wait3A_385 = arith.constant 0 : i32
    %dma_wait3A_386 = tpu.memref_slice %arg5[%add3A_146, %dma_wait3A_385] : memref<77000x512xf32, #tpu.memory_space<hbm>> -> memref<16x512xf32, #tpu.memory_space<hbm>>
    %dma_wait3A_387 = arith.constant 0 : i32
    %dma_wait3A_388 = tpu.memref_slice %arg5[%add3A_146, %dma_wait3A_387] : memref<77000x512xf32, #tpu.memory_space<hbm>> -> memref<16x512xf32, #tpu.memory_space<hbm>>
    tpu.wait_dma2 semaphore(%arg16 : memref<!tpu.dma_semaphore, #tpu.memory_space<semaphore_mem>>) src(%arg11 : memref<16x512xf32, #tpu.memory_space<vmem>>) dst(%dma_wait3A_388 : memref<16x512xf32, #tpu.memory_space<hbm>>)
    %dma_wait3A_389 = arith.constant 0 : i32
    %dma_wait3A_390 = tpu.memref_slice %arg5[%add3A_148, %dma_wait3A_389] : memref<77000x512xf32, #tpu.memory_space<hbm>> -> memref<16x512xf32, #tpu.memory_space<hbm>>
    %dma_wait3A_391 = arith.constant 0 : i32
    %dma_wait3A_392 = tpu.memref_slice %arg5[%add3A_148, %dma_wait3A_391] : memref<77000x512xf32, #tpu.memory_space<hbm>> -> memref<16x512xf32, #tpu.memory_space<hbm>>
    tpu.wait_dma2 semaphore(%arg16 : memref<!tpu.dma_semaphore, #tpu.memory_space<semaphore_mem>>) src(%arg11 : memref<16x512xf32, #tpu.memory_space<vmem>>) dst(%dma_wait3A_392 : memref<16x512xf32, #tpu.memory_space<hbm>>)
    %dma_wait3A_393 = arith.constant 0 : i32
    %dma_wait3A_394 = tpu.memref_slice %arg5[%add3A_150, %dma_wait3A_393] : memref<77000x512xf32, #tpu.memory_space<hbm>> -> memref<16x512xf32, #tpu.memory_space<hbm>>
    %dma_wait3A_395 = arith.constant 0 : i32
    %dma_wait3A_396 = tpu.memref_slice %arg5[%add3A_150, %dma_wait3A_395] : memref<77000x512xf32, #tpu.memory_space<hbm>> -> memref<16x512xf32, #tpu.memory_space<hbm>>
    tpu.wait_dma2 semaphore(%arg16 : memref<!tpu.dma_semaphore, #tpu.memory_space<semaphore_mem>>) src(%arg11 : memref<16x512xf32, #tpu.memory_space<vmem>>) dst(%dma_wait3A_396 : memref<16x512xf32, #tpu.memory_space<hbm>>)
    %dma_wait3A_397 = arith.constant 0 : i32
    %dma_wait3A_398 = tpu.memref_slice %arg5[%add3A_152, %dma_wait3A_397] : memref<77000x512xf32, #tpu.memory_space<hbm>> -> memref<16x512xf32, #tpu.memory_space<hbm>>
    %dma_wait3A_399 = arith.constant 0 : i32
    %dma_wait3A_400 = tpu.memref_slice %arg5[%add3A_152, %dma_wait3A_399] : memref<77000x512xf32, #tpu.memory_space<hbm>> -> memref<16x512xf32, #tpu.memory_space<hbm>>
    tpu.wait_dma2 semaphore(%arg16 : memref<!tpu.dma_semaphore, #tpu.memory_space<semaphore_mem>>) src(%arg11 : memref<16x512xf32, #tpu.memory_space<vmem>>) dst(%dma_wait3A_400 : memref<16x512xf32, #tpu.memory_space<hbm>>)
    %dma_wait3A_401 = arith.constant 0 : i32
    %dma_wait3A_402 = tpu.memref_slice %arg5[%add3A_154, %dma_wait3A_401] : memref<77000x512xf32, #tpu.memory_space<hbm>> -> memref<16x512xf32, #tpu.memory_space<hbm>>
    %dma_wait3A_403 = arith.constant 0 : i32
    %dma_wait3A_404 = tpu.memref_slice %arg5[%add3A_154, %dma_wait3A_403] : memref<77000x512xf32, #tpu.memory_space<hbm>> -> memref<16x512xf32, #tpu.memory_space<hbm>>
    tpu.wait_dma2 semaphore(%arg16 : memref<!tpu.dma_semaphore, #tpu.memory_space<semaphore_mem>>) src(%arg11 : memref<16x512xf32, #tpu.memory_space<vmem>>) dst(%dma_wait3A_404 : memref<16x512xf32, #tpu.memory_space<hbm>>)
    %dma_wait3A_405 = arith.constant 0 : i32
    %dma_wait3A_406 = tpu.memref_slice %arg5[%add3A_156, %dma_wait3A_405] : memref<77000x512xf32, #tpu.memory_space<hbm>> -> memref<16x512xf32, #tpu.memory_space<hbm>>
    %dma_wait3A_407 = arith.constant 0 : i32
    %dma_wait3A_408 = tpu.memref_slice %arg5[%add3A_156, %dma_wait3A_407] : memref<77000x512xf32, #tpu.memory_space<hbm>> -> memref<16x512xf32, #tpu.memory_space<hbm>>
    tpu.wait_dma2 semaphore(%arg16 : memref<!tpu.dma_semaphore, #tpu.memory_space<semaphore_mem>>) src(%arg11 : memref<16x512xf32, #tpu.memory_space<vmem>>) dst(%dma_wait3A_408 : memref<16x512xf32, #tpu.memory_space<hbm>>)
    %dma_wait3A_409 = arith.constant 0 : i32
    %dma_wait3A_410 = tpu.memref_slice %arg5[%add3A_158, %dma_wait3A_409] : memref<77000x512xf32, #tpu.memory_space<hbm>> -> memref<16x512xf32, #tpu.memory_space<hbm>>
    %dma_wait3A_411 = arith.constant 0 : i32
    %dma_wait3A_412 = tpu.memref_slice %arg5[%add3A_158, %dma_wait3A_411] : memref<77000x512xf32, #tpu.memory_space<hbm>> -> memref<16x512xf32, #tpu.memory_space<hbm>>
    tpu.wait_dma2 semaphore(%arg16 : memref<!tpu.dma_semaphore, #tpu.memory_space<semaphore_mem>>) src(%arg11 : memref<16x512xf32, #tpu.memory_space<vmem>>) dst(%dma_wait3A_412 : memref<16x512xf32, #tpu.memory_space<hbm>>)
    %dma_wait3A_413 = arith.constant 0 : i32
    %dma_wait3A_414 = tpu.memref_slice %arg5[%add3A_160, %dma_wait3A_413] : memref<77000x512xf32, #tpu.memory_space<hbm>> -> memref<16x512xf32, #tpu.memory_space<hbm>>
    %dma_wait3A_415 = arith.constant 0 : i32
    %dma_wait3A_416 = tpu.memref_slice %arg5[%add3A_160, %dma_wait3A_415] : memref<77000x512xf32, #tpu.memory_space<hbm>> -> memref<16x512xf32, #tpu.memory_space<hbm>>
    tpu.wait_dma2 semaphore(%arg16 : memref<!tpu.dma_semaphore, #tpu.memory_space<semaphore_mem>>) src(%arg11 : memref<16x512xf32, #tpu.memory_space<vmem>>) dst(%dma_wait3A_416 : memref<16x512xf32, #tpu.memory_space<hbm>>)
    %dma_wait3A_417 = arith.constant 0 : i32
    %dma_wait3A_418 = tpu.memref_slice %arg5[%add3A_162, %dma_wait3A_417] : memref<77000x512xf32, #tpu.memory_space<hbm>> -> memref<16x512xf32, #tpu.memory_space<hbm>>
    %dma_wait3A_419 = arith.constant 0 : i32
    %dma_wait3A_420 = tpu.memref_slice %arg5[%add3A_162, %dma_wait3A_419] : memref<77000x512xf32, #tpu.memory_space<hbm>> -> memref<16x512xf32, #tpu.memory_space<hbm>>
    tpu.wait_dma2 semaphore(%arg16 : memref<!tpu.dma_semaphore, #tpu.memory_space<semaphore_mem>>) src(%arg11 : memref<16x512xf32, #tpu.memory_space<vmem>>) dst(%dma_wait3A_420 : memref<16x512xf32, #tpu.memory_space<hbm>>)
    %dma_wait3A_421 = arith.constant 0 : i32
    %dma_wait3A_422 = tpu.memref_slice %arg5[%add3A_164, %dma_wait3A_421] : memref<77000x512xf32, #tpu.memory_space<hbm>> -> memref<16x512xf32, #tpu.memory_space<hbm>>
    %dma_wait3A_423 = arith.constant 0 : i32
    %dma_wait3A_424 = tpu.memref_slice %arg5[%add3A_164, %dma_wait3A_423] : memref<77000x512xf32, #tpu.memory_space<hbm>> -> memref<16x512xf32, #tpu.memory_space<hbm>>
    tpu.wait_dma2 semaphore(%arg16 : memref<!tpu.dma_semaphore, #tpu.memory_space<semaphore_mem>>) src(%arg11 : memref<16x512xf32, #tpu.memory_space<vmem>>) dst(%dma_wait3A_424 : memref<16x512xf32, #tpu.memory_space<hbm>>)
    %dma_wait3A_425 = arith.constant 0 : i32
    %dma_wait3A_426 = tpu.memref_slice %arg5[%add3A_166, %dma_wait3A_425] : memref<77000x512xf32, #tpu.memory_space<hbm>> -> memref<16x512xf32, #tpu.memory_space<hbm>>
    %dma_wait3A_427 = arith.constant 0 : i32
    %dma_wait3A_428 = tpu.memref_slice %arg5[%add3A_166, %dma_wait3A_427] : memref<77000x512xf32, #tpu.memory_space<hbm>> -> memref<16x512xf32, #tpu.memory_space<hbm>>
    tpu.wait_dma2 semaphore(%arg16 : memref<!tpu.dma_semaphore, #tpu.memory_space<semaphore_mem>>) src(%arg11 : memref<16x512xf32, #tpu.memory_space<vmem>>) dst(%dma_wait3A_428 : memref<16x512xf32, #tpu.memory_space<hbm>>)
    %dma_wait3A_429 = arith.constant 0 : i32
    %dma_wait3A_430 = tpu.memref_slice %arg5[%add3A_168, %dma_wait3A_429] : memref<77000x512xf32, #tpu.memory_space<hbm>> -> memref<16x512xf32, #tpu.memory_space<hbm>>
    %dma_wait3A_431 = arith.constant 0 : i32
    %dma_wait3A_432 = tpu.memref_slice %arg5[%add3A_168, %dma_wait3A_431] : memref<77000x512xf32, #tpu.memory_space<hbm>> -> memref<16x512xf32, #tpu.memory_space<hbm>>
    tpu.wait_dma2 semaphore(%arg16 : memref<!tpu.dma_semaphore, #tpu.memory_space<semaphore_mem>>) src(%arg11 : memref<16x512xf32, #tpu.memory_space<vmem>>) dst(%dma_wait3A_432 : memref<16x512xf32, #tpu.memory_space<hbm>>)
    %dma_wait3A_433 = arith.constant 0 : i32
    %dma_wait3A_434 = tpu.memref_slice %arg5[%add3A_170, %dma_wait3A_433] : memref<77000x512xf32, #tpu.memory_space<hbm>> -> memref<16x512xf32, #tpu.memory_space<hbm>>
    %dma_wait3A_435 = arith.constant 0 : i32
    %dma_wait3A_436 = tpu.memref_slice %arg5[%add3A_170, %dma_wait3A_435] : memref<77000x512xf32, #tpu.memory_space<hbm>> -> memref<16x512xf32, #tpu.memory_space<hbm>>
    tpu.wait_dma2 semaphore(%arg16 : memref<!tpu.dma_semaphore, #tpu.memory_space<semaphore_mem>>) src(%arg11 : memref<16x512xf32, #tpu.memory_space<vmem>>) dst(%dma_wait3A_436 : memref<16x512xf32, #tpu.memory_space<hbm>>)
    %dma_wait3A_437 = arith.constant 0 : i32
    %dma_wait3A_438 = tpu.memref_slice %arg5[%add3A_172, %dma_wait3A_437] : memref<77000x512xf32, #tpu.memory_space<hbm>> -> memref<16x512xf32, #tpu.memory_space<hbm>>
    %dma_wait3A_439 = arith.constant 0 : i32
    %dma_wait3A_440 = tpu.memref_slice %arg5[%add3A_172, %dma_wait3A_439] : memref<77000x512xf32, #tpu.memory_space<hbm>> -> memref<16x512xf32, #tpu.memory_space<hbm>>
    tpu.wait_dma2 semaphore(%arg16 : memref<!tpu.dma_semaphore, #tpu.memory_space<semaphore_mem>>) src(%arg11 : memref<16x512xf32, #tpu.memory_space<vmem>>) dst(%dma_wait3A_440 : memref<16x512xf32, #tpu.memory_space<hbm>>)
    %dma_wait3A_441 = arith.constant 0 : i32
    %dma_wait3A_442 = tpu.memref_slice %arg5[%add3A_174, %dma_wait3A_441] : memref<77000x512xf32, #tpu.memory_space<hbm>> -> memref<16x512xf32, #tpu.memory_space<hbm>>
    %dma_wait3A_443 = arith.constant 0 : i32
    %dma_wait3A_444 = tpu.memref_slice %arg5[%add3A_174, %dma_wait3A_443] : memref<77000x512xf32, #tpu.memory_space<hbm>> -> memref<16x512xf32, #tpu.memory_space<hbm>>
    tpu.wait_dma2 semaphore(%arg16 : memref<!tpu.dma_semaphore, #tpu.memory_space<semaphore_mem>>) src(%arg11 : memref<16x512xf32, #tpu.memory_space<vmem>>) dst(%dma_wait3A_444 : memref<16x512xf32, #tpu.memory_space<hbm>>)
    %dma_wait3A_445 = arith.constant 0 : i32
    %dma_wait3A_446 = tpu.memref_slice %arg5[%add3A_176, %dma_wait3A_445] : memref<77000x512xf32, #tpu.memory_space<hbm>> -> memref<16x512xf32, #tpu.memory_space<hbm>>
    %dma_wait3A_447 = arith.constant 0 : i32
    %dma_wait3A_448 = tpu.memref_slice %arg5[%add3A_176, %dma_wait3A_447] : memref<77000x512xf32, #tpu.memory_space<hbm>> -> memref<16x512xf32, #tpu.memory_space<hbm>>
    tpu.wait_dma2 semaphore(%arg16 : memref<!tpu.dma_semaphore, #tpu.memory_space<semaphore_mem>>) src(%arg11 : memref<16x512xf32, #tpu.memory_space<vmem>>) dst(%dma_wait3A_448 : memref<16x512xf32, #tpu.memory_space<hbm>>)
    %dma_wait3A_449 = arith.constant 0 : i32
    %dma_wait3A_450 = tpu.memref_slice %arg5[%add3A_178, %dma_wait3A_449] : memref<77000x512xf32, #tpu.memory_space<hbm>> -> memref<16x512xf32, #tpu.memory_space<hbm>>
    %dma_wait3A_451 = arith.constant 0 : i32
    %dma_wait3A_452 = tpu.memref_slice %arg5[%add3A_178, %dma_wait3A_451] : memref<77000x512xf32, #tpu.memory_space<hbm>> -> memref<16x512xf32, #tpu.memory_space<hbm>>
    tpu.wait_dma2 semaphore(%arg16 : memref<!tpu.dma_semaphore, #tpu.memory_space<semaphore_mem>>) src(%arg11 : memref<16x512xf32, #tpu.memory_space<vmem>>) dst(%dma_wait3A_452 : memref<16x512xf32, #tpu.memory_space<hbm>>)
    %dma_wait3A_453 = arith.constant 0 : i32
    %dma_wait3A_454 = tpu.memref_slice %arg5[%add3A_180, %dma_wait3A_453] : memref<77000x512xf32, #tpu.memory_space<hbm>> -> memref<16x512xf32, #tpu.memory_space<hbm>>
    %dma_wait3A_455 = arith.constant 0 : i32
    %dma_wait3A_456 = tpu.memref_slice %arg5[%add3A_180, %dma_wait3A_455] : memref<77000x512xf32, #tpu.memory_space<hbm>> -> memref<16x512xf32, #tpu.memory_space<hbm>>
    tpu.wait_dma2 semaphore(%arg16 : memref<!tpu.dma_semaphore, #tpu.memory_space<semaphore_mem>>) src(%arg11 : memref<16x512xf32, #tpu.memory_space<vmem>>) dst(%dma_wait3A_456 : memref<16x512xf32, #tpu.memory_space<hbm>>)
    %dma_wait3A_457 = arith.constant 0 : i32
    %dma_wait3A_458 = tpu.memref_slice %arg5[%add3A_182, %dma_wait3A_457] : memref<77000x512xf32, #tpu.memory_space<hbm>> -> memref<16x512xf32, #tpu.memory_space<hbm>>
    %dma_wait3A_459 = arith.constant 0 : i32
    %dma_wait3A_460 = tpu.memref_slice %arg5[%add3A_182, %dma_wait3A_459] : memref<77000x512xf32, #tpu.memory_space<hbm>> -> memref<16x512xf32, #tpu.memory_space<hbm>>
    tpu.wait_dma2 semaphore(%arg16 : memref<!tpu.dma_semaphore, #tpu.memory_space<semaphore_mem>>) src(%arg11 : memref<16x512xf32, #tpu.memory_space<vmem>>) dst(%dma_wait3A_460 : memref<16x512xf32, #tpu.memory_space<hbm>>)
    %dma_wait3A_461 = arith.constant 0 : i32
    %dma_wait3A_462 = tpu.memref_slice %arg5[%add3A_184, %dma_wait3A_461] : memref<77000x512xf32, #tpu.memory_space<hbm>> -> memref<16x512xf32, #tpu.memory_space<hbm>>
    %dma_wait3A_463 = arith.constant 0 : i32
    %dma_wait3A_464 = tpu.memref_slice %arg5[%add3A_184, %dma_wait3A_463] : memref<77000x512xf32, #tpu.memory_space<hbm>> -> memref<16x512xf32, #tpu.memory_space<hbm>>
    tpu.wait_dma2 semaphore(%arg16 : memref<!tpu.dma_semaphore, #tpu.memory_space<semaphore_mem>>) src(%arg11 : memref<16x512xf32, #tpu.memory_space<vmem>>) dst(%dma_wait3A_464 : memref<16x512xf32, #tpu.memory_space<hbm>>)
    %dma_wait3A_465 = arith.constant 0 : i32
    %dma_wait3A_466 = arith.constant 0 : i32
    %dma_wait3A_467 = tpu.memref_slice %arg11[%dma_wait3A_465, %dma_wait3A_466] : memref<16x512xf32, #tpu.memory_space<vmem>> -> memref<8x512xf32, #tpu.memory_space<vmem>>
    %dma_wait3A_468 = arith.constant 0 : i32
    %dma_wait3A_469 = tpu.memref_slice %arg5[%add3A_186, %dma_wait3A_468] : memref<77000x512xf32, #tpu.memory_space<hbm>> -> memref<8x512xf32, #tpu.memory_space<hbm>>
    %dma_wait3A_470 = arith.constant 0 : i32
    %dma_wait3A_471 = tpu.memref_slice %arg5[%add3A_186, %dma_wait3A_470] : memref<77000x512xf32, #tpu.memory_space<hbm>> -> memref<8x512xf32, #tpu.memory_space<hbm>>
    %dma_wait3A_472 = arith.constant 0 : i32
    %dma_wait3A_473 = arith.constant 0 : i32
    %dma_wait3A_474 = tpu.memref_slice %arg11[%dma_wait3A_472, %dma_wait3A_473] : memref<16x512xf32, #tpu.memory_space<vmem>> -> memref<8x512xf32, #tpu.memory_space<vmem>>
    tpu.wait_dma2 semaphore(%arg16 : memref<!tpu.dma_semaphore, #tpu.memory_space<semaphore_mem>>) src(%dma_wait3A_474 : memref<8x512xf32, #tpu.memory_space<vmem>>) dst(%dma_wait3A_471 : memref<8x512xf32, #tpu.memory_space<hbm>>)
    %add3A_475 = arith.constant 0 : i32
    %add3A_476 = vector.broadcast %add3A_475 : i32 to vector<16xi32>
    %add3A_477 = arith.addi %add3A_476, %iota3A : vector<16xi32>
    %min3A_478 = arith.constant 999 : i32
    %min3A_479 = vector.broadcast %min3A_478 : i32 to vector<16xi32>
    %min3A_480 = arith.minsi %add3A_477, %min3A_479 : vector<16xi32>
    %mul3A_481 = arith.constant 56 : i32
    %mul3A_482 = vector.broadcast %mul3A_481 : i32 to vector<16xi32>
    %mul3A_483 = arith.muli %min3A_480, %mul3A_482 : vector<16xi32>
    %add3A_484 = vector.broadcast %add3A : i32 to vector<16xi32>
    %add3A_485 = arith.addi %mul3A_483, %add3A_484 : vector<16xi32>
    %swap3A_486 = arith.constant 0 : index
    %swap3A_487 = tpu.vector_load %arg6[%swap3A_486] {strides = array<i32>} : memref<112xi32, #tpu.memory_space<vmem>>, vector<16xi32>,
    %swap3A_488 = vector.shape_cast %swap3A_487 : vector<16xi32> to vector<16xi32>
    %swap3A_489 = vector.shape_cast %add3A_485 : vector<16xi32> to vector<16xi32>
    tpu.vector_store %arg6[%swap3A_486], %swap3A_489 {strides = array<i32>} : memref<112xi32, #tpu.memory_space<vmem>>, vector<16xi32>,
    %add3A_490 = arith.constant 16 : i32
    %add3A_491 = vector.broadcast %add3A_490 : i32 to vector<16xi32>
    %add3A_492 = arith.addi %add3A_491, %iota3A : vector<16xi32>
    %min3A_493 = arith.constant 999 : i32
    %min3A_494 = vector.broadcast %min3A_493 : i32 to vector<16xi32>
    %min3A_495 = arith.minsi %add3A_492, %min3A_494 : vector<16xi32>
    %mul3A_496 = arith.constant 56 : i32
    %mul3A_497 = vector.broadcast %mul3A_496 : i32 to vector<16xi32>
    %mul3A_498 = arith.muli %min3A_495, %mul3A_497 : vector<16xi32>
    %add3A_499 = vector.broadcast %add3A : i32 to vector<16xi32>
    %add3A_500 = arith.addi %mul3A_498, %add3A_499 : vector<16xi32>
    %swap3A_501 = arith.constant 16 : index
    %swap3A_502 = tpu.vector_load %arg6[%swap3A_501] {strides = array<i32>} : memref<112xi32, #tpu.memory_space<vmem>>, vector<16xi32>,
    %swap3A_503 = vector.shape_cast %swap3A_502 : vector<16xi32> to vector<16xi32>
    %swap3A_504 = vector.shape_cast %add3A_500 : vector<16xi32> to vector<16xi32>
    tpu.vector_store %arg6[%swap3A_501], %swap3A_504 {strides = array<i32>} : memref<112xi32, #tpu.memory_space<vmem>>, vector<16xi32>,
    %add3A_505 = arith.constant 32 : i32
    %add3A_506 = vector.broadcast %add3A_505 : i32 to vector<16xi32>
    %add3A_507 = arith.addi %add3A_506, %iota3A : vector<16xi32>
    %min3A_508 = arith.constant 999 : i32
    %min3A_509 = vector.broadcast %min3A_508 : i32 to vector<16xi32>
    %min3A_510 = arith.minsi %add3A_507, %min3A_509 : vector<16xi32>
    %mul3A_511 = arith.constant 56 : i32
    %mul3A_512 = vector.broadcast %mul3A_511 : i32 to vector<16xi32>
    %mul3A_513 = arith.muli %min3A_510, %mul3A_512 : vector<16xi32>
    %add3A_514 = vector.broadcast %add3A : i32 to vector<16xi32>
    %add3A_515 = arith.addi %mul3A_513, %add3A_514 : vector<16xi32>
    %swap3A_516 = arith.constant 32 : index
    %swap3A_517 = tpu.vector_load %arg6[%swap3A_516] {strides = array<i32>} : memref<112xi32, #tpu.memory_space<vmem>>, vector<16xi32>,
    %swap3A_518 = vector.shape_cast %swap3A_517 : vector<16xi32> to vector<16xi32>
    %swap3A_519 = vector.shape_cast %add3A_515 : vector<16xi32> to vector<16xi32>
    tpu.vector_store %arg6[%swap3A_516], %swap3A_519 {strides = array<i32>} : memref<112xi32, #tpu.memory_space<vmem>>, vector<16xi32>,
    %add3A_520 = arith.constant 48 : i32
    %add3A_521 = vector.broadcast %add3A_520 : i32 to vector<16xi32>
    %add3A_522 = arith.addi %add3A_521, %iota3A : vector<16xi32>
    %min3A_523 = arith.constant 999 : i32
    %min3A_524 = vector.broadcast %min3A_523 : i32 to vector<16xi32>
    %min3A_525 = arith.minsi %add3A_522, %min3A_524 : vector<16xi32>
    %mul3A_526 = arith.constant 56 : i32
    %mul3A_527 = vector.broadcast %mul3A_526 : i32 to vector<16xi32>
    %mul3A_528 = arith.muli %min3A_525, %mul3A_527 : vector<16xi32>
    %add3A_529 = vector.broadcast %add3A : i32 to vector<16xi32>
    %add3A_530 = arith.addi %mul3A_528, %add3A_529 : vector<16xi32>
    %swap3A_531 = arith.constant 48 : index
    %swap3A_532 = tpu.vector_load %arg6[%swap3A_531] {strides = array<i32>} : memref<112xi32, #tpu.memory_space<vmem>>, vector<16xi32>,
    %swap3A_533 = vector.shape_cast %swap3A_532 : vector<16xi32> to vector<16xi32>
    %swap3A_534 = vector.shape_cast %add3A_530 : vector<16xi32> to vector<16xi32>
    tpu.vector_store %arg6[%swap3A_531], %swap3A_534 {strides = array<i32>} : memref<112xi32, #tpu.memory_space<vmem>>, vector<16xi32>,
    %add3A_535 = arith.constant 64 : i32
    %add3A_536 = vector.broadcast %add3A_535 : i32 to vector<16xi32>
    %add3A_537 = arith.addi %add3A_536, %iota3A : vector<16xi32>
    %min3A_538 = arith.constant 999 : i32
    %min3A_539 = vector.broadcast %min3A_538 : i32 to vector<16xi32>
    %min3A_540 = arith.minsi %add3A_537, %min3A_539 : vector<16xi32>
    %mul3A_541 = arith.constant 56 : i32
    %mul3A_542 = vector.broadcast %mul3A_541 : i32 to vector<16xi32>
    %mul3A_543 = arith.muli %min3A_540, %mul3A_542 : vector<16xi32>
    %add3A_544 = vector.broadcast %add3A : i32 to vector<16xi32>
    %add3A_545 = arith.addi %mul3A_543, %add3A_544 : vector<16xi32>
    %swap3A_546 = arith.constant 64 : index
    %swap3A_547 = tpu.vector_load %arg6[%swap3A_546] {strides = array<i32>} : memref<112xi32, #tpu.memory_space<vmem>>, vector<16xi32>,
    %swap3A_548 = vector.shape_cast %swap3A_547 : vector<16xi32> to vector<16xi32>
    %swap3A_549 = vector.shape_cast %add3A_545 : vector<16xi32> to vector<16xi32>
    tpu.vector_store %arg6[%swap3A_546], %swap3A_549 {strides = array<i32>} : memref<112xi32, #tpu.memory_space<vmem>>, vector<16xi32>,
    %add3A_550 = arith.constant 80 : i32
    %add3A_551 = vector.broadcast %add3A_550 : i32 to vector<16xi32>
    %add3A_552 = arith.addi %add3A_551, %iota3A : vector<16xi32>
    %min3A_553 = arith.constant 999 : i32
    %min3A_554 = vector.broadcast %min3A_553 : i32 to vector<16xi32>
    %min3A_555 = arith.minsi %add3A_552, %min3A_554 : vector<16xi32>
    %mul3A_556 = arith.constant 56 : i32
    %mul3A_557 = vector.broadcast %mul3A_556 : i32 to vector<16xi32>
    %mul3A_558 = arith.muli %min3A_555, %mul3A_557 : vector<16xi32>
    %add3A_559 = vector.broadcast %add3A : i32 to vector<16xi32>
    %add3A_560 = arith.addi %mul3A_558, %add3A_559 : vector<16xi32>
    %swap3A_561 = arith.constant 80 : index
    %swap3A_562 = tpu.vector_load %arg6[%swap3A_561] {strides = array<i32>} : memref<112xi32, #tpu.memory_space<vmem>>, vector<16xi32>,
    %swap3A_563 = vector.shape_cast %swap3A_562 : vector<16xi32> to vector<16xi32>
    %swap3A_564 = vector.shape_cast %add3A_560 : vector<16xi32> to vector<16xi32>
    tpu.vector_store %arg6[%swap3A_561], %swap3A_564 {strides = array<i32>} : memref<112xi32, #tpu.memory_space<vmem>>, vector<16xi32>,
    %add3A_565 = arith.constant 96 : i32
    %add3A_566 = vector.broadcast %add3A_565 : i32 to vector<16xi32>
    %add3A_567 = arith.addi %add3A_566, %iota3A : vector<16xi32>
    %min3A_568 = arith.constant 999 : i32
    %min3A_569 = vector.broadcast %min3A_568 : i32 to vector<16xi32>
    %min3A_570 = arith.minsi %add3A_567, %min3A_569 : vector<16xi32>
    %mul3A_571 = arith.constant 56 : i32
    %mul3A_572 = vector.broadcast %mul3A_571 : i32 to vector<16xi32>
    %mul3A_573 = arith.muli %min3A_570, %mul3A_572 : vector<16xi32>
    %add3A_574 = vector.broadcast %add3A : i32 to vector<16xi32>
    %add3A_575 = arith.addi %mul3A_573, %add3A_574 : vector<16xi32>
    %swap3A_576 = arith.constant 96 : index
    %swap3A_577 = tpu.vector_load %arg6[%swap3A_576] {strides = array<i32>} : memref<112xi32, #tpu.memory_space<vmem>>, vector<16xi32>,
    %swap3A_578 = vector.shape_cast %swap3A_577 : vector<16xi32> to vector<16xi32>
    %swap3A_579 = vector.shape_cast %add3A_575 : vector<16xi32> to vector<16xi32>
    tpu.vector_store %arg6[%swap3A_576], %swap3A_579 {strides = array<i32>} : memref<112xi32, #tpu.memory_space<vmem>>, vector<16xi32>,
    %dma_start3A_580 = arith.constant 0 : i32
    %dma_start3A_581 = arith.constant 0 : i32
    %dma_start3A_582 = tpu.memref_slice %arg4[%dma_start3A_580, %dma_start3A_581] : memref<56000x512xf32, #tpu.memory_space<hbm>> -> memref<56000x512xf32, #tpu.memory_space<hbm>>
    tpu.enqueue_indirect_dma source(%dma_start3A_582 : memref<56000x512xf32, #tpu.memory_space<hbm>>) target(%arg9 : memref<112x512xf32, #tpu.memory_space<vmem>>) offsets(%arg6 : memref<112xi32, #tpu.memory_space<vmem>>) semaphore(%arg12 : memref<!tpu.dma_semaphore, #tpu.memory_space<semaphore_mem>>)
    %add3A_583 = arith.constant 112 : i32
    %add3A_584 = vector.broadcast %add3A_583 : i32 to vector<16xi32>
    %add3A_585 = arith.addi %add3A_584, %iota3A : vector<16xi32>
    %min3A_586 = arith.constant 999 : i32
    %min3A_587 = vector.broadcast %min3A_586 : i32 to vector<16xi32>
    %min3A_588 = arith.minsi %add3A_585, %min3A_587 : vector<16xi32>
    %mul3A_589 = arith.constant 56 : i32
    %mul3A_590 = vector.broadcast %mul3A_589 : i32 to vector<16xi32>
    %mul3A_591 = arith.muli %min3A_588, %mul3A_590 : vector<16xi32>
    %add3A_592 = vector.broadcast %add3A : i32 to vector<16xi32>
    %add3A_593 = arith.addi %mul3A_591, %add3A_592 : vector<16xi32>
    %swap3A_594 = arith.constant 0 : index
    %swap3A_595 = tpu.vector_load %arg7[%swap3A_594] {strides = array<i32>} : memref<112xi32, #tpu.memory_space<vmem>>, vector<16xi32>,
    %swap3A_596 = vector.shape_cast %swap3A_595 : vector<16xi32> to vector<16xi32>
    %swap3A_597 = vector.shape_cast %add3A_593 : vector<16xi32> to vector<16xi32>
    tpu.vector_store %arg7[%swap3A_594], %swap3A_597 {strides = array<i32>} : memref<112xi32, #tpu.memory_space<vmem>>, vector<16xi32>,
    %add3A_598 = arith.constant 128 : i32
    %add3A_599 = vector.broadcast %add3A_598 : i32 to vector<16xi32>
    %add3A_600 = arith.addi %add3A_599, %iota3A : vector<16xi32>
    %min3A_601 = arith.constant 999 : i32
    %min3A_602 = vector.broadcast %min3A_601 : i32 to vector<16xi32>
    %min3A_603 = arith.minsi %add3A_600, %min3A_602 : vector<16xi32>
    %mul3A_604 = arith.constant 56 : i32
    %mul3A_605 = vector.broadcast %mul3A_604 : i32 to vector<16xi32>
    %mul3A_606 = arith.muli %min3A_603, %mul3A_605 : vector<16xi32>
    %add3A_607 = vector.broadcast %add3A : i32 to vector<16xi32>
    %add3A_608 = arith.addi %mul3A_606, %add3A_607 : vector<16xi32>
    %swap3A_609 = arith.constant 16 : index
    %swap3A_610 = tpu.vector_load %arg7[%swap3A_609] {strides = array<i32>} : memref<112xi32, #tpu.memory_space<vmem>>, vector<16xi32>,
    %swap3A_611 = vector.shape_cast %swap3A_610 : vector<16xi32> to vector<16xi32>
    %swap3A_612 = vector.shape_cast %add3A_608 : vector<16xi32> to vector<16xi32>
    tpu.vector_store %arg7[%swap3A_609], %swap3A_612 {strides = array<i32>} : memref<112xi32, #tpu.memory_space<vmem>>, vector<16xi32>,
    %add3A_613 = arith.constant 144 : i32
    %add3A_614 = vector.broadcast %add3A_613 : i32 to vector<16xi32>
    %add3A_615 = arith.addi %add3A_614, %iota3A : vector<16xi32>
    %min3A_616 = arith.constant 999 : i32
    %min3A_617 = vector.broadcast %min3A_616 : i32 to vector<16xi32>
    %min3A_618 = arith.minsi %add3A_615, %min3A_617 : vector<16xi32>
    %mul3A_619 = arith.constant 56 : i32
    %mul3A_620 = vector.broadcast %mul3A_619 : i32 to vector<16xi32>
    %mul3A_621 = arith.muli %min3A_618, %mul3A_620 : vector<16xi32>
    %add3A_622 = vector.broadcast %add3A : i32 to vector<16xi32>
    %add3A_623 = arith.addi %mul3A_621, %add3A_622 : vector<16xi32>
    %swap3A_624 = arith.constant 32 : index
    %swap3A_625 = tpu.vector_load %arg7[%swap3A_624] {strides = array<i32>} : memref<112xi32, #tpu.memory_space<vmem>>, vector<16xi32>,
    %swap3A_626 = vector.shape_cast %swap3A_625 : vector<16xi32> to vector<16xi32>
    %swap3A_627 = vector.shape_cast %add3A_623 : vector<16xi32> to vector<16xi32>
    tpu.vector_store %arg7[%swap3A_624], %swap3A_627 {strides = array<i32>} : memref<112xi32, #tpu.memory_space<vmem>>, vector<16xi32>,
    %add3A_628 = arith.constant 160 : i32
    %add3A_629 = vector.broadcast %add3A_628 : i32 to vector<16xi32>
    %add3A_630 = arith.addi %add3A_629, %iota3A : vector<16xi32>
    %min3A_631 = arith.constant 999 : i32
    %min3A_632 = vector.broadcast %min3A_631 : i32 to vector<16xi32>
    %min3A_633 = arith.minsi %add3A_630, %min3A_632 : vector<16xi32>
    %mul3A_634 = arith.constant 56 : i32
    %mul3A_635 = vector.broadcast %mul3A_634 : i32 to vector<16xi32>
    %mul3A_636 = arith.muli %min3A_633, %mul3A_635 : vector<16xi32>
    %add3A_637 = vector.broadcast %add3A : i32 to vector<16xi32>
    %add3A_638 = arith.addi %mul3A_636, %add3A_637 : vector<16xi32>
    %swap3A_639 = arith.constant 48 : index
    %swap3A_640 = tpu.vector_load %arg7[%swap3A_639] {strides = array<i32>} : memref<112xi32, #tpu.memory_space<vmem>>, vector<16xi32>,
    %swap3A_641 = vector.shape_cast %swap3A_640 : vector<16xi32> to vector<16xi32>
    %swap3A_642 = vector.shape_cast %add3A_638 : vector<16xi32> to vector<16xi32>
    tpu.vector_store %arg7[%swap3A_639], %swap3A_642 {strides = array<i32>} : memref<112xi32, #tpu.memory_space<vmem>>, vector<16xi32>,
    %add3A_643 = arith.constant 176 : i32
    %add3A_644 = vector.broadcast %add3A_643 : i32 to vector<16xi32>
    %add3A_645 = arith.addi %add3A_644, %iota3A : vector<16xi32>
    %min3A_646 = arith.constant 999 : i32
    %min3A_647 = vector.broadcast %min3A_646 : i32 to vector<16xi32>
    %min3A_648 = arith.minsi %add3A_645, %min3A_647 : vector<16xi32>
    %mul3A_649 = arith.constant 56 : i32
    %mul3A_650 = vector.broadcast %mul3A_649 : i32 to vector<16xi32>
    %mul3A_651 = arith.muli %min3A_648, %mul3A_650 : vector<16xi32>
    %add3A_652 = vector.broadcast %add3A : i32 to vector<16xi32>
    %add3A_653 = arith.addi %mul3A_651, %add3A_652 : vector<16xi32>
    %swap3A_654 = arith.constant 64 : index
    %swap3A_655 = tpu.vector_load %arg7[%swap3A_654] {strides = array<i32>} : memref<112xi32, #tpu.memory_space<vmem>>, vector<16xi32>,
    %swap3A_656 = vector.shape_cast %swap3A_655 : vector<16xi32> to vector<16xi32>
    %swap3A_657 = vector.shape_cast %add3A_653 : vector<16xi32> to vector<16xi32>
    tpu.vector_store %arg7[%swap3A_654], %swap3A_657 {strides = array<i32>} : memref<112xi32, #tpu.memory_space<vmem>>, vector<16xi32>,
    %add3A_658 = arith.constant 192 : i32
    %add3A_659 = vector.broadcast %add3A_658 : i32 to vector<16xi32>
    %add3A_660 = arith.addi %add3A_659, %iota3A : vector<16xi32>
    %min3A_661 = arith.constant 999 : i32
    %min3A_662 = vector.broadcast %min3A_661 : i32 to vector<16xi32>
    %min3A_663 = arith.minsi %add3A_660, %min3A_662 : vector<16xi32>
    %mul3A_664 = arith.constant 56 : i32
    %mul3A_665 = vector.broadcast %mul3A_664 : i32 to vector<16xi32>
    %mul3A_666 = arith.muli %min3A_663, %mul3A_665 : vector<16xi32>
    %add3A_667 = vector.broadcast %add3A : i32 to vector<16xi32>
    %add3A_668 = arith.addi %mul3A_666, %add3A_667 : vector<16xi32>
    %swap3A_669 = arith.constant 80 : index
    %swap3A_670 = tpu.vector_load %arg7[%swap3A_669] {strides = array<i32>} : memref<112xi32, #tpu.memory_space<vmem>>, vector<16xi32>,
    %swap3A_671 = vector.shape_cast %swap3A_670 : vector<16xi32> to vector<16xi32>
    %swap3A_672 = vector.shape_cast %add3A_668 : vector<16xi32> to vector<16xi32>
    tpu.vector_store %arg7[%swap3A_669], %swap3A_672 {strides = array<i32>} : memref<112xi32, #tpu.memory_space<vmem>>, vector<16xi32>,
    %add3A_673 = arith.constant 208 : i32
    %add3A_674 = vector.broadcast %add3A_673 : i32 to vector<16xi32>
    %add3A_675 = arith.addi %add3A_674, %iota3A : vector<16xi32>
    %min3A_676 = arith.constant 999 : i32
    %min3A_677 = vector.broadcast %min3A_676 : i32 to vector<16xi32>
    %min3A_678 = arith.minsi %add3A_675, %min3A_677 : vector<16xi32>
    %mul3A_679 = arith.constant 56 : i32
    %mul3A_680 = vector.broadcast %mul3A_679 : i32 to vector<16xi32>
    %mul3A_681 = arith.muli %min3A_678, %mul3A_680 : vector<16xi32>
    %add3A_682 = vector.broadcast %add3A : i32 to vector<16xi32>
    %add3A_683 = arith.addi %mul3A_681, %add3A_682 : vector<16xi32>
    %swap3A_684 = arith.constant 96 : index
    %swap3A_685 = tpu.vector_load %arg7[%swap3A_684] {strides = array<i32>} : memref<112xi32, #tpu.memory_space<vmem>>, vector<16xi32>,
    %swap3A_686 = vector.shape_cast %swap3A_685 : vector<16xi32> to vector<16xi32>
    %swap3A_687 = vector.shape_cast %add3A_683 : vector<16xi32> to vector<16xi32>
    tpu.vector_store %arg7[%swap3A_684], %swap3A_687 {strides = array<i32>} : memref<112xi32, #tpu.memory_space<vmem>>, vector<16xi32>,
    %dma_start3A_688 = arith.constant 0 : i32
    %dma_start3A_689 = arith.constant 0 : i32
    %dma_start3A_690 = tpu.memref_slice %arg4[%dma_start3A_688, %dma_start3A_689] : memref<56000x512xf32, #tpu.memory_space<hbm>> -> memref<56000x512xf32, #tpu.memory_space<hbm>>
    tpu.enqueue_indirect_dma source(%dma_start3A_690 : memref<56000x512xf32, #tpu.memory_space<hbm>>) target(%arg10 : memref<112x512xf32, #tpu.memory_space<vmem>>) offsets(%arg7 : memref<112xi32, #tpu.memory_space<vmem>>) semaphore(%arg13 : memref<!tpu.dma_semaphore, #tpu.memory_space<semaphore_mem>>)
    %dma_wait3A_691 = arith.constant 0 : i32
    %dma_wait3A_692 = arith.constant 0 : i32
    %dma_wait3A_693 = tpu.memref_slice %arg4[%dma_wait3A_691, %dma_wait3A_692] : memref<56000x512xf32, #tpu.memory_space<hbm>> -> memref<56000x512xf32, #tpu.memory_space<hbm>>
    tpu.wait_indirect_dma semaphore(%arg12 : memref<!tpu.dma_semaphore, #tpu.memory_space<semaphore_mem>>) src(%dma_wait3A_693 : memref<56000x512xf32, #tpu.memory_space<hbm>>) dst(%arg9 : memref<112x512xf32, #tpu.memory_space<vmem>>)
    %mul3A_694 = arith.constant 1000 : i32
    %mul3A_695 = arith.muli %add3A, %mul3A_694 : i32
    %add3A_696 = arith.constant 21000 : i32
    %add3A_697 = arith.addi %add3A_696, %mul3A_695 : i32
    %add3A_698 = arith.constant 0 : i32
    %add3A_699 = arith.addi %add3A_697, %add3A_698 : i32
    %dma_start3A_700 = arith.constant 0 : i32
    %dma_start3A_701 = arith.constant 0 : i32
    %dma_start3A_702 = tpu.memref_slice %arg9[%dma_start3A_700, %dma_start3A_701] : memref<112x512xf32, #tpu.memory_space<vmem>> -> memref<112x512xf32, #tpu.memory_space<vmem>>
    %dma_start3A_703 = arith.constant 0 : i32
    %dma_start3A_704 = tpu.memref_slice %arg5[%add3A_699, %dma_start3A_703] : memref<77000x512xf32, #tpu.memory_space<hbm>> -> memref<112x512xf32, #tpu.memory_space<hbm>>
    %dma_start3A_705 = arith.constant 0 : i32
    %dma_start3A_706 = tpu.memref_slice %arg5[%add3A_699, %dma_start3A_705] : memref<77000x512xf32, #tpu.memory_space<hbm>> -> memref<112x512xf32, #tpu.memory_space<hbm>>
    %dma_start3A_707 = arith.constant 0 : i32
    %dma_start3A_708 = arith.constant 0 : i32
    %dma_start3A_709 = tpu.memref_slice %arg9[%dma_start3A_707, %dma_start3A_708] : memref<112x512xf32, #tpu.memory_space<vmem>> -> memref<112x512xf32, #tpu.memory_space<vmem>>
    tpu.enqueue_dma source(%dma_start3A_709 : memref<112x512xf32, #tpu.memory_space<vmem>>) target(%dma_start3A_706 : memref<112x512xf32, #tpu.memory_space<hbm>>) target_semaphore(%arg14 : memref<!tpu.dma_semaphore, #tpu.memory_space<semaphore_mem>>)
    %mul3A_710 = arith.constant 1000 : i32
    %mul3A_711 = arith.muli %add3A, %mul3A_710 : i32
    %add3A_712 = arith.constant 21000 : i32
    %add3A_713 = arith.addi %add3A_712, %mul3A_711 : i32
    %add3A_714 = arith.constant 0 : i32
    %add3A_715 = arith.addi %add3A_713, %add3A_714 : i32
    %dma_wait3A_716 = arith.constant 0 : i32
    %dma_wait3A_717 = arith.constant 0 : i32
    %dma_wait3A_718 = tpu.memref_slice %arg9[%dma_wait3A_716, %dma_wait3A_717] : memref<112x512xf32, #tpu.memory_space<vmem>> -> memref<112x512xf32, #tpu.memory_space<vmem>>
    %dma_wait3A_719 = arith.constant 0 : i32
    %dma_wait3A_720 = tpu.memref_slice %arg5[%add3A_715, %dma_wait3A_719] : memref<77000x512xf32, #tpu.memory_space<hbm>> -> memref<112x512xf32, #tpu.memory_space<hbm>>
    %dma_wait3A_721 = arith.constant 0 : i32
    %dma_wait3A_722 = tpu.memref_slice %arg5[%add3A_715, %dma_wait3A_721] : memref<77000x512xf32, #tpu.memory_space<hbm>> -> memref<112x512xf32, #tpu.memory_space<hbm>>
    %dma_wait3A_723 = arith.constant 0 : i32
    %dma_wait3A_724 = arith.constant 0 : i32
    %dma_wait3A_725 = tpu.memref_slice %arg9[%dma_wait3A_723, %dma_wait3A_724] : memref<112x512xf32, #tpu.memory_space<vmem>> -> memref<112x512xf32, #tpu.memory_space<vmem>>
    tpu.wait_dma2 semaphore(%arg14 : memref<!tpu.dma_semaphore, #tpu.memory_space<semaphore_mem>>) src(%dma_wait3A_725 : memref<112x512xf32, #tpu.memory_space<vmem>>) dst(%dma_wait3A_722 : memref<112x512xf32, #tpu.memory_space<hbm>>)
    %add3A_726 = arith.constant 224 : i32
    %add3A_727 = vector.broadcast %add3A_726 : i32 to vector<16xi32>
    %add3A_728 = arith.addi %add3A_727, %iota3A : vector<16xi32>
    %min3A_729 = arith.constant 999 : i32
    %min3A_730 = vector.broadcast %min3A_729 : i32 to vector<16xi32>
    %min3A_731 = arith.minsi %add3A_728, %min3A_730 : vector<16xi32>
    %mul3A_732 = arith.constant 56 : i32
    %mul3A_733 = vector.broadcast %mul3A_732 : i32 to vector<16xi32>
    %mul3A_734 = arith.muli %min3A_731, %mul3A_733 : vector<16xi32>
    %add3A_735 = vector.broadcast %add3A : i32 to vector<16xi32>
    %add3A_736 = arith.addi %mul3A_734, %add3A_735 : vector<16xi32>
    %swap3A_737 = arith.constant 0 : index
    %swap3A_738 = tpu.vector_load %arg6[%swap3A_737] {strides = array<i32>} : memref<112xi32, #tpu.memory_space<vmem>>, vector<16xi32>,
    %swap3A_739 = vector.shape_cast %swap3A_738 : vector<16xi32> to vector<16xi32>
    %swap3A_740 = vector.shape_cast %add3A_736 : vector<16xi32> to vector<16xi32>
    tpu.vector_store %arg6[%swap3A_737], %swap3A_740 {strides = array<i32>} : memref<112xi32, #tpu.memory_space<vmem>>, vector<16xi32>,
    %add3A_741 = arith.constant 240 : i32
    %add3A_742 = vector.broadcast %add3A_741 : i32 to vector<16xi32>
    %add3A_743 = arith.addi %add3A_742, %iota3A : vector<16xi32>
    %min3A_744 = arith.constant 999 : i32
    %min3A_745 = vector.broadcast %min3A_744 : i32 to vector<16xi32>
    %min3A_746 = arith.minsi %add3A_743, %min3A_745 : vector<16xi32>
    %mul3A_747 = arith.constant 56 : i32
    %mul3A_748 = vector.broadcast %mul3A_747 : i32 to vector<16xi32>
    %mul3A_749 = arith.muli %min3A_746, %mul3A_748 : vector<16xi32>
    %add3A_750 = vector.broadcast %add3A : i32 to vector<16xi32>
    %add3A_751 = arith.addi %mul3A_749, %add3A_750 : vector<16xi32>
    %swap3A_752 = arith.constant 16 : index
    %swap3A_753 = tpu.vector_load %arg6[%swap3A_752] {strides = array<i32>} : memref<112xi32, #tpu.memory_space<vmem>>, vector<16xi32>,
    %swap3A_754 = vector.shape_cast %swap3A_753 : vector<16xi32> to vector<16xi32>
    %swap3A_755 = vector.shape_cast %add3A_751 : vector<16xi32> to vector<16xi32>
    tpu.vector_store %arg6[%swap3A_752], %swap3A_755 {strides = array<i32>} : memref<112xi32, #tpu.memory_space<vmem>>, vector<16xi32>,
    %add3A_756 = arith.constant 256 : i32
    %add3A_757 = vector.broadcast %add3A_756 : i32 to vector<16xi32>
    %add3A_758 = arith.addi %add3A_757, %iota3A : vector<16xi32>
    %min3A_759 = arith.constant 999 : i32
    %min3A_760 = vector.broadcast %min3A_759 : i32 to vector<16xi32>
    %min3A_761 = arith.minsi %add3A_758, %min3A_760 : vector<16xi32>
    %mul3A_762 = arith.constant 56 : i32
    %mul3A_763 = vector.broadcast %mul3A_762 : i32 to vector<16xi32>
    %mul3A_764 = arith.muli %min3A_761, %mul3A_763 : vector<16xi32>
    %add3A_765 = vector.broadcast %add3A : i32 to vector<16xi32>
    %add3A_766 = arith.addi %mul3A_764, %add3A_765 : vector<16xi32>
    %swap3A_767 = arith.constant 32 : index
    %swap3A_768 = tpu.vector_load %arg6[%swap3A_767] {strides = array<i32>} : memref<112xi32, #tpu.memory_space<vmem>>, vector<16xi32>,
    %swap3A_769 = vector.shape_cast %swap3A_768 : vector<16xi32> to vector<16xi32>
    %swap3A_770 = vector.shape_cast %add3A_766 : vector<16xi32> to vector<16xi32>
    tpu.vector_store %arg6[%swap3A_767], %swap3A_770 {strides = array<i32>} : memref<112xi32, #tpu.memory_space<vmem>>, vector<16xi32>,
    %add3A_771 = arith.constant 272 : i32
    %add3A_772 = vector.broadcast %add3A_771 : i32 to vector<16xi32>
    %add3A_773 = arith.addi %add3A_772, %iota3A : vector<16xi32>
    %min3A_774 = arith.constant 999 : i32
    %min3A_775 = vector.broadcast %min3A_774 : i32 to vector<16xi32>
    %min3A_776 = arith.minsi %add3A_773, %min3A_775 : vector<16xi32>
    %mul3A_777 = arith.constant 56 : i32
    %mul3A_778 = vector.broadcast %mul3A_777 : i32 to vector<16xi32>
    %mul3A_779 = arith.muli %min3A_776, %mul3A_778 : vector<16xi32>
    %add3A_780 = vector.broadcast %add3A : i32 to vector<16xi32>
    %add3A_781 = arith.addi %mul3A_779, %add3A_780 : vector<16xi32>
    %swap3A_782 = arith.constant 48 : index
    %swap3A_783 = tpu.vector_load %arg6[%swap3A_782] {strides = array<i32>} : memref<112xi32, #tpu.memory_space<vmem>>, vector<16xi32>,
    %swap3A_784 = vector.shape_cast %swap3A_783 : vector<16xi32> to vector<16xi32>
    %swap3A_785 = vector.shape_cast %add3A_781 : vector<16xi32> to vector<16xi32>
    tpu.vector_store %arg6[%swap3A_782], %swap3A_785 {strides = array<i32>} : memref<112xi32, #tpu.memory_space<vmem>>, vector<16xi32>,
    %add3A_786 = arith.constant 288 : i32
    %add3A_787 = vector.broadcast %add3A_786 : i32 to vector<16xi32>
    %add3A_788 = arith.addi %add3A_787, %iota3A : vector<16xi32>
    %min3A_789 = arith.constant 999 : i32
    %min3A_790 = vector.broadcast %min3A_789 : i32 to vector<16xi32>
    %min3A_791 = arith.minsi %add3A_788, %min3A_790 : vector<16xi32>
    %mul3A_792 = arith.constant 56 : i32
    %mul3A_793 = vector.broadcast %mul3A_792 : i32 to vector<16xi32>
    %mul3A_794 = arith.muli %min3A_791, %mul3A_793 : vector<16xi32>
    %add3A_795 = vector.broadcast %add3A : i32 to vector<16xi32>
    %add3A_796 = arith.addi %mul3A_794, %add3A_795 : vector<16xi32>
    %swap3A_797 = arith.constant 64 : index
    %swap3A_798 = tpu.vector_load %arg6[%swap3A_797] {strides = array<i32>} : memref<112xi32, #tpu.memory_space<vmem>>, vector<16xi32>,
    %swap3A_799 = vector.shape_cast %swap3A_798 : vector<16xi32> to vector<16xi32>
    %swap3A_800 = vector.shape_cast %add3A_796 : vector<16xi32> to vector<16xi32>
    tpu.vector_store %arg6[%swap3A_797], %swap3A_800 {strides = array<i32>} : memref<112xi32, #tpu.memory_space<vmem>>, vector<16xi32>,
    %add3A_801 = arith.constant 304 : i32
    %add3A_802 = vector.broadcast %add3A_801 : i32 to vector<16xi32>
    %add3A_803 = arith.addi %add3A_802, %iota3A : vector<16xi32>
    %min3A_804 = arith.constant 999 : i32
    %min3A_805 = vector.broadcast %min3A_804 : i32 to vector<16xi32>
    %min3A_806 = arith.minsi %add3A_803, %min3A_805 : vector<16xi32>
    %mul3A_807 = arith.constant 56 : i32
    %mul3A_808 = vector.broadcast %mul3A_807 : i32 to vector<16xi32>
    %mul3A_809 = arith.muli %min3A_806, %mul3A_808 : vector<16xi32>
    %add3A_810 = vector.broadcast %add3A : i32 to vector<16xi32>
    %add3A_811 = arith.addi %mul3A_809, %add3A_810 : vector<16xi32>
    %swap3A_812 = arith.constant 80 : index
    %swap3A_813 = tpu.vector_load %arg6[%swap3A_812] {strides = array<i32>} : memref<112xi32, #tpu.memory_space<vmem>>, vector<16xi32>,
    %swap3A_814 = vector.shape_cast %swap3A_813 : vector<16xi32> to vector<16xi32>
    %swap3A_815 = vector.shape_cast %add3A_811 : vector<16xi32> to vector<16xi32>
    tpu.vector_store %arg6[%swap3A_812], %swap3A_815 {strides = array<i32>} : memref<112xi32, #tpu.memory_space<vmem>>, vector<16xi32>,
    %add3A_816 = arith.constant 320 : i32
    %add3A_817 = vector.broadcast %add3A_816 : i32 to vector<16xi32>
    %add3A_818 = arith.addi %add3A_817, %iota3A : vector<16xi32>
    %min3A_819 = arith.constant 999 : i32
    %min3A_820 = vector.broadcast %min3A_819 : i32 to vector<16xi32>
    %min3A_821 = arith.minsi %add3A_818, %min3A_820 : vector<16xi32>
    %mul3A_822 = arith.constant 56 : i32
    %mul3A_823 = vector.broadcast %mul3A_822 : i32 to vector<16xi32>
    %mul3A_824 = arith.muli %min3A_821, %mul3A_823 : vector<16xi32>
    %add3A_825 = vector.broadcast %add3A : i32 to vector<16xi32>
    %add3A_826 = arith.addi %mul3A_824, %add3A_825 : vector<16xi32>
    %swap3A_827 = arith.constant 96 : index
    %swap3A_828 = tpu.vector_load %arg6[%swap3A_827] {strides = array<i32>} : memref<112xi32, #tpu.memory_space<vmem>>, vector<16xi32>,
    %swap3A_829 = vector.shape_cast %swap3A_828 : vector<16xi32> to vector<16xi32>
    %swap3A_830 = vector.shape_cast %add3A_826 : vector<16xi32> to vector<16xi32>
    tpu.vector_store %arg6[%swap3A_827], %swap3A_830 {strides = array<i32>} : memref<112xi32, #tpu.memory_space<vmem>>, vector<16xi32>,
    %dma_start3A_831 = arith.constant 0 : i32
    %dma_start3A_832 = arith.constant 0 : i32
    %dma_start3A_833 = tpu.memref_slice %arg4[%dma_start3A_831, %dma_start3A_832] : memref<56000x512xf32, #tpu.memory_space<hbm>> -> memref<56000x512xf32, #tpu.memory_space<hbm>>
    tpu.enqueue_indirect_dma source(%dma_start3A_833 : memref<56000x512xf32, #tpu.memory_space<hbm>>) target(%arg9 : memref<112x512xf32, #tpu.memory_space<vmem>>) offsets(%arg6 : memref<112xi32, #tpu.memory_space<vmem>>) semaphore(%arg12 : memref<!tpu.dma_semaphore, #tpu.memory_space<semaphore_mem>>)
    %dma_wait3A_834 = arith.constant 0 : i32
    %dma_wait3A_835 = arith.constant 0 : i32
    %dma_wait3A_836 = tpu.memref_slice %arg4[%dma_wait3A_834, %dma_wait3A_835] : memref<56000x512xf32, #tpu.memory_space<hbm>> -> memref<56000x512xf32, #tpu.memory_space<hbm>>
    tpu.wait_indirect_dma semaphore(%arg13 : memref<!tpu.dma_semaphore, #tpu.memory_space<semaphore_mem>>) src(%dma_wait3A_836 : memref<56000x512xf32, #tpu.memory_space<hbm>>) dst(%arg10 : memref<112x512xf32, #tpu.memory_space<vmem>>)
    %mul3A_837 = arith.constant 1000 : i32
    %mul3A_838 = arith.muli %add3A, %mul3A_837 : i32
    %add3A_839 = arith.constant 21000 : i32
    %add3A_840 = arith.addi %add3A_839, %mul3A_838 : i32
    %add3A_841 = arith.constant 112 : i32
    %add3A_842 = arith.addi %add3A_840, %add3A_841 : i32
    %dma_start3A_843 = arith.constant 0 : i32
    %dma_start3A_844 = arith.constant 0 : i32
    %dma_start3A_845 = tpu.memref_slice %arg10[%dma_start3A_843, %dma_start3A_844] : memref<112x512xf32, #tpu.memory_space<vmem>> -> memref<112x512xf32, #tpu.memory_space<vmem>>
    %dma_start3A_846 = arith.constant 0 : i32
    %dma_start3A_847 = tpu.memref_slice %arg5[%add3A_842, %dma_start3A_846] : memref<77000x512xf32, #tpu.memory_space<hbm>> -> memref<112x512xf32, #tpu.memory_space<hbm>>
    %dma_start3A_848 = arith.constant 0 : i32
    %dma_start3A_849 = tpu.memref_slice %arg5[%add3A_842, %dma_start3A_848] : memref<77000x512xf32, #tpu.memory_space<hbm>> -> memref<112x512xf32, #tpu.memory_space<hbm>>
    %dma_start3A_850 = arith.constant 0 : i32
    %dma_start3A_851 = arith.constant 0 : i32
    %dma_start3A_852 = tpu.memref_slice %arg10[%dma_start3A_850, %dma_start3A_851] : memref<112x512xf32, #tpu.memory_space<vmem>> -> memref<112x512xf32, #tpu.memory_space<vmem>>
    tpu.enqueue_dma source(%dma_start3A_852 : memref<112x512xf32, #tpu.memory_space<vmem>>) target(%dma_start3A_849 : memref<112x512xf32, #tpu.memory_space<hbm>>) target_semaphore(%arg15 : memref<!tpu.dma_semaphore, #tpu.memory_space<semaphore_mem>>)
    %mul3A_853 = arith.constant 1000 : i32
    %mul3A_854 = arith.muli %add3A, %mul3A_853 : i32
    %add3A_855 = arith.constant 21000 : i32
    %add3A_856 = arith.addi %add3A_855, %mul3A_854 : i32
    %add3A_857 = arith.constant 112 : i32
    %add3A_858 = arith.addi %add3A_856, %add3A_857 : i32
    %dma_wait3A_859 = arith.constant 0 : i32
    %dma_wait3A_860 = arith.constant 0 : i32
    %dma_wait3A_861 = tpu.memref_slice %arg10[%dma_wait3A_859, %dma_wait3A_860] : memref<112x512xf32, #tpu.memory_space<vmem>> -> memref<112x512xf32, #tpu.memory_space<vmem>>
    %dma_wait3A_862 = arith.constant 0 : i32
    %dma_wait3A_863 = tpu.memref_slice %arg5[%add3A_858, %dma_wait3A_862] : memref<77000x512xf32, #tpu.memory_space<hbm>> -> memref<112x512xf32, #tpu.memory_space<hbm>>
    %dma_wait3A_864 = arith.constant 0 : i32
    %dma_wait3A_865 = tpu.memref_slice %arg5[%add3A_858, %dma_wait3A_864] : memref<77000x512xf32, #tpu.memory_space<hbm>> -> memref<112x512xf32, #tpu.memory_space<hbm>>
    %dma_wait3A_866 = arith.constant 0 : i32
    %dma_wait3A_867 = arith.constant 0 : i32
    %dma_wait3A_868 = tpu.memref_slice %arg10[%dma_wait3A_866, %dma_wait3A_867] : memref<112x512xf32, #tpu.memory_space<vmem>> -> memref<112x512xf32, #tpu.memory_space<vmem>>
    tpu.wait_dma2 semaphore(%arg15 : memref<!tpu.dma_semaphore, #tpu.memory_space<semaphore_mem>>) src(%dma_wait3A_868 : memref<112x512xf32, #tpu.memory_space<vmem>>) dst(%dma_wait3A_865 : memref<112x512xf32, #tpu.memory_space<hbm>>)
    %add3A_869 = arith.constant 336 : i32
    %add3A_870 = vector.broadcast %add3A_869 : i32 to vector<16xi32>
    %add3A_871 = arith.addi %add3A_870, %iota3A : vector<16xi32>
    %min3A_872 = arith.constant 999 : i32
    %min3A_873 = vector.broadcast %min3A_872 : i32 to vector<16xi32>
    %min3A_874 = arith.minsi %add3A_871, %min3A_873 : vector<16xi32>
    %mul3A_875 = arith.constant 56 : i32
    %mul3A_876 = vector.broadcast %mul3A_875 : i32 to vector<16xi32>
    %mul3A_877 = arith.muli %min3A_874, %mul3A_876 : vector<16xi32>
    %add3A_878 = vector.broadcast %add3A : i32 to vector<16xi32>
    %add3A_879 = arith.addi %mul3A_877, %add3A_878 : vector<16xi32>
    %swap3A_880 = arith.constant 0 : index
    %swap3A_881 = tpu.vector_load %arg7[%swap3A_880] {strides = array<i32>} : memref<112xi32, #tpu.memory_space<vmem>>, vector<16xi32>,
    %swap3A_882 = vector.shape_cast %swap3A_881 : vector<16xi32> to vector<16xi32>
    %swap3A_883 = vector.shape_cast %add3A_879 : vector<16xi32> to vector<16xi32>
    tpu.vector_store %arg7[%swap3A_880], %swap3A_883 {strides = array<i32>} : memref<112xi32, #tpu.memory_space<vmem>>, vector<16xi32>,
    %add3A_884 = arith.constant 352 : i32
    %add3A_885 = vector.broadcast %add3A_884 : i32 to vector<16xi32>
    %add3A_886 = arith.addi %add3A_885, %iota3A : vector<16xi32>
    %min3A_887 = arith.constant 999 : i32
    %min3A_888 = vector.broadcast %min3A_887 : i32 to vector<16xi32>
    %min3A_889 = arith.minsi %add3A_886, %min3A_888 : vector<16xi32>
    %mul3A_890 = arith.constant 56 : i32
    %mul3A_891 = vector.broadcast %mul3A_890 : i32 to vector<16xi32>
    %mul3A_892 = arith.muli %min3A_889, %mul3A_891 : vector<16xi32>
    %add3A_893 = vector.broadcast %add3A : i32 to vector<16xi32>
    %add3A_894 = arith.addi %mul3A_892, %add3A_893 : vector<16xi32>
    %swap3A_895 = arith.constant 16 : index
    %swap3A_896 = tpu.vector_load %arg7[%swap3A_895] {strides = array<i32>} : memref<112xi32, #tpu.memory_space<vmem>>, vector<16xi32>,
    %swap3A_897 = vector.shape_cast %swap3A_896 : vector<16xi32> to vector<16xi32>
    %swap3A_898 = vector.shape_cast %add3A_894 : vector<16xi32> to vector<16xi32>
    tpu.vector_store %arg7[%swap3A_895], %swap3A_898 {strides = array<i32>} : memref<112xi32, #tpu.memory_space<vmem>>, vector<16xi32>,
    %add3A_899 = arith.constant 368 : i32
    %add3A_900 = vector.broadcast %add3A_899 : i32 to vector<16xi32>
    %add3A_901 = arith.addi %add3A_900, %iota3A : vector<16xi32>
    %min3A_902 = arith.constant 999 : i32
    %min3A_903 = vector.broadcast %min3A_902 : i32 to vector<16xi32>
    %min3A_904 = arith.minsi %add3A_901, %min3A_903 : vector<16xi32>
    %mul3A_905 = arith.constant 56 : i32
    %mul3A_906 = vector.broadcast %mul3A_905 : i32 to vector<16xi32>
    %mul3A_907 = arith.muli %min3A_904, %mul3A_906 : vector<16xi32>
    %add3A_908 = vector.broadcast %add3A : i32 to vector<16xi32>
    %add3A_909 = arith.addi %mul3A_907, %add3A_908 : vector<16xi32>
    %swap3A_910 = arith.constant 32 : index
    %swap3A_911 = tpu.vector_load %arg7[%swap3A_910] {strides = array<i32>} : memref<112xi32, #tpu.memory_space<vmem>>, vector<16xi32>,
    %swap3A_912 = vector.shape_cast %swap3A_911 : vector<16xi32> to vector<16xi32>
    %swap3A_913 = vector.shape_cast %add3A_909 : vector<16xi32> to vector<16xi32>
    tpu.vector_store %arg7[%swap3A_910], %swap3A_913 {strides = array<i32>} : memref<112xi32, #tpu.memory_space<vmem>>, vector<16xi32>,
    %add3A_914 = arith.constant 384 : i32
    %add3A_915 = vector.broadcast %add3A_914 : i32 to vector<16xi32>
    %add3A_916 = arith.addi %add3A_915, %iota3A : vector<16xi32>
    %min3A_917 = arith.constant 999 : i32
    %min3A_918 = vector.broadcast %min3A_917 : i32 to vector<16xi32>
    %min3A_919 = arith.minsi %add3A_916, %min3A_918 : vector<16xi32>
    %mul3A_920 = arith.constant 56 : i32
    %mul3A_921 = vector.broadcast %mul3A_920 : i32 to vector<16xi32>
    %mul3A_922 = arith.muli %min3A_919, %mul3A_921 : vector<16xi32>
    %add3A_923 = vector.broadcast %add3A : i32 to vector<16xi32>
    %add3A_924 = arith.addi %mul3A_922, %add3A_923 : vector<16xi32>
    %swap3A_925 = arith.constant 48 : index
    %swap3A_926 = tpu.vector_load %arg7[%swap3A_925] {strides = array<i32>} : memref<112xi32, #tpu.memory_space<vmem>>, vector<16xi32>,
    %swap3A_927 = vector.shape_cast %swap3A_926 : vector<16xi32> to vector<16xi32>
    %swap3A_928 = vector.shape_cast %add3A_924 : vector<16xi32> to vector<16xi32>
    tpu.vector_store %arg7[%swap3A_925], %swap3A_928 {strides = array<i32>} : memref<112xi32, #tpu.memory_space<vmem>>, vector<16xi32>,
    %add3A_929 = arith.constant 400 : i32
    %add3A_930 = vector.broadcast %add3A_929 : i32 to vector<16xi32>
    %add3A_931 = arith.addi %add3A_930, %iota3A : vector<16xi32>
    %min3A_932 = arith.constant 999 : i32
    %min3A_933 = vector.broadcast %min3A_932 : i32 to vector<16xi32>
    %min3A_934 = arith.minsi %add3A_931, %min3A_933 : vector<16xi32>
    %mul3A_935 = arith.constant 56 : i32
    %mul3A_936 = vector.broadcast %mul3A_935 : i32 to vector<16xi32>
    %mul3A_937 = arith.muli %min3A_934, %mul3A_936 : vector<16xi32>
    %add3A_938 = vector.broadcast %add3A : i32 to vector<16xi32>
    %add3A_939 = arith.addi %mul3A_937, %add3A_938 : vector<16xi32>
    %swap3A_940 = arith.constant 64 : index
    %swap3A_941 = tpu.vector_load %arg7[%swap3A_940] {strides = array<i32>} : memref<112xi32, #tpu.memory_space<vmem>>, vector<16xi32>,
    %swap3A_942 = vector.shape_cast %swap3A_941 : vector<16xi32> to vector<16xi32>
    %swap3A_943 = vector.shape_cast %add3A_939 : vector<16xi32> to vector<16xi32>
    tpu.vector_store %arg7[%swap3A_940], %swap3A_943 {strides = array<i32>} : memref<112xi32, #tpu.memory_space<vmem>>, vector<16xi32>,
    %add3A_944 = arith.constant 416 : i32
    %add3A_945 = vector.broadcast %add3A_944 : i32 to vector<16xi32>
    %add3A_946 = arith.addi %add3A_945, %iota3A : vector<16xi32>
    %min3A_947 = arith.constant 999 : i32
    %min3A_948 = vector.broadcast %min3A_947 : i32 to vector<16xi32>
    %min3A_949 = arith.minsi %add3A_946, %min3A_948 : vector<16xi32>
    %mul3A_950 = arith.constant 56 : i32
    %mul3A_951 = vector.broadcast %mul3A_950 : i32 to vector<16xi32>
    %mul3A_952 = arith.muli %min3A_949, %mul3A_951 : vector<16xi32>
    %add3A_953 = vector.broadcast %add3A : i32 to vector<16xi32>
    %add3A_954 = arith.addi %mul3A_952, %add3A_953 : vector<16xi32>
    %swap3A_955 = arith.constant 80 : index
    %swap3A_956 = tpu.vector_load %arg7[%swap3A_955] {strides = array<i32>} : memref<112xi32, #tpu.memory_space<vmem>>, vector<16xi32>,
    %swap3A_957 = vector.shape_cast %swap3A_956 : vector<16xi32> to vector<16xi32>
    %swap3A_958 = vector.shape_cast %add3A_954 : vector<16xi32> to vector<16xi32>
    tpu.vector_store %arg7[%swap3A_955], %swap3A_958 {strides = array<i32>} : memref<112xi32, #tpu.memory_space<vmem>>, vector<16xi32>,
    %add3A_959 = arith.constant 432 : i32
    %add3A_960 = vector.broadcast %add3A_959 : i32 to vector<16xi32>
    %add3A_961 = arith.addi %add3A_960, %iota3A : vector<16xi32>
    %min3A_962 = arith.constant 999 : i32
    %min3A_963 = vector.broadcast %min3A_962 : i32 to vector<16xi32>
    %min3A_964 = arith.minsi %add3A_961, %min3A_963 : vector<16xi32>
    %mul3A_965 = arith.constant 56 : i32
    %mul3A_966 = vector.broadcast %mul3A_965 : i32 to vector<16xi32>
    %mul3A_967 = arith.muli %min3A_964, %mul3A_966 : vector<16xi32>
    %add3A_968 = vector.broadcast %add3A : i32 to vector<16xi32>
    %add3A_969 = arith.addi %mul3A_967, %add3A_968 : vector<16xi32>
    %swap3A_970 = arith.constant 96 : index
    %swap3A_971 = tpu.vector_load %arg7[%swap3A_970] {strides = array<i32>} : memref<112xi32, #tpu.memory_space<vmem>>, vector<16xi32>,
    %swap3A_972 = vector.shape_cast %swap3A_971 : vector<16xi32> to vector<16xi32>
    %swap3A_973 = vector.shape_cast %add3A_969 : vector<16xi32> to vector<16xi32>
    tpu.vector_store %arg7[%swap3A_970], %swap3A_973 {strides = array<i32>} : memref<112xi32, #tpu.memory_space<vmem>>, vector<16xi32>,
    %dma_start3A_974 = arith.constant 0 : i32
    %dma_start3A_975 = arith.constant 0 : i32
    %dma_start3A_976 = tpu.memref_slice %arg4[%dma_start3A_974, %dma_start3A_975] : memref<56000x512xf32, #tpu.memory_space<hbm>> -> memref<56000x512xf32, #tpu.memory_space<hbm>>
    tpu.enqueue_indirect_dma source(%dma_start3A_976 : memref<56000x512xf32, #tpu.memory_space<hbm>>) target(%arg10 : memref<112x512xf32, #tpu.memory_space<vmem>>) offsets(%arg7 : memref<112xi32, #tpu.memory_space<vmem>>) semaphore(%arg13 : memref<!tpu.dma_semaphore, #tpu.memory_space<semaphore_mem>>)
    %dma_wait3A_977 = arith.constant 0 : i32
    %dma_wait3A_978 = arith.constant 0 : i32
    %dma_wait3A_979 = tpu.memref_slice %arg4[%dma_wait3A_977, %dma_wait3A_978] : memref<56000x512xf32, #tpu.memory_space<hbm>> -> memref<56000x512xf32, #tpu.memory_space<hbm>>
    tpu.wait_indirect_dma semaphore(%arg12 : memref<!tpu.dma_semaphore, #tpu.memory_space<semaphore_mem>>) src(%dma_wait3A_979 : memref<56000x512xf32, #tpu.memory_space<hbm>>) dst(%arg9 : memref<112x512xf32, #tpu.memory_space<vmem>>)
    %mul3A_980 = arith.constant 1000 : i32
    %mul3A_981 = arith.muli %add3A, %mul3A_980 : i32
    %add3A_982 = arith.constant 21000 : i32
    %add3A_983 = arith.addi %add3A_982, %mul3A_981 : i32
    %add3A_984 = arith.constant 224 : i32
    %add3A_985 = arith.addi %add3A_983, %add3A_984 : i32
    %dma_start3A_986 = arith.constant 0 : i32
    %dma_start3A_987 = arith.constant 0 : i32
    %dma_start3A_988 = tpu.memref_slice %arg9[%dma_start3A_986, %dma_start3A_987] : memref<112x512xf32, #tpu.memory_space<vmem>> -> memref<112x512xf32, #tpu.memory_space<vmem>>
    %dma_start3A_989 = arith.constant 0 : i32
    %dma_start3A_990 = tpu.memref_slice %arg5[%add3A_985, %dma_start3A_989] : memref<77000x512xf32, #tpu.memory_space<hbm>> -> memref<112x512xf32, #tpu.memory_space<hbm>>
    %dma_start3A_991 = arith.constant 0 : i32
    %dma_start3A_992 = tpu.memref_slice %arg5[%add3A_985, %dma_start3A_991] : memref<77000x512xf32, #tpu.memory_space<hbm>> -> memref<112x512xf32, #tpu.memory_space<hbm>>
    %dma_start3A_993 = arith.constant 0 : i32
    %dma_start3A_994 = arith.constant 0 : i32
    %dma_start3A_995 = tpu.memref_slice %arg9[%dma_start3A_993, %dma_start3A_994] : memref<112x512xf32, #tpu.memory_space<vmem>> -> memref<112x512xf32, #tpu.memory_space<vmem>>
    tpu.enqueue_dma source(%dma_start3A_995 : memref<112x512xf32, #tpu.memory_space<vmem>>) target(%dma_start3A_992 : memref<112x512xf32, #tpu.memory_space<hbm>>) target_semaphore(%arg14 : memref<!tpu.dma_semaphore, #tpu.memory_space<semaphore_mem>>)
    %mul3A_996 = arith.constant 1000 : i32
    %mul3A_997 = arith.muli %add3A, %mul3A_996 : i32
    %add3A_998 = arith.constant 21000 : i32
    %add3A_999 = arith.addi %add3A_998, %mul3A_997 : i32
    %add3A_1000 = arith.constant 224 : i32
    %add3A_1001 = arith.addi %add3A_999, %add3A_1000 : i32
    %dma_wait3A_1002 = arith.constant 0 : i32
    %dma_wait3A_1003 = arith.constant 0 : i32
    %dma_wait3A_1004 = tpu.memref_slice %arg9[%dma_wait3A_1002, %dma_wait3A_1003] : memref<112x512xf32, #tpu.memory_space<vmem>> -> memref<112x512xf32, #tpu.memory_space<vmem>>
    %dma_wait3A_1005 = arith.constant 0 : i32
    %dma_wait3A_1006 = tpu.memref_slice %arg5[%add3A_1001, %dma_wait3A_1005] : memref<77000x512xf32, #tpu.memory_space<hbm>> -> memref<112x512xf32, #tpu.memory_space<hbm>>
    %dma_wait3A_1007 = arith.constant 0 : i32
    %dma_wait3A_1008 = tpu.memref_slice %arg5[%add3A_1001, %dma_wait3A_1007] : memref<77000x512xf32, #tpu.memory_space<hbm>> -> memref<112x512xf32, #tpu.memory_space<hbm>>
    %dma_wait3A_1009 = arith.constant 0 : i32
    %dma_wait3A_1010 = arith.constant 0 : i32
    %dma_wait3A_1011 = tpu.memref_slice %arg9[%dma_wait3A_1009, %dma_wait3A_1010] : memref<112x512xf32, #tpu.memory_space<vmem>> -> memref<112x512xf32, #tpu.memory_space<vmem>>
    tpu.wait_dma2 semaphore(%arg14 : memref<!tpu.dma_semaphore, #tpu.memory_space<semaphore_mem>>) src(%dma_wait3A_1011 : memref<112x512xf32, #tpu.memory_space<vmem>>) dst(%dma_wait3A_1008 : memref<112x512xf32, #tpu.memory_space<hbm>>)
    %add3A_1012 = arith.constant 448 : i32
    %add3A_1013 = vector.broadcast %add3A_1012 : i32 to vector<16xi32>
    %add3A_1014 = arith.addi %add3A_1013, %iota3A : vector<16xi32>
    %min3A_1015 = arith.constant 999 : i32
    %min3A_1016 = vector.broadcast %min3A_1015 : i32 to vector<16xi32>
    %min3A_1017 = arith.minsi %add3A_1014, %min3A_1016 : vector<16xi32>
    %mul3A_1018 = arith.constant 56 : i32
    %mul3A_1019 = vector.broadcast %mul3A_1018 : i32 to vector<16xi32>
    %mul3A_1020 = arith.muli %min3A_1017, %mul3A_1019 : vector<16xi32>
    %add3A_1021 = vector.broadcast %add3A : i32 to vector<16xi32>
    %add3A_1022 = arith.addi %mul3A_1020, %add3A_1021 : vector<16xi32>
    %swap3A_1023 = arith.constant 0 : index
    %swap3A_1024 = tpu.vector_load %arg6[%swap3A_1023] {strides = array<i32>} : memref<112xi32, #tpu.memory_space<vmem>>, vector<16xi32>,
    %swap3A_1025 = vector.shape_cast %swap3A_1024 : vector<16xi32> to vector<16xi32>
    %swap3A_1026 = vector.shape_cast %add3A_1022 : vector<16xi32> to vector<16xi32>
    tpu.vector_store %arg6[%swap3A_1023], %swap3A_1026 {strides = array<i32>} : memref<112xi32, #tpu.memory_space<vmem>>, vector<16xi32>,
    %add3A_1027 = arith.constant 464 : i32
    %add3A_1028 = vector.broadcast %add3A_1027 : i32 to vector<16xi32>
    %add3A_1029 = arith.addi %add3A_1028, %iota3A : vector<16xi32>
    %min3A_1030 = arith.constant 999 : i32
    %min3A_1031 = vector.broadcast %min3A_1030 : i32 to vector<16xi32>
    %min3A_1032 = arith.minsi %add3A_1029, %min3A_1031 : vector<16xi32>
    %mul3A_1033 = arith.constant 56 : i32
    %mul3A_1034 = vector.broadcast %mul3A_1033 : i32 to vector<16xi32>
    %mul3A_1035 = arith.muli %min3A_1032, %mul3A_1034 : vector<16xi32>
    %add3A_1036 = vector.broadcast %add3A : i32 to vector<16xi32>
    %add3A_1037 = arith.addi %mul3A_1035, %add3A_1036 : vector<16xi32>
    %swap3A_1038 = arith.constant 16 : index
    %swap3A_1039 = tpu.vector_load %arg6[%swap3A_1038] {strides = array<i32>} : memref<112xi32, #tpu.memory_space<vmem>>, vector<16xi32>,
    %swap3A_1040 = vector.shape_cast %swap3A_1039 : vector<16xi32> to vector<16xi32>
    %swap3A_1041 = vector.shape_cast %add3A_1037 : vector<16xi32> to vector<16xi32>
    tpu.vector_store %arg6[%swap3A_1038], %swap3A_1041 {strides = array<i32>} : memref<112xi32, #tpu.memory_space<vmem>>, vector<16xi32>,
    %add3A_1042 = arith.constant 480 : i32
    %add3A_1043 = vector.broadcast %add3A_1042 : i32 to vector<16xi32>
    %add3A_1044 = arith.addi %add3A_1043, %iota3A : vector<16xi32>
    %min3A_1045 = arith.constant 999 : i32
    %min3A_1046 = vector.broadcast %min3A_1045 : i32 to vector<16xi32>
    %min3A_1047 = arith.minsi %add3A_1044, %min3A_1046 : vector<16xi32>
    %mul3A_1048 = arith.constant 56 : i32
    %mul3A_1049 = vector.broadcast %mul3A_1048 : i32 to vector<16xi32>
    %mul3A_1050 = arith.muli %min3A_1047, %mul3A_1049 : vector<16xi32>
    %add3A_1051 = vector.broadcast %add3A : i32 to vector<16xi32>
    %add3A_1052 = arith.addi %mul3A_1050, %add3A_1051 : vector<16xi32>
    %swap3A_1053 = arith.constant 32 : index
    %swap3A_1054 = tpu.vector_load %arg6[%swap3A_1053] {strides = array<i32>} : memref<112xi32, #tpu.memory_space<vmem>>, vector<16xi32>,
    %swap3A_1055 = vector.shape_cast %swap3A_1054 : vector<16xi32> to vector<16xi32>
    %swap3A_1056 = vector.shape_cast %add3A_1052 : vector<16xi32> to vector<16xi32>
    tpu.vector_store %arg6[%swap3A_1053], %swap3A_1056 {strides = array<i32>} : memref<112xi32, #tpu.memory_space<vmem>>, vector<16xi32>,
    %add3A_1057 = arith.constant 496 : i32
    %add3A_1058 = vector.broadcast %add3A_1057 : i32 to vector<16xi32>
    %add3A_1059 = arith.addi %add3A_1058, %iota3A : vector<16xi32>
    %min3A_1060 = arith.constant 999 : i32
    %min3A_1061 = vector.broadcast %min3A_1060 : i32 to vector<16xi32>
    %min3A_1062 = arith.minsi %add3A_1059, %min3A_1061 : vector<16xi32>
    %mul3A_1063 = arith.constant 56 : i32
    %mul3A_1064 = vector.broadcast %mul3A_1063 : i32 to vector<16xi32>
    %mul3A_1065 = arith.muli %min3A_1062, %mul3A_1064 : vector<16xi32>
    %add3A_1066 = vector.broadcast %add3A : i32 to vector<16xi32>
    %add3A_1067 = arith.addi %mul3A_1065, %add3A_1066 : vector<16xi32>
    %swap3A_1068 = arith.constant 48 : index
    %swap3A_1069 = tpu.vector_load %arg6[%swap3A_1068] {strides = array<i32>} : memref<112xi32, #tpu.memory_space<vmem>>, vector<16xi32>,
    %swap3A_1070 = vector.shape_cast %swap3A_1069 : vector<16xi32> to vector<16xi32>
    %swap3A_1071 = vector.shape_cast %add3A_1067 : vector<16xi32> to vector<16xi32>
    tpu.vector_store %arg6[%swap3A_1068], %swap3A_1071 {strides = array<i32>} : memref<112xi32, #tpu.memory_space<vmem>>, vector<16xi32>,
    %add3A_1072 = arith.constant 512 : i32
    %add3A_1073 = vector.broadcast %add3A_1072 : i32 to vector<16xi32>
    %add3A_1074 = arith.addi %add3A_1073, %iota3A : vector<16xi32>
    %min3A_1075 = arith.constant 999 : i32
    %min3A_1076 = vector.broadcast %min3A_1075 : i32 to vector<16xi32>
    %min3A_1077 = arith.minsi %add3A_1074, %min3A_1076 : vector<16xi32>
    %mul3A_1078 = arith.constant 56 : i32
    %mul3A_1079 = vector.broadcast %mul3A_1078 : i32 to vector<16xi32>
    %mul3A_1080 = arith.muli %min3A_1077, %mul3A_1079 : vector<16xi32>
    %add3A_1081 = vector.broadcast %add3A : i32 to vector<16xi32>
    %add3A_1082 = arith.addi %mul3A_1080, %add3A_1081 : vector<16xi32>
    %swap3A_1083 = arith.constant 64 : index
    %swap3A_1084 = tpu.vector_load %arg6[%swap3A_1083] {strides = array<i32>} : memref<112xi32, #tpu.memory_space<vmem>>, vector<16xi32>,
    %swap3A_1085 = vector.shape_cast %swap3A_1084 : vector<16xi32> to vector<16xi32>
    %swap3A_1086 = vector.shape_cast %add3A_1082 : vector<16xi32> to vector<16xi32>
    tpu.vector_store %arg6[%swap3A_1083], %swap3A_1086 {strides = array<i32>} : memref<112xi32, #tpu.memory_space<vmem>>, vector<16xi32>,
    %add3A_1087 = arith.constant 528 : i32
    %add3A_1088 = vector.broadcast %add3A_1087 : i32 to vector<16xi32>
    %add3A_1089 = arith.addi %add3A_1088, %iota3A : vector<16xi32>
    %min3A_1090 = arith.constant 999 : i32
    %min3A_1091 = vector.broadcast %min3A_1090 : i32 to vector<16xi32>
    %min3A_1092 = arith.minsi %add3A_1089, %min3A_1091 : vector<16xi32>
    %mul3A_1093 = arith.constant 56 : i32
    %mul3A_1094 = vector.broadcast %mul3A_1093 : i32 to vector<16xi32>
    %mul3A_1095 = arith.muli %min3A_1092, %mul3A_1094 : vector<16xi32>
    %add3A_1096 = vector.broadcast %add3A : i32 to vector<16xi32>
    %add3A_1097 = arith.addi %mul3A_1095, %add3A_1096 : vector<16xi32>
    %swap3A_1098 = arith.constant 80 : index
    %swap3A_1099 = tpu.vector_load %arg6[%swap3A_1098] {strides = array<i32>} : memref<112xi32, #tpu.memory_space<vmem>>, vector<16xi32>,
    %swap3A_1100 = vector.shape_cast %swap3A_1099 : vector<16xi32> to vector<16xi32>
    %swap3A_1101 = vector.shape_cast %add3A_1097 : vector<16xi32> to vector<16xi32>
    tpu.vector_store %arg6[%swap3A_1098], %swap3A_1101 {strides = array<i32>} : memref<112xi32, #tpu.memory_space<vmem>>, vector<16xi32>,
    %add3A_1102 = arith.constant 544 : i32
    %add3A_1103 = vector.broadcast %add3A_1102 : i32 to vector<16xi32>
    %add3A_1104 = arith.addi %add3A_1103, %iota3A : vector<16xi32>
    %min3A_1105 = arith.constant 999 : i32
    %min3A_1106 = vector.broadcast %min3A_1105 : i32 to vector<16xi32>
    %min3A_1107 = arith.minsi %add3A_1104, %min3A_1106 : vector<16xi32>
    %mul3A_1108 = arith.constant 56 : i32
    %mul3A_1109 = vector.broadcast %mul3A_1108 : i32 to vector<16xi32>
    %mul3A_1110 = arith.muli %min3A_1107, %mul3A_1109 : vector<16xi32>
    %add3A_1111 = vector.broadcast %add3A : i32 to vector<16xi32>
    %add3A_1112 = arith.addi %mul3A_1110, %add3A_1111 : vector<16xi32>
    %swap3A_1113 = arith.constant 96 : index
    %swap3A_1114 = tpu.vector_load %arg6[%swap3A_1113] {strides = array<i32>} : memref<112xi32, #tpu.memory_space<vmem>>, vector<16xi32>,
    %swap3A_1115 = vector.shape_cast %swap3A_1114 : vector<16xi32> to vector<16xi32>
    %swap3A_1116 = vector.shape_cast %add3A_1112 : vector<16xi32> to vector<16xi32>
    tpu.vector_store %arg6[%swap3A_1113], %swap3A_1116 {strides = array<i32>} : memref<112xi32, #tpu.memory_space<vmem>>, vector<16xi32>,
    %dma_start3A_1117 = arith.constant 0 : i32
    %dma_start3A_1118 = arith.constant 0 : i32
    %dma_start3A_1119 = tpu.memref_slice %arg4[%dma_start3A_1117, %dma_start3A_1118] : memref<56000x512xf32, #tpu.memory_space<hbm>> -> memref<56000x512xf32, #tpu.memory_space<hbm>>
    tpu.enqueue_indirect_dma source(%dma_start3A_1119 : memref<56000x512xf32, #tpu.memory_space<hbm>>) target(%arg9 : memref<112x512xf32, #tpu.memory_space<vmem>>) offsets(%arg6 : memref<112xi32, #tpu.memory_space<vmem>>) semaphore(%arg12 : memref<!tpu.dma_semaphore, #tpu.memory_space<semaphore_mem>>)
    %dma_wait3A_1120 = arith.constant 0 : i32
    %dma_wait3A_1121 = arith.constant 0 : i32
    %dma_wait3A_1122 = tpu.memref_slice %arg4[%dma_wait3A_1120, %dma_wait3A_1121] : memref<56000x512xf32, #tpu.memory_space<hbm>> -> memref<56000x512xf32, #tpu.memory_space<hbm>>
    tpu.wait_indirect_dma semaphore(%arg13 : memref<!tpu.dma_semaphore, #tpu.memory_space<semaphore_mem>>) src(%dma_wait3A_1122 : memref<56000x512xf32, #tpu.memory_space<hbm>>) dst(%arg10 : memref<112x512xf32, #tpu.memory_space<vmem>>)
    %mul3A_1123 = arith.constant 1000 : i32
    %mul3A_1124 = arith.muli %add3A, %mul3A_1123 : i32
    %add3A_1125 = arith.constant 21000 : i32
    %add3A_1126 = arith.addi %add3A_1125, %mul3A_1124 : i32
    %add3A_1127 = arith.constant 336 : i32
    %add3A_1128 = arith.addi %add3A_1126, %add3A_1127 : i32
    %dma_start3A_1129 = arith.constant 0 : i32
    %dma_start3A_1130 = arith.constant 0 : i32
    %dma_start3A_1131 = tpu.memref_slice %arg10[%dma_start3A_1129, %dma_start3A_1130] : memref<112x512xf32, #tpu.memory_space<vmem>> -> memref<112x512xf32, #tpu.memory_space<vmem>>
    %dma_start3A_1132 = arith.constant 0 : i32
    %dma_start3A_1133 = tpu.memref_slice %arg5[%add3A_1128, %dma_start3A_1132] : memref<77000x512xf32, #tpu.memory_space<hbm>> -> memref<112x512xf32, #tpu.memory_space<hbm>>
    %dma_start3A_1134 = arith.constant 0 : i32
    %dma_start3A_1135 = tpu.memref_slice %arg5[%add3A_1128, %dma_start3A_1134] : memref<77000x512xf32, #tpu.memory_space<hbm>> -> memref<112x512xf32, #tpu.memory_space<hbm>>
    %dma_start3A_1136 = arith.constant 0 : i32
    %dma_start3A_1137 = arith.constant 0 : i32
    %dma_start3A_1138 = tpu.memref_slice %arg10[%dma_start3A_1136, %dma_start3A_1137] : memref<112x512xf32, #tpu.memory_space<vmem>> -> memref<112x512xf32, #tpu.memory_space<vmem>>
    tpu.enqueue_dma source(%dma_start3A_1138 : memref<112x512xf32, #tpu.memory_space<vmem>>) target(%dma_start3A_1135 : memref<112x512xf32, #tpu.memory_space<hbm>>) target_semaphore(%arg15 : memref<!tpu.dma_semaphore, #tpu.memory_space<semaphore_mem>>)
    %mul3A_1139 = arith.constant 1000 : i32
    %mul3A_1140 = arith.muli %add3A, %mul3A_1139 : i32
    %add3A_1141 = arith.constant 21000 : i32
    %add3A_1142 = arith.addi %add3A_1141, %mul3A_1140 : i32
    %add3A_1143 = arith.constant 336 : i32
    %add3A_1144 = arith.addi %add3A_1142, %add3A_1143 : i32
    %dma_wait3A_1145 = arith.constant 0 : i32
    %dma_wait3A_1146 = arith.constant 0 : i32
    %dma_wait3A_1147 = tpu.memref_slice %arg10[%dma_wait3A_1145, %dma_wait3A_1146] : memref<112x512xf32, #tpu.memory_space<vmem>> -> memref<112x512xf32, #tpu.memory_space<vmem>>
    %dma_wait3A_1148 = arith.constant 0 : i32
    %dma_wait3A_1149 = tpu.memref_slice %arg5[%add3A_1144, %dma_wait3A_1148] : memref<77000x512xf32, #tpu.memory_space<hbm>> -> memref<112x512xf32, #tpu.memory_space<hbm>>
    %dma_wait3A_1150 = arith.constant 0 : i32
    %dma_wait3A_1151 = tpu.memref_slice %arg5[%add3A_1144, %dma_wait3A_1150] : memref<77000x512xf32, #tpu.memory_space<hbm>> -> memref<112x512xf32, #tpu.memory_space<hbm>>
    %dma_wait3A_1152 = arith.constant 0 : i32
    %dma_wait3A_1153 = arith.constant 0 : i32
    %dma_wait3A_1154 = tpu.memref_slice %arg10[%dma_wait3A_1152, %dma_wait3A_1153] : memref<112x512xf32, #tpu.memory_space<vmem>> -> memref<112x512xf32, #tpu.memory_space<vmem>>
    tpu.wait_dma2 semaphore(%arg15 : memref<!tpu.dma_semaphore, #tpu.memory_space<semaphore_mem>>) src(%dma_wait3A_1154 : memref<112x512xf32, #tpu.memory_space<vmem>>) dst(%dma_wait3A_1151 : memref<112x512xf32, #tpu.memory_space<hbm>>)
    %add3A_1155 = arith.constant 560 : i32
    %add3A_1156 = vector.broadcast %add3A_1155 : i32 to vector<16xi32>
    %add3A_1157 = arith.addi %add3A_1156, %iota3A : vector<16xi32>
    %min3A_1158 = arith.constant 999 : i32
    %min3A_1159 = vector.broadcast %min3A_1158 : i32 to vector<16xi32>
    %min3A_1160 = arith.minsi %add3A_1157, %min3A_1159 : vector<16xi32>
    %mul3A_1161 = arith.constant 56 : i32
    %mul3A_1162 = vector.broadcast %mul3A_1161 : i32 to vector<16xi32>
    %mul3A_1163 = arith.muli %min3A_1160, %mul3A_1162 : vector<16xi32>
    %add3A_1164 = vector.broadcast %add3A : i32 to vector<16xi32>
    %add3A_1165 = arith.addi %mul3A_1163, %add3A_1164 : vector<16xi32>
    %swap3A_1166 = arith.constant 0 : index
    %swap3A_1167 = tpu.vector_load %arg7[%swap3A_1166] {strides = array<i32>} : memref<112xi32, #tpu.memory_space<vmem>>, vector<16xi32>,
    %swap3A_1168 = vector.shape_cast %swap3A_1167 : vector<16xi32> to vector<16xi32>
    %swap3A_1169 = vector.shape_cast %add3A_1165 : vector<16xi32> to vector<16xi32>
    tpu.vector_store %arg7[%swap3A_1166], %swap3A_1169 {strides = array<i32>} : memref<112xi32, #tpu.memory_space<vmem>>, vector<16xi32>,
    %add3A_1170 = arith.constant 576 : i32
    %add3A_1171 = vector.broadcast %add3A_1170 : i32 to vector<16xi32>
    %add3A_1172 = arith.addi %add3A_1171, %iota3A : vector<16xi32>
    %min3A_1173 = arith.constant 999 : i32
    %min3A_1174 = vector.broadcast %min3A_1173 : i32 to vector<16xi32>
    %min3A_1175 = arith.minsi %add3A_1172, %min3A_1174 : vector<16xi32>
    %mul3A_1176 = arith.constant 56 : i32
    %mul3A_1177 = vector.broadcast %mul3A_1176 : i32 to vector<16xi32>
    %mul3A_1178 = arith.muli %min3A_1175, %mul3A_1177 : vector<16xi32>
    %add3A_1179 = vector.broadcast %add3A : i32 to vector<16xi32>
    %add3A_1180 = arith.addi %mul3A_1178, %add3A_1179 : vector<16xi32>
    %swap3A_1181 = arith.constant 16 : index
    %swap3A_1182 = tpu.vector_load %arg7[%swap3A_1181] {strides = array<i32>} : memref<112xi32, #tpu.memory_space<vmem>>, vector<16xi32>,
    %swap3A_1183 = vector.shape_cast %swap3A_1182 : vector<16xi32> to vector<16xi32>
    %swap3A_1184 = vector.shape_cast %add3A_1180 : vector<16xi32> to vector<16xi32>
    tpu.vector_store %arg7[%swap3A_1181], %swap3A_1184 {strides = array<i32>} : memref<112xi32, #tpu.memory_space<vmem>>, vector<16xi32>,
    %add3A_1185 = arith.constant 592 : i32
    %add3A_1186 = vector.broadcast %add3A_1185 : i32 to vector<16xi32>
    %add3A_1187 = arith.addi %add3A_1186, %iota3A : vector<16xi32>
    %min3A_1188 = arith.constant 999 : i32
    %min3A_1189 = vector.broadcast %min3A_1188 : i32 to vector<16xi32>
    %min3A_1190 = arith.minsi %add3A_1187, %min3A_1189 : vector<16xi32>
    %mul3A_1191 = arith.constant 56 : i32
    %mul3A_1192 = vector.broadcast %mul3A_1191 : i32 to vector<16xi32>
    %mul3A_1193 = arith.muli %min3A_1190, %mul3A_1192 : vector<16xi32>
    %add3A_1194 = vector.broadcast %add3A : i32 to vector<16xi32>
    %add3A_1195 = arith.addi %mul3A_1193, %add3A_1194 : vector<16xi32>
    %swap3A_1196 = arith.constant 32 : index
    %swap3A_1197 = tpu.vector_load %arg7[%swap3A_1196] {strides = array<i32>} : memref<112xi32, #tpu.memory_space<vmem>>, vector<16xi32>,
    %swap3A_1198 = vector.shape_cast %swap3A_1197 : vector<16xi32> to vector<16xi32>
    %swap3A_1199 = vector.shape_cast %add3A_1195 : vector<16xi32> to vector<16xi32>
    tpu.vector_store %arg7[%swap3A_1196], %swap3A_1199 {strides = array<i32>} : memref<112xi32, #tpu.memory_space<vmem>>, vector<16xi32>,
    %add3A_1200 = arith.constant 608 : i32
    %add3A_1201 = vector.broadcast %add3A_1200 : i32 to vector<16xi32>
    %add3A_1202 = arith.addi %add3A_1201, %iota3A : vector<16xi32>
    %min3A_1203 = arith.constant 999 : i32
    %min3A_1204 = vector.broadcast %min3A_1203 : i32 to vector<16xi32>
    %min3A_1205 = arith.minsi %add3A_1202, %min3A_1204 : vector<16xi32>
    %mul3A_1206 = arith.constant 56 : i32
    %mul3A_1207 = vector.broadcast %mul3A_1206 : i32 to vector<16xi32>
    %mul3A_1208 = arith.muli %min3A_1205, %mul3A_1207 : vector<16xi32>
    %add3A_1209 = vector.broadcast %add3A : i32 to vector<16xi32>
    %add3A_1210 = arith.addi %mul3A_1208, %add3A_1209 : vector<16xi32>
    %swap3A_1211 = arith.constant 48 : index
    %swap3A_1212 = tpu.vector_load %arg7[%swap3A_1211] {strides = array<i32>} : memref<112xi32, #tpu.memory_space<vmem>>, vector<16xi32>,
    %swap3A_1213 = vector.shape_cast %swap3A_1212 : vector<16xi32> to vector<16xi32>
    %swap3A_1214 = vector.shape_cast %add3A_1210 : vector<16xi32> to vector<16xi32>
    tpu.vector_store %arg7[%swap3A_1211], %swap3A_1214 {strides = array<i32>} : memref<112xi32, #tpu.memory_space<vmem>>, vector<16xi32>,
    %add3A_1215 = arith.constant 624 : i32
    %add3A_1216 = vector.broadcast %add3A_1215 : i32 to vector<16xi32>
    %add3A_1217 = arith.addi %add3A_1216, %iota3A : vector<16xi32>
    %min3A_1218 = arith.constant 999 : i32
    %min3A_1219 = vector.broadcast %min3A_1218 : i32 to vector<16xi32>
    %min3A_1220 = arith.minsi %add3A_1217, %min3A_1219 : vector<16xi32>
    %mul3A_1221 = arith.constant 56 : i32
    %mul3A_1222 = vector.broadcast %mul3A_1221 : i32 to vector<16xi32>
    %mul3A_1223 = arith.muli %min3A_1220, %mul3A_1222 : vector<16xi32>
    %add3A_1224 = vector.broadcast %add3A : i32 to vector<16xi32>
    %add3A_1225 = arith.addi %mul3A_1223, %add3A_1224 : vector<16xi32>
    %swap3A_1226 = arith.constant 64 : index
    %swap3A_1227 = tpu.vector_load %arg7[%swap3A_1226] {strides = array<i32>} : memref<112xi32, #tpu.memory_space<vmem>>, vector<16xi32>,
    %swap3A_1228 = vector.shape_cast %swap3A_1227 : vector<16xi32> to vector<16xi32>
    %swap3A_1229 = vector.shape_cast %add3A_1225 : vector<16xi32> to vector<16xi32>
    tpu.vector_store %arg7[%swap3A_1226], %swap3A_1229 {strides = array<i32>} : memref<112xi32, #tpu.memory_space<vmem>>, vector<16xi32>,
    %add3A_1230 = arith.constant 640 : i32
    %add3A_1231 = vector.broadcast %add3A_1230 : i32 to vector<16xi32>
    %add3A_1232 = arith.addi %add3A_1231, %iota3A : vector<16xi32>
    %min3A_1233 = arith.constant 999 : i32
    %min3A_1234 = vector.broadcast %min3A_1233 : i32 to vector<16xi32>
    %min3A_1235 = arith.minsi %add3A_1232, %min3A_1234 : vector<16xi32>
    %mul3A_1236 = arith.constant 56 : i32
    %mul3A_1237 = vector.broadcast %mul3A_1236 : i32 to vector<16xi32>
    %mul3A_1238 = arith.muli %min3A_1235, %mul3A_1237 : vector<16xi32>
    %add3A_1239 = vector.broadcast %add3A : i32 to vector<16xi32>
    %add3A_1240 = arith.addi %mul3A_1238, %add3A_1239 : vector<16xi32>
    %swap3A_1241 = arith.constant 80 : index
    %swap3A_1242 = tpu.vector_load %arg7[%swap3A_1241] {strides = array<i32>} : memref<112xi32, #tpu.memory_space<vmem>>, vector<16xi32>,
    %swap3A_1243 = vector.shape_cast %swap3A_1242 : vector<16xi32> to vector<16xi32>
    %swap3A_1244 = vector.shape_cast %add3A_1240 : vector<16xi32> to vector<16xi32>
    tpu.vector_store %arg7[%swap3A_1241], %swap3A_1244 {strides = array<i32>} : memref<112xi32, #tpu.memory_space<vmem>>, vector<16xi32>,
    %add3A_1245 = arith.constant 656 : i32
    %add3A_1246 = vector.broadcast %add3A_1245 : i32 to vector<16xi32>
    %add3A_1247 = arith.addi %add3A_1246, %iota3A : vector<16xi32>
    %min3A_1248 = arith.constant 999 : i32
    %min3A_1249 = vector.broadcast %min3A_1248 : i32 to vector<16xi32>
    %min3A_1250 = arith.minsi %add3A_1247, %min3A_1249 : vector<16xi32>
    %mul3A_1251 = arith.constant 56 : i32
    %mul3A_1252 = vector.broadcast %mul3A_1251 : i32 to vector<16xi32>
    %mul3A_1253 = arith.muli %min3A_1250, %mul3A_1252 : vector<16xi32>
    %add3A_1254 = vector.broadcast %add3A : i32 to vector<16xi32>
    %add3A_1255 = arith.addi %mul3A_1253, %add3A_1254 : vector<16xi32>
    %swap3A_1256 = arith.constant 96 : index
    %swap3A_1257 = tpu.vector_load %arg7[%swap3A_1256] {strides = array<i32>} : memref<112xi32, #tpu.memory_space<vmem>>, vector<16xi32>,
    %swap3A_1258 = vector.shape_cast %swap3A_1257 : vector<16xi32> to vector<16xi32>
    %swap3A_1259 = vector.shape_cast %add3A_1255 : vector<16xi32> to vector<16xi32>
    tpu.vector_store %arg7[%swap3A_1256], %swap3A_1259 {strides = array<i32>} : memref<112xi32, #tpu.memory_space<vmem>>, vector<16xi32>,
    %dma_start3A_1260 = arith.constant 0 : i32
    %dma_start3A_1261 = arith.constant 0 : i32
    %dma_start3A_1262 = tpu.memref_slice %arg4[%dma_start3A_1260, %dma_start3A_1261] : memref<56000x512xf32, #tpu.memory_space<hbm>> -> memref<56000x512xf32, #tpu.memory_space<hbm>>
    tpu.enqueue_indirect_dma source(%dma_start3A_1262 : memref<56000x512xf32, #tpu.memory_space<hbm>>) target(%arg10 : memref<112x512xf32, #tpu.memory_space<vmem>>) offsets(%arg7 : memref<112xi32, #tpu.memory_space<vmem>>) semaphore(%arg13 : memref<!tpu.dma_semaphore, #tpu.memory_space<semaphore_mem>>)
    %dma_wait3A_1263 = arith.constant 0 : i32
    %dma_wait3A_1264 = arith.constant 0 : i32
    %dma_wait3A_1265 = tpu.memref_slice %arg4[%dma_wait3A_1263, %dma_wait3A_1264] : memref<56000x512xf32, #tpu.memory_space<hbm>> -> memref<56000x512xf32, #tpu.memory_space<hbm>>
    tpu.wait_indirect_dma semaphore(%arg12 : memref<!tpu.dma_semaphore, #tpu.memory_space<semaphore_mem>>) src(%dma_wait3A_1265 : memref<56000x512xf32, #tpu.memory_space<hbm>>) dst(%arg9 : memref<112x512xf32, #tpu.memory_space<vmem>>)
    %mul3A_1266 = arith.constant 1000 : i32
    %mul3A_1267 = arith.muli %add3A, %mul3A_1266 : i32
    %add3A_1268 = arith.constant 21000 : i32
    %add3A_1269 = arith.addi %add3A_1268, %mul3A_1267 : i32
    %add3A_1270 = arith.constant 448 : i32
    %add3A_1271 = arith.addi %add3A_1269, %add3A_1270 : i32
    %dma_start3A_1272 = arith.constant 0 : i32
    %dma_start3A_1273 = arith.constant 0 : i32
    %dma_start3A_1274 = tpu.memref_slice %arg9[%dma_start3A_1272, %dma_start3A_1273] : memref<112x512xf32, #tpu.memory_space<vmem>> -> memref<112x512xf32, #tpu.memory_space<vmem>>
    %dma_start3A_1275 = arith.constant 0 : i32
    %dma_start3A_1276 = tpu.memref_slice %arg5[%add3A_1271, %dma_start3A_1275] : memref<77000x512xf32, #tpu.memory_space<hbm>> -> memref<112x512xf32, #tpu.memory_space<hbm>>
    %dma_start3A_1277 = arith.constant 0 : i32
    %dma_start3A_1278 = tpu.memref_slice %arg5[%add3A_1271, %dma_start3A_1277] : memref<77000x512xf32, #tpu.memory_space<hbm>> -> memref<112x512xf32, #tpu.memory_space<hbm>>
    %dma_start3A_1279 = arith.constant 0 : i32
    %dma_start3A_1280 = arith.constant 0 : i32
    %dma_start3A_1281 = tpu.memref_slice %arg9[%dma_start3A_1279, %dma_start3A_1280] : memref<112x512xf32, #tpu.memory_space<vmem>> -> memref<112x512xf32, #tpu.memory_space<vmem>>
    tpu.enqueue_dma source(%dma_start3A_1281 : memref<112x512xf32, #tpu.memory_space<vmem>>) target(%dma_start3A_1278 : memref<112x512xf32, #tpu.memory_space<hbm>>) target_semaphore(%arg14 : memref<!tpu.dma_semaphore, #tpu.memory_space<semaphore_mem>>)
    %mul3A_1282 = arith.constant 1000 : i32
    %mul3A_1283 = arith.muli %add3A, %mul3A_1282 : i32
    %add3A_1284 = arith.constant 21000 : i32
    %add3A_1285 = arith.addi %add3A_1284, %mul3A_1283 : i32
    %add3A_1286 = arith.constant 448 : i32
    %add3A_1287 = arith.addi %add3A_1285, %add3A_1286 : i32
    %dma_wait3A_1288 = arith.constant 0 : i32
    %dma_wait3A_1289 = arith.constant 0 : i32
    %dma_wait3A_1290 = tpu.memref_slice %arg9[%dma_wait3A_1288, %dma_wait3A_1289] : memref<112x512xf32, #tpu.memory_space<vmem>> -> memref<112x512xf32, #tpu.memory_space<vmem>>
    %dma_wait3A_1291 = arith.constant 0 : i32
    %dma_wait3A_1292 = tpu.memref_slice %arg5[%add3A_1287, %dma_wait3A_1291] : memref<77000x512xf32, #tpu.memory_space<hbm>> -> memref<112x512xf32, #tpu.memory_space<hbm>>
    %dma_wait3A_1293 = arith.constant 0 : i32
    %dma_wait3A_1294 = tpu.memref_slice %arg5[%add3A_1287, %dma_wait3A_1293] : memref<77000x512xf32, #tpu.memory_space<hbm>> -> memref<112x512xf32, #tpu.memory_space<hbm>>
    %dma_wait3A_1295 = arith.constant 0 : i32
    %dma_wait3A_1296 = arith.constant 0 : i32
    %dma_wait3A_1297 = tpu.memref_slice %arg9[%dma_wait3A_1295, %dma_wait3A_1296] : memref<112x512xf32, #tpu.memory_space<vmem>> -> memref<112x512xf32, #tpu.memory_space<vmem>>
    tpu.wait_dma2 semaphore(%arg14 : memref<!tpu.dma_semaphore, #tpu.memory_space<semaphore_mem>>) src(%dma_wait3A_1297 : memref<112x512xf32, #tpu.memory_space<vmem>>) dst(%dma_wait3A_1294 : memref<112x512xf32, #tpu.memory_space<hbm>>)
    %add3A_1298 = arith.constant 672 : i32
    %add3A_1299 = vector.broadcast %add3A_1298 : i32 to vector<16xi32>
    %add3A_1300 = arith.addi %add3A_1299, %iota3A : vector<16xi32>
    %min3A_1301 = arith.constant 999 : i32
    %min3A_1302 = vector.broadcast %min3A_1301 : i32 to vector<16xi32>
    %min3A_1303 = arith.minsi %add3A_1300, %min3A_1302 : vector<16xi32>
    %mul3A_1304 = arith.constant 56 : i32
    %mul3A_1305 = vector.broadcast %mul3A_1304 : i32 to vector<16xi32>
    %mul3A_1306 = arith.muli %min3A_1303, %mul3A_1305 : vector<16xi32>
    %add3A_1307 = vector.broadcast %add3A : i32 to vector<16xi32>
    %add3A_1308 = arith.addi %mul3A_1306, %add3A_1307 : vector<16xi32>
    %swap3A_1309 = arith.constant 0 : index
    %swap3A_1310 = tpu.vector_load %arg6[%swap3A_1309] {strides = array<i32>} : memref<112xi32, #tpu.memory_space<vmem>>, vector<16xi32>,
    %swap3A_1311 = vector.shape_cast %swap3A_1310 : vector<16xi32> to vector<16xi32>
    %swap3A_1312 = vector.shape_cast %add3A_1308 : vector<16xi32> to vector<16xi32>
    tpu.vector_store %arg6[%swap3A_1309], %swap3A_1312 {strides = array<i32>} : memref<112xi32, #tpu.memory_space<vmem>>, vector<16xi32>,
    %add3A_1313 = arith.constant 688 : i32
    %add3A_1314 = vector.broadcast %add3A_1313 : i32 to vector<16xi32>
    %add3A_1315 = arith.addi %add3A_1314, %iota3A : vector<16xi32>
    %min3A_1316 = arith.constant 999 : i32
    %min3A_1317 = vector.broadcast %min3A_1316 : i32 to vector<16xi32>
    %min3A_1318 = arith.minsi %add3A_1315, %min3A_1317 : vector<16xi32>
    %mul3A_1319 = arith.constant 56 : i32
    %mul3A_1320 = vector.broadcast %mul3A_1319 : i32 to vector<16xi32>
    %mul3A_1321 = arith.muli %min3A_1318, %mul3A_1320 : vector<16xi32>
    %add3A_1322 = vector.broadcast %add3A : i32 to vector<16xi32>
    %add3A_1323 = arith.addi %mul3A_1321, %add3A_1322 : vector<16xi32>
    %swap3A_1324 = arith.constant 16 : index
    %swap3A_1325 = tpu.vector_load %arg6[%swap3A_1324] {strides = array<i32>} : memref<112xi32, #tpu.memory_space<vmem>>, vector<16xi32>,
    %swap3A_1326 = vector.shape_cast %swap3A_1325 : vector<16xi32> to vector<16xi32>
    %swap3A_1327 = vector.shape_cast %add3A_1323 : vector<16xi32> to vector<16xi32>
    tpu.vector_store %arg6[%swap3A_1324], %swap3A_1327 {strides = array<i32>} : memref<112xi32, #tpu.memory_space<vmem>>, vector<16xi32>,
    %add3A_1328 = arith.constant 704 : i32
    %add3A_1329 = vector.broadcast %add3A_1328 : i32 to vector<16xi32>
    %add3A_1330 = arith.addi %add3A_1329, %iota3A : vector<16xi32>
    %min3A_1331 = arith.constant 999 : i32
    %min3A_1332 = vector.broadcast %min3A_1331 : i32 to vector<16xi32>
    %min3A_1333 = arith.minsi %add3A_1330, %min3A_1332 : vector<16xi32>
    %mul3A_1334 = arith.constant 56 : i32
    %mul3A_1335 = vector.broadcast %mul3A_1334 : i32 to vector<16xi32>
    %mul3A_1336 = arith.muli %min3A_1333, %mul3A_1335 : vector<16xi32>
    %add3A_1337 = vector.broadcast %add3A : i32 to vector<16xi32>
    %add3A_1338 = arith.addi %mul3A_1336, %add3A_1337 : vector<16xi32>
    %swap3A_1339 = arith.constant 32 : index
    %swap3A_1340 = tpu.vector_load %arg6[%swap3A_1339] {strides = array<i32>} : memref<112xi32, #tpu.memory_space<vmem>>, vector<16xi32>,
    %swap3A_1341 = vector.shape_cast %swap3A_1340 : vector<16xi32> to vector<16xi32>
    %swap3A_1342 = vector.shape_cast %add3A_1338 : vector<16xi32> to vector<16xi32>
    tpu.vector_store %arg6[%swap3A_1339], %swap3A_1342 {strides = array<i32>} : memref<112xi32, #tpu.memory_space<vmem>>, vector<16xi32>,
    %add3A_1343 = arith.constant 720 : i32
    %add3A_1344 = vector.broadcast %add3A_1343 : i32 to vector<16xi32>
    %add3A_1345 = arith.addi %add3A_1344, %iota3A : vector<16xi32>
    %min3A_1346 = arith.constant 999 : i32
    %min3A_1347 = vector.broadcast %min3A_1346 : i32 to vector<16xi32>
    %min3A_1348 = arith.minsi %add3A_1345, %min3A_1347 : vector<16xi32>
    %mul3A_1349 = arith.constant 56 : i32
    %mul3A_1350 = vector.broadcast %mul3A_1349 : i32 to vector<16xi32>
    %mul3A_1351 = arith.muli %min3A_1348, %mul3A_1350 : vector<16xi32>
    %add3A_1352 = vector.broadcast %add3A : i32 to vector<16xi32>
    %add3A_1353 = arith.addi %mul3A_1351, %add3A_1352 : vector<16xi32>
    %swap3A_1354 = arith.constant 48 : index
    %swap3A_1355 = tpu.vector_load %arg6[%swap3A_1354] {strides = array<i32>} : memref<112xi32, #tpu.memory_space<vmem>>, vector<16xi32>,
    %swap3A_1356 = vector.shape_cast %swap3A_1355 : vector<16xi32> to vector<16xi32>
    %swap3A_1357 = vector.shape_cast %add3A_1353 : vector<16xi32> to vector<16xi32>
    tpu.vector_store %arg6[%swap3A_1354], %swap3A_1357 {strides = array<i32>} : memref<112xi32, #tpu.memory_space<vmem>>, vector<16xi32>,
    %add3A_1358 = arith.constant 736 : i32
    %add3A_1359 = vector.broadcast %add3A_1358 : i32 to vector<16xi32>
    %add3A_1360 = arith.addi %add3A_1359, %iota3A : vector<16xi32>
    %min3A_1361 = arith.constant 999 : i32
    %min3A_1362 = vector.broadcast %min3A_1361 : i32 to vector<16xi32>
    %min3A_1363 = arith.minsi %add3A_1360, %min3A_1362 : vector<16xi32>
    %mul3A_1364 = arith.constant 56 : i32
    %mul3A_1365 = vector.broadcast %mul3A_1364 : i32 to vector<16xi32>
    %mul3A_1366 = arith.muli %min3A_1363, %mul3A_1365 : vector<16xi32>
    %add3A_1367 = vector.broadcast %add3A : i32 to vector<16xi32>
    %add3A_1368 = arith.addi %mul3A_1366, %add3A_1367 : vector<16xi32>
    %swap3A_1369 = arith.constant 64 : index
    %swap3A_1370 = tpu.vector_load %arg6[%swap3A_1369] {strides = array<i32>} : memref<112xi32, #tpu.memory_space<vmem>>, vector<16xi32>,
    %swap3A_1371 = vector.shape_cast %swap3A_1370 : vector<16xi32> to vector<16xi32>
    %swap3A_1372 = vector.shape_cast %add3A_1368 : vector<16xi32> to vector<16xi32>
    tpu.vector_store %arg6[%swap3A_1369], %swap3A_1372 {strides = array<i32>} : memref<112xi32, #tpu.memory_space<vmem>>, vector<16xi32>,
    %add3A_1373 = arith.constant 752 : i32
    %add3A_1374 = vector.broadcast %add3A_1373 : i32 to vector<16xi32>
    %add3A_1375 = arith.addi %add3A_1374, %iota3A : vector<16xi32>
    %min3A_1376 = arith.constant 999 : i32
    %min3A_1377 = vector.broadcast %min3A_1376 : i32 to vector<16xi32>
    %min3A_1378 = arith.minsi %add3A_1375, %min3A_1377 : vector<16xi32>
    %mul3A_1379 = arith.constant 56 : i32
    %mul3A_1380 = vector.broadcast %mul3A_1379 : i32 to vector<16xi32>
    %mul3A_1381 = arith.muli %min3A_1378, %mul3A_1380 : vector<16xi32>
    %add3A_1382 = vector.broadcast %add3A : i32 to vector<16xi32>
    %add3A_1383 = arith.addi %mul3A_1381, %add3A_1382 : vector<16xi32>
    %swap3A_1384 = arith.constant 80 : index
    %swap3A_1385 = tpu.vector_load %arg6[%swap3A_1384] {strides = array<i32>} : memref<112xi32, #tpu.memory_space<vmem>>, vector<16xi32>,
    %swap3A_1386 = vector.shape_cast %swap3A_1385 : vector<16xi32> to vector<16xi32>
    %swap3A_1387 = vector.shape_cast %add3A_1383 : vector<16xi32> to vector<16xi32>
    tpu.vector_store %arg6[%swap3A_1384], %swap3A_1387 {strides = array<i32>} : memref<112xi32, #tpu.memory_space<vmem>>, vector<16xi32>,
    %add3A_1388 = arith.constant 768 : i32
    %add3A_1389 = vector.broadcast %add3A_1388 : i32 to vector<16xi32>
    %add3A_1390 = arith.addi %add3A_1389, %iota3A : vector<16xi32>
    %min3A_1391 = arith.constant 999 : i32
    %min3A_1392 = vector.broadcast %min3A_1391 : i32 to vector<16xi32>
    %min3A_1393 = arith.minsi %add3A_1390, %min3A_1392 : vector<16xi32>
    %mul3A_1394 = arith.constant 56 : i32
    %mul3A_1395 = vector.broadcast %mul3A_1394 : i32 to vector<16xi32>
    %mul3A_1396 = arith.muli %min3A_1393, %mul3A_1395 : vector<16xi32>
    %add3A_1397 = vector.broadcast %add3A : i32 to vector<16xi32>
    %add3A_1398 = arith.addi %mul3A_1396, %add3A_1397 : vector<16xi32>
    %swap3A_1399 = arith.constant 96 : index
    %swap3A_1400 = tpu.vector_load %arg6[%swap3A_1399] {strides = array<i32>} : memref<112xi32, #tpu.memory_space<vmem>>, vector<16xi32>,
    %swap3A_1401 = vector.shape_cast %swap3A_1400 : vector<16xi32> to vector<16xi32>
    %swap3A_1402 = vector.shape_cast %add3A_1398 : vector<16xi32> to vector<16xi32>
    tpu.vector_store %arg6[%swap3A_1399], %swap3A_1402 {strides = array<i32>} : memref<112xi32, #tpu.memory_space<vmem>>, vector<16xi32>,
    %dma_start3A_1403 = arith.constant 0 : i32
    %dma_start3A_1404 = arith.constant 0 : i32
    %dma_start3A_1405 = tpu.memref_slice %arg4[%dma_start3A_1403, %dma_start3A_1404] : memref<56000x512xf32, #tpu.memory_space<hbm>> -> memref<56000x512xf32, #tpu.memory_space<hbm>>
    tpu.enqueue_indirect_dma source(%dma_start3A_1405 : memref<56000x512xf32, #tpu.memory_space<hbm>>) target(%arg9 : memref<112x512xf32, #tpu.memory_space<vmem>>) offsets(%arg6 : memref<112xi32, #tpu.memory_space<vmem>>) semaphore(%arg12 : memref<!tpu.dma_semaphore, #tpu.memory_space<semaphore_mem>>)
    %dma_wait3A_1406 = arith.constant 0 : i32
    %dma_wait3A_1407 = arith.constant 0 : i32
    %dma_wait3A_1408 = tpu.memref_slice %arg4[%dma_wait3A_1406, %dma_wait3A_1407] : memref<56000x512xf32, #tpu.memory_space<hbm>> -> memref<56000x512xf32, #tpu.memory_space<hbm>>
    tpu.wait_indirect_dma semaphore(%arg13 : memref<!tpu.dma_semaphore, #tpu.memory_space<semaphore_mem>>) src(%dma_wait3A_1408 : memref<56000x512xf32, #tpu.memory_space<hbm>>) dst(%arg10 : memref<112x512xf32, #tpu.memory_space<vmem>>)
    %mul3A_1409 = arith.constant 1000 : i32
    %mul3A_1410 = arith.muli %add3A, %mul3A_1409 : i32
    %add3A_1411 = arith.constant 21000 : i32
    %add3A_1412 = arith.addi %add3A_1411, %mul3A_1410 : i32
    %add3A_1413 = arith.constant 560 : i32
    %add3A_1414 = arith.addi %add3A_1412, %add3A_1413 : i32
    %dma_start3A_1415 = arith.constant 0 : i32
    %dma_start3A_1416 = arith.constant 0 : i32
    %dma_start3A_1417 = tpu.memref_slice %arg10[%dma_start3A_1415, %dma_start3A_1416] : memref<112x512xf32, #tpu.memory_space<vmem>> -> memref<112x512xf32, #tpu.memory_space<vmem>>
    %dma_start3A_1418 = arith.constant 0 : i32
    %dma_start3A_1419 = tpu.memref_slice %arg5[%add3A_1414, %dma_start3A_1418] : memref<77000x512xf32, #tpu.memory_space<hbm>> -> memref<112x512xf32, #tpu.memory_space<hbm>>
    %dma_start3A_1420 = arith.constant 0 : i32
    %dma_start3A_1421 = tpu.memref_slice %arg5[%add3A_1414, %dma_start3A_1420] : memref<77000x512xf32, #tpu.memory_space<hbm>> -> memref<112x512xf32, #tpu.memory_space<hbm>>
    %dma_start3A_1422 = arith.constant 0 : i32
    %dma_start3A_1423 = arith.constant 0 : i32
    %dma_start3A_1424 = tpu.memref_slice %arg10[%dma_start3A_1422, %dma_start3A_1423] : memref<112x512xf32, #tpu.memory_space<vmem>> -> memref<112x512xf32, #tpu.memory_space<vmem>>
    tpu.enqueue_dma source(%dma_start3A_1424 : memref<112x512xf32, #tpu.memory_space<vmem>>) target(%dma_start3A_1421 : memref<112x512xf32, #tpu.memory_space<hbm>>) target_semaphore(%arg15 : memref<!tpu.dma_semaphore, #tpu.memory_space<semaphore_mem>>)
    %mul3A_1425 = arith.constant 1000 : i32
    %mul3A_1426 = arith.muli %add3A, %mul3A_1425 : i32
    %add3A_1427 = arith.constant 21000 : i32
    %add3A_1428 = arith.addi %add3A_1427, %mul3A_1426 : i32
    %add3A_1429 = arith.constant 560 : i32
    %add3A_1430 = arith.addi %add3A_1428, %add3A_1429 : i32
    %dma_wait3A_1431 = arith.constant 0 : i32
    %dma_wait3A_1432 = arith.constant 0 : i32
    %dma_wait3A_1433 = tpu.memref_slice %arg10[%dma_wait3A_1431, %dma_wait3A_1432] : memref<112x512xf32, #tpu.memory_space<vmem>> -> memref<112x512xf32, #tpu.memory_space<vmem>>
    %dma_wait3A_1434 = arith.constant 0 : i32
    %dma_wait3A_1435 = tpu.memref_slice %arg5[%add3A_1430, %dma_wait3A_1434] : memref<77000x512xf32, #tpu.memory_space<hbm>> -> memref<112x512xf32, #tpu.memory_space<hbm>>
    %dma_wait3A_1436 = arith.constant 0 : i32
    %dma_wait3A_1437 = tpu.memref_slice %arg5[%add3A_1430, %dma_wait3A_1436] : memref<77000x512xf32, #tpu.memory_space<hbm>> -> memref<112x512xf32, #tpu.memory_space<hbm>>
    %dma_wait3A_1438 = arith.constant 0 : i32
    %dma_wait3A_1439 = arith.constant 0 : i32
    %dma_wait3A_1440 = tpu.memref_slice %arg10[%dma_wait3A_1438, %dma_wait3A_1439] : memref<112x512xf32, #tpu.memory_space<vmem>> -> memref<112x512xf32, #tpu.memory_space<vmem>>
    tpu.wait_dma2 semaphore(%arg15 : memref<!tpu.dma_semaphore, #tpu.memory_space<semaphore_mem>>) src(%dma_wait3A_1440 : memref<112x512xf32, #tpu.memory_space<vmem>>) dst(%dma_wait3A_1437 : memref<112x512xf32, #tpu.memory_space<hbm>>)
    %add3A_1441 = arith.constant 784 : i32
    %add3A_1442 = vector.broadcast %add3A_1441 : i32 to vector<16xi32>
    %add3A_1443 = arith.addi %add3A_1442, %iota3A : vector<16xi32>
    %min3A_1444 = arith.constant 999 : i32
    %min3A_1445 = vector.broadcast %min3A_1444 : i32 to vector<16xi32>
    %min3A_1446 = arith.minsi %add3A_1443, %min3A_1445 : vector<16xi32>
    %mul3A_1447 = arith.constant 56 : i32
    %mul3A_1448 = vector.broadcast %mul3A_1447 : i32 to vector<16xi32>
    %mul3A_1449 = arith.muli %min3A_1446, %mul3A_1448 : vector<16xi32>
    %add3A_1450 = vector.broadcast %add3A : i32 to vector<16xi32>
    %add3A_1451 = arith.addi %mul3A_1449, %add3A_1450 : vector<16xi32>
    %swap3A_1452 = arith.constant 0 : index
    %swap3A_1453 = tpu.vector_load %arg7[%swap3A_1452] {strides = array<i32>} : memref<112xi32, #tpu.memory_space<vmem>>, vector<16xi32>,
    %swap3A_1454 = vector.shape_cast %swap3A_1453 : vector<16xi32> to vector<16xi32>
    %swap3A_1455 = vector.shape_cast %add3A_1451 : vector<16xi32> to vector<16xi32>
    tpu.vector_store %arg7[%swap3A_1452], %swap3A_1455 {strides = array<i32>} : memref<112xi32, #tpu.memory_space<vmem>>, vector<16xi32>,
    %add3A_1456 = arith.constant 800 : i32
    %add3A_1457 = vector.broadcast %add3A_1456 : i32 to vector<16xi32>
    %add3A_1458 = arith.addi %add3A_1457, %iota3A : vector<16xi32>
    %min3A_1459 = arith.constant 999 : i32
    %min3A_1460 = vector.broadcast %min3A_1459 : i32 to vector<16xi32>
    %min3A_1461 = arith.minsi %add3A_1458, %min3A_1460 : vector<16xi32>
    %mul3A_1462 = arith.constant 56 : i32
    %mul3A_1463 = vector.broadcast %mul3A_1462 : i32 to vector<16xi32>
    %mul3A_1464 = arith.muli %min3A_1461, %mul3A_1463 : vector<16xi32>
    %add3A_1465 = vector.broadcast %add3A : i32 to vector<16xi32>
    %add3A_1466 = arith.addi %mul3A_1464, %add3A_1465 : vector<16xi32>
    %swap3A_1467 = arith.constant 16 : index
    %swap3A_1468 = tpu.vector_load %arg7[%swap3A_1467] {strides = array<i32>} : memref<112xi32, #tpu.memory_space<vmem>>, vector<16xi32>,
    %swap3A_1469 = vector.shape_cast %swap3A_1468 : vector<16xi32> to vector<16xi32>
    %swap3A_1470 = vector.shape_cast %add3A_1466 : vector<16xi32> to vector<16xi32>
    tpu.vector_store %arg7[%swap3A_1467], %swap3A_1470 {strides = array<i32>} : memref<112xi32, #tpu.memory_space<vmem>>, vector<16xi32>,
    %add3A_1471 = arith.constant 816 : i32
    %add3A_1472 = vector.broadcast %add3A_1471 : i32 to vector<16xi32>
    %add3A_1473 = arith.addi %add3A_1472, %iota3A : vector<16xi32>
    %min3A_1474 = arith.constant 999 : i32
    %min3A_1475 = vector.broadcast %min3A_1474 : i32 to vector<16xi32>
    %min3A_1476 = arith.minsi %add3A_1473, %min3A_1475 : vector<16xi32>
    %mul3A_1477 = arith.constant 56 : i32
    %mul3A_1478 = vector.broadcast %mul3A_1477 : i32 to vector<16xi32>
    %mul3A_1479 = arith.muli %min3A_1476, %mul3A_1478 : vector<16xi32>
    %add3A_1480 = vector.broadcast %add3A : i32 to vector<16xi32>
    %add3A_1481 = arith.addi %mul3A_1479, %add3A_1480 : vector<16xi32>
    %swap3A_1482 = arith.constant 32 : index
    %swap3A_1483 = tpu.vector_load %arg7[%swap3A_1482] {strides = array<i32>} : memref<112xi32, #tpu.memory_space<vmem>>, vector<16xi32>,
    %swap3A_1484 = vector.shape_cast %swap3A_1483 : vector<16xi32> to vector<16xi32>
    %swap3A_1485 = vector.shape_cast %add3A_1481 : vector<16xi32> to vector<16xi32>
    tpu.vector_store %arg7[%swap3A_1482], %swap3A_1485 {strides = array<i32>} : memref<112xi32, #tpu.memory_space<vmem>>, vector<16xi32>,
    %add3A_1486 = arith.constant 832 : i32
    %add3A_1487 = vector.broadcast %add3A_1486 : i32 to vector<16xi32>
    %add3A_1488 = arith.addi %add3A_1487, %iota3A : vector<16xi32>
    %min3A_1489 = arith.constant 999 : i32
    %min3A_1490 = vector.broadcast %min3A_1489 : i32 to vector<16xi32>
    %min3A_1491 = arith.minsi %add3A_1488, %min3A_1490 : vector<16xi32>
    %mul3A_1492 = arith.constant 56 : i32
    %mul3A_1493 = vector.broadcast %mul3A_1492 : i32 to vector<16xi32>
    %mul3A_1494 = arith.muli %min3A_1491, %mul3A_1493 : vector<16xi32>
    %add3A_1495 = vector.broadcast %add3A : i32 to vector<16xi32>
    %add3A_1496 = arith.addi %mul3A_1494, %add3A_1495 : vector<16xi32>
    %swap3A_1497 = arith.constant 48 : index
    %swap3A_1498 = tpu.vector_load %arg7[%swap3A_1497] {strides = array<i32>} : memref<112xi32, #tpu.memory_space<vmem>>, vector<16xi32>,
    %swap3A_1499 = vector.shape_cast %swap3A_1498 : vector<16xi32> to vector<16xi32>
    %swap3A_1500 = vector.shape_cast %add3A_1496 : vector<16xi32> to vector<16xi32>
    tpu.vector_store %arg7[%swap3A_1497], %swap3A_1500 {strides = array<i32>} : memref<112xi32, #tpu.memory_space<vmem>>, vector<16xi32>,
    %add3A_1501 = arith.constant 848 : i32
    %add3A_1502 = vector.broadcast %add3A_1501 : i32 to vector<16xi32>
    %add3A_1503 = arith.addi %add3A_1502, %iota3A : vector<16xi32>
    %min3A_1504 = arith.constant 999 : i32
    %min3A_1505 = vector.broadcast %min3A_1504 : i32 to vector<16xi32>
    %min3A_1506 = arith.minsi %add3A_1503, %min3A_1505 : vector<16xi32>
    %mul3A_1507 = arith.constant 56 : i32
    %mul3A_1508 = vector.broadcast %mul3A_1507 : i32 to vector<16xi32>
    %mul3A_1509 = arith.muli %min3A_1506, %mul3A_1508 : vector<16xi32>
    %add3A_1510 = vector.broadcast %add3A : i32 to vector<16xi32>
    %add3A_1511 = arith.addi %mul3A_1509, %add3A_1510 : vector<16xi32>
    %swap3A_1512 = arith.constant 64 : index
    %swap3A_1513 = tpu.vector_load %arg7[%swap3A_1512] {strides = array<i32>} : memref<112xi32, #tpu.memory_space<vmem>>, vector<16xi32>,
    %swap3A_1514 = vector.shape_cast %swap3A_1513 : vector<16xi32> to vector<16xi32>
    %swap3A_1515 = vector.shape_cast %add3A_1511 : vector<16xi32> to vector<16xi32>
    tpu.vector_store %arg7[%swap3A_1512], %swap3A_1515 {strides = array<i32>} : memref<112xi32, #tpu.memory_space<vmem>>, vector<16xi32>,
    %add3A_1516 = arith.constant 864 : i32
    %add3A_1517 = vector.broadcast %add3A_1516 : i32 to vector<16xi32>
    %add3A_1518 = arith.addi %add3A_1517, %iota3A : vector<16xi32>
    %min3A_1519 = arith.constant 999 : i32
    %min3A_1520 = vector.broadcast %min3A_1519 : i32 to vector<16xi32>
    %min3A_1521 = arith.minsi %add3A_1518, %min3A_1520 : vector<16xi32>
    %mul3A_1522 = arith.constant 56 : i32
    %mul3A_1523 = vector.broadcast %mul3A_1522 : i32 to vector<16xi32>
    %mul3A_1524 = arith.muli %min3A_1521, %mul3A_1523 : vector<16xi32>
    %add3A_1525 = vector.broadcast %add3A : i32 to vector<16xi32>
    %add3A_1526 = arith.addi %mul3A_1524, %add3A_1525 : vector<16xi32>
    %swap3A_1527 = arith.constant 80 : index
    %swap3A_1528 = tpu.vector_load %arg7[%swap3A_1527] {strides = array<i32>} : memref<112xi32, #tpu.memory_space<vmem>>, vector<16xi32>,
    %swap3A_1529 = vector.shape_cast %swap3A_1528 : vector<16xi32> to vector<16xi32>
    %swap3A_1530 = vector.shape_cast %add3A_1526 : vector<16xi32> to vector<16xi32>
    tpu.vector_store %arg7[%swap3A_1527], %swap3A_1530 {strides = array<i32>} : memref<112xi32, #tpu.memory_space<vmem>>, vector<16xi32>,
    %add3A_1531 = arith.constant 880 : i32
    %add3A_1532 = vector.broadcast %add3A_1531 : i32 to vector<16xi32>
    %add3A_1533 = arith.addi %add3A_1532, %iota3A : vector<16xi32>
    %min3A_1534 = arith.constant 999 : i32
    %min3A_1535 = vector.broadcast %min3A_1534 : i32 to vector<16xi32>
    %min3A_1536 = arith.minsi %add3A_1533, %min3A_1535 : vector<16xi32>
    %mul3A_1537 = arith.constant 56 : i32
    %mul3A_1538 = vector.broadcast %mul3A_1537 : i32 to vector<16xi32>
    %mul3A_1539 = arith.muli %min3A_1536, %mul3A_1538 : vector<16xi32>
    %add3A_1540 = vector.broadcast %add3A : i32 to vector<16xi32>
    %add3A_1541 = arith.addi %mul3A_1539, %add3A_1540 : vector<16xi32>
    %swap3A_1542 = arith.constant 96 : index
    %swap3A_1543 = tpu.vector_load %arg7[%swap3A_1542] {strides = array<i32>} : memref<112xi32, #tpu.memory_space<vmem>>, vector<16xi32>,
    %swap3A_1544 = vector.shape_cast %swap3A_1543 : vector<16xi32> to vector<16xi32>
    %swap3A_1545 = vector.shape_cast %add3A_1541 : vector<16xi32> to vector<16xi32>
    tpu.vector_store %arg7[%swap3A_1542], %swap3A_1545 {strides = array<i32>} : memref<112xi32, #tpu.memory_space<vmem>>, vector<16xi32>,
    %dma_start3A_1546 = arith.constant 0 : i32
    %dma_start3A_1547 = arith.constant 0 : i32
    %dma_start3A_1548 = tpu.memref_slice %arg4[%dma_start3A_1546, %dma_start3A_1547] : memref<56000x512xf32, #tpu.memory_space<hbm>> -> memref<56000x512xf32, #tpu.memory_space<hbm>>
    tpu.enqueue_indirect_dma source(%dma_start3A_1548 : memref<56000x512xf32, #tpu.memory_space<hbm>>) target(%arg10 : memref<112x512xf32, #tpu.memory_space<vmem>>) offsets(%arg7 : memref<112xi32, #tpu.memory_space<vmem>>) semaphore(%arg13 : memref<!tpu.dma_semaphore, #tpu.memory_space<semaphore_mem>>)
    %dma_wait3A_1549 = arith.constant 0 : i32
    %dma_wait3A_1550 = arith.constant 0 : i32
    %dma_wait3A_1551 = tpu.memref_slice %arg4[%dma_wait3A_1549, %dma_wait3A_1550] : memref<56000x512xf32, #tpu.memory_space<hbm>> -> memref<56000x512xf32, #tpu.memory_space<hbm>>
    tpu.wait_indirect_dma semaphore(%arg12 : memref<!tpu.dma_semaphore, #tpu.memory_space<semaphore_mem>>) src(%dma_wait3A_1551 : memref<56000x512xf32, #tpu.memory_space<hbm>>) dst(%arg9 : memref<112x512xf32, #tpu.memory_space<vmem>>)
    %mul3A_1552 = arith.constant 1000 : i32
    %mul3A_1553 = arith.muli %add3A, %mul3A_1552 : i32
    %add3A_1554 = arith.constant 21000 : i32
    %add3A_1555 = arith.addi %add3A_1554, %mul3A_1553 : i32
    %add3A_1556 = arith.constant 672 : i32
    %add3A_1557 = arith.addi %add3A_1555, %add3A_1556 : i32
    %dma_start3A_1558 = arith.constant 0 : i32
    %dma_start3A_1559 = arith.constant 0 : i32
    %dma_start3A_1560 = tpu.memref_slice %arg9[%dma_start3A_1558, %dma_start3A_1559] : memref<112x512xf32, #tpu.memory_space<vmem>> -> memref<112x512xf32, #tpu.memory_space<vmem>>
    %dma_start3A_1561 = arith.constant 0 : i32
    %dma_start3A_1562 = tpu.memref_slice %arg5[%add3A_1557, %dma_start3A_1561] : memref<77000x512xf32, #tpu.memory_space<hbm>> -> memref<112x512xf32, #tpu.memory_space<hbm>>
    %dma_start3A_1563 = arith.constant 0 : i32
    %dma_start3A_1564 = tpu.memref_slice %arg5[%add3A_1557, %dma_start3A_1563] : memref<77000x512xf32, #tpu.memory_space<hbm>> -> memref<112x512xf32, #tpu.memory_space<hbm>>
    %dma_start3A_1565 = arith.constant 0 : i32
    %dma_start3A_1566 = arith.constant 0 : i32
    %dma_start3A_1567 = tpu.memref_slice %arg9[%dma_start3A_1565, %dma_start3A_1566] : memref<112x512xf32, #tpu.memory_space<vmem>> -> memref<112x512xf32, #tpu.memory_space<vmem>>
    tpu.enqueue_dma source(%dma_start3A_1567 : memref<112x512xf32, #tpu.memory_space<vmem>>) target(%dma_start3A_1564 : memref<112x512xf32, #tpu.memory_space<hbm>>) target_semaphore(%arg14 : memref<!tpu.dma_semaphore, #tpu.memory_space<semaphore_mem>>)
    %mul3A_1568 = arith.constant 1000 : i32
    %mul3A_1569 = arith.muli %add3A, %mul3A_1568 : i32
    %add3A_1570 = arith.constant 21000 : i32
    %add3A_1571 = arith.addi %add3A_1570, %mul3A_1569 : i32
    %add3A_1572 = arith.constant 672 : i32
    %add3A_1573 = arith.addi %add3A_1571, %add3A_1572 : i32
    %dma_wait3A_1574 = arith.constant 0 : i32
    %dma_wait3A_1575 = arith.constant 0 : i32
    %dma_wait3A_1576 = tpu.memref_slice %arg9[%dma_wait3A_1574, %dma_wait3A_1575] : memref<112x512xf32, #tpu.memory_space<vmem>> -> memref<112x512xf32, #tpu.memory_space<vmem>>
    %dma_wait3A_1577 = arith.constant 0 : i32
    %dma_wait3A_1578 = tpu.memref_slice %arg5[%add3A_1573, %dma_wait3A_1577] : memref<77000x512xf32, #tpu.memory_space<hbm>> -> memref<112x512xf32, #tpu.memory_space<hbm>>
    %dma_wait3A_1579 = arith.constant 0 : i32
    %dma_wait3A_1580 = tpu.memref_slice %arg5[%add3A_1573, %dma_wait3A_1579] : memref<77000x512xf32, #tpu.memory_space<hbm>> -> memref<112x512xf32, #tpu.memory_space<hbm>>
    %dma_wait3A_1581 = arith.constant 0 : i32
    %dma_wait3A_1582 = arith.constant 0 : i32
    %dma_wait3A_1583 = tpu.memref_slice %arg9[%dma_wait3A_1581, %dma_wait3A_1582] : memref<112x512xf32, #tpu.memory_space<vmem>> -> memref<112x512xf32, #tpu.memory_space<vmem>>
    tpu.wait_dma2 semaphore(%arg14 : memref<!tpu.dma_semaphore, #tpu.memory_space<semaphore_mem>>) src(%dma_wait3A_1583 : memref<112x512xf32, #tpu.memory_space<vmem>>) dst(%dma_wait3A_1580 : memref<112x512xf32, #tpu.memory_space<hbm>>)
    %add3A_1584 = arith.constant 896 : i32
    %add3A_1585 = vector.broadcast %add3A_1584 : i32 to vector<16xi32>
    %add3A_1586 = arith.addi %add3A_1585, %iota3A : vector<16xi32>
    %min3A_1587 = arith.constant 999 : i32
    %min3A_1588 = vector.broadcast %min3A_1587 : i32 to vector<16xi32>
    %min3A_1589 = arith.minsi %add3A_1586, %min3A_1588 : vector<16xi32>
    %mul3A_1590 = arith.constant 56 : i32
    %mul3A_1591 = vector.broadcast %mul3A_1590 : i32 to vector<16xi32>
    %mul3A_1592 = arith.muli %min3A_1589, %mul3A_1591 : vector<16xi32>
    %add3A_1593 = vector.broadcast %add3A : i32 to vector<16xi32>
    %add3A_1594 = arith.addi %mul3A_1592, %add3A_1593 : vector<16xi32>
    %swap3A_1595 = arith.constant 0 : index
    %swap3A_1596 = tpu.vector_load %arg6[%swap3A_1595] {strides = array<i32>} : memref<112xi32, #tpu.memory_space<vmem>>, vector<16xi32>,
    %swap3A_1597 = vector.shape_cast %swap3A_1596 : vector<16xi32> to vector<16xi32>
    %swap3A_1598 = vector.shape_cast %add3A_1594 : vector<16xi32> to vector<16xi32>
    tpu.vector_store %arg6[%swap3A_1595], %swap3A_1598 {strides = array<i32>} : memref<112xi32, #tpu.memory_space<vmem>>, vector<16xi32>,
    %add3A_1599 = arith.constant 912 : i32
    %add3A_1600 = vector.broadcast %add3A_1599 : i32 to vector<16xi32>
    %add3A_1601 = arith.addi %add3A_1600, %iota3A : vector<16xi32>
    %min3A_1602 = arith.constant 999 : i32
    %min3A_1603 = vector.broadcast %min3A_1602 : i32 to vector<16xi32>
    %min3A_1604 = arith.minsi %add3A_1601, %min3A_1603 : vector<16xi32>
    %mul3A_1605 = arith.constant 56 : i32
    %mul3A_1606 = vector.broadcast %mul3A_1605 : i32 to vector<16xi32>
    %mul3A_1607 = arith.muli %min3A_1604, %mul3A_1606 : vector<16xi32>
    %add3A_1608 = vector.broadcast %add3A : i32 to vector<16xi32>
    %add3A_1609 = arith.addi %mul3A_1607, %add3A_1608 : vector<16xi32>
    %swap3A_1610 = arith.constant 16 : index
    %swap3A_1611 = tpu.vector_load %arg6[%swap3A_1610] {strides = array<i32>} : memref<112xi32, #tpu.memory_space<vmem>>, vector<16xi32>,
    %swap3A_1612 = vector.shape_cast %swap3A_1611 : vector<16xi32> to vector<16xi32>
    %swap3A_1613 = vector.shape_cast %add3A_1609 : vector<16xi32> to vector<16xi32>
    tpu.vector_store %arg6[%swap3A_1610], %swap3A_1613 {strides = array<i32>} : memref<112xi32, #tpu.memory_space<vmem>>, vector<16xi32>,
    %add3A_1614 = arith.constant 928 : i32
    %add3A_1615 = vector.broadcast %add3A_1614 : i32 to vector<16xi32>
    %add3A_1616 = arith.addi %add3A_1615, %iota3A : vector<16xi32>
    %min3A_1617 = arith.constant 999 : i32
    %min3A_1618 = vector.broadcast %min3A_1617 : i32 to vector<16xi32>
    %min3A_1619 = arith.minsi %add3A_1616, %min3A_1618 : vector<16xi32>
    %mul3A_1620 = arith.constant 56 : i32
    %mul3A_1621 = vector.broadcast %mul3A_1620 : i32 to vector<16xi32>
    %mul3A_1622 = arith.muli %min3A_1619, %mul3A_1621 : vector<16xi32>
    %add3A_1623 = vector.broadcast %add3A : i32 to vector<16xi32>
    %add3A_1624 = arith.addi %mul3A_1622, %add3A_1623 : vector<16xi32>
    %swap3A_1625 = arith.constant 32 : index
    %swap3A_1626 = tpu.vector_load %arg6[%swap3A_1625] {strides = array<i32>} : memref<112xi32, #tpu.memory_space<vmem>>, vector<16xi32>,
    %swap3A_1627 = vector.shape_cast %swap3A_1626 : vector<16xi32> to vector<16xi32>
    %swap3A_1628 = vector.shape_cast %add3A_1624 : vector<16xi32> to vector<16xi32>
    tpu.vector_store %arg6[%swap3A_1625], %swap3A_1628 {strides = array<i32>} : memref<112xi32, #tpu.memory_space<vmem>>, vector<16xi32>,
    %add3A_1629 = arith.constant 944 : i32
    %add3A_1630 = vector.broadcast %add3A_1629 : i32 to vector<16xi32>
    %add3A_1631 = arith.addi %add3A_1630, %iota3A : vector<16xi32>
    %min3A_1632 = arith.constant 999 : i32
    %min3A_1633 = vector.broadcast %min3A_1632 : i32 to vector<16xi32>
    %min3A_1634 = arith.minsi %add3A_1631, %min3A_1633 : vector<16xi32>
    %mul3A_1635 = arith.constant 56 : i32
    %mul3A_1636 = vector.broadcast %mul3A_1635 : i32 to vector<16xi32>
    %mul3A_1637 = arith.muli %min3A_1634, %mul3A_1636 : vector<16xi32>
    %add3A_1638 = vector.broadcast %add3A : i32 to vector<16xi32>
    %add3A_1639 = arith.addi %mul3A_1637, %add3A_1638 : vector<16xi32>
    %swap3A_1640 = arith.constant 48 : index
    %swap3A_1641 = tpu.vector_load %arg6[%swap3A_1640] {strides = array<i32>} : memref<112xi32, #tpu.memory_space<vmem>>, vector<16xi32>,
    %swap3A_1642 = vector.shape_cast %swap3A_1641 : vector<16xi32> to vector<16xi32>
    %swap3A_1643 = vector.shape_cast %add3A_1639 : vector<16xi32> to vector<16xi32>
    tpu.vector_store %arg6[%swap3A_1640], %swap3A_1643 {strides = array<i32>} : memref<112xi32, #tpu.memory_space<vmem>>, vector<16xi32>,
    %add3A_1644 = arith.constant 960 : i32
    %add3A_1645 = vector.broadcast %add3A_1644 : i32 to vector<16xi32>
    %add3A_1646 = arith.addi %add3A_1645, %iota3A : vector<16xi32>
    %min3A_1647 = arith.constant 999 : i32
    %min3A_1648 = vector.broadcast %min3A_1647 : i32 to vector<16xi32>
    %min3A_1649 = arith.minsi %add3A_1646, %min3A_1648 : vector<16xi32>
    %mul3A_1650 = arith.constant 56 : i32
    %mul3A_1651 = vector.broadcast %mul3A_1650 : i32 to vector<16xi32>
    %mul3A_1652 = arith.muli %min3A_1649, %mul3A_1651 : vector<16xi32>
    %add3A_1653 = vector.broadcast %add3A : i32 to vector<16xi32>
    %add3A_1654 = arith.addi %mul3A_1652, %add3A_1653 : vector<16xi32>
    %swap3A_1655 = arith.constant 64 : index
    %swap3A_1656 = tpu.vector_load %arg6[%swap3A_1655] {strides = array<i32>} : memref<112xi32, #tpu.memory_space<vmem>>, vector<16xi32>,
    %swap3A_1657 = vector.shape_cast %swap3A_1656 : vector<16xi32> to vector<16xi32>
    %swap3A_1658 = vector.shape_cast %add3A_1654 : vector<16xi32> to vector<16xi32>
    tpu.vector_store %arg6[%swap3A_1655], %swap3A_1658 {strides = array<i32>} : memref<112xi32, #tpu.memory_space<vmem>>, vector<16xi32>,
    %add3A_1659 = arith.constant 976 : i32
    %add3A_1660 = vector.broadcast %add3A_1659 : i32 to vector<16xi32>
    %add3A_1661 = arith.addi %add3A_1660, %iota3A : vector<16xi32>
    %min3A_1662 = arith.constant 999 : i32
    %min3A_1663 = vector.broadcast %min3A_1662 : i32 to vector<16xi32>
    %min3A_1664 = arith.minsi %add3A_1661, %min3A_1663 : vector<16xi32>
    %mul3A_1665 = arith.constant 56 : i32
    %mul3A_1666 = vector.broadcast %mul3A_1665 : i32 to vector<16xi32>
    %mul3A_1667 = arith.muli %min3A_1664, %mul3A_1666 : vector<16xi32>
    %add3A_1668 = vector.broadcast %add3A : i32 to vector<16xi32>
    %add3A_1669 = arith.addi %mul3A_1667, %add3A_1668 : vector<16xi32>
    %swap3A_1670 = arith.constant 80 : index
    %swap3A_1671 = tpu.vector_load %arg6[%swap3A_1670] {strides = array<i32>} : memref<112xi32, #tpu.memory_space<vmem>>, vector<16xi32>,
    %swap3A_1672 = vector.shape_cast %swap3A_1671 : vector<16xi32> to vector<16xi32>
    %swap3A_1673 = vector.shape_cast %add3A_1669 : vector<16xi32> to vector<16xi32>
    tpu.vector_store %arg6[%swap3A_1670], %swap3A_1673 {strides = array<i32>} : memref<112xi32, #tpu.memory_space<vmem>>, vector<16xi32>,
    %add3A_1674 = arith.constant 992 : i32
    %add3A_1675 = vector.broadcast %add3A_1674 : i32 to vector<16xi32>
    %add3A_1676 = arith.addi %add3A_1675, %iota3A : vector<16xi32>
    %min3A_1677 = arith.constant 999 : i32
    %min3A_1678 = vector.broadcast %min3A_1677 : i32 to vector<16xi32>
    %min3A_1679 = arith.minsi %add3A_1676, %min3A_1678 : vector<16xi32>
    %mul3A_1680 = arith.constant 56 : i32
    %mul3A_1681 = vector.broadcast %mul3A_1680 : i32 to vector<16xi32>
    %mul3A_1682 = arith.muli %min3A_1679, %mul3A_1681 : vector<16xi32>
    %add3A_1683 = vector.broadcast %add3A : i32 to vector<16xi32>
    %add3A_1684 = arith.addi %mul3A_1682, %add3A_1683 : vector<16xi32>
    %swap3A_1685 = arith.constant 96 : index
    %swap3A_1686 = tpu.vector_load %arg6[%swap3A_1685] {strides = array<i32>} : memref<112xi32, #tpu.memory_space<vmem>>, vector<16xi32>,
    %swap3A_1687 = vector.shape_cast %swap3A_1686 : vector<16xi32> to vector<16xi32>
    %swap3A_1688 = vector.shape_cast %add3A_1684 : vector<16xi32> to vector<16xi32>
    tpu.vector_store %arg6[%swap3A_1685], %swap3A_1688 {strides = array<i32>} : memref<112xi32, #tpu.memory_space<vmem>>, vector<16xi32>,
    %dma_start3A_1689 = arith.constant 0 : i32
    %dma_start3A_1690 = arith.constant 0 : i32
    %dma_start3A_1691 = tpu.memref_slice %arg4[%dma_start3A_1689, %dma_start3A_1690] : memref<56000x512xf32, #tpu.memory_space<hbm>> -> memref<56000x512xf32, #tpu.memory_space<hbm>>
    tpu.enqueue_indirect_dma source(%dma_start3A_1691 : memref<56000x512xf32, #tpu.memory_space<hbm>>) target(%arg9 : memref<112x512xf32, #tpu.memory_space<vmem>>) offsets(%arg6 : memref<112xi32, #tpu.memory_space<vmem>>) semaphore(%arg12 : memref<!tpu.dma_semaphore, #tpu.memory_space<semaphore_mem>>)
    %dma_wait3A_1692 = arith.constant 0 : i32
    %dma_wait3A_1693 = arith.constant 0 : i32
    %dma_wait3A_1694 = tpu.memref_slice %arg4[%dma_wait3A_1692, %dma_wait3A_1693] : memref<56000x512xf32, #tpu.memory_space<hbm>> -> memref<56000x512xf32, #tpu.memory_space<hbm>>
    tpu.wait_indirect_dma semaphore(%arg13 : memref<!tpu.dma_semaphore, #tpu.memory_space<semaphore_mem>>) src(%dma_wait3A_1694 : memref<56000x512xf32, #tpu.memory_space<hbm>>) dst(%arg10 : memref<112x512xf32, #tpu.memory_space<vmem>>)
    %mul3A_1695 = arith.constant 1000 : i32
    %mul3A_1696 = arith.muli %add3A, %mul3A_1695 : i32
    %add3A_1697 = arith.constant 21000 : i32
    %add3A_1698 = arith.addi %add3A_1697, %mul3A_1696 : i32
    %add3A_1699 = arith.constant 784 : i32
    %add3A_1700 = arith.addi %add3A_1698, %add3A_1699 : i32
    %dma_start3A_1701 = arith.constant 0 : i32
    %dma_start3A_1702 = arith.constant 0 : i32
    %dma_start3A_1703 = tpu.memref_slice %arg10[%dma_start3A_1701, %dma_start3A_1702] : memref<112x512xf32, #tpu.memory_space<vmem>> -> memref<112x512xf32, #tpu.memory_space<vmem>>
    %dma_start3A_1704 = arith.constant 0 : i32
    %dma_start3A_1705 = tpu.memref_slice %arg5[%add3A_1700, %dma_start3A_1704] : memref<77000x512xf32, #tpu.memory_space<hbm>> -> memref<112x512xf32, #tpu.memory_space<hbm>>
    %dma_start3A_1706 = arith.constant 0 : i32
    %dma_start3A_1707 = tpu.memref_slice %arg5[%add3A_1700, %dma_start3A_1706] : memref<77000x512xf32, #tpu.memory_space<hbm>> -> memref<112x512xf32, #tpu.memory_space<hbm>>
    %dma_start3A_1708 = arith.constant 0 : i32
    %dma_start3A_1709 = arith.constant 0 : i32
    %dma_start3A_1710 = tpu.memref_slice %arg10[%dma_start3A_1708, %dma_start3A_1709] : memref<112x512xf32, #tpu.memory_space<vmem>> -> memref<112x512xf32, #tpu.memory_space<vmem>>
    tpu.enqueue_dma source(%dma_start3A_1710 : memref<112x512xf32, #tpu.memory_space<vmem>>) target(%dma_start3A_1707 : memref<112x512xf32, #tpu.memory_space<hbm>>) target_semaphore(%arg15 : memref<!tpu.dma_semaphore, #tpu.memory_space<semaphore_mem>>)
    %dma_wait3A_1711 = arith.constant 0 : i32
    %dma_wait3A_1712 = arith.constant 0 : i32
    %dma_wait3A_1713 = tpu.memref_slice %arg4[%dma_wait3A_1711, %dma_wait3A_1712] : memref<56000x512xf32, #tpu.memory_space<hbm>> -> memref<56000x512xf32, #tpu.memory_space<hbm>>
    tpu.wait_indirect_dma semaphore(%arg12 : memref<!tpu.dma_semaphore, #tpu.memory_space<semaphore_mem>>) src(%dma_wait3A_1713 : memref<56000x512xf32, #tpu.memory_space<hbm>>) dst(%arg9 : memref<112x512xf32, #tpu.memory_space<vmem>>)
    %mul3A_1714 = arith.constant 1000 : i32
    %mul3A_1715 = arith.muli %add3A, %mul3A_1714 : i32
    %add3A_1716 = arith.constant 21000 : i32
    %add3A_1717 = arith.addi %add3A_1716, %mul3A_1715 : i32
    %add3A_1718 = arith.constant 896 : i32
    %add3A_1719 = arith.addi %add3A_1717, %add3A_1718 : i32
    %dma_start3A_1720 = arith.constant 0 : i32
    %dma_start3A_1721 = arith.constant 0 : i32
    %dma_start3A_1722 = tpu.memref_slice %arg9[%dma_start3A_1720, %dma_start3A_1721] : memref<112x512xf32, #tpu.memory_space<vmem>> -> memref<104x512xf32, #tpu.memory_space<vmem>>
    %dma_start3A_1723 = arith.constant 0 : i32
    %dma_start3A_1724 = tpu.memref_slice %arg5[%add3A_1719, %dma_start3A_1723] : memref<77000x512xf32, #tpu.memory_space<hbm>> -> memref<104x512xf32, #tpu.memory_space<hbm>>
    %dma_start3A_1725 = arith.constant 0 : i32
    %dma_start3A_1726 = tpu.memref_slice %arg5[%add3A_1719, %dma_start3A_1725] : memref<77000x512xf32, #tpu.memory_space<hbm>> -> memref<104x512xf32, #tpu.memory_space<hbm>>
    %dma_start3A_1727 = arith.constant 0 : i32
    %dma_start3A_1728 = arith.constant 0 : i32
    %dma_start3A_1729 = tpu.memref_slice %arg9[%dma_start3A_1727, %dma_start3A_1728] : memref<112x512xf32, #tpu.memory_space<vmem>> -> memref<104x512xf32, #tpu.memory_space<vmem>>
    tpu.enqueue_dma source(%dma_start3A_1729 : memref<104x512xf32, #tpu.memory_space<vmem>>) target(%dma_start3A_1726 : memref<104x512xf32, #tpu.memory_space<hbm>>) target_semaphore(%arg14 : memref<!tpu.dma_semaphore, #tpu.memory_space<semaphore_mem>>)
    %mul3A_1730 = arith.constant 1000 : i32
    %mul3A_1731 = arith.muli %add3A, %mul3A_1730 : i32
    %add3A_1732 = arith.constant 21000 : i32
    %add3A_1733 = arith.addi %add3A_1732, %mul3A_1731 : i32
    %add3A_1734 = arith.constant 784 : i32
    %add3A_1735 = arith.addi %add3A_1733, %add3A_1734 : i32
    %dma_wait3A_1736 = arith.constant 0 : i32
    %dma_wait3A_1737 = arith.constant 0 : i32
    %dma_wait3A_1738 = tpu.memref_slice %arg10[%dma_wait3A_1736, %dma_wait3A_1737] : memref<112x512xf32, #tpu.memory_space<vmem>> -> memref<112x512xf32, #tpu.memory_space<vmem>>
    %dma_wait3A_1739 = arith.constant 0 : i32
    %dma_wait3A_1740 = tpu.memref_slice %arg5[%add3A_1735, %dma_wait3A_1739] : memref<77000x512xf32, #tpu.memory_space<hbm>> -> memref<112x512xf32, #tpu.memory_space<hbm>>
    %dma_wait3A_1741 = arith.constant 0 : i32
    %dma_wait3A_1742 = tpu.memref_slice %arg5[%add3A_1735, %dma_wait3A_1741] : memref<77000x512xf32, #tpu.memory_space<hbm>> -> memref<112x512xf32, #tpu.memory_space<hbm>>
    %dma_wait3A_1743 = arith.constant 0 : i32
    %dma_wait3A_1744 = arith.constant 0 : i32
    %dma_wait3A_1745 = tpu.memref_slice %arg10[%dma_wait3A_1743, %dma_wait3A_1744] : memref<112x512xf32, #tpu.memory_space<vmem>> -> memref<112x512xf32, #tpu.memory_space<vmem>>
    tpu.wait_dma2 semaphore(%arg15 : memref<!tpu.dma_semaphore, #tpu.memory_space<semaphore_mem>>) src(%dma_wait3A_1745 : memref<112x512xf32, #tpu.memory_space<vmem>>) dst(%dma_wait3A_1742 : memref<112x512xf32, #tpu.memory_space<hbm>>)
    %mul3A_1746 = arith.constant 1000 : i32
    %mul3A_1747 = arith.muli %add3A, %mul3A_1746 : i32
    %add3A_1748 = arith.constant 21000 : i32
    %add3A_1749 = arith.addi %add3A_1748, %mul3A_1747 : i32
    %add3A_1750 = arith.constant 896 : i32
    %add3A_1751 = arith.addi %add3A_1749, %add3A_1750 : i32
    %dma_wait3A_1752 = arith.constant 0 : i32
    %dma_wait3A_1753 = arith.constant 0 : i32
    %dma_wait3A_1754 = tpu.memref_slice %arg9[%dma_wait3A_1752, %dma_wait3A_1753] : memref<112x512xf32, #tpu.memory_space<vmem>> -> memref<104x512xf32, #tpu.memory_space<vmem>>
    %dma_wait3A_1755 = arith.constant 0 : i32
    %dma_wait3A_1756 = tpu.memref_slice %arg5[%add3A_1751, %dma_wait3A_1755] : memref<77000x512xf32, #tpu.memory_space<hbm>> -> memref<104x512xf32, #tpu.memory_space<hbm>>
    %dma_wait3A_1757 = arith.constant 0 : i32
    %dma_wait3A_1758 = tpu.memref_slice %arg5[%add3A_1751, %dma_wait3A_1757] : memref<77000x512xf32, #tpu.memory_space<hbm>> -> memref<104x512xf32, #tpu.memory_space<hbm>>
    %dma_wait3A_1759 = arith.constant 0 : i32
    %dma_wait3A_1760 = arith.constant 0 : i32
    %dma_wait3A_1761 = tpu.memref_slice %arg9[%dma_wait3A_1759, %dma_wait3A_1760] : memref<112x512xf32, #tpu.memory_space<vmem>> -> memref<104x512xf32, #tpu.memory_space<vmem>>
    tpu.wait_dma2 semaphore(%arg14 : memref<!tpu.dma_semaphore, #tpu.memory_space<semaphore_mem>>) src(%dma_wait3A_1761 : memref<104x512xf32, #tpu.memory_space<vmem>>) dst(%dma_wait3A_1758 : memref<104x512xf32, #tpu.memory_space<hbm>>)
    %lt3A_1762 = arith.constant 24 : i32
    %lt3A_1763 = arith.cmpi slt, %add3A, %lt3A_1762 : i32
    %convert_element_type3A = arith.extui %lt3A_1763 : i1 to i32
    %cond3A = arith.constant 0 : i32
    %cond3A_1764 = arith.cmpi ne, %convert_element_type3A, %cond3A : i32
    scf.if %cond3A_1764 {
      %add3A_1765 = arith.constant 32 : i32
      %add3A_1766 = arith.addi %add3A, %add3A_1765 : i32
      %add3A_1767 = arith.constant 0 : i32
      %add3A_1768 = vector.broadcast %add3A_1767 : i32 to vector<16xi32>
      %add3A_1769 = arith.addi %add3A_1768, %iota3A : vector<16xi32>
      %min3A_1770 = arith.constant 999 : i32
      %min3A_1771 = vector.broadcast %min3A_1770 : i32 to vector<16xi32>
      %min3A_1772 = arith.minsi %add3A_1769, %min3A_1771 : vector<16xi32>
      %mul3A_1773 = arith.constant 56 : i32
      %mul3A_1774 = vector.broadcast %mul3A_1773 : i32 to vector<16xi32>
      %mul3A_1775 = arith.muli %min3A_1772, %mul3A_1774 : vector<16xi32>
      %add3A_1776 = vector.broadcast %add3A_1766 : i32 to vector<16xi32>
      %add3A_1777 = arith.addi %mul3A_1775, %add3A_1776 : vector<16xi32>
      %swap3A_1778 = arith.constant 0 : index
      %swap3A_1779 = tpu.vector_load %arg6[%swap3A_1778] {strides = array<i32>} : memref<112xi32, #tpu.memory_space<vmem>>, vector<16xi32>,
      %swap3A_1780 = vector.shape_cast %swap3A_1779 : vector<16xi32> to vector<16xi32>
      %swap3A_1781 = vector.shape_cast %add3A_1777 : vector<16xi32> to vector<16xi32>
      tpu.vector_store %arg6[%swap3A_1778], %swap3A_1781 {strides = array<i32>} : memref<112xi32, #tpu.memory_space<vmem>>, vector<16xi32>,
      %add3A_1782 = arith.constant 16 : i32
      %add3A_1783 = vector.broadcast %add3A_1782 : i32 to vector<16xi32>
      %add3A_1784 = arith.addi %add3A_1783, %iota3A : vector<16xi32>
      %min3A_1785 = arith.constant 999 : i32
      %min3A_1786 = vector.broadcast %min3A_1785 : i32 to vector<16xi32>
      %min3A_1787 = arith.minsi %add3A_1784, %min3A_1786 : vector<16xi32>
      %mul3A_1788 = arith.constant 56 : i32
      %mul3A_1789 = vector.broadcast %mul3A_1788 : i32 to vector<16xi32>
      %mul3A_1790 = arith.muli %min3A_1787, %mul3A_1789 : vector<16xi32>
      %add3A_1791 = vector.broadcast %add3A_1766 : i32 to vector<16xi32>
      %add3A_1792 = arith.addi %mul3A_1790, %add3A_1791 : vector<16xi32>
      %swap3A_1793 = arith.constant 16 : index
      %swap3A_1794 = tpu.vector_load %arg6[%swap3A_1793] {strides = array<i32>} : memref<112xi32, #tpu.memory_space<vmem>>, vector<16xi32>,
      %swap3A_1795 = vector.shape_cast %swap3A_1794 : vector<16xi32> to vector<16xi32>
      %swap3A_1796 = vector.shape_cast %add3A_1792 : vector<16xi32> to vector<16xi32>
      tpu.vector_store %arg6[%swap3A_1793], %swap3A_1796 {strides = array<i32>} : memref<112xi32, #tpu.memory_space<vmem>>, vector<16xi32>,
      %add3A_1797 = arith.constant 32 : i32
      %add3A_1798 = vector.broadcast %add3A_1797 : i32 to vector<16xi32>
      %add3A_1799 = arith.addi %add3A_1798, %iota3A : vector<16xi32>
      %min3A_1800 = arith.constant 999 : i32
      %min3A_1801 = vector.broadcast %min3A_1800 : i32 to vector<16xi32>
      %min3A_1802 = arith.minsi %add3A_1799, %min3A_1801 : vector<16xi32>
      %mul3A_1803 = arith.constant 56 : i32
      %mul3A_1804 = vector.broadcast %mul3A_1803 : i32 to vector<16xi32>
      %mul3A_1805 = arith.muli %min3A_1802, %mul3A_1804 : vector<16xi32>
      %add3A_1806 = vector.broadcast %add3A_1766 : i32 to vector<16xi32>
      %add3A_1807 = arith.addi %mul3A_1805, %add3A_1806 : vector<16xi32>
      %swap3A_1808 = arith.constant 32 : index
      %swap3A_1809 = tpu.vector_load %arg6[%swap3A_1808] {strides = array<i32>} : memref<112xi32, #tpu.memory_space<vmem>>, vector<16xi32>,
      %swap3A_1810 = vector.shape_cast %swap3A_1809 : vector<16xi32> to vector<16xi32>
      %swap3A_1811 = vector.shape_cast %add3A_1807 : vector<16xi32> to vector<16xi32>
      tpu.vector_store %arg6[%swap3A_1808], %swap3A_1811 {strides = array<i32>} : memref<112xi32, #tpu.memory_space<vmem>>, vector<16xi32>,
      %add3A_1812 = arith.constant 48 : i32
      %add3A_1813 = vector.broadcast %add3A_1812 : i32 to vector<16xi32>
      %add3A_1814 = arith.addi %add3A_1813, %iota3A : vector<16xi32>
      %min3A_1815 = arith.constant 999 : i32
      %min3A_1816 = vector.broadcast %min3A_1815 : i32 to vector<16xi32>
      %min3A_1817 = arith.minsi %add3A_1814, %min3A_1816 : vector<16xi32>
      %mul3A_1818 = arith.constant 56 : i32
      %mul3A_1819 = vector.broadcast %mul3A_1818 : i32 to vector<16xi32>
      %mul3A_1820 = arith.muli %min3A_1817, %mul3A_1819 : vector<16xi32>
      %add3A_1821 = vector.broadcast %add3A_1766 : i32 to vector<16xi32>
      %add3A_1822 = arith.addi %mul3A_1820, %add3A_1821 : vector<16xi32>
      %swap3A_1823 = arith.constant 48 : index
      %swap3A_1824 = tpu.vector_load %arg6[%swap3A_1823] {strides = array<i32>} : memref<112xi32, #tpu.memory_space<vmem>>, vector<16xi32>,
      %swap3A_1825 = vector.shape_cast %swap3A_1824 : vector<16xi32> to vector<16xi32>
      %swap3A_1826 = vector.shape_cast %add3A_1822 : vector<16xi32> to vector<16xi32>
      tpu.vector_store %arg6[%swap3A_1823], %swap3A_1826 {strides = array<i32>} : memref<112xi32, #tpu.memory_space<vmem>>, vector<16xi32>,
      %add3A_1827 = arith.constant 64 : i32
      %add3A_1828 = vector.broadcast %add3A_1827 : i32 to vector<16xi32>
      %add3A_1829 = arith.addi %add3A_1828, %iota3A : vector<16xi32>
      %min3A_1830 = arith.constant 999 : i32
      %min3A_1831 = vector.broadcast %min3A_1830 : i32 to vector<16xi32>
      %min3A_1832 = arith.minsi %add3A_1829, %min3A_1831 : vector<16xi32>
      %mul3A_1833 = arith.constant 56 : i32
      %mul3A_1834 = vector.broadcast %mul3A_1833 : i32 to vector<16xi32>
      %mul3A_1835 = arith.muli %min3A_1832, %mul3A_1834 : vector<16xi32>
      %add3A_1836 = vector.broadcast %add3A_1766 : i32 to vector<16xi32>
      %add3A_1837 = arith.addi %mul3A_1835, %add3A_1836 : vector<16xi32>
      %swap3A_1838 = arith.constant 64 : index
      %swap3A_1839 = tpu.vector_load %arg6[%swap3A_1838] {strides = array<i32>} : memref<112xi32, #tpu.memory_space<vmem>>, vector<16xi32>,
      %swap3A_1840 = vector.shape_cast %swap3A_1839 : vector<16xi32> to vector<16xi32>
      %swap3A_1841 = vector.shape_cast %add3A_1837 : vector<16xi32> to vector<16xi32>
      tpu.vector_store %arg6[%swap3A_1838], %swap3A_1841 {strides = array<i32>} : memref<112xi32, #tpu.memory_space<vmem>>, vector<16xi32>,
      %add3A_1842 = arith.constant 80 : i32
      %add3A_1843 = vector.broadcast %add3A_1842 : i32 to vector<16xi32>
      %add3A_1844 = arith.addi %add3A_1843, %iota3A : vector<16xi32>
      %min3A_1845 = arith.constant 999 : i32
      %min3A_1846 = vector.broadcast %min3A_1845 : i32 to vector<16xi32>
      %min3A_1847 = arith.minsi %add3A_1844, %min3A_1846 : vector<16xi32>
      %mul3A_1848 = arith.constant 56 : i32
      %mul3A_1849 = vector.broadcast %mul3A_1848 : i32 to vector<16xi32>
      %mul3A_1850 = arith.muli %min3A_1847, %mul3A_1849 : vector<16xi32>
      %add3A_1851 = vector.broadcast %add3A_1766 : i32 to vector<16xi32>
      %add3A_1852 = arith.addi %mul3A_1850, %add3A_1851 : vector<16xi32>
      %swap3A_1853 = arith.constant 80 : index
      %swap3A_1854 = tpu.vector_load %arg6[%swap3A_1853] {strides = array<i32>} : memref<112xi32, #tpu.memory_space<vmem>>, vector<16xi32>,
      %swap3A_1855 = vector.shape_cast %swap3A_1854 : vector<16xi32> to vector<16xi32>
      %swap3A_1856 = vector.shape_cast %add3A_1852 : vector<16xi32> to vector<16xi32>
      tpu.vector_store %arg6[%swap3A_1853], %swap3A_1856 {strides = array<i32>} : memref<112xi32, #tpu.memory_space<vmem>>, vector<16xi32>,
      %add3A_1857 = arith.constant 96 : i32
      %add3A_1858 = vector.broadcast %add3A_1857 : i32 to vector<16xi32>
      %add3A_1859 = arith.addi %add3A_1858, %iota3A : vector<16xi32>
      %min3A_1860 = arith.constant 999 : i32
      %min3A_1861 = vector.broadcast %min3A_1860 : i32 to vector<16xi32>
      %min3A_1862 = arith.minsi %add3A_1859, %min3A_1861 : vector<16xi32>
      %mul3A_1863 = arith.constant 56 : i32
      %mul3A_1864 = vector.broadcast %mul3A_1863 : i32 to vector<16xi32>
      %mul3A_1865 = arith.muli %min3A_1862, %mul3A_1864 : vector<16xi32>
      %add3A_1866 = vector.broadcast %add3A_1766 : i32 to vector<16xi32>
      %add3A_1867 = arith.addi %mul3A_1865, %add3A_1866 : vector<16xi32>
      %swap3A_1868 = arith.constant 96 : index
      %swap3A_1869 = tpu.vector_load %arg6[%swap3A_1868] {strides = array<i32>} : memref<112xi32, #tpu.memory_space<vmem>>, vector<16xi32>,
      %swap3A_1870 = vector.shape_cast %swap3A_1869 : vector<16xi32> to vector<16xi32>
      %swap3A_1871 = vector.shape_cast %add3A_1867 : vector<16xi32> to vector<16xi32>
      tpu.vector_store %arg6[%swap3A_1868], %swap3A_1871 {strides = array<i32>} : memref<112xi32, #tpu.memory_space<vmem>>, vector<16xi32>,
      %dma_start3A_1872 = arith.constant 0 : i32
      %dma_start3A_1873 = arith.constant 0 : i32
      %dma_start3A_1874 = tpu.memref_slice %arg4[%dma_start3A_1872, %dma_start3A_1873] : memref<56000x512xf32, #tpu.memory_space<hbm>> -> memref<56000x512xf32, #tpu.memory_space<hbm>>
      tpu.enqueue_indirect_dma source(%dma_start3A_1874 : memref<56000x512xf32, #tpu.memory_space<hbm>>) target(%arg9 : memref<112x512xf32, #tpu.memory_space<vmem>>) offsets(%arg6 : memref<112xi32, #tpu.memory_space<vmem>>) semaphore(%arg12 : memref<!tpu.dma_semaphore, #tpu.memory_space<semaphore_mem>>)
      %add3A_1875 = arith.constant 112 : i32
      %add3A_1876 = vector.broadcast %add3A_1875 : i32 to vector<16xi32>
      %add3A_1877 = arith.addi %add3A_1876, %iota3A : vector<16xi32>
      %min3A_1878 = arith.constant 999 : i32
      %min3A_1879 = vector.broadcast %min3A_1878 : i32 to vector<16xi32>
      %min3A_1880 = arith.minsi %add3A_1877, %min3A_1879 : vector<16xi32>
      %mul3A_1881 = arith.constant 56 : i32
      %mul3A_1882 = vector.broadcast %mul3A_1881 : i32 to vector<16xi32>
      %mul3A_1883 = arith.muli %min3A_1880, %mul3A_1882 : vector<16xi32>
      %add3A_1884 = vector.broadcast %add3A_1766 : i32 to vector<16xi32>
      %add3A_1885 = arith.addi %mul3A_1883, %add3A_1884 : vector<16xi32>
      %swap3A_1886 = arith.constant 0 : index
      %swap3A_1887 = tpu.vector_load %arg7[%swap3A_1886] {strides = array<i32>} : memref<112xi32, #tpu.memory_space<vmem>>, vector<16xi32>,
      %swap3A_1888 = vector.shape_cast %swap3A_1887 : vector<16xi32> to vector<16xi32>
      %swap3A_1889 = vector.shape_cast %add3A_1885 : vector<16xi32> to vector<16xi32>
      tpu.vector_store %arg7[%swap3A_1886], %swap3A_1889 {strides = array<i32>} : memref<112xi32, #tpu.memory_space<vmem>>, vector<16xi32>,
      %add3A_1890 = arith.constant 128 : i32
      %add3A_1891 = vector.broadcast %add3A_1890 : i32 to vector<16xi32>
      %add3A_1892 = arith.addi %add3A_1891, %iota3A : vector<16xi32>
      %min3A_1893 = arith.constant 999 : i32
      %min3A_1894 = vector.broadcast %min3A_1893 : i32 to vector<16xi32>
      %min3A_1895 = arith.minsi %add3A_1892, %min3A_1894 : vector<16xi32>
      %mul3A_1896 = arith.constant 56 : i32
      %mul3A_1897 = vector.broadcast %mul3A_1896 : i32 to vector<16xi32>
      %mul3A_1898 = arith.muli %min3A_1895, %mul3A_1897 : vector<16xi32>
      %add3A_1899 = vector.broadcast %add3A_1766 : i32 to vector<16xi32>
      %add3A_1900 = arith.addi %mul3A_1898, %add3A_1899 : vector<16xi32>
      %swap3A_1901 = arith.constant 16 : index
      %swap3A_1902 = tpu.vector_load %arg7[%swap3A_1901] {strides = array<i32>} : memref<112xi32, #tpu.memory_space<vmem>>, vector<16xi32>,
      %swap3A_1903 = vector.shape_cast %swap3A_1902 : vector<16xi32> to vector<16xi32>
      %swap3A_1904 = vector.shape_cast %add3A_1900 : vector<16xi32> to vector<16xi32>
      tpu.vector_store %arg7[%swap3A_1901], %swap3A_1904 {strides = array<i32>} : memref<112xi32, #tpu.memory_space<vmem>>, vector<16xi32>,
      %add3A_1905 = arith.constant 144 : i32
      %add3A_1906 = vector.broadcast %add3A_1905 : i32 to vector<16xi32>
      %add3A_1907 = arith.addi %add3A_1906, %iota3A : vector<16xi32>
      %min3A_1908 = arith.constant 999 : i32
      %min3A_1909 = vector.broadcast %min3A_1908 : i32 to vector<16xi32>
      %min3A_1910 = arith.minsi %add3A_1907, %min3A_1909 : vector<16xi32>
      %mul3A_1911 = arith.constant 56 : i32
      %mul3A_1912 = vector.broadcast %mul3A_1911 : i32 to vector<16xi32>
      %mul3A_1913 = arith.muli %min3A_1910, %mul3A_1912 : vector<16xi32>
      %add3A_1914 = vector.broadcast %add3A_1766 : i32 to vector<16xi32>
      %add3A_1915 = arith.addi %mul3A_1913, %add3A_1914 : vector<16xi32>
      %swap3A_1916 = arith.constant 32 : index
      %swap3A_1917 = tpu.vector_load %arg7[%swap3A_1916] {strides = array<i32>} : memref<112xi32, #tpu.memory_space<vmem>>, vector<16xi32>,
      %swap3A_1918 = vector.shape_cast %swap3A_1917 : vector<16xi32> to vector<16xi32>
      %swap3A_1919 = vector.shape_cast %add3A_1915 : vector<16xi32> to vector<16xi32>
      tpu.vector_store %arg7[%swap3A_1916], %swap3A_1919 {strides = array<i32>} : memref<112xi32, #tpu.memory_space<vmem>>, vector<16xi32>,
      %add3A_1920 = arith.constant 160 : i32
      %add3A_1921 = vector.broadcast %add3A_1920 : i32 to vector<16xi32>
      %add3A_1922 = arith.addi %add3A_1921, %iota3A : vector<16xi32>
      %min3A_1923 = arith.constant 999 : i32
      %min3A_1924 = vector.broadcast %min3A_1923 : i32 to vector<16xi32>
      %min3A_1925 = arith.minsi %add3A_1922, %min3A_1924 : vector<16xi32>
      %mul3A_1926 = arith.constant 56 : i32
      %mul3A_1927 = vector.broadcast %mul3A_1926 : i32 to vector<16xi32>
      %mul3A_1928 = arith.muli %min3A_1925, %mul3A_1927 : vector<16xi32>
      %add3A_1929 = vector.broadcast %add3A_1766 : i32 to vector<16xi32>
      %add3A_1930 = arith.addi %mul3A_1928, %add3A_1929 : vector<16xi32>
      %swap3A_1931 = arith.constant 48 : index
      %swap3A_1932 = tpu.vector_load %arg7[%swap3A_1931] {strides = array<i32>} : memref<112xi32, #tpu.memory_space<vmem>>, vector<16xi32>,
      %swap3A_1933 = vector.shape_cast %swap3A_1932 : vector<16xi32> to vector<16xi32>
      %swap3A_1934 = vector.shape_cast %add3A_1930 : vector<16xi32> to vector<16xi32>
      tpu.vector_store %arg7[%swap3A_1931], %swap3A_1934 {strides = array<i32>} : memref<112xi32, #tpu.memory_space<vmem>>, vector<16xi32>,
      %add3A_1935 = arith.constant 176 : i32
      %add3A_1936 = vector.broadcast %add3A_1935 : i32 to vector<16xi32>
      %add3A_1937 = arith.addi %add3A_1936, %iota3A : vector<16xi32>
      %min3A_1938 = arith.constant 999 : i32
      %min3A_1939 = vector.broadcast %min3A_1938 : i32 to vector<16xi32>
      %min3A_1940 = arith.minsi %add3A_1937, %min3A_1939 : vector<16xi32>
      %mul3A_1941 = arith.constant 56 : i32
      %mul3A_1942 = vector.broadcast %mul3A_1941 : i32 to vector<16xi32>
      %mul3A_1943 = arith.muli %min3A_1940, %mul3A_1942 : vector<16xi32>
      %add3A_1944 = vector.broadcast %add3A_1766 : i32 to vector<16xi32>
      %add3A_1945 = arith.addi %mul3A_1943, %add3A_1944 : vector<16xi32>
      %swap3A_1946 = arith.constant 64 : index
      %swap3A_1947 = tpu.vector_load %arg7[%swap3A_1946] {strides = array<i32>} : memref<112xi32, #tpu.memory_space<vmem>>, vector<16xi32>,
      %swap3A_1948 = vector.shape_cast %swap3A_1947 : vector<16xi32> to vector<16xi32>
      %swap3A_1949 = vector.shape_cast %add3A_1945 : vector<16xi32> to vector<16xi32>
      tpu.vector_store %arg7[%swap3A_1946], %swap3A_1949 {strides = array<i32>} : memref<112xi32, #tpu.memory_space<vmem>>, vector<16xi32>,
      %add3A_1950 = arith.constant 192 : i32
      %add3A_1951 = vector.broadcast %add3A_1950 : i32 to vector<16xi32>
      %add3A_1952 = arith.addi %add3A_1951, %iota3A : vector<16xi32>
      %min3A_1953 = arith.constant 999 : i32
      %min3A_1954 = vector.broadcast %min3A_1953 : i32 to vector<16xi32>
      %min3A_1955 = arith.minsi %add3A_1952, %min3A_1954 : vector<16xi32>
      %mul3A_1956 = arith.constant 56 : i32
      %mul3A_1957 = vector.broadcast %mul3A_1956 : i32 to vector<16xi32>
      %mul3A_1958 = arith.muli %min3A_1955, %mul3A_1957 : vector<16xi32>
      %add3A_1959 = vector.broadcast %add3A_1766 : i32 to vector<16xi32>
      %add3A_1960 = arith.addi %mul3A_1958, %add3A_1959 : vector<16xi32>
      %swap3A_1961 = arith.constant 80 : index
      %swap3A_1962 = tpu.vector_load %arg7[%swap3A_1961] {strides = array<i32>} : memref<112xi32, #tpu.memory_space<vmem>>, vector<16xi32>,
      %swap3A_1963 = vector.shape_cast %swap3A_1962 : vector<16xi32> to vector<16xi32>
      %swap3A_1964 = vector.shape_cast %add3A_1960 : vector<16xi32> to vector<16xi32>
      tpu.vector_store %arg7[%swap3A_1961], %swap3A_1964 {strides = array<i32>} : memref<112xi32, #tpu.memory_space<vmem>>, vector<16xi32>,
      %add3A_1965 = arith.constant 208 : i32
      %add3A_1966 = vector.broadcast %add3A_1965 : i32 to vector<16xi32>
      %add3A_1967 = arith.addi %add3A_1966, %iota3A : vector<16xi32>
      %min3A_1968 = arith.constant 999 : i32
      %min3A_1969 = vector.broadcast %min3A_1968 : i32 to vector<16xi32>
      %min3A_1970 = arith.minsi %add3A_1967, %min3A_1969 : vector<16xi32>
      %mul3A_1971 = arith.constant 56 : i32
      %mul3A_1972 = vector.broadcast %mul3A_1971 : i32 to vector<16xi32>
      %mul3A_1973 = arith.muli %min3A_1970, %mul3A_1972 : vector<16xi32>
      %add3A_1974 = vector.broadcast %add3A_1766 : i32 to vector<16xi32>
      %add3A_1975 = arith.addi %mul3A_1973, %add3A_1974 : vector<16xi32>
      %swap3A_1976 = arith.constant 96 : index
      %swap3A_1977 = tpu.vector_load %arg7[%swap3A_1976] {strides = array<i32>} : memref<112xi32, #tpu.memory_space<vmem>>, vector<16xi32>,
      %swap3A_1978 = vector.shape_cast %swap3A_1977 : vector<16xi32> to vector<16xi32>
      %swap3A_1979 = vector.shape_cast %add3A_1975 : vector<16xi32> to vector<16xi32>
      tpu.vector_store %arg7[%swap3A_1976], %swap3A_1979 {strides = array<i32>} : memref<112xi32, #tpu.memory_space<vmem>>, vector<16xi32>,
      %dma_start3A_1980 = arith.constant 0 : i32
      %dma_start3A_1981 = arith.constant 0 : i32
      %dma_start3A_1982 = tpu.memref_slice %arg4[%dma_start3A_1980, %dma_start3A_1981] : memref<56000x512xf32, #tpu.memory_space<hbm>> -> memref<56000x512xf32, #tpu.memory_space<hbm>>
      tpu.enqueue_indirect_dma source(%dma_start3A_1982 : memref<56000x512xf32, #tpu.memory_space<hbm>>) target(%arg10 : memref<112x512xf32, #tpu.memory_space<vmem>>) offsets(%arg7 : memref<112xi32, #tpu.memory_space<vmem>>) semaphore(%arg13 : memref<!tpu.dma_semaphore, #tpu.memory_space<semaphore_mem>>)
      %dma_wait3A_1983 = arith.constant 0 : i32
      %dma_wait3A_1984 = arith.constant 0 : i32
      %dma_wait3A_1985 = tpu.memref_slice %arg4[%dma_wait3A_1983, %dma_wait3A_1984] : memref<56000x512xf32, #tpu.memory_space<hbm>> -> memref<56000x512xf32, #tpu.memory_space<hbm>>
      tpu.wait_indirect_dma semaphore(%arg12 : memref<!tpu.dma_semaphore, #tpu.memory_space<semaphore_mem>>) src(%dma_wait3A_1985 : memref<56000x512xf32, #tpu.memory_space<hbm>>) dst(%arg9 : memref<112x512xf32, #tpu.memory_space<vmem>>)
      %mul3A_1986 = arith.constant 1000 : i32
      %mul3A_1987 = arith.muli %add3A_1766, %mul3A_1986 : i32
      %add3A_1988 = arith.constant 21000 : i32
      %add3A_1989 = arith.addi %add3A_1988, %mul3A_1987 : i32
      %add3A_1990 = arith.constant 0 : i32
      %add3A_1991 = arith.addi %add3A_1989, %add3A_1990 : i32
      %dma_start3A_1992 = arith.constant 0 : i32
      %dma_start3A_1993 = arith.constant 0 : i32
      %dma_start3A_1994 = tpu.memref_slice %arg9[%dma_start3A_1992, %dma_start3A_1993] : memref<112x512xf32, #tpu.memory_space<vmem>> -> memref<112x512xf32, #tpu.memory_space<vmem>>
      %dma_start3A_1995 = arith.constant 0 : i32
      %dma_start3A_1996 = tpu.memref_slice %arg5[%add3A_1991, %dma_start3A_1995] : memref<77000x512xf32, #tpu.memory_space<hbm>> -> memref<112x512xf32, #tpu.memory_space<hbm>>
      %dma_start3A_1997 = arith.constant 0 : i32
      %dma_start3A_1998 = tpu.memref_slice %arg5[%add3A_1991, %dma_start3A_1997] : memref<77000x512xf32, #tpu.memory_space<hbm>> -> memref<112x512xf32, #tpu.memory_space<hbm>>
      %dma_start3A_1999 = arith.constant 0 : i32
      %dma_start3A_2000 = arith.constant 0 : i32
      %dma_start3A_2001 = tpu.memref_slice %arg9[%dma_start3A_1999, %dma_start3A_2000] : memref<112x512xf32, #tpu.memory_space<vmem>> -> memref<112x512xf32, #tpu.memory_space<vmem>>
      tpu.enqueue_dma source(%dma_start3A_2001 : memref<112x512xf32, #tpu.memory_space<vmem>>) target(%dma_start3A_1998 : memref<112x512xf32, #tpu.memory_space<hbm>>) target_semaphore(%arg14 : memref<!tpu.dma_semaphore, #tpu.memory_space<semaphore_mem>>)
      %mul3A_2002 = arith.constant 1000 : i32
      %mul3A_2003 = arith.muli %add3A_1766, %mul3A_2002 : i32
      %add3A_2004 = arith.constant 21000 : i32
      %add3A_2005 = arith.addi %add3A_2004, %mul3A_2003 : i32
      %add3A_2006 = arith.constant 0 : i32
      %add3A_2007 = arith.addi %add3A_2005, %add3A_2006 : i32
      %dma_wait3A_2008 = arith.constant 0 : i32
      %dma_wait3A_2009 = arith.constant 0 : i32
      %dma_wait3A_2010 = tpu.memref_slice %arg9[%dma_wait3A_2008, %dma_wait3A_2009] : memref<112x512xf32, #tpu.memory_space<vmem>> -> memref<112x512xf32, #tpu.memory_space<vmem>>
      %dma_wait3A_2011 = arith.constant 0 : i32
      %dma_wait3A_2012 = tpu.memref_slice %arg5[%add3A_2007, %dma_wait3A_2011] : memref<77000x512xf32, #tpu.memory_space<hbm>> -> memref<112x512xf32, #tpu.memory_space<hbm>>
      %dma_wait3A_2013 = arith.constant 0 : i32
      %dma_wait3A_2014 = tpu.memref_slice %arg5[%add3A_2007, %dma_wait3A_2013] : memref<77000x512xf32, #tpu.memory_space<hbm>> -> memref<112x512xf32, #tpu.memory_space<hbm>>
      %dma_wait3A_2015 = arith.constant 0 : i32
      %dma_wait3A_2016 = arith.constant 0 : i32
      %dma_wait3A_2017 = tpu.memref_slice %arg9[%dma_wait3A_2015, %dma_wait3A_2016] : memref<112x512xf32, #tpu.memory_space<vmem>> -> memref<112x512xf32, #tpu.memory_space<vmem>>
      tpu.wait_dma2 semaphore(%arg14 : memref<!tpu.dma_semaphore, #tpu.memory_space<semaphore_mem>>) src(%dma_wait3A_2017 : memref<112x512xf32, #tpu.memory_space<vmem>>) dst(%dma_wait3A_2014 : memref<112x512xf32, #tpu.memory_space<hbm>>)
      %add3A_2018 = arith.constant 224 : i32
      %add3A_2019 = vector.broadcast %add3A_2018 : i32 to vector<16xi32>
      %add3A_2020 = arith.addi %add3A_2019, %iota3A : vector<16xi32>
      %min3A_2021 = arith.constant 999 : i32
      %min3A_2022 = vector.broadcast %min3A_2021 : i32 to vector<16xi32>
      %min3A_2023 = arith.minsi %add3A_2020, %min3A_2022 : vector<16xi32>
      %mul3A_2024 = arith.constant 56 : i32
      %mul3A_2025 = vector.broadcast %mul3A_2024 : i32 to vector<16xi32>
      %mul3A_2026 = arith.muli %min3A_2023, %mul3A_2025 : vector<16xi32>
      %add3A_2027 = vector.broadcast %add3A_1766 : i32 to vector<16xi32>
      %add3A_2028 = arith.addi %mul3A_2026, %add3A_2027 : vector<16xi32>
      %swap3A_2029 = arith.constant 0 : index
      %swap3A_2030 = tpu.vector_load %arg6[%swap3A_2029] {strides = array<i32>} : memref<112xi32, #tpu.memory_space<vmem>>, vector<16xi32>,
      %swap3A_2031 = vector.shape_cast %swap3A_2030 : vector<16xi32> to vector<16xi32>
      %swap3A_2032 = vector.shape_cast %add3A_2028 : vector<16xi32> to vector<16xi32>
      tpu.vector_store %arg6[%swap3A_2029], %swap3A_2032 {strides = array<i32>} : memref<112xi32, #tpu.memory_space<vmem>>, vector<16xi32>,
      %add3A_2033 = arith.constant 240 : i32
      %add3A_2034 = vector.broadcast %add3A_2033 : i32 to vector<16xi32>
      %add3A_2035 = arith.addi %add3A_2034, %iota3A : vector<16xi32>
      %min3A_2036 = arith.constant 999 : i32
      %min3A_2037 = vector.broadcast %min3A_2036 : i32 to vector<16xi32>
      %min3A_2038 = arith.minsi %add3A_2035, %min3A_2037 : vector<16xi32>
      %mul3A_2039 = arith.constant 56 : i32
      %mul3A_2040 = vector.broadcast %mul3A_2039 : i32 to vector<16xi32>
      %mul3A_2041 = arith.muli %min3A_2038, %mul3A_2040 : vector<16xi32>
      %add3A_2042 = vector.broadcast %add3A_1766 : i32 to vector<16xi32>
      %add3A_2043 = arith.addi %mul3A_2041, %add3A_2042 : vector<16xi32>
      %swap3A_2044 = arith.constant 16 : index
      %swap3A_2045 = tpu.vector_load %arg6[%swap3A_2044] {strides = array<i32>} : memref<112xi32, #tpu.memory_space<vmem>>, vector<16xi32>,
      %swap3A_2046 = vector.shape_cast %swap3A_2045 : vector<16xi32> to vector<16xi32>
      %swap3A_2047 = vector.shape_cast %add3A_2043 : vector<16xi32> to vector<16xi32>
      tpu.vector_store %arg6[%swap3A_2044], %swap3A_2047 {strides = array<i32>} : memref<112xi32, #tpu.memory_space<vmem>>, vector<16xi32>,
      %add3A_2048 = arith.constant 256 : i32
      %add3A_2049 = vector.broadcast %add3A_2048 : i32 to vector<16xi32>
      %add3A_2050 = arith.addi %add3A_2049, %iota3A : vector<16xi32>
      %min3A_2051 = arith.constant 999 : i32
      %min3A_2052 = vector.broadcast %min3A_2051 : i32 to vector<16xi32>
      %min3A_2053 = arith.minsi %add3A_2050, %min3A_2052 : vector<16xi32>
      %mul3A_2054 = arith.constant 56 : i32
      %mul3A_2055 = vector.broadcast %mul3A_2054 : i32 to vector<16xi32>
      %mul3A_2056 = arith.muli %min3A_2053, %mul3A_2055 : vector<16xi32>
      %add3A_2057 = vector.broadcast %add3A_1766 : i32 to vector<16xi32>
      %add3A_2058 = arith.addi %mul3A_2056, %add3A_2057 : vector<16xi32>
      %swap3A_2059 = arith.constant 32 : index
      %swap3A_2060 = tpu.vector_load %arg6[%swap3A_2059] {strides = array<i32>} : memref<112xi32, #tpu.memory_space<vmem>>, vector<16xi32>,
      %swap3A_2061 = vector.shape_cast %swap3A_2060 : vector<16xi32> to vector<16xi32>
      %swap3A_2062 = vector.shape_cast %add3A_2058 : vector<16xi32> to vector<16xi32>
      tpu.vector_store %arg6[%swap3A_2059], %swap3A_2062 {strides = array<i32>} : memref<112xi32, #tpu.memory_space<vmem>>, vector<16xi32>,
      %add3A_2063 = arith.constant 272 : i32
      %add3A_2064 = vector.broadcast %add3A_2063 : i32 to vector<16xi32>
      %add3A_2065 = arith.addi %add3A_2064, %iota3A : vector<16xi32>
      %min3A_2066 = arith.constant 999 : i32
      %min3A_2067 = vector.broadcast %min3A_2066 : i32 to vector<16xi32>
      %min3A_2068 = arith.minsi %add3A_2065, %min3A_2067 : vector<16xi32>
      %mul3A_2069 = arith.constant 56 : i32
      %mul3A_2070 = vector.broadcast %mul3A_2069 : i32 to vector<16xi32>
      %mul3A_2071 = arith.muli %min3A_2068, %mul3A_2070 : vector<16xi32>
      %add3A_2072 = vector.broadcast %add3A_1766 : i32 to vector<16xi32>
      %add3A_2073 = arith.addi %mul3A_2071, %add3A_2072 : vector<16xi32>
      %swap3A_2074 = arith.constant 48 : index
      %swap3A_2075 = tpu.vector_load %arg6[%swap3A_2074] {strides = array<i32>} : memref<112xi32, #tpu.memory_space<vmem>>, vector<16xi32>,
      %swap3A_2076 = vector.shape_cast %swap3A_2075 : vector<16xi32> to vector<16xi32>
      %swap3A_2077 = vector.shape_cast %add3A_2073 : vector<16xi32> to vector<16xi32>
      tpu.vector_store %arg6[%swap3A_2074], %swap3A_2077 {strides = array<i32>} : memref<112xi32, #tpu.memory_space<vmem>>, vector<16xi32>,
      %add3A_2078 = arith.constant 288 : i32
      %add3A_2079 = vector.broadcast %add3A_2078 : i32 to vector<16xi32>
      %add3A_2080 = arith.addi %add3A_2079, %iota3A : vector<16xi32>
      %min3A_2081 = arith.constant 999 : i32
      %min3A_2082 = vector.broadcast %min3A_2081 : i32 to vector<16xi32>
      %min3A_2083 = arith.minsi %add3A_2080, %min3A_2082 : vector<16xi32>
      %mul3A_2084 = arith.constant 56 : i32
      %mul3A_2085 = vector.broadcast %mul3A_2084 : i32 to vector<16xi32>
      %mul3A_2086 = arith.muli %min3A_2083, %mul3A_2085 : vector<16xi32>
      %add3A_2087 = vector.broadcast %add3A_1766 : i32 to vector<16xi32>
      %add3A_2088 = arith.addi %mul3A_2086, %add3A_2087 : vector<16xi32>
      %swap3A_2089 = arith.constant 64 : index
      %swap3A_2090 = tpu.vector_load %arg6[%swap3A_2089] {strides = array<i32>} : memref<112xi32, #tpu.memory_space<vmem>>, vector<16xi32>,
      %swap3A_2091 = vector.shape_cast %swap3A_2090 : vector<16xi32> to vector<16xi32>
      %swap3A_2092 = vector.shape_cast %add3A_2088 : vector<16xi32> to vector<16xi32>
      tpu.vector_store %arg6[%swap3A_2089], %swap3A_2092 {strides = array<i32>} : memref<112xi32, #tpu.memory_space<vmem>>, vector<16xi32>,
      %add3A_2093 = arith.constant 304 : i32
      %add3A_2094 = vector.broadcast %add3A_2093 : i32 to vector<16xi32>
      %add3A_2095 = arith.addi %add3A_2094, %iota3A : vector<16xi32>
      %min3A_2096 = arith.constant 999 : i32
      %min3A_2097 = vector.broadcast %min3A_2096 : i32 to vector<16xi32>
      %min3A_2098 = arith.minsi %add3A_2095, %min3A_2097 : vector<16xi32>
      %mul3A_2099 = arith.constant 56 : i32
      %mul3A_2100 = vector.broadcast %mul3A_2099 : i32 to vector<16xi32>
      %mul3A_2101 = arith.muli %min3A_2098, %mul3A_2100 : vector<16xi32>
      %add3A_2102 = vector.broadcast %add3A_1766 : i32 to vector<16xi32>
      %add3A_2103 = arith.addi %mul3A_2101, %add3A_2102 : vector<16xi32>
      %swap3A_2104 = arith.constant 80 : index
      %swap3A_2105 = tpu.vector_load %arg6[%swap3A_2104] {strides = array<i32>} : memref<112xi32, #tpu.memory_space<vmem>>, vector<16xi32>,
      %swap3A_2106 = vector.shape_cast %swap3A_2105 : vector<16xi32> to vector<16xi32>
      %swap3A_2107 = vector.shape_cast %add3A_2103 : vector<16xi32> to vector<16xi32>
      tpu.vector_store %arg6[%swap3A_2104], %swap3A_2107 {strides = array<i32>} : memref<112xi32, #tpu.memory_space<vmem>>, vector<16xi32>,
      %add3A_2108 = arith.constant 320 : i32
      %add3A_2109 = vector.broadcast %add3A_2108 : i32 to vector<16xi32>
      %add3A_2110 = arith.addi %add3A_2109, %iota3A : vector<16xi32>
      %min3A_2111 = arith.constant 999 : i32
      %min3A_2112 = vector.broadcast %min3A_2111 : i32 to vector<16xi32>
      %min3A_2113 = arith.minsi %add3A_2110, %min3A_2112 : vector<16xi32>
      %mul3A_2114 = arith.constant 56 : i32
      %mul3A_2115 = vector.broadcast %mul3A_2114 : i32 to vector<16xi32>
      %mul3A_2116 = arith.muli %min3A_2113, %mul3A_2115 : vector<16xi32>
      %add3A_2117 = vector.broadcast %add3A_1766 : i32 to vector<16xi32>
      %add3A_2118 = arith.addi %mul3A_2116, %add3A_2117 : vector<16xi32>
      %swap3A_2119 = arith.constant 96 : index
      %swap3A_2120 = tpu.vector_load %arg6[%swap3A_2119] {strides = array<i32>} : memref<112xi32, #tpu.memory_space<vmem>>, vector<16xi32>,
      %swap3A_2121 = vector.shape_cast %swap3A_2120 : vector<16xi32> to vector<16xi32>
      %swap3A_2122 = vector.shape_cast %add3A_2118 : vector<16xi32> to vector<16xi32>
      tpu.vector_store %arg6[%swap3A_2119], %swap3A_2122 {strides = array<i32>} : memref<112xi32, #tpu.memory_space<vmem>>, vector<16xi32>,
      %dma_start3A_2123 = arith.constant 0 : i32
      %dma_start3A_2124 = arith.constant 0 : i32
      %dma_start3A_2125 = tpu.memref_slice %arg4[%dma_start3A_2123, %dma_start3A_2124] : memref<56000x512xf32, #tpu.memory_space<hbm>> -> memref<56000x512xf32, #tpu.memory_space<hbm>>
      tpu.enqueue_indirect_dma source(%dma_start3A_2125 : memref<56000x512xf32, #tpu.memory_space<hbm>>) target(%arg9 : memref<112x512xf32, #tpu.memory_space<vmem>>) offsets(%arg6 : memref<112xi32, #tpu.memory_space<vmem>>) semaphore(%arg12 : memref<!tpu.dma_semaphore, #tpu.memory_space<semaphore_mem>>)
      %dma_wait3A_2126 = arith.constant 0 : i32
      %dma_wait3A_2127 = arith.constant 0 : i32
      %dma_wait3A_2128 = tpu.memref_slice %arg4[%dma_wait3A_2126, %dma_wait3A_2127] : memref<56000x512xf32, #tpu.memory_space<hbm>> -> memref<56000x512xf32, #tpu.memory_space<hbm>>
      tpu.wait_indirect_dma semaphore(%arg13 : memref<!tpu.dma_semaphore, #tpu.memory_space<semaphore_mem>>) src(%dma_wait3A_2128 : memref<56000x512xf32, #tpu.memory_space<hbm>>) dst(%arg10 : memref<112x512xf32, #tpu.memory_space<vmem>>)
      %mul3A_2129 = arith.constant 1000 : i32
      %mul3A_2130 = arith.muli %add3A_1766, %mul3A_2129 : i32
      %add3A_2131 = arith.constant 21000 : i32
      %add3A_2132 = arith.addi %add3A_2131, %mul3A_2130 : i32
      %add3A_2133 = arith.constant 112 : i32
      %add3A_2134 = arith.addi %add3A_2132, %add3A_2133 : i32
      %dma_start3A_2135 = arith.constant 0 : i32
      %dma_start3A_2136 = arith.constant 0 : i32
      %dma_start3A_2137 = tpu.memref_slice %arg10[%dma_start3A_2135, %dma_start3A_2136] : memref<112x512xf32, #tpu.memory_space<vmem>> -> memref<112x512xf32, #tpu.memory_space<vmem>>
      %dma_start3A_2138 = arith.constant 0 : i32
      %dma_start3A_2139 = tpu.memref_slice %arg5[%add3A_2134, %dma_start3A_2138] : memref<77000x512xf32, #tpu.memory_space<hbm>> -> memref<112x512xf32, #tpu.memory_space<hbm>>
      %dma_start3A_2140 = arith.constant 0 : i32
      %dma_start3A_2141 = tpu.memref_slice %arg5[%add3A_2134, %dma_start3A_2140] : memref<77000x512xf32, #tpu.memory_space<hbm>> -> memref<112x512xf32, #tpu.memory_space<hbm>>
      %dma_start3A_2142 = arith.constant 0 : i32
      %dma_start3A_2143 = arith.constant 0 : i32
      %dma_start3A_2144 = tpu.memref_slice %arg10[%dma_start3A_2142, %dma_start3A_2143] : memref<112x512xf32, #tpu.memory_space<vmem>> -> memref<112x512xf32, #tpu.memory_space<vmem>>
      tpu.enqueue_dma source(%dma_start3A_2144 : memref<112x512xf32, #tpu.memory_space<vmem>>) target(%dma_start3A_2141 : memref<112x512xf32, #tpu.memory_space<hbm>>) target_semaphore(%arg15 : memref<!tpu.dma_semaphore, #tpu.memory_space<semaphore_mem>>)
      %mul3A_2145 = arith.constant 1000 : i32
      %mul3A_2146 = arith.muli %add3A_1766, %mul3A_2145 : i32
      %add3A_2147 = arith.constant 21000 : i32
      %add3A_2148 = arith.addi %add3A_2147, %mul3A_2146 : i32
      %add3A_2149 = arith.constant 112 : i32
      %add3A_2150 = arith.addi %add3A_2148, %add3A_2149 : i32
      %dma_wait3A_2151 = arith.constant 0 : i32
      %dma_wait3A_2152 = arith.constant 0 : i32
      %dma_wait3A_2153 = tpu.memref_slice %arg10[%dma_wait3A_2151, %dma_wait3A_2152] : memref<112x512xf32, #tpu.memory_space<vmem>> -> memref<112x512xf32, #tpu.memory_space<vmem>>
      %dma_wait3A_2154 = arith.constant 0 : i32
      %dma_wait3A_2155 = tpu.memref_slice %arg5[%add3A_2150, %dma_wait3A_2154] : memref<77000x512xf32, #tpu.memory_space<hbm>> -> memref<112x512xf32, #tpu.memory_space<hbm>>
      %dma_wait3A_2156 = arith.constant 0 : i32
      %dma_wait3A_2157 = tpu.memref_slice %arg5[%add3A_2150, %dma_wait3A_2156] : memref<77000x512xf32, #tpu.memory_space<hbm>> -> memref<112x512xf32, #tpu.memory_space<hbm>>
      %dma_wait3A_2158 = arith.constant 0 : i32
      %dma_wait3A_2159 = arith.constant 0 : i32
      %dma_wait3A_2160 = tpu.memref_slice %arg10[%dma_wait3A_2158, %dma_wait3A_2159] : memref<112x512xf32, #tpu.memory_space<vmem>> -> memref<112x512xf32, #tpu.memory_space<vmem>>
      tpu.wait_dma2 semaphore(%arg15 : memref<!tpu.dma_semaphore, #tpu.memory_space<semaphore_mem>>) src(%dma_wait3A_2160 : memref<112x512xf32, #tpu.memory_space<vmem>>) dst(%dma_wait3A_2157 : memref<112x512xf32, #tpu.memory_space<hbm>>)
      %add3A_2161 = arith.constant 336 : i32
      %add3A_2162 = vector.broadcast %add3A_2161 : i32 to vector<16xi32>
      %add3A_2163 = arith.addi %add3A_2162, %iota3A : vector<16xi32>
      %min3A_2164 = arith.constant 999 : i32
      %min3A_2165 = vector.broadcast %min3A_2164 : i32 to vector<16xi32>
      %min3A_2166 = arith.minsi %add3A_2163, %min3A_2165 : vector<16xi32>
      %mul3A_2167 = arith.constant 56 : i32
      %mul3A_2168 = vector.broadcast %mul3A_2167 : i32 to vector<16xi32>
      %mul3A_2169 = arith.muli %min3A_2166, %mul3A_2168 : vector<16xi32>
      %add3A_2170 = vector.broadcast %add3A_1766 : i32 to vector<16xi32>
      %add3A_2171 = arith.addi %mul3A_2169, %add3A_2170 : vector<16xi32>
      %swap3A_2172 = arith.constant 0 : index
      %swap3A_2173 = tpu.vector_load %arg7[%swap3A_2172] {strides = array<i32>} : memref<112xi32, #tpu.memory_space<vmem>>, vector<16xi32>,
      %swap3A_2174 = vector.shape_cast %swap3A_2173 : vector<16xi32> to vector<16xi32>
      %swap3A_2175 = vector.shape_cast %add3A_2171 : vector<16xi32> to vector<16xi32>
      tpu.vector_store %arg7[%swap3A_2172], %swap3A_2175 {strides = array<i32>} : memref<112xi32, #tpu.memory_space<vmem>>, vector<16xi32>,
      %add3A_2176 = arith.constant 352 : i32
      %add3A_2177 = vector.broadcast %add3A_2176 : i32 to vector<16xi32>
      %add3A_2178 = arith.addi %add3A_2177, %iota3A : vector<16xi32>
      %min3A_2179 = arith.constant 999 : i32
      %min3A_2180 = vector.broadcast %min3A_2179 : i32 to vector<16xi32>
      %min3A_2181 = arith.minsi %add3A_2178, %min3A_2180 : vector<16xi32>
      %mul3A_2182 = arith.constant 56 : i32
      %mul3A_2183 = vector.broadcast %mul3A_2182 : i32 to vector<16xi32>
      %mul3A_2184 = arith.muli %min3A_2181, %mul3A_2183 : vector<16xi32>
      %add3A_2185 = vector.broadcast %add3A_1766 : i32 to vector<16xi32>
      %add3A_2186 = arith.addi %mul3A_2184, %add3A_2185 : vector<16xi32>
      %swap3A_2187 = arith.constant 16 : index
      %swap3A_2188 = tpu.vector_load %arg7[%swap3A_2187] {strides = array<i32>} : memref<112xi32, #tpu.memory_space<vmem>>, vector<16xi32>,
      %swap3A_2189 = vector.shape_cast %swap3A_2188 : vector<16xi32> to vector<16xi32>
      %swap3A_2190 = vector.shape_cast %add3A_2186 : vector<16xi32> to vector<16xi32>
      tpu.vector_store %arg7[%swap3A_2187], %swap3A_2190 {strides = array<i32>} : memref<112xi32, #tpu.memory_space<vmem>>, vector<16xi32>,
      %add3A_2191 = arith.constant 368 : i32
      %add3A_2192 = vector.broadcast %add3A_2191 : i32 to vector<16xi32>
      %add3A_2193 = arith.addi %add3A_2192, %iota3A : vector<16xi32>
      %min3A_2194 = arith.constant 999 : i32
      %min3A_2195 = vector.broadcast %min3A_2194 : i32 to vector<16xi32>
      %min3A_2196 = arith.minsi %add3A_2193, %min3A_2195 : vector<16xi32>
      %mul3A_2197 = arith.constant 56 : i32
      %mul3A_2198 = vector.broadcast %mul3A_2197 : i32 to vector<16xi32>
      %mul3A_2199 = arith.muli %min3A_2196, %mul3A_2198 : vector<16xi32>
      %add3A_2200 = vector.broadcast %add3A_1766 : i32 to vector<16xi32>
      %add3A_2201 = arith.addi %mul3A_2199, %add3A_2200 : vector<16xi32>
      %swap3A_2202 = arith.constant 32 : index
      %swap3A_2203 = tpu.vector_load %arg7[%swap3A_2202] {strides = array<i32>} : memref<112xi32, #tpu.memory_space<vmem>>, vector<16xi32>,
      %swap3A_2204 = vector.shape_cast %swap3A_2203 : vector<16xi32> to vector<16xi32>
      %swap3A_2205 = vector.shape_cast %add3A_2201 : vector<16xi32> to vector<16xi32>
      tpu.vector_store %arg7[%swap3A_2202], %swap3A_2205 {strides = array<i32>} : memref<112xi32, #tpu.memory_space<vmem>>, vector<16xi32>,
      %add3A_2206 = arith.constant 384 : i32
      %add3A_2207 = vector.broadcast %add3A_2206 : i32 to vector<16xi32>
      %add3A_2208 = arith.addi %add3A_2207, %iota3A : vector<16xi32>
      %min3A_2209 = arith.constant 999 : i32
      %min3A_2210 = vector.broadcast %min3A_2209 : i32 to vector<16xi32>
      %min3A_2211 = arith.minsi %add3A_2208, %min3A_2210 : vector<16xi32>
      %mul3A_2212 = arith.constant 56 : i32
      %mul3A_2213 = vector.broadcast %mul3A_2212 : i32 to vector<16xi32>
      %mul3A_2214 = arith.muli %min3A_2211, %mul3A_2213 : vector<16xi32>
      %add3A_2215 = vector.broadcast %add3A_1766 : i32 to vector<16xi32>
      %add3A_2216 = arith.addi %mul3A_2214, %add3A_2215 : vector<16xi32>
      %swap3A_2217 = arith.constant 48 : index
      %swap3A_2218 = tpu.vector_load %arg7[%swap3A_2217] {strides = array<i32>} : memref<112xi32, #tpu.memory_space<vmem>>, vector<16xi32>,
      %swap3A_2219 = vector.shape_cast %swap3A_2218 : vector<16xi32> to vector<16xi32>
      %swap3A_2220 = vector.shape_cast %add3A_2216 : vector<16xi32> to vector<16xi32>
      tpu.vector_store %arg7[%swap3A_2217], %swap3A_2220 {strides = array<i32>} : memref<112xi32, #tpu.memory_space<vmem>>, vector<16xi32>,
      %add3A_2221 = arith.constant 400 : i32
      %add3A_2222 = vector.broadcast %add3A_2221 : i32 to vector<16xi32>
      %add3A_2223 = arith.addi %add3A_2222, %iota3A : vector<16xi32>
      %min3A_2224 = arith.constant 999 : i32
      %min3A_2225 = vector.broadcast %min3A_2224 : i32 to vector<16xi32>
      %min3A_2226 = arith.minsi %add3A_2223, %min3A_2225 : vector<16xi32>
      %mul3A_2227 = arith.constant 56 : i32
      %mul3A_2228 = vector.broadcast %mul3A_2227 : i32 to vector<16xi32>
      %mul3A_2229 = arith.muli %min3A_2226, %mul3A_2228 : vector<16xi32>
      %add3A_2230 = vector.broadcast %add3A_1766 : i32 to vector<16xi32>
      %add3A_2231 = arith.addi %mul3A_2229, %add3A_2230 : vector<16xi32>
      %swap3A_2232 = arith.constant 64 : index
      %swap3A_2233 = tpu.vector_load %arg7[%swap3A_2232] {strides = array<i32>} : memref<112xi32, #tpu.memory_space<vmem>>, vector<16xi32>,
      %swap3A_2234 = vector.shape_cast %swap3A_2233 : vector<16xi32> to vector<16xi32>
      %swap3A_2235 = vector.shape_cast %add3A_2231 : vector<16xi32> to vector<16xi32>
      tpu.vector_store %arg7[%swap3A_2232], %swap3A_2235 {strides = array<i32>} : memref<112xi32, #tpu.memory_space<vmem>>, vector<16xi32>,
      %add3A_2236 = arith.constant 416 : i32
      %add3A_2237 = vector.broadcast %add3A_2236 : i32 to vector<16xi32>
      %add3A_2238 = arith.addi %add3A_2237, %iota3A : vector<16xi32>
      %min3A_2239 = arith.constant 999 : i32
      %min3A_2240 = vector.broadcast %min3A_2239 : i32 to vector<16xi32>
      %min3A_2241 = arith.minsi %add3A_2238, %min3A_2240 : vector<16xi32>
      %mul3A_2242 = arith.constant 56 : i32
      %mul3A_2243 = vector.broadcast %mul3A_2242 : i32 to vector<16xi32>
      %mul3A_2244 = arith.muli %min3A_2241, %mul3A_2243 : vector<16xi32>
      %add3A_2245 = vector.broadcast %add3A_1766 : i32 to vector<16xi32>
      %add3A_2246 = arith.addi %mul3A_2244, %add3A_2245 : vector<16xi32>
      %swap3A_2247 = arith.constant 80 : index
      %swap3A_2248 = tpu.vector_load %arg7[%swap3A_2247] {strides = array<i32>} : memref<112xi32, #tpu.memory_space<vmem>>, vector<16xi32>,
      %swap3A_2249 = vector.shape_cast %swap3A_2248 : vector<16xi32> to vector<16xi32>
      %swap3A_2250 = vector.shape_cast %add3A_2246 : vector<16xi32> to vector<16xi32>
      tpu.vector_store %arg7[%swap3A_2247], %swap3A_2250 {strides = array<i32>} : memref<112xi32, #tpu.memory_space<vmem>>, vector<16xi32>,
      %add3A_2251 = arith.constant 432 : i32
      %add3A_2252 = vector.broadcast %add3A_2251 : i32 to vector<16xi32>
      %add3A_2253 = arith.addi %add3A_2252, %iota3A : vector<16xi32>
      %min3A_2254 = arith.constant 999 : i32
      %min3A_2255 = vector.broadcast %min3A_2254 : i32 to vector<16xi32>
      %min3A_2256 = arith.minsi %add3A_2253, %min3A_2255 : vector<16xi32>
      %mul3A_2257 = arith.constant 56 : i32
      %mul3A_2258 = vector.broadcast %mul3A_2257 : i32 to vector<16xi32>
      %mul3A_2259 = arith.muli %min3A_2256, %mul3A_2258 : vector<16xi32>
      %add3A_2260 = vector.broadcast %add3A_1766 : i32 to vector<16xi32>
      %add3A_2261 = arith.addi %mul3A_2259, %add3A_2260 : vector<16xi32>
      %swap3A_2262 = arith.constant 96 : index
      %swap3A_2263 = tpu.vector_load %arg7[%swap3A_2262] {strides = array<i32>} : memref<112xi32, #tpu.memory_space<vmem>>, vector<16xi32>,
      %swap3A_2264 = vector.shape_cast %swap3A_2263 : vector<16xi32> to vector<16xi32>
      %swap3A_2265 = vector.shape_cast %add3A_2261 : vector<16xi32> to vector<16xi32>
      tpu.vector_store %arg7[%swap3A_2262], %swap3A_2265 {strides = array<i32>} : memref<112xi32, #tpu.memory_space<vmem>>, vector<16xi32>,
      %dma_start3A_2266 = arith.constant 0 : i32
      %dma_start3A_2267 = arith.constant 0 : i32
      %dma_start3A_2268 = tpu.memref_slice %arg4[%dma_start3A_2266, %dma_start3A_2267] : memref<56000x512xf32, #tpu.memory_space<hbm>> -> memref<56000x512xf32, #tpu.memory_space<hbm>>
      tpu.enqueue_indirect_dma source(%dma_start3A_2268 : memref<56000x512xf32, #tpu.memory_space<hbm>>) target(%arg10 : memref<112x512xf32, #tpu.memory_space<vmem>>) offsets(%arg7 : memref<112xi32, #tpu.memory_space<vmem>>) semaphore(%arg13 : memref<!tpu.dma_semaphore, #tpu.memory_space<semaphore_mem>>)
      %dma_wait3A_2269 = arith.constant 0 : i32
      %dma_wait3A_2270 = arith.constant 0 : i32
      %dma_wait3A_2271 = tpu.memref_slice %arg4[%dma_wait3A_2269, %dma_wait3A_2270] : memref<56000x512xf32, #tpu.memory_space<hbm>> -> memref<56000x512xf32, #tpu.memory_space<hbm>>
      tpu.wait_indirect_dma semaphore(%arg12 : memref<!tpu.dma_semaphore, #tpu.memory_space<semaphore_mem>>) src(%dma_wait3A_2271 : memref<56000x512xf32, #tpu.memory_space<hbm>>) dst(%arg9 : memref<112x512xf32, #tpu.memory_space<vmem>>)
      %mul3A_2272 = arith.constant 1000 : i32
      %mul3A_2273 = arith.muli %add3A_1766, %mul3A_2272 : i32
      %add3A_2274 = arith.constant 21000 : i32
      %add3A_2275 = arith.addi %add3A_2274, %mul3A_2273 : i32
      %add3A_2276 = arith.constant 224 : i32
      %add3A_2277 = arith.addi %add3A_2275, %add3A_2276 : i32
      %dma_start3A_2278 = arith.constant 0 : i32
      %dma_start3A_2279 = arith.constant 0 : i32
      %dma_start3A_2280 = tpu.memref_slice %arg9[%dma_start3A_2278, %dma_start3A_2279] : memref<112x512xf32, #tpu.memory_space<vmem>> -> memref<112x512xf32, #tpu.memory_space<vmem>>
      %dma_start3A_2281 = arith.constant 0 : i32
      %dma_start3A_2282 = tpu.memref_slice %arg5[%add3A_2277, %dma_start3A_2281] : memref<77000x512xf32, #tpu.memory_space<hbm>> -> memref<112x512xf32, #tpu.memory_space<hbm>>
      %dma_start3A_2283 = arith.constant 0 : i32
      %dma_start3A_2284 = tpu.memref_slice %arg5[%add3A_2277, %dma_start3A_2283] : memref<77000x512xf32, #tpu.memory_space<hbm>> -> memref<112x512xf32, #tpu.memory_space<hbm>>
      %dma_start3A_2285 = arith.constant 0 : i32
      %dma_start3A_2286 = arith.constant 0 : i32
      %dma_start3A_2287 = tpu.memref_slice %arg9[%dma_start3A_2285, %dma_start3A_2286] : memref<112x512xf32, #tpu.memory_space<vmem>> -> memref<112x512xf32, #tpu.memory_space<vmem>>
      tpu.enqueue_dma source(%dma_start3A_2287 : memref<112x512xf32, #tpu.memory_space<vmem>>) target(%dma_start3A_2284 : memref<112x512xf32, #tpu.memory_space<hbm>>) target_semaphore(%arg14 : memref<!tpu.dma_semaphore, #tpu.memory_space<semaphore_mem>>)
      %mul3A_2288 = arith.constant 1000 : i32
      %mul3A_2289 = arith.muli %add3A_1766, %mul3A_2288 : i32
      %add3A_2290 = arith.constant 21000 : i32
      %add3A_2291 = arith.addi %add3A_2290, %mul3A_2289 : i32
      %add3A_2292 = arith.constant 224 : i32
      %add3A_2293 = arith.addi %add3A_2291, %add3A_2292 : i32
      %dma_wait3A_2294 = arith.constant 0 : i32
      %dma_wait3A_2295 = arith.constant 0 : i32
      %dma_wait3A_2296 = tpu.memref_slice %arg9[%dma_wait3A_2294, %dma_wait3A_2295] : memref<112x512xf32, #tpu.memory_space<vmem>> -> memref<112x512xf32, #tpu.memory_space<vmem>>
      %dma_wait3A_2297 = arith.constant 0 : i32
      %dma_wait3A_2298 = tpu.memref_slice %arg5[%add3A_2293, %dma_wait3A_2297] : memref<77000x512xf32, #tpu.memory_space<hbm>> -> memref<112x512xf32, #tpu.memory_space<hbm>>
      %dma_wait3A_2299 = arith.constant 0 : i32
      %dma_wait3A_2300 = tpu.memref_slice %arg5[%add3A_2293, %dma_wait3A_2299] : memref<77000x512xf32, #tpu.memory_space<hbm>> -> memref<112x512xf32, #tpu.memory_space<hbm>>
      %dma_wait3A_2301 = arith.constant 0 : i32
      %dma_wait3A_2302 = arith.constant 0 : i32
      %dma_wait3A_2303 = tpu.memref_slice %arg9[%dma_wait3A_2301, %dma_wait3A_2302] : memref<112x512xf32, #tpu.memory_space<vmem>> -> memref<112x512xf32, #tpu.memory_space<vmem>>
      tpu.wait_dma2 semaphore(%arg14 : memref<!tpu.dma_semaphore, #tpu.memory_space<semaphore_mem>>) src(%dma_wait3A_2303 : memref<112x512xf32, #tpu.memory_space<vmem>>) dst(%dma_wait3A_2300 : memref<112x512xf32, #tpu.memory_space<hbm>>)
      %add3A_2304 = arith.constant 448 : i32
      %add3A_2305 = vector.broadcast %add3A_2304 : i32 to vector<16xi32>
      %add3A_2306 = arith.addi %add3A_2305, %iota3A : vector<16xi32>
      %min3A_2307 = arith.constant 999 : i32
      %min3A_2308 = vector.broadcast %min3A_2307 : i32 to vector<16xi32>
      %min3A_2309 = arith.minsi %add3A_2306, %min3A_2308 : vector<16xi32>
      %mul3A_2310 = arith.constant 56 : i32
      %mul3A_2311 = vector.broadcast %mul3A_2310 : i32 to vector<16xi32>
      %mul3A_2312 = arith.muli %min3A_2309, %mul3A_2311 : vector<16xi32>
      %add3A_2313 = vector.broadcast %add3A_1766 : i32 to vector<16xi32>
      %add3A_2314 = arith.addi %mul3A_2312, %add3A_2313 : vector<16xi32>
      %swap3A_2315 = arith.constant 0 : index
      %swap3A_2316 = tpu.vector_load %arg6[%swap3A_2315] {strides = array<i32>} : memref<112xi32, #tpu.memory_space<vmem>>, vector<16xi32>,
      %swap3A_2317 = vector.shape_cast %swap3A_2316 : vector<16xi32> to vector<16xi32>
      %swap3A_2318 = vector.shape_cast %add3A_2314 : vector<16xi32> to vector<16xi32>
      tpu.vector_store %arg6[%swap3A_2315], %swap3A_2318 {strides = array<i32>} : memref<112xi32, #tpu.memory_space<vmem>>, vector<16xi32>,
      %add3A_2319 = arith.constant 464 : i32
      %add3A_2320 = vector.broadcast %add3A_2319 : i32 to vector<16xi32>
      %add3A_2321 = arith.addi %add3A_2320, %iota3A : vector<16xi32>
      %min3A_2322 = arith.constant 999 : i32
      %min3A_2323 = vector.broadcast %min3A_2322 : i32 to vector<16xi32>
      %min3A_2324 = arith.minsi %add3A_2321, %min3A_2323 : vector<16xi32>
      %mul3A_2325 = arith.constant 56 : i32
      %mul3A_2326 = vector.broadcast %mul3A_2325 : i32 to vector<16xi32>
      %mul3A_2327 = arith.muli %min3A_2324, %mul3A_2326 : vector<16xi32>
      %add3A_2328 = vector.broadcast %add3A_1766 : i32 to vector<16xi32>
      %add3A_2329 = arith.addi %mul3A_2327, %add3A_2328 : vector<16xi32>
      %swap3A_2330 = arith.constant 16 : index
      %swap3A_2331 = tpu.vector_load %arg6[%swap3A_2330] {strides = array<i32>} : memref<112xi32, #tpu.memory_space<vmem>>, vector<16xi32>,
      %swap3A_2332 = vector.shape_cast %swap3A_2331 : vector<16xi32> to vector<16xi32>
      %swap3A_2333 = vector.shape_cast %add3A_2329 : vector<16xi32> to vector<16xi32>
      tpu.vector_store %arg6[%swap3A_2330], %swap3A_2333 {strides = array<i32>} : memref<112xi32, #tpu.memory_space<vmem>>, vector<16xi32>,
      %add3A_2334 = arith.constant 480 : i32
      %add3A_2335 = vector.broadcast %add3A_2334 : i32 to vector<16xi32>
      %add3A_2336 = arith.addi %add3A_2335, %iota3A : vector<16xi32>
      %min3A_2337 = arith.constant 999 : i32
      %min3A_2338 = vector.broadcast %min3A_2337 : i32 to vector<16xi32>
      %min3A_2339 = arith.minsi %add3A_2336, %min3A_2338 : vector<16xi32>
      %mul3A_2340 = arith.constant 56 : i32
      %mul3A_2341 = vector.broadcast %mul3A_2340 : i32 to vector<16xi32>
      %mul3A_2342 = arith.muli %min3A_2339, %mul3A_2341 : vector<16xi32>
      %add3A_2343 = vector.broadcast %add3A_1766 : i32 to vector<16xi32>
      %add3A_2344 = arith.addi %mul3A_2342, %add3A_2343 : vector<16xi32>
      %swap3A_2345 = arith.constant 32 : index
      %swap3A_2346 = tpu.vector_load %arg6[%swap3A_2345] {strides = array<i32>} : memref<112xi32, #tpu.memory_space<vmem>>, vector<16xi32>,
      %swap3A_2347 = vector.shape_cast %swap3A_2346 : vector<16xi32> to vector<16xi32>
      %swap3A_2348 = vector.shape_cast %add3A_2344 : vector<16xi32> to vector<16xi32>
      tpu.vector_store %arg6[%swap3A_2345], %swap3A_2348 {strides = array<i32>} : memref<112xi32, #tpu.memory_space<vmem>>, vector<16xi32>,
      %add3A_2349 = arith.constant 496 : i32
      %add3A_2350 = vector.broadcast %add3A_2349 : i32 to vector<16xi32>
      %add3A_2351 = arith.addi %add3A_2350, %iota3A : vector<16xi32>
      %min3A_2352 = arith.constant 999 : i32
      %min3A_2353 = vector.broadcast %min3A_2352 : i32 to vector<16xi32>
      %min3A_2354 = arith.minsi %add3A_2351, %min3A_2353 : vector<16xi32>
      %mul3A_2355 = arith.constant 56 : i32
      %mul3A_2356 = vector.broadcast %mul3A_2355 : i32 to vector<16xi32>
      %mul3A_2357 = arith.muli %min3A_2354, %mul3A_2356 : vector<16xi32>
      %add3A_2358 = vector.broadcast %add3A_1766 : i32 to vector<16xi32>
      %add3A_2359 = arith.addi %mul3A_2357, %add3A_2358 : vector<16xi32>
      %swap3A_2360 = arith.constant 48 : index
      %swap3A_2361 = tpu.vector_load %arg6[%swap3A_2360] {strides = array<i32>} : memref<112xi32, #tpu.memory_space<vmem>>, vector<16xi32>,
      %swap3A_2362 = vector.shape_cast %swap3A_2361 : vector<16xi32> to vector<16xi32>
      %swap3A_2363 = vector.shape_cast %add3A_2359 : vector<16xi32> to vector<16xi32>
      tpu.vector_store %arg6[%swap3A_2360], %swap3A_2363 {strides = array<i32>} : memref<112xi32, #tpu.memory_space<vmem>>, vector<16xi32>,
      %add3A_2364 = arith.constant 512 : i32
      %add3A_2365 = vector.broadcast %add3A_2364 : i32 to vector<16xi32>
      %add3A_2366 = arith.addi %add3A_2365, %iota3A : vector<16xi32>
      %min3A_2367 = arith.constant 999 : i32
      %min3A_2368 = vector.broadcast %min3A_2367 : i32 to vector<16xi32>
      %min3A_2369 = arith.minsi %add3A_2366, %min3A_2368 : vector<16xi32>
      %mul3A_2370 = arith.constant 56 : i32
      %mul3A_2371 = vector.broadcast %mul3A_2370 : i32 to vector<16xi32>
      %mul3A_2372 = arith.muli %min3A_2369, %mul3A_2371 : vector<16xi32>
      %add3A_2373 = vector.broadcast %add3A_1766 : i32 to vector<16xi32>
      %add3A_2374 = arith.addi %mul3A_2372, %add3A_2373 : vector<16xi32>
      %swap3A_2375 = arith.constant 64 : index
      %swap3A_2376 = tpu.vector_load %arg6[%swap3A_2375] {strides = array<i32>} : memref<112xi32, #tpu.memory_space<vmem>>, vector<16xi32>,
      %swap3A_2377 = vector.shape_cast %swap3A_2376 : vector<16xi32> to vector<16xi32>
      %swap3A_2378 = vector.shape_cast %add3A_2374 : vector<16xi32> to vector<16xi32>
      tpu.vector_store %arg6[%swap3A_2375], %swap3A_2378 {strides = array<i32>} : memref<112xi32, #tpu.memory_space<vmem>>, vector<16xi32>,
      %add3A_2379 = arith.constant 528 : i32
      %add3A_2380 = vector.broadcast %add3A_2379 : i32 to vector<16xi32>
      %add3A_2381 = arith.addi %add3A_2380, %iota3A : vector<16xi32>
      %min3A_2382 = arith.constant 999 : i32
      %min3A_2383 = vector.broadcast %min3A_2382 : i32 to vector<16xi32>
      %min3A_2384 = arith.minsi %add3A_2381, %min3A_2383 : vector<16xi32>
      %mul3A_2385 = arith.constant 56 : i32
      %mul3A_2386 = vector.broadcast %mul3A_2385 : i32 to vector<16xi32>
      %mul3A_2387 = arith.muli %min3A_2384, %mul3A_2386 : vector<16xi32>
      %add3A_2388 = vector.broadcast %add3A_1766 : i32 to vector<16xi32>
      %add3A_2389 = arith.addi %mul3A_2387, %add3A_2388 : vector<16xi32>
      %swap3A_2390 = arith.constant 80 : index
      %swap3A_2391 = tpu.vector_load %arg6[%swap3A_2390] {strides = array<i32>} : memref<112xi32, #tpu.memory_space<vmem>>, vector<16xi32>,
      %swap3A_2392 = vector.shape_cast %swap3A_2391 : vector<16xi32> to vector<16xi32>
      %swap3A_2393 = vector.shape_cast %add3A_2389 : vector<16xi32> to vector<16xi32>
      tpu.vector_store %arg6[%swap3A_2390], %swap3A_2393 {strides = array<i32>} : memref<112xi32, #tpu.memory_space<vmem>>, vector<16xi32>,
      %add3A_2394 = arith.constant 544 : i32
      %add3A_2395 = vector.broadcast %add3A_2394 : i32 to vector<16xi32>
      %add3A_2396 = arith.addi %add3A_2395, %iota3A : vector<16xi32>
      %min3A_2397 = arith.constant 999 : i32
      %min3A_2398 = vector.broadcast %min3A_2397 : i32 to vector<16xi32>
      %min3A_2399 = arith.minsi %add3A_2396, %min3A_2398 : vector<16xi32>
      %mul3A_2400 = arith.constant 56 : i32
      %mul3A_2401 = vector.broadcast %mul3A_2400 : i32 to vector<16xi32>
      %mul3A_2402 = arith.muli %min3A_2399, %mul3A_2401 : vector<16xi32>
      %add3A_2403 = vector.broadcast %add3A_1766 : i32 to vector<16xi32>
      %add3A_2404 = arith.addi %mul3A_2402, %add3A_2403 : vector<16xi32>
      %swap3A_2405 = arith.constant 96 : index
      %swap3A_2406 = tpu.vector_load %arg6[%swap3A_2405] {strides = array<i32>} : memref<112xi32, #tpu.memory_space<vmem>>, vector<16xi32>,
      %swap3A_2407 = vector.shape_cast %swap3A_2406 : vector<16xi32> to vector<16xi32>
      %swap3A_2408 = vector.shape_cast %add3A_2404 : vector<16xi32> to vector<16xi32>
      tpu.vector_store %arg6[%swap3A_2405], %swap3A_2408 {strides = array<i32>} : memref<112xi32, #tpu.memory_space<vmem>>, vector<16xi32>,
      %dma_start3A_2409 = arith.constant 0 : i32
      %dma_start3A_2410 = arith.constant 0 : i32
      %dma_start3A_2411 = tpu.memref_slice %arg4[%dma_start3A_2409, %dma_start3A_2410] : memref<56000x512xf32, #tpu.memory_space<hbm>> -> memref<56000x512xf32, #tpu.memory_space<hbm>>
      tpu.enqueue_indirect_dma source(%dma_start3A_2411 : memref<56000x512xf32, #tpu.memory_space<hbm>>) target(%arg9 : memref<112x512xf32, #tpu.memory_space<vmem>>) offsets(%arg6 : memref<112xi32, #tpu.memory_space<vmem>>) semaphore(%arg12 : memref<!tpu.dma_semaphore, #tpu.memory_space<semaphore_mem>>)
      %dma_wait3A_2412 = arith.constant 0 : i32
      %dma_wait3A_2413 = arith.constant 0 : i32
      %dma_wait3A_2414 = tpu.memref_slice %arg4[%dma_wait3A_2412, %dma_wait3A_2413] : memref<56000x512xf32, #tpu.memory_space<hbm>> -> memref<56000x512xf32, #tpu.memory_space<hbm>>
      tpu.wait_indirect_dma semaphore(%arg13 : memref<!tpu.dma_semaphore, #tpu.memory_space<semaphore_mem>>) src(%dma_wait3A_2414 : memref<56000x512xf32, #tpu.memory_space<hbm>>) dst(%arg10 : memref<112x512xf32, #tpu.memory_space<vmem>>)
      %mul3A_2415 = arith.constant 1000 : i32
      %mul3A_2416 = arith.muli %add3A_1766, %mul3A_2415 : i32
      %add3A_2417 = arith.constant 21000 : i32
      %add3A_2418 = arith.addi %add3A_2417, %mul3A_2416 : i32
      %add3A_2419 = arith.constant 336 : i32
      %add3A_2420 = arith.addi %add3A_2418, %add3A_2419 : i32
      %dma_start3A_2421 = arith.constant 0 : i32
      %dma_start3A_2422 = arith.constant 0 : i32
      %dma_start3A_2423 = tpu.memref_slice %arg10[%dma_start3A_2421, %dma_start3A_2422] : memref<112x512xf32, #tpu.memory_space<vmem>> -> memref<112x512xf32, #tpu.memory_space<vmem>>
      %dma_start3A_2424 = arith.constant 0 : i32
      %dma_start3A_2425 = tpu.memref_slice %arg5[%add3A_2420, %dma_start3A_2424] : memref<77000x512xf32, #tpu.memory_space<hbm>> -> memref<112x512xf32, #tpu.memory_space<hbm>>
      %dma_start3A_2426 = arith.constant 0 : i32
      %dma_start3A_2427 = tpu.memref_slice %arg5[%add3A_2420, %dma_start3A_2426] : memref<77000x512xf32, #tpu.memory_space<hbm>> -> memref<112x512xf32, #tpu.memory_space<hbm>>
      %dma_start3A_2428 = arith.constant 0 : i32
      %dma_start3A_2429 = arith.constant 0 : i32
      %dma_start3A_2430 = tpu.memref_slice %arg10[%dma_start3A_2428, %dma_start3A_2429] : memref<112x512xf32, #tpu.memory_space<vmem>> -> memref<112x512xf32, #tpu.memory_space<vmem>>
      tpu.enqueue_dma source(%dma_start3A_2430 : memref<112x512xf32, #tpu.memory_space<vmem>>) target(%dma_start3A_2427 : memref<112x512xf32, #tpu.memory_space<hbm>>) target_semaphore(%arg15 : memref<!tpu.dma_semaphore, #tpu.memory_space<semaphore_mem>>)
      %mul3A_2431 = arith.constant 1000 : i32
      %mul3A_2432 = arith.muli %add3A_1766, %mul3A_2431 : i32
      %add3A_2433 = arith.constant 21000 : i32
      %add3A_2434 = arith.addi %add3A_2433, %mul3A_2432 : i32
      %add3A_2435 = arith.constant 336 : i32
      %add3A_2436 = arith.addi %add3A_2434, %add3A_2435 : i32
      %dma_wait3A_2437 = arith.constant 0 : i32
      %dma_wait3A_2438 = arith.constant 0 : i32
      %dma_wait3A_2439 = tpu.memref_slice %arg10[%dma_wait3A_2437, %dma_wait3A_2438] : memref<112x512xf32, #tpu.memory_space<vmem>> -> memref<112x512xf32, #tpu.memory_space<vmem>>
      %dma_wait3A_2440 = arith.constant 0 : i32
      %dma_wait3A_2441 = tpu.memref_slice %arg5[%add3A_2436, %dma_wait3A_2440] : memref<77000x512xf32, #tpu.memory_space<hbm>> -> memref<112x512xf32, #tpu.memory_space<hbm>>
      %dma_wait3A_2442 = arith.constant 0 : i32
      %dma_wait3A_2443 = tpu.memref_slice %arg5[%add3A_2436, %dma_wait3A_2442] : memref<77000x512xf32, #tpu.memory_space<hbm>> -> memref<112x512xf32, #tpu.memory_space<hbm>>
      %dma_wait3A_2444 = arith.constant 0 : i32
      %dma_wait3A_2445 = arith.constant 0 : i32
      %dma_wait3A_2446 = tpu.memref_slice %arg10[%dma_wait3A_2444, %dma_wait3A_2445] : memref<112x512xf32, #tpu.memory_space<vmem>> -> memref<112x512xf32, #tpu.memory_space<vmem>>
      tpu.wait_dma2 semaphore(%arg15 : memref<!tpu.dma_semaphore, #tpu.memory_space<semaphore_mem>>) src(%dma_wait3A_2446 : memref<112x512xf32, #tpu.memory_space<vmem>>) dst(%dma_wait3A_2443 : memref<112x512xf32, #tpu.memory_space<hbm>>)
      %add3A_2447 = arith.constant 560 : i32
      %add3A_2448 = vector.broadcast %add3A_2447 : i32 to vector<16xi32>
      %add3A_2449 = arith.addi %add3A_2448, %iota3A : vector<16xi32>
      %min3A_2450 = arith.constant 999 : i32
      %min3A_2451 = vector.broadcast %min3A_2450 : i32 to vector<16xi32>
      %min3A_2452 = arith.minsi %add3A_2449, %min3A_2451 : vector<16xi32>
      %mul3A_2453 = arith.constant 56 : i32
      %mul3A_2454 = vector.broadcast %mul3A_2453 : i32 to vector<16xi32>
      %mul3A_2455 = arith.muli %min3A_2452, %mul3A_2454 : vector<16xi32>
      %add3A_2456 = vector.broadcast %add3A_1766 : i32 to vector<16xi32>
      %add3A_2457 = arith.addi %mul3A_2455, %add3A_2456 : vector<16xi32>
      %swap3A_2458 = arith.constant 0 : index
      %swap3A_2459 = tpu.vector_load %arg7[%swap3A_2458] {strides = array<i32>} : memref<112xi32, #tpu.memory_space<vmem>>, vector<16xi32>,
      %swap3A_2460 = vector.shape_cast %swap3A_2459 : vector<16xi32> to vector<16xi32>
      %swap3A_2461 = vector.shape_cast %add3A_2457 : vector<16xi32> to vector<16xi32>
      tpu.vector_store %arg7[%swap3A_2458], %swap3A_2461 {strides = array<i32>} : memref<112xi32, #tpu.memory_space<vmem>>, vector<16xi32>,
      %add3A_2462 = arith.constant 576 : i32
      %add3A_2463 = vector.broadcast %add3A_2462 : i32 to vector<16xi32>
      %add3A_2464 = arith.addi %add3A_2463, %iota3A : vector<16xi32>
      %min3A_2465 = arith.constant 999 : i32
      %min3A_2466 = vector.broadcast %min3A_2465 : i32 to vector<16xi32>
      %min3A_2467 = arith.minsi %add3A_2464, %min3A_2466 : vector<16xi32>
      %mul3A_2468 = arith.constant 56 : i32
      %mul3A_2469 = vector.broadcast %mul3A_2468 : i32 to vector<16xi32>
      %mul3A_2470 = arith.muli %min3A_2467, %mul3A_2469 : vector<16xi32>
      %add3A_2471 = vector.broadcast %add3A_1766 : i32 to vector<16xi32>
      %add3A_2472 = arith.addi %mul3A_2470, %add3A_2471 : vector<16xi32>
      %swap3A_2473 = arith.constant 16 : index
      %swap3A_2474 = tpu.vector_load %arg7[%swap3A_2473] {strides = array<i32>} : memref<112xi32, #tpu.memory_space<vmem>>, vector<16xi32>,
      %swap3A_2475 = vector.shape_cast %swap3A_2474 : vector<16xi32> to vector<16xi32>
      %swap3A_2476 = vector.shape_cast %add3A_2472 : vector<16xi32> to vector<16xi32>
      tpu.vector_store %arg7[%swap3A_2473], %swap3A_2476 {strides = array<i32>} : memref<112xi32, #tpu.memory_space<vmem>>, vector<16xi32>,
      %add3A_2477 = arith.constant 592 : i32
      %add3A_2478 = vector.broadcast %add3A_2477 : i32 to vector<16xi32>
      %add3A_2479 = arith.addi %add3A_2478, %iota3A : vector<16xi32>
      %min3A_2480 = arith.constant 999 : i32
      %min3A_2481 = vector.broadcast %min3A_2480 : i32 to vector<16xi32>
      %min3A_2482 = arith.minsi %add3A_2479, %min3A_2481 : vector<16xi32>
      %mul3A_2483 = arith.constant 56 : i32
      %mul3A_2484 = vector.broadcast %mul3A_2483 : i32 to vector<16xi32>
      %mul3A_2485 = arith.muli %min3A_2482, %mul3A_2484 : vector<16xi32>
      %add3A_2486 = vector.broadcast %add3A_1766 : i32 to vector<16xi32>
      %add3A_2487 = arith.addi %mul3A_2485, %add3A_2486 : vector<16xi32>
      %swap3A_2488 = arith.constant 32 : index
      %swap3A_2489 = tpu.vector_load %arg7[%swap3A_2488] {strides = array<i32>} : memref<112xi32, #tpu.memory_space<vmem>>, vector<16xi32>,
      %swap3A_2490 = vector.shape_cast %swap3A_2489 : vector<16xi32> to vector<16xi32>
      %swap3A_2491 = vector.shape_cast %add3A_2487 : vector<16xi32> to vector<16xi32>
      tpu.vector_store %arg7[%swap3A_2488], %swap3A_2491 {strides = array<i32>} : memref<112xi32, #tpu.memory_space<vmem>>, vector<16xi32>,
      %add3A_2492 = arith.constant 608 : i32
      %add3A_2493 = vector.broadcast %add3A_2492 : i32 to vector<16xi32>
      %add3A_2494 = arith.addi %add3A_2493, %iota3A : vector<16xi32>
      %min3A_2495 = arith.constant 999 : i32
      %min3A_2496 = vector.broadcast %min3A_2495 : i32 to vector<16xi32>
      %min3A_2497 = arith.minsi %add3A_2494, %min3A_2496 : vector<16xi32>
      %mul3A_2498 = arith.constant 56 : i32
      %mul3A_2499 = vector.broadcast %mul3A_2498 : i32 to vector<16xi32>
      %mul3A_2500 = arith.muli %min3A_2497, %mul3A_2499 : vector<16xi32>
      %add3A_2501 = vector.broadcast %add3A_1766 : i32 to vector<16xi32>
      %add3A_2502 = arith.addi %mul3A_2500, %add3A_2501 : vector<16xi32>
      %swap3A_2503 = arith.constant 48 : index
      %swap3A_2504 = tpu.vector_load %arg7[%swap3A_2503] {strides = array<i32>} : memref<112xi32, #tpu.memory_space<vmem>>, vector<16xi32>,
      %swap3A_2505 = vector.shape_cast %swap3A_2504 : vector<16xi32> to vector<16xi32>
      %swap3A_2506 = vector.shape_cast %add3A_2502 : vector<16xi32> to vector<16xi32>
      tpu.vector_store %arg7[%swap3A_2503], %swap3A_2506 {strides = array<i32>} : memref<112xi32, #tpu.memory_space<vmem>>, vector<16xi32>,
      %add3A_2507 = arith.constant 624 : i32
      %add3A_2508 = vector.broadcast %add3A_2507 : i32 to vector<16xi32>
      %add3A_2509 = arith.addi %add3A_2508, %iota3A : vector<16xi32>
      %min3A_2510 = arith.constant 999 : i32
      %min3A_2511 = vector.broadcast %min3A_2510 : i32 to vector<16xi32>
      %min3A_2512 = arith.minsi %add3A_2509, %min3A_2511 : vector<16xi32>
      %mul3A_2513 = arith.constant 56 : i32
      %mul3A_2514 = vector.broadcast %mul3A_2513 : i32 to vector<16xi32>
      %mul3A_2515 = arith.muli %min3A_2512, %mul3A_2514 : vector<16xi32>
      %add3A_2516 = vector.broadcast %add3A_1766 : i32 to vector<16xi32>
      %add3A_2517 = arith.addi %mul3A_2515, %add3A_2516 : vector<16xi32>
      %swap3A_2518 = arith.constant 64 : index
      %swap3A_2519 = tpu.vector_load %arg7[%swap3A_2518] {strides = array<i32>} : memref<112xi32, #tpu.memory_space<vmem>>, vector<16xi32>,
      %swap3A_2520 = vector.shape_cast %swap3A_2519 : vector<16xi32> to vector<16xi32>
      %swap3A_2521 = vector.shape_cast %add3A_2517 : vector<16xi32> to vector<16xi32>
      tpu.vector_store %arg7[%swap3A_2518], %swap3A_2521 {strides = array<i32>} : memref<112xi32, #tpu.memory_space<vmem>>, vector<16xi32>,
      %add3A_2522 = arith.constant 640 : i32
      %add3A_2523 = vector.broadcast %add3A_2522 : i32 to vector<16xi32>
      %add3A_2524 = arith.addi %add3A_2523, %iota3A : vector<16xi32>
      %min3A_2525 = arith.constant 999 : i32
      %min3A_2526 = vector.broadcast %min3A_2525 : i32 to vector<16xi32>
      %min3A_2527 = arith.minsi %add3A_2524, %min3A_2526 : vector<16xi32>
      %mul3A_2528 = arith.constant 56 : i32
      %mul3A_2529 = vector.broadcast %mul3A_2528 : i32 to vector<16xi32>
      %mul3A_2530 = arith.muli %min3A_2527, %mul3A_2529 : vector<16xi32>
      %add3A_2531 = vector.broadcast %add3A_1766 : i32 to vector<16xi32>
      %add3A_2532 = arith.addi %mul3A_2530, %add3A_2531 : vector<16xi32>
      %swap3A_2533 = arith.constant 80 : index
      %swap3A_2534 = tpu.vector_load %arg7[%swap3A_2533] {strides = array<i32>} : memref<112xi32, #tpu.memory_space<vmem>>, vector<16xi32>,
      %swap3A_2535 = vector.shape_cast %swap3A_2534 : vector<16xi32> to vector<16xi32>
      %swap3A_2536 = vector.shape_cast %add3A_2532 : vector<16xi32> to vector<16xi32>
      tpu.vector_store %arg7[%swap3A_2533], %swap3A_2536 {strides = array<i32>} : memref<112xi32, #tpu.memory_space<vmem>>, vector<16xi32>,
      %add3A_2537 = arith.constant 656 : i32
      %add3A_2538 = vector.broadcast %add3A_2537 : i32 to vector<16xi32>
      %add3A_2539 = arith.addi %add3A_2538, %iota3A : vector<16xi32>
      %min3A_2540 = arith.constant 999 : i32
      %min3A_2541 = vector.broadcast %min3A_2540 : i32 to vector<16xi32>
      %min3A_2542 = arith.minsi %add3A_2539, %min3A_2541 : vector<16xi32>
      %mul3A_2543 = arith.constant 56 : i32
      %mul3A_2544 = vector.broadcast %mul3A_2543 : i32 to vector<16xi32>
      %mul3A_2545 = arith.muli %min3A_2542, %mul3A_2544 : vector<16xi32>
      %add3A_2546 = vector.broadcast %add3A_1766 : i32 to vector<16xi32>
      %add3A_2547 = arith.addi %mul3A_2545, %add3A_2546 : vector<16xi32>
      %swap3A_2548 = arith.constant 96 : index
      %swap3A_2549 = tpu.vector_load %arg7[%swap3A_2548] {strides = array<i32>} : memref<112xi32, #tpu.memory_space<vmem>>, vector<16xi32>,
      %swap3A_2550 = vector.shape_cast %swap3A_2549 : vector<16xi32> to vector<16xi32>
      %swap3A_2551 = vector.shape_cast %add3A_2547 : vector<16xi32> to vector<16xi32>
      tpu.vector_store %arg7[%swap3A_2548], %swap3A_2551 {strides = array<i32>} : memref<112xi32, #tpu.memory_space<vmem>>, vector<16xi32>,
      %dma_start3A_2552 = arith.constant 0 : i32
      %dma_start3A_2553 = arith.constant 0 : i32
      %dma_start3A_2554 = tpu.memref_slice %arg4[%dma_start3A_2552, %dma_start3A_2553] : memref<56000x512xf32, #tpu.memory_space<hbm>> -> memref<56000x512xf32, #tpu.memory_space<hbm>>
      tpu.enqueue_indirect_dma source(%dma_start3A_2554 : memref<56000x512xf32, #tpu.memory_space<hbm>>) target(%arg10 : memref<112x512xf32, #tpu.memory_space<vmem>>) offsets(%arg7 : memref<112xi32, #tpu.memory_space<vmem>>) semaphore(%arg13 : memref<!tpu.dma_semaphore, #tpu.memory_space<semaphore_mem>>)
      %dma_wait3A_2555 = arith.constant 0 : i32
      %dma_wait3A_2556 = arith.constant 0 : i32
      %dma_wait3A_2557 = tpu.memref_slice %arg4[%dma_wait3A_2555, %dma_wait3A_2556] : memref<56000x512xf32, #tpu.memory_space<hbm>> -> memref<56000x512xf32, #tpu.memory_space<hbm>>
      tpu.wait_indirect_dma semaphore(%arg12 : memref<!tpu.dma_semaphore, #tpu.memory_space<semaphore_mem>>) src(%dma_wait3A_2557 : memref<56000x512xf32, #tpu.memory_space<hbm>>) dst(%arg9 : memref<112x512xf32, #tpu.memory_space<vmem>>)
      %mul3A_2558 = arith.constant 1000 : i32
      %mul3A_2559 = arith.muli %add3A_1766, %mul3A_2558 : i32
      %add3A_2560 = arith.constant 21000 : i32
      %add3A_2561 = arith.addi %add3A_2560, %mul3A_2559 : i32
      %add3A_2562 = arith.constant 448 : i32
      %add3A_2563 = arith.addi %add3A_2561, %add3A_2562 : i32
      %dma_start3A_2564 = arith.constant 0 : i32
      %dma_start3A_2565 = arith.constant 0 : i32
      %dma_start3A_2566 = tpu.memref_slice %arg9[%dma_start3A_2564, %dma_start3A_2565] : memref<112x512xf32, #tpu.memory_space<vmem>> -> memref<112x512xf32, #tpu.memory_space<vmem>>
      %dma_start3A_2567 = arith.constant 0 : i32
      %dma_start3A_2568 = tpu.memref_slice %arg5[%add3A_2563, %dma_start3A_2567] : memref<77000x512xf32, #tpu.memory_space<hbm>> -> memref<112x512xf32, #tpu.memory_space<hbm>>
      %dma_start3A_2569 = arith.constant 0 : i32
      %dma_start3A_2570 = tpu.memref_slice %arg5[%add3A_2563, %dma_start3A_2569] : memref<77000x512xf32, #tpu.memory_space<hbm>> -> memref<112x512xf32, #tpu.memory_space<hbm>>
      %dma_start3A_2571 = arith.constant 0 : i32
      %dma_start3A_2572 = arith.constant 0 : i32
      %dma_start3A_2573 = tpu.memref_slice %arg9[%dma_start3A_2571, %dma_start3A_2572] : memref<112x512xf32, #tpu.memory_space<vmem>> -> memref<112x512xf32, #tpu.memory_space<vmem>>
      tpu.enqueue_dma source(%dma_start3A_2573 : memref<112x512xf32, #tpu.memory_space<vmem>>) target(%dma_start3A_2570 : memref<112x512xf32, #tpu.memory_space<hbm>>) target_semaphore(%arg14 : memref<!tpu.dma_semaphore, #tpu.memory_space<semaphore_mem>>)
      %mul3A_2574 = arith.constant 1000 : i32
      %mul3A_2575 = arith.muli %add3A_1766, %mul3A_2574 : i32
      %add3A_2576 = arith.constant 21000 : i32
      %add3A_2577 = arith.addi %add3A_2576, %mul3A_2575 : i32
      %add3A_2578 = arith.constant 448 : i32
      %add3A_2579 = arith.addi %add3A_2577, %add3A_2578 : i32
      %dma_wait3A_2580 = arith.constant 0 : i32
      %dma_wait3A_2581 = arith.constant 0 : i32
      %dma_wait3A_2582 = tpu.memref_slice %arg9[%dma_wait3A_2580, %dma_wait3A_2581] : memref<112x512xf32, #tpu.memory_space<vmem>> -> memref<112x512xf32, #tpu.memory_space<vmem>>
      %dma_wait3A_2583 = arith.constant 0 : i32
      %dma_wait3A_2584 = tpu.memref_slice %arg5[%add3A_2579, %dma_wait3A_2583] : memref<77000x512xf32, #tpu.memory_space<hbm>> -> memref<112x512xf32, #tpu.memory_space<hbm>>
      %dma_wait3A_2585 = arith.constant 0 : i32
      %dma_wait3A_2586 = tpu.memref_slice %arg5[%add3A_2579, %dma_wait3A_2585] : memref<77000x512xf32, #tpu.memory_space<hbm>> -> memref<112x512xf32, #tpu.memory_space<hbm>>
      %dma_wait3A_2587 = arith.constant 0 : i32
      %dma_wait3A_2588 = arith.constant 0 : i32
      %dma_wait3A_2589 = tpu.memref_slice %arg9[%dma_wait3A_2587, %dma_wait3A_2588] : memref<112x512xf32, #tpu.memory_space<vmem>> -> memref<112x512xf32, #tpu.memory_space<vmem>>
      tpu.wait_dma2 semaphore(%arg14 : memref<!tpu.dma_semaphore, #tpu.memory_space<semaphore_mem>>) src(%dma_wait3A_2589 : memref<112x512xf32, #tpu.memory_space<vmem>>) dst(%dma_wait3A_2586 : memref<112x512xf32, #tpu.memory_space<hbm>>)
      %add3A_2590 = arith.constant 672 : i32
      %add3A_2591 = vector.broadcast %add3A_2590 : i32 to vector<16xi32>
      %add3A_2592 = arith.addi %add3A_2591, %iota3A : vector<16xi32>
      %min3A_2593 = arith.constant 999 : i32
      %min3A_2594 = vector.broadcast %min3A_2593 : i32 to vector<16xi32>
      %min3A_2595 = arith.minsi %add3A_2592, %min3A_2594 : vector<16xi32>
      %mul3A_2596 = arith.constant 56 : i32
      %mul3A_2597 = vector.broadcast %mul3A_2596 : i32 to vector<16xi32>
      %mul3A_2598 = arith.muli %min3A_2595, %mul3A_2597 : vector<16xi32>
      %add3A_2599 = vector.broadcast %add3A_1766 : i32 to vector<16xi32>
      %add3A_2600 = arith.addi %mul3A_2598, %add3A_2599 : vector<16xi32>
      %swap3A_2601 = arith.constant 0 : index
      %swap3A_2602 = tpu.vector_load %arg6[%swap3A_2601] {strides = array<i32>} : memref<112xi32, #tpu.memory_space<vmem>>, vector<16xi32>,
      %swap3A_2603 = vector.shape_cast %swap3A_2602 : vector<16xi32> to vector<16xi32>
      %swap3A_2604 = vector.shape_cast %add3A_2600 : vector<16xi32> to vector<16xi32>
      tpu.vector_store %arg6[%swap3A_2601], %swap3A_2604 {strides = array<i32>} : memref<112xi32, #tpu.memory_space<vmem>>, vector<16xi32>,
      %add3A_2605 = arith.constant 688 : i32
      %add3A_2606 = vector.broadcast %add3A_2605 : i32 to vector<16xi32>
      %add3A_2607 = arith.addi %add3A_2606, %iota3A : vector<16xi32>
      %min3A_2608 = arith.constant 999 : i32
      %min3A_2609 = vector.broadcast %min3A_2608 : i32 to vector<16xi32>
      %min3A_2610 = arith.minsi %add3A_2607, %min3A_2609 : vector<16xi32>
      %mul3A_2611 = arith.constant 56 : i32
      %mul3A_2612 = vector.broadcast %mul3A_2611 : i32 to vector<16xi32>
      %mul3A_2613 = arith.muli %min3A_2610, %mul3A_2612 : vector<16xi32>
      %add3A_2614 = vector.broadcast %add3A_1766 : i32 to vector<16xi32>
      %add3A_2615 = arith.addi %mul3A_2613, %add3A_2614 : vector<16xi32>
      %swap3A_2616 = arith.constant 16 : index
      %swap3A_2617 = tpu.vector_load %arg6[%swap3A_2616] {strides = array<i32>} : memref<112xi32, #tpu.memory_space<vmem>>, vector<16xi32>,
      %swap3A_2618 = vector.shape_cast %swap3A_2617 : vector<16xi32> to vector<16xi32>
      %swap3A_2619 = vector.shape_cast %add3A_2615 : vector<16xi32> to vector<16xi32>
      tpu.vector_store %arg6[%swap3A_2616], %swap3A_2619 {strides = array<i32>} : memref<112xi32, #tpu.memory_space<vmem>>, vector<16xi32>,
      %add3A_2620 = arith.constant 704 : i32
      %add3A_2621 = vector.broadcast %add3A_2620 : i32 to vector<16xi32>
      %add3A_2622 = arith.addi %add3A_2621, %iota3A : vector<16xi32>
      %min3A_2623 = arith.constant 999 : i32
      %min3A_2624 = vector.broadcast %min3A_2623 : i32 to vector<16xi32>
      %min3A_2625 = arith.minsi %add3A_2622, %min3A_2624 : vector<16xi32>
      %mul3A_2626 = arith.constant 56 : i32
      %mul3A_2627 = vector.broadcast %mul3A_2626 : i32 to vector<16xi32>
      %mul3A_2628 = arith.muli %min3A_2625, %mul3A_2627 : vector<16xi32>
      %add3A_2629 = vector.broadcast %add3A_1766 : i32 to vector<16xi32>
      %add3A_2630 = arith.addi %mul3A_2628, %add3A_2629 : vector<16xi32>
      %swap3A_2631 = arith.constant 32 : index
      %swap3A_2632 = tpu.vector_load %arg6[%swap3A_2631] {strides = array<i32>} : memref<112xi32, #tpu.memory_space<vmem>>, vector<16xi32>,
      %swap3A_2633 = vector.shape_cast %swap3A_2632 : vector<16xi32> to vector<16xi32>
      %swap3A_2634 = vector.shape_cast %add3A_2630 : vector<16xi32> to vector<16xi32>
      tpu.vector_store %arg6[%swap3A_2631], %swap3A_2634 {strides = array<i32>} : memref<112xi32, #tpu.memory_space<vmem>>, vector<16xi32>,
      %add3A_2635 = arith.constant 720 : i32
      %add3A_2636 = vector.broadcast %add3A_2635 : i32 to vector<16xi32>
      %add3A_2637 = arith.addi %add3A_2636, %iota3A : vector<16xi32>
      %min3A_2638 = arith.constant 999 : i32
      %min3A_2639 = vector.broadcast %min3A_2638 : i32 to vector<16xi32>
      %min3A_2640 = arith.minsi %add3A_2637, %min3A_2639 : vector<16xi32>
      %mul3A_2641 = arith.constant 56 : i32
      %mul3A_2642 = vector.broadcast %mul3A_2641 : i32 to vector<16xi32>
      %mul3A_2643 = arith.muli %min3A_2640, %mul3A_2642 : vector<16xi32>
      %add3A_2644 = vector.broadcast %add3A_1766 : i32 to vector<16xi32>
      %add3A_2645 = arith.addi %mul3A_2643, %add3A_2644 : vector<16xi32>
      %swap3A_2646 = arith.constant 48 : index
      %swap3A_2647 = tpu.vector_load %arg6[%swap3A_2646] {strides = array<i32>} : memref<112xi32, #tpu.memory_space<vmem>>, vector<16xi32>,
      %swap3A_2648 = vector.shape_cast %swap3A_2647 : vector<16xi32> to vector<16xi32>
      %swap3A_2649 = vector.shape_cast %add3A_2645 : vector<16xi32> to vector<16xi32>
      tpu.vector_store %arg6[%swap3A_2646], %swap3A_2649 {strides = array<i32>} : memref<112xi32, #tpu.memory_space<vmem>>, vector<16xi32>,
      %add3A_2650 = arith.constant 736 : i32
      %add3A_2651 = vector.broadcast %add3A_2650 : i32 to vector<16xi32>
      %add3A_2652 = arith.addi %add3A_2651, %iota3A : vector<16xi32>
      %min3A_2653 = arith.constant 999 : i32
      %min3A_2654 = vector.broadcast %min3A_2653 : i32 to vector<16xi32>
      %min3A_2655 = arith.minsi %add3A_2652, %min3A_2654 : vector<16xi32>
      %mul3A_2656 = arith.constant 56 : i32
      %mul3A_2657 = vector.broadcast %mul3A_2656 : i32 to vector<16xi32>
      %mul3A_2658 = arith.muli %min3A_2655, %mul3A_2657 : vector<16xi32>
      %add3A_2659 = vector.broadcast %add3A_1766 : i32 to vector<16xi32>
      %add3A_2660 = arith.addi %mul3A_2658, %add3A_2659 : vector<16xi32>
      %swap3A_2661 = arith.constant 64 : index
      %swap3A_2662 = tpu.vector_load %arg6[%swap3A_2661] {strides = array<i32>} : memref<112xi32, #tpu.memory_space<vmem>>, vector<16xi32>,
      %swap3A_2663 = vector.shape_cast %swap3A_2662 : vector<16xi32> to vector<16xi32>
      %swap3A_2664 = vector.shape_cast %add3A_2660 : vector<16xi32> to vector<16xi32>
      tpu.vector_store %arg6[%swap3A_2661], %swap3A_2664 {strides = array<i32>} : memref<112xi32, #tpu.memory_space<vmem>>, vector<16xi32>,
      %add3A_2665 = arith.constant 752 : i32
      %add3A_2666 = vector.broadcast %add3A_2665 : i32 to vector<16xi32>
      %add3A_2667 = arith.addi %add3A_2666, %iota3A : vector<16xi32>
      %min3A_2668 = arith.constant 999 : i32
      %min3A_2669 = vector.broadcast %min3A_2668 : i32 to vector<16xi32>
      %min3A_2670 = arith.minsi %add3A_2667, %min3A_2669 : vector<16xi32>
      %mul3A_2671 = arith.constant 56 : i32
      %mul3A_2672 = vector.broadcast %mul3A_2671 : i32 to vector<16xi32>
      %mul3A_2673 = arith.muli %min3A_2670, %mul3A_2672 : vector<16xi32>
      %add3A_2674 = vector.broadcast %add3A_1766 : i32 to vector<16xi32>
      %add3A_2675 = arith.addi %mul3A_2673, %add3A_2674 : vector<16xi32>
      %swap3A_2676 = arith.constant 80 : index
      %swap3A_2677 = tpu.vector_load %arg6[%swap3A_2676] {strides = array<i32>} : memref<112xi32, #tpu.memory_space<vmem>>, vector<16xi32>,
      %swap3A_2678 = vector.shape_cast %swap3A_2677 : vector<16xi32> to vector<16xi32>
      %swap3A_2679 = vector.shape_cast %add3A_2675 : vector<16xi32> to vector<16xi32>
      tpu.vector_store %arg6[%swap3A_2676], %swap3A_2679 {strides = array<i32>} : memref<112xi32, #tpu.memory_space<vmem>>, vector<16xi32>,
      %add3A_2680 = arith.constant 768 : i32
      %add3A_2681 = vector.broadcast %add3A_2680 : i32 to vector<16xi32>
      %add3A_2682 = arith.addi %add3A_2681, %iota3A : vector<16xi32>
      %min3A_2683 = arith.constant 999 : i32
      %min3A_2684 = vector.broadcast %min3A_2683 : i32 to vector<16xi32>
      %min3A_2685 = arith.minsi %add3A_2682, %min3A_2684 : vector<16xi32>
      %mul3A_2686 = arith.constant 56 : i32
      %mul3A_2687 = vector.broadcast %mul3A_2686 : i32 to vector<16xi32>
      %mul3A_2688 = arith.muli %min3A_2685, %mul3A_2687 : vector<16xi32>
      %add3A_2689 = vector.broadcast %add3A_1766 : i32 to vector<16xi32>
      %add3A_2690 = arith.addi %mul3A_2688, %add3A_2689 : vector<16xi32>
      %swap3A_2691 = arith.constant 96 : index
      %swap3A_2692 = tpu.vector_load %arg6[%swap3A_2691] {strides = array<i32>} : memref<112xi32, #tpu.memory_space<vmem>>, vector<16xi32>,
      %swap3A_2693 = vector.shape_cast %swap3A_2692 : vector<16xi32> to vector<16xi32>
      %swap3A_2694 = vector.shape_cast %add3A_2690 : vector<16xi32> to vector<16xi32>
      tpu.vector_store %arg6[%swap3A_2691], %swap3A_2694 {strides = array<i32>} : memref<112xi32, #tpu.memory_space<vmem>>, vector<16xi32>,
      %dma_start3A_2695 = arith.constant 0 : i32
      %dma_start3A_2696 = arith.constant 0 : i32
      %dma_start3A_2697 = tpu.memref_slice %arg4[%dma_start3A_2695, %dma_start3A_2696] : memref<56000x512xf32, #tpu.memory_space<hbm>> -> memref<56000x512xf32, #tpu.memory_space<hbm>>
      tpu.enqueue_indirect_dma source(%dma_start3A_2697 : memref<56000x512xf32, #tpu.memory_space<hbm>>) target(%arg9 : memref<112x512xf32, #tpu.memory_space<vmem>>) offsets(%arg6 : memref<112xi32, #tpu.memory_space<vmem>>) semaphore(%arg12 : memref<!tpu.dma_semaphore, #tpu.memory_space<semaphore_mem>>)
      %dma_wait3A_2698 = arith.constant 0 : i32
      %dma_wait3A_2699 = arith.constant 0 : i32
      %dma_wait3A_2700 = tpu.memref_slice %arg4[%dma_wait3A_2698, %dma_wait3A_2699] : memref<56000x512xf32, #tpu.memory_space<hbm>> -> memref<56000x512xf32, #tpu.memory_space<hbm>>
      tpu.wait_indirect_dma semaphore(%arg13 : memref<!tpu.dma_semaphore, #tpu.memory_space<semaphore_mem>>) src(%dma_wait3A_2700 : memref<56000x512xf32, #tpu.memory_space<hbm>>) dst(%arg10 : memref<112x512xf32, #tpu.memory_space<vmem>>)
      %mul3A_2701 = arith.constant 1000 : i32
      %mul3A_2702 = arith.muli %add3A_1766, %mul3A_2701 : i32
      %add3A_2703 = arith.constant 21000 : i32
      %add3A_2704 = arith.addi %add3A_2703, %mul3A_2702 : i32
      %add3A_2705 = arith.constant 560 : i32
      %add3A_2706 = arith.addi %add3A_2704, %add3A_2705 : i32
      %dma_start3A_2707 = arith.constant 0 : i32
      %dma_start3A_2708 = arith.constant 0 : i32
      %dma_start3A_2709 = tpu.memref_slice %arg10[%dma_start3A_2707, %dma_start3A_2708] : memref<112x512xf32, #tpu.memory_space<vmem>> -> memref<112x512xf32, #tpu.memory_space<vmem>>
      %dma_start3A_2710 = arith.constant 0 : i32
      %dma_start3A_2711 = tpu.memref_slice %arg5[%add3A_2706, %dma_start3A_2710] : memref<77000x512xf32, #tpu.memory_space<hbm>> -> memref<112x512xf32, #tpu.memory_space<hbm>>
      %dma_start3A_2712 = arith.constant 0 : i32
      %dma_start3A_2713 = tpu.memref_slice %arg5[%add3A_2706, %dma_start3A_2712] : memref<77000x512xf32, #tpu.memory_space<hbm>> -> memref<112x512xf32, #tpu.memory_space<hbm>>
      %dma_start3A_2714 = arith.constant 0 : i32
      %dma_start3A_2715 = arith.constant 0 : i32
      %dma_start3A_2716 = tpu.memref_slice %arg10[%dma_start3A_2714, %dma_start3A_2715] : memref<112x512xf32, #tpu.memory_space<vmem>> -> memref<112x512xf32, #tpu.memory_space<vmem>>
      tpu.enqueue_dma source(%dma_start3A_2716 : memref<112x512xf32, #tpu.memory_space<vmem>>) target(%dma_start3A_2713 : memref<112x512xf32, #tpu.memory_space<hbm>>) target_semaphore(%arg15 : memref<!tpu.dma_semaphore, #tpu.memory_space<semaphore_mem>>)
      %mul3A_2717 = arith.constant 1000 : i32
      %mul3A_2718 = arith.muli %add3A_1766, %mul3A_2717 : i32
      %add3A_2719 = arith.constant 21000 : i32
      %add3A_2720 = arith.addi %add3A_2719, %mul3A_2718 : i32
      %add3A_2721 = arith.constant 560 : i32
      %add3A_2722 = arith.addi %add3A_2720, %add3A_2721 : i32
      %dma_wait3A_2723 = arith.constant 0 : i32
      %dma_wait3A_2724 = arith.constant 0 : i32
      %dma_wait3A_2725 = tpu.memref_slice %arg10[%dma_wait3A_2723, %dma_wait3A_2724] : memref<112x512xf32, #tpu.memory_space<vmem>> -> memref<112x512xf32, #tpu.memory_space<vmem>>
      %dma_wait3A_2726 = arith.constant 0 : i32
      %dma_wait3A_2727 = tpu.memref_slice %arg5[%add3A_2722, %dma_wait3A_2726] : memref<77000x512xf32, #tpu.memory_space<hbm>> -> memref<112x512xf32, #tpu.memory_space<hbm>>
      %dma_wait3A_2728 = arith.constant 0 : i32
      %dma_wait3A_2729 = tpu.memref_slice %arg5[%add3A_2722, %dma_wait3A_2728] : memref<77000x512xf32, #tpu.memory_space<hbm>> -> memref<112x512xf32, #tpu.memory_space<hbm>>
      %dma_wait3A_2730 = arith.constant 0 : i32
      %dma_wait3A_2731 = arith.constant 0 : i32
      %dma_wait3A_2732 = tpu.memref_slice %arg10[%dma_wait3A_2730, %dma_wait3A_2731] : memref<112x512xf32, #tpu.memory_space<vmem>> -> memref<112x512xf32, #tpu.memory_space<vmem>>
      tpu.wait_dma2 semaphore(%arg15 : memref<!tpu.dma_semaphore, #tpu.memory_space<semaphore_mem>>) src(%dma_wait3A_2732 : memref<112x512xf32, #tpu.memory_space<vmem>>) dst(%dma_wait3A_2729 : memref<112x512xf32, #tpu.memory_space<hbm>>)
      %add3A_2733 = arith.constant 784 : i32
      %add3A_2734 = vector.broadcast %add3A_2733 : i32 to vector<16xi32>
      %add3A_2735 = arith.addi %add3A_2734, %iota3A : vector<16xi32>
      %min3A_2736 = arith.constant 999 : i32
      %min3A_2737 = vector.broadcast %min3A_2736 : i32 to vector<16xi32>
      %min3A_2738 = arith.minsi %add3A_2735, %min3A_2737 : vector<16xi32>
      %mul3A_2739 = arith.constant 56 : i32
      %mul3A_2740 = vector.broadcast %mul3A_2739 : i32 to vector<16xi32>
      %mul3A_2741 = arith.muli %min3A_2738, %mul3A_2740 : vector<16xi32>
      %add3A_2742 = vector.broadcast %add3A_1766 : i32 to vector<16xi32>
      %add3A_2743 = arith.addi %mul3A_2741, %add3A_2742 : vector<16xi32>
      %swap3A_2744 = arith.constant 0 : index
      %swap3A_2745 = tpu.vector_load %arg7[%swap3A_2744] {strides = array<i32>} : memref<112xi32, #tpu.memory_space<vmem>>, vector<16xi32>,
      %swap3A_2746 = vector.shape_cast %swap3A_2745 : vector<16xi32> to vector<16xi32>
      %swap3A_2747 = vector.shape_cast %add3A_2743 : vector<16xi32> to vector<16xi32>
      tpu.vector_store %arg7[%swap3A_2744], %swap3A_2747 {strides = array<i32>} : memref<112xi32, #tpu.memory_space<vmem>>, vector<16xi32>,
      %add3A_2748 = arith.constant 800 : i32
      %add3A_2749 = vector.broadcast %add3A_2748 : i32 to vector<16xi32>
      %add3A_2750 = arith.addi %add3A_2749, %iota3A : vector<16xi32>
      %min3A_2751 = arith.constant 999 : i32
      %min3A_2752 = vector.broadcast %min3A_2751 : i32 to vector<16xi32>
      %min3A_2753 = arith.minsi %add3A_2750, %min3A_2752 : vector<16xi32>
      %mul3A_2754 = arith.constant 56 : i32
      %mul3A_2755 = vector.broadcast %mul3A_2754 : i32 to vector<16xi32>
      %mul3A_2756 = arith.muli %min3A_2753, %mul3A_2755 : vector<16xi32>
      %add3A_2757 = vector.broadcast %add3A_1766 : i32 to vector<16xi32>
      %add3A_2758 = arith.addi %mul3A_2756, %add3A_2757 : vector<16xi32>
      %swap3A_2759 = arith.constant 16 : index
      %swap3A_2760 = tpu.vector_load %arg7[%swap3A_2759] {strides = array<i32>} : memref<112xi32, #tpu.memory_space<vmem>>, vector<16xi32>,
      %swap3A_2761 = vector.shape_cast %swap3A_2760 : vector<16xi32> to vector<16xi32>
      %swap3A_2762 = vector.shape_cast %add3A_2758 : vector<16xi32> to vector<16xi32>
      tpu.vector_store %arg7[%swap3A_2759], %swap3A_2762 {strides = array<i32>} : memref<112xi32, #tpu.memory_space<vmem>>, vector<16xi32>,
      %add3A_2763 = arith.constant 816 : i32
      %add3A_2764 = vector.broadcast %add3A_2763 : i32 to vector<16xi32>
      %add3A_2765 = arith.addi %add3A_2764, %iota3A : vector<16xi32>
      %min3A_2766 = arith.constant 999 : i32
      %min3A_2767 = vector.broadcast %min3A_2766 : i32 to vector<16xi32>
      %min3A_2768 = arith.minsi %add3A_2765, %min3A_2767 : vector<16xi32>
      %mul3A_2769 = arith.constant 56 : i32
      %mul3A_2770 = vector.broadcast %mul3A_2769 : i32 to vector<16xi32>
      %mul3A_2771 = arith.muli %min3A_2768, %mul3A_2770 : vector<16xi32>
      %add3A_2772 = vector.broadcast %add3A_1766 : i32 to vector<16xi32>
      %add3A_2773 = arith.addi %mul3A_2771, %add3A_2772 : vector<16xi32>
      %swap3A_2774 = arith.constant 32 : index
      %swap3A_2775 = tpu.vector_load %arg7[%swap3A_2774] {strides = array<i32>} : memref<112xi32, #tpu.memory_space<vmem>>, vector<16xi32>,
      %swap3A_2776 = vector.shape_cast %swap3A_2775 : vector<16xi32> to vector<16xi32>
      %swap3A_2777 = vector.shape_cast %add3A_2773 : vector<16xi32> to vector<16xi32>
      tpu.vector_store %arg7[%swap3A_2774], %swap3A_2777 {strides = array<i32>} : memref<112xi32, #tpu.memory_space<vmem>>, vector<16xi32>,
      %add3A_2778 = arith.constant 832 : i32
      %add3A_2779 = vector.broadcast %add3A_2778 : i32 to vector<16xi32>
      %add3A_2780 = arith.addi %add3A_2779, %iota3A : vector<16xi32>
      %min3A_2781 = arith.constant 999 : i32
      %min3A_2782 = vector.broadcast %min3A_2781 : i32 to vector<16xi32>
      %min3A_2783 = arith.minsi %add3A_2780, %min3A_2782 : vector<16xi32>
      %mul3A_2784 = arith.constant 56 : i32
      %mul3A_2785 = vector.broadcast %mul3A_2784 : i32 to vector<16xi32>
      %mul3A_2786 = arith.muli %min3A_2783, %mul3A_2785 : vector<16xi32>
      %add3A_2787 = vector.broadcast %add3A_1766 : i32 to vector<16xi32>
      %add3A_2788 = arith.addi %mul3A_2786, %add3A_2787 : vector<16xi32>
      %swap3A_2789 = arith.constant 48 : index
      %swap3A_2790 = tpu.vector_load %arg7[%swap3A_2789] {strides = array<i32>} : memref<112xi32, #tpu.memory_space<vmem>>, vector<16xi32>,
      %swap3A_2791 = vector.shape_cast %swap3A_2790 : vector<16xi32> to vector<16xi32>
      %swap3A_2792 = vector.shape_cast %add3A_2788 : vector<16xi32> to vector<16xi32>
      tpu.vector_store %arg7[%swap3A_2789], %swap3A_2792 {strides = array<i32>} : memref<112xi32, #tpu.memory_space<vmem>>, vector<16xi32>,
      %add3A_2793 = arith.constant 848 : i32
      %add3A_2794 = vector.broadcast %add3A_2793 : i32 to vector<16xi32>
      %add3A_2795 = arith.addi %add3A_2794, %iota3A : vector<16xi32>
      %min3A_2796 = arith.constant 999 : i32
      %min3A_2797 = vector.broadcast %min3A_2796 : i32 to vector<16xi32>
      %min3A_2798 = arith.minsi %add3A_2795, %min3A_2797 : vector<16xi32>
      %mul3A_2799 = arith.constant 56 : i32
      %mul3A_2800 = vector.broadcast %mul3A_2799 : i32 to vector<16xi32>
      %mul3A_2801 = arith.muli %min3A_2798, %mul3A_2800 : vector<16xi32>
      %add3A_2802 = vector.broadcast %add3A_1766 : i32 to vector<16xi32>
      %add3A_2803 = arith.addi %mul3A_2801, %add3A_2802 : vector<16xi32>
      %swap3A_2804 = arith.constant 64 : index
      %swap3A_2805 = tpu.vector_load %arg7[%swap3A_2804] {strides = array<i32>} : memref<112xi32, #tpu.memory_space<vmem>>, vector<16xi32>,
      %swap3A_2806 = vector.shape_cast %swap3A_2805 : vector<16xi32> to vector<16xi32>
      %swap3A_2807 = vector.shape_cast %add3A_2803 : vector<16xi32> to vector<16xi32>
      tpu.vector_store %arg7[%swap3A_2804], %swap3A_2807 {strides = array<i32>} : memref<112xi32, #tpu.memory_space<vmem>>, vector<16xi32>,
      %add3A_2808 = arith.constant 864 : i32
      %add3A_2809 = vector.broadcast %add3A_2808 : i32 to vector<16xi32>
      %add3A_2810 = arith.addi %add3A_2809, %iota3A : vector<16xi32>
      %min3A_2811 = arith.constant 999 : i32
      %min3A_2812 = vector.broadcast %min3A_2811 : i32 to vector<16xi32>
      %min3A_2813 = arith.minsi %add3A_2810, %min3A_2812 : vector<16xi32>
      %mul3A_2814 = arith.constant 56 : i32
      %mul3A_2815 = vector.broadcast %mul3A_2814 : i32 to vector<16xi32>
      %mul3A_2816 = arith.muli %min3A_2813, %mul3A_2815 : vector<16xi32>
      %add3A_2817 = vector.broadcast %add3A_1766 : i32 to vector<16xi32>
      %add3A_2818 = arith.addi %mul3A_2816, %add3A_2817 : vector<16xi32>
      %swap3A_2819 = arith.constant 80 : index
      %swap3A_2820 = tpu.vector_load %arg7[%swap3A_2819] {strides = array<i32>} : memref<112xi32, #tpu.memory_space<vmem>>, vector<16xi32>,
      %swap3A_2821 = vector.shape_cast %swap3A_2820 : vector<16xi32> to vector<16xi32>
      %swap3A_2822 = vector.shape_cast %add3A_2818 : vector<16xi32> to vector<16xi32>
      tpu.vector_store %arg7[%swap3A_2819], %swap3A_2822 {strides = array<i32>} : memref<112xi32, #tpu.memory_space<vmem>>, vector<16xi32>,
      %add3A_2823 = arith.constant 880 : i32
      %add3A_2824 = vector.broadcast %add3A_2823 : i32 to vector<16xi32>
      %add3A_2825 = arith.addi %add3A_2824, %iota3A : vector<16xi32>
      %min3A_2826 = arith.constant 999 : i32
      %min3A_2827 = vector.broadcast %min3A_2826 : i32 to vector<16xi32>
      %min3A_2828 = arith.minsi %add3A_2825, %min3A_2827 : vector<16xi32>
      %mul3A_2829 = arith.constant 56 : i32
      %mul3A_2830 = vector.broadcast %mul3A_2829 : i32 to vector<16xi32>
      %mul3A_2831 = arith.muli %min3A_2828, %mul3A_2830 : vector<16xi32>
      %add3A_2832 = vector.broadcast %add3A_1766 : i32 to vector<16xi32>
      %add3A_2833 = arith.addi %mul3A_2831, %add3A_2832 : vector<16xi32>
      %swap3A_2834 = arith.constant 96 : index
      %swap3A_2835 = tpu.vector_load %arg7[%swap3A_2834] {strides = array<i32>} : memref<112xi32, #tpu.memory_space<vmem>>, vector<16xi32>,
      %swap3A_2836 = vector.shape_cast %swap3A_2835 : vector<16xi32> to vector<16xi32>
      %swap3A_2837 = vector.shape_cast %add3A_2833 : vector<16xi32> to vector<16xi32>
      tpu.vector_store %arg7[%swap3A_2834], %swap3A_2837 {strides = array<i32>} : memref<112xi32, #tpu.memory_space<vmem>>, vector<16xi32>,
      %dma_start3A_2838 = arith.constant 0 : i32
      %dma_start3A_2839 = arith.constant 0 : i32
      %dma_start3A_2840 = tpu.memref_slice %arg4[%dma_start3A_2838, %dma_start3A_2839] : memref<56000x512xf32, #tpu.memory_space<hbm>> -> memref<56000x512xf32, #tpu.memory_space<hbm>>
      tpu.enqueue_indirect_dma source(%dma_start3A_2840 : memref<56000x512xf32, #tpu.memory_space<hbm>>) target(%arg10 : memref<112x512xf32, #tpu.memory_space<vmem>>) offsets(%arg7 : memref<112xi32, #tpu.memory_space<vmem>>) semaphore(%arg13 : memref<!tpu.dma_semaphore, #tpu.memory_space<semaphore_mem>>)
      %dma_wait3A_2841 = arith.constant 0 : i32
      %dma_wait3A_2842 = arith.constant 0 : i32
      %dma_wait3A_2843 = tpu.memref_slice %arg4[%dma_wait3A_2841, %dma_wait3A_2842] : memref<56000x512xf32, #tpu.memory_space<hbm>> -> memref<56000x512xf32, #tpu.memory_space<hbm>>
      tpu.wait_indirect_dma semaphore(%arg12 : memref<!tpu.dma_semaphore, #tpu.memory_space<semaphore_mem>>) src(%dma_wait3A_2843 : memref<56000x512xf32, #tpu.memory_space<hbm>>) dst(%arg9 : memref<112x512xf32, #tpu.memory_space<vmem>>)
      %mul3A_2844 = arith.constant 1000 : i32
      %mul3A_2845 = arith.muli %add3A_1766, %mul3A_2844 : i32
      %add3A_2846 = arith.constant 21000 : i32
      %add3A_2847 = arith.addi %add3A_2846, %mul3A_2845 : i32
      %add3A_2848 = arith.constant 672 : i32
      %add3A_2849 = arith.addi %add3A_2847, %add3A_2848 : i32
      %dma_start3A_2850 = arith.constant 0 : i32
      %dma_start3A_2851 = arith.constant 0 : i32
      %dma_start3A_2852 = tpu.memref_slice %arg9[%dma_start3A_2850, %dma_start3A_2851] : memref<112x512xf32, #tpu.memory_space<vmem>> -> memref<112x512xf32, #tpu.memory_space<vmem>>
      %dma_start3A_2853 = arith.constant 0 : i32
      %dma_start3A_2854 = tpu.memref_slice %arg5[%add3A_2849, %dma_start3A_2853] : memref<77000x512xf32, #tpu.memory_space<hbm>> -> memref<112x512xf32, #tpu.memory_space<hbm>>
      %dma_start3A_2855 = arith.constant 0 : i32
      %dma_start3A_2856 = tpu.memref_slice %arg5[%add3A_2849, %dma_start3A_2855] : memref<77000x512xf32, #tpu.memory_space<hbm>> -> memref<112x512xf32, #tpu.memory_space<hbm>>
      %dma_start3A_2857 = arith.constant 0 : i32
      %dma_start3A_2858 = arith.constant 0 : i32
      %dma_start3A_2859 = tpu.memref_slice %arg9[%dma_start3A_2857, %dma_start3A_2858] : memref<112x512xf32, #tpu.memory_space<vmem>> -> memref<112x512xf32, #tpu.memory_space<vmem>>
      tpu.enqueue_dma source(%dma_start3A_2859 : memref<112x512xf32, #tpu.memory_space<vmem>>) target(%dma_start3A_2856 : memref<112x512xf32, #tpu.memory_space<hbm>>) target_semaphore(%arg14 : memref<!tpu.dma_semaphore, #tpu.memory_space<semaphore_mem>>)
      %mul3A_2860 = arith.constant 1000 : i32
      %mul3A_2861 = arith.muli %add3A_1766, %mul3A_2860 : i32
      %add3A_2862 = arith.constant 21000 : i32
      %add3A_2863 = arith.addi %add3A_2862, %mul3A_2861 : i32
      %add3A_2864 = arith.constant 672 : i32
      %add3A_2865 = arith.addi %add3A_2863, %add3A_2864 : i32
      %dma_wait3A_2866 = arith.constant 0 : i32
      %dma_wait3A_2867 = arith.constant 0 : i32
      %dma_wait3A_2868 = tpu.memref_slice %arg9[%dma_wait3A_2866, %dma_wait3A_2867] : memref<112x512xf32, #tpu.memory_space<vmem>> -> memref<112x512xf32, #tpu.memory_space<vmem>>
      %dma_wait3A_2869 = arith.constant 0 : i32
      %dma_wait3A_2870 = tpu.memref_slice %arg5[%add3A_2865, %dma_wait3A_2869] : memref<77000x512xf32, #tpu.memory_space<hbm>> -> memref<112x512xf32, #tpu.memory_space<hbm>>
      %dma_wait3A_2871 = arith.constant 0 : i32
      %dma_wait3A_2872 = tpu.memref_slice %arg5[%add3A_2865, %dma_wait3A_2871] : memref<77000x512xf32, #tpu.memory_space<hbm>> -> memref<112x512xf32, #tpu.memory_space<hbm>>
      %dma_wait3A_2873 = arith.constant 0 : i32
      %dma_wait3A_2874 = arith.constant 0 : i32
      %dma_wait3A_2875 = tpu.memref_slice %arg9[%dma_wait3A_2873, %dma_wait3A_2874] : memref<112x512xf32, #tpu.memory_space<vmem>> -> memref<112x512xf32, #tpu.memory_space<vmem>>
      tpu.wait_dma2 semaphore(%arg14 : memref<!tpu.dma_semaphore, #tpu.memory_space<semaphore_mem>>) src(%dma_wait3A_2875 : memref<112x512xf32, #tpu.memory_space<vmem>>) dst(%dma_wait3A_2872 : memref<112x512xf32, #tpu.memory_space<hbm>>)
      %add3A_2876 = arith.constant 896 : i32
      %add3A_2877 = vector.broadcast %add3A_2876 : i32 to vector<16xi32>
      %add3A_2878 = arith.addi %add3A_2877, %iota3A : vector<16xi32>
      %min3A_2879 = arith.constant 999 : i32
      %min3A_2880 = vector.broadcast %min3A_2879 : i32 to vector<16xi32>
      %min3A_2881 = arith.minsi %add3A_2878, %min3A_2880 : vector<16xi32>
      %mul3A_2882 = arith.constant 56 : i32
      %mul3A_2883 = vector.broadcast %mul3A_2882 : i32 to vector<16xi32>
      %mul3A_2884 = arith.muli %min3A_2881, %mul3A_2883 : vector<16xi32>
      %add3A_2885 = vector.broadcast %add3A_1766 : i32 to vector<16xi32>
      %add3A_2886 = arith.addi %mul3A_2884, %add3A_2885 : vector<16xi32>
      %swap3A_2887 = arith.constant 0 : index
      %swap3A_2888 = tpu.vector_load %arg6[%swap3A_2887] {strides = array<i32>} : memref<112xi32, #tpu.memory_space<vmem>>, vector<16xi32>,
      %swap3A_2889 = vector.shape_cast %swap3A_2888 : vector<16xi32> to vector<16xi32>
      %swap3A_2890 = vector.shape_cast %add3A_2886 : vector<16xi32> to vector<16xi32>
      tpu.vector_store %arg6[%swap3A_2887], %swap3A_2890 {strides = array<i32>} : memref<112xi32, #tpu.memory_space<vmem>>, vector<16xi32>,
      %add3A_2891 = arith.constant 912 : i32
      %add3A_2892 = vector.broadcast %add3A_2891 : i32 to vector<16xi32>
      %add3A_2893 = arith.addi %add3A_2892, %iota3A : vector<16xi32>
      %min3A_2894 = arith.constant 999 : i32
      %min3A_2895 = vector.broadcast %min3A_2894 : i32 to vector<16xi32>
      %min3A_2896 = arith.minsi %add3A_2893, %min3A_2895 : vector<16xi32>
      %mul3A_2897 = arith.constant 56 : i32
      %mul3A_2898 = vector.broadcast %mul3A_2897 : i32 to vector<16xi32>
      %mul3A_2899 = arith.muli %min3A_2896, %mul3A_2898 : vector<16xi32>
      %add3A_2900 = vector.broadcast %add3A_1766 : i32 to vector<16xi32>
      %add3A_2901 = arith.addi %mul3A_2899, %add3A_2900 : vector<16xi32>
      %swap3A_2902 = arith.constant 16 : index
      %swap3A_2903 = tpu.vector_load %arg6[%swap3A_2902] {strides = array<i32>} : memref<112xi32, #tpu.memory_space<vmem>>, vector<16xi32>,
      %swap3A_2904 = vector.shape_cast %swap3A_2903 : vector<16xi32> to vector<16xi32>
      %swap3A_2905 = vector.shape_cast %add3A_2901 : vector<16xi32> to vector<16xi32>
      tpu.vector_store %arg6[%swap3A_2902], %swap3A_2905 {strides = array<i32>} : memref<112xi32, #tpu.memory_space<vmem>>, vector<16xi32>,
      %add3A_2906 = arith.constant 928 : i32
      %add3A_2907 = vector.broadcast %add3A_2906 : i32 to vector<16xi32>
      %add3A_2908 = arith.addi %add3A_2907, %iota3A : vector<16xi32>
      %min3A_2909 = arith.constant 999 : i32
      %min3A_2910 = vector.broadcast %min3A_2909 : i32 to vector<16xi32>
      %min3A_2911 = arith.minsi %add3A_2908, %min3A_2910 : vector<16xi32>
      %mul3A_2912 = arith.constant 56 : i32
      %mul3A_2913 = vector.broadcast %mul3A_2912 : i32 to vector<16xi32>
      %mul3A_2914 = arith.muli %min3A_2911, %mul3A_2913 : vector<16xi32>
      %add3A_2915 = vector.broadcast %add3A_1766 : i32 to vector<16xi32>
      %add3A_2916 = arith.addi %mul3A_2914, %add3A_2915 : vector<16xi32>
      %swap3A_2917 = arith.constant 32 : index
      %swap3A_2918 = tpu.vector_load %arg6[%swap3A_2917] {strides = array<i32>} : memref<112xi32, #tpu.memory_space<vmem>>, vector<16xi32>,
      %swap3A_2919 = vector.shape_cast %swap3A_2918 : vector<16xi32> to vector<16xi32>
      %swap3A_2920 = vector.shape_cast %add3A_2916 : vector<16xi32> to vector<16xi32>
      tpu.vector_store %arg6[%swap3A_2917], %swap3A_2920 {strides = array<i32>} : memref<112xi32, #tpu.memory_space<vmem>>, vector<16xi32>,
      %add3A_2921 = arith.constant 944 : i32
      %add3A_2922 = vector.broadcast %add3A_2921 : i32 to vector<16xi32>
      %add3A_2923 = arith.addi %add3A_2922, %iota3A : vector<16xi32>
      %min3A_2924 = arith.constant 999 : i32
      %min3A_2925 = vector.broadcast %min3A_2924 : i32 to vector<16xi32>
      %min3A_2926 = arith.minsi %add3A_2923, %min3A_2925 : vector<16xi32>
      %mul3A_2927 = arith.constant 56 : i32
      %mul3A_2928 = vector.broadcast %mul3A_2927 : i32 to vector<16xi32>
      %mul3A_2929 = arith.muli %min3A_2926, %mul3A_2928 : vector<16xi32>
      %add3A_2930 = vector.broadcast %add3A_1766 : i32 to vector<16xi32>
      %add3A_2931 = arith.addi %mul3A_2929, %add3A_2930 : vector<16xi32>
      %swap3A_2932 = arith.constant 48 : index
      %swap3A_2933 = tpu.vector_load %arg6[%swap3A_2932] {strides = array<i32>} : memref<112xi32, #tpu.memory_space<vmem>>, vector<16xi32>,
      %swap3A_2934 = vector.shape_cast %swap3A_2933 : vector<16xi32> to vector<16xi32>
      %swap3A_2935 = vector.shape_cast %add3A_2931 : vector<16xi32> to vector<16xi32>
      tpu.vector_store %arg6[%swap3A_2932], %swap3A_2935 {strides = array<i32>} : memref<112xi32, #tpu.memory_space<vmem>>, vector<16xi32>,
      %add3A_2936 = arith.constant 960 : i32
      %add3A_2937 = vector.broadcast %add3A_2936 : i32 to vector<16xi32>
      %add3A_2938 = arith.addi %add3A_2937, %iota3A : vector<16xi32>
      %min3A_2939 = arith.constant 999 : i32
      %min3A_2940 = vector.broadcast %min3A_2939 : i32 to vector<16xi32>
      %min3A_2941 = arith.minsi %add3A_2938, %min3A_2940 : vector<16xi32>
      %mul3A_2942 = arith.constant 56 : i32
      %mul3A_2943 = vector.broadcast %mul3A_2942 : i32 to vector<16xi32>
      %mul3A_2944 = arith.muli %min3A_2941, %mul3A_2943 : vector<16xi32>
      %add3A_2945 = vector.broadcast %add3A_1766 : i32 to vector<16xi32>
      %add3A_2946 = arith.addi %mul3A_2944, %add3A_2945 : vector<16xi32>
      %swap3A_2947 = arith.constant 64 : index
      %swap3A_2948 = tpu.vector_load %arg6[%swap3A_2947] {strides = array<i32>} : memref<112xi32, #tpu.memory_space<vmem>>, vector<16xi32>,
      %swap3A_2949 = vector.shape_cast %swap3A_2948 : vector<16xi32> to vector<16xi32>
      %swap3A_2950 = vector.shape_cast %add3A_2946 : vector<16xi32> to vector<16xi32>
      tpu.vector_store %arg6[%swap3A_2947], %swap3A_2950 {strides = array<i32>} : memref<112xi32, #tpu.memory_space<vmem>>, vector<16xi32>,
      %add3A_2951 = arith.constant 976 : i32
      %add3A_2952 = vector.broadcast %add3A_2951 : i32 to vector<16xi32>
      %add3A_2953 = arith.addi %add3A_2952, %iota3A : vector<16xi32>
      %min3A_2954 = arith.constant 999 : i32
      %min3A_2955 = vector.broadcast %min3A_2954 : i32 to vector<16xi32>
      %min3A_2956 = arith.minsi %add3A_2953, %min3A_2955 : vector<16xi32>
      %mul3A_2957 = arith.constant 56 : i32
      %mul3A_2958 = vector.broadcast %mul3A_2957 : i32 to vector<16xi32>
      %mul3A_2959 = arith.muli %min3A_2956, %mul3A_2958 : vector<16xi32>
      %add3A_2960 = vector.broadcast %add3A_1766 : i32 to vector<16xi32>
      %add3A_2961 = arith.addi %mul3A_2959, %add3A_2960 : vector<16xi32>
      %swap3A_2962 = arith.constant 80 : index
      %swap3A_2963 = tpu.vector_load %arg6[%swap3A_2962] {strides = array<i32>} : memref<112xi32, #tpu.memory_space<vmem>>, vector<16xi32>,
      %swap3A_2964 = vector.shape_cast %swap3A_2963 : vector<16xi32> to vector<16xi32>
      %swap3A_2965 = vector.shape_cast %add3A_2961 : vector<16xi32> to vector<16xi32>
      tpu.vector_store %arg6[%swap3A_2962], %swap3A_2965 {strides = array<i32>} : memref<112xi32, #tpu.memory_space<vmem>>, vector<16xi32>,
      %add3A_2966 = arith.constant 992 : i32
      %add3A_2967 = vector.broadcast %add3A_2966 : i32 to vector<16xi32>
      %add3A_2968 = arith.addi %add3A_2967, %iota3A : vector<16xi32>
      %min3A_2969 = arith.constant 999 : i32
      %min3A_2970 = vector.broadcast %min3A_2969 : i32 to vector<16xi32>
      %min3A_2971 = arith.minsi %add3A_2968, %min3A_2970 : vector<16xi32>
      %mul3A_2972 = arith.constant 56 : i32
      %mul3A_2973 = vector.broadcast %mul3A_2972 : i32 to vector<16xi32>
      %mul3A_2974 = arith.muli %min3A_2971, %mul3A_2973 : vector<16xi32>
      %add3A_2975 = vector.broadcast %add3A_1766 : i32 to vector<16xi32>
      %add3A_2976 = arith.addi %mul3A_2974, %add3A_2975 : vector<16xi32>
      %swap3A_2977 = arith.constant 96 : index
      %swap3A_2978 = tpu.vector_load %arg6[%swap3A_2977] {strides = array<i32>} : memref<112xi32, #tpu.memory_space<vmem>>, vector<16xi32>,
      %swap3A_2979 = vector.shape_cast %swap3A_2978 : vector<16xi32> to vector<16xi32>
      %swap3A_2980 = vector.shape_cast %add3A_2976 : vector<16xi32> to vector<16xi32>
      tpu.vector_store %arg6[%swap3A_2977], %swap3A_2980 {strides = array<i32>} : memref<112xi32, #tpu.memory_space<vmem>>, vector<16xi32>,
      %dma_start3A_2981 = arith.constant 0 : i32
      %dma_start3A_2982 = arith.constant 0 : i32
      %dma_start3A_2983 = tpu.memref_slice %arg4[%dma_start3A_2981, %dma_start3A_2982] : memref<56000x512xf32, #tpu.memory_space<hbm>> -> memref<56000x512xf32, #tpu.memory_space<hbm>>
      tpu.enqueue_indirect_dma source(%dma_start3A_2983 : memref<56000x512xf32, #tpu.memory_space<hbm>>) target(%arg9 : memref<112x512xf32, #tpu.memory_space<vmem>>) offsets(%arg6 : memref<112xi32, #tpu.memory_space<vmem>>) semaphore(%arg12 : memref<!tpu.dma_semaphore, #tpu.memory_space<semaphore_mem>>)
      %dma_wait3A_2984 = arith.constant 0 : i32
      %dma_wait3A_2985 = arith.constant 0 : i32
      %dma_wait3A_2986 = tpu.memref_slice %arg4[%dma_wait3A_2984, %dma_wait3A_2985] : memref<56000x512xf32, #tpu.memory_space<hbm>> -> memref<56000x512xf32, #tpu.memory_space<hbm>>
      tpu.wait_indirect_dma semaphore(%arg13 : memref<!tpu.dma_semaphore, #tpu.memory_space<semaphore_mem>>) src(%dma_wait3A_2986 : memref<56000x512xf32, #tpu.memory_space<hbm>>) dst(%arg10 : memref<112x512xf32, #tpu.memory_space<vmem>>)
      %mul3A_2987 = arith.constant 1000 : i32
      %mul3A_2988 = arith.muli %add3A_1766, %mul3A_2987 : i32
      %add3A_2989 = arith.constant 21000 : i32
      %add3A_2990 = arith.addi %add3A_2989, %mul3A_2988 : i32
      %add3A_2991 = arith.constant 784 : i32
      %add3A_2992 = arith.addi %add3A_2990, %add3A_2991 : i32
      %dma_start3A_2993 = arith.constant 0 : i32
      %dma_start3A_2994 = arith.constant 0 : i32
      %dma_start3A_2995 = tpu.memref_slice %arg10[%dma_start3A_2993, %dma_start3A_2994] : memref<112x512xf32, #tpu.memory_space<vmem>> -> memref<112x512xf32, #tpu.memory_space<vmem>>
      %dma_start3A_2996 = arith.constant 0 : i32
      %dma_start3A_2997 = tpu.memref_slice %arg5[%add3A_2992, %dma_start3A_2996] : memref<77000x512xf32, #tpu.memory_space<hbm>> -> memref<112x512xf32, #tpu.memory_space<hbm>>
      %dma_start3A_2998 = arith.constant 0 : i32
      %dma_start3A_2999 = tpu.memref_slice %arg5[%add3A_2992, %dma_start3A_2998] : memref<77000x512xf32, #tpu.memory_space<hbm>> -> memref<112x512xf32, #tpu.memory_space<hbm>>
      %dma_start3A_3000 = arith.constant 0 : i32
      %dma_start3A_3001 = arith.constant 0 : i32
      %dma_start3A_3002 = tpu.memref_slice %arg10[%dma_start3A_3000, %dma_start3A_3001] : memref<112x512xf32, #tpu.memory_space<vmem>> -> memref<112x512xf32, #tpu.memory_space<vmem>>
      tpu.enqueue_dma source(%dma_start3A_3002 : memref<112x512xf32, #tpu.memory_space<vmem>>) target(%dma_start3A_2999 : memref<112x512xf32, #tpu.memory_space<hbm>>) target_semaphore(%arg15 : memref<!tpu.dma_semaphore, #tpu.memory_space<semaphore_mem>>)
      %dma_wait3A_3003 = arith.constant 0 : i32
      %dma_wait3A_3004 = arith.constant 0 : i32
      %dma_wait3A_3005 = tpu.memref_slice %arg4[%dma_wait3A_3003, %dma_wait3A_3004] : memref<56000x512xf32, #tpu.memory_space<hbm>> -> memref<56000x512xf32, #tpu.memory_space<hbm>>
      tpu.wait_indirect_dma semaphore(%arg12 : memref<!tpu.dma_semaphore, #tpu.memory_space<semaphore_mem>>) src(%dma_wait3A_3005 : memref<56000x512xf32, #tpu.memory_space<hbm>>) dst(%arg9 : memref<112x512xf32, #tpu.memory_space<vmem>>)
      %mul3A_3006 = arith.constant 1000 : i32
      %mul3A_3007 = arith.muli %add3A_1766, %mul3A_3006 : i32
      %add3A_3008 = arith.constant 21000 : i32
      %add3A_3009 = arith.addi %add3A_3008, %mul3A_3007 : i32
      %add3A_3010 = arith.constant 896 : i32
      %add3A_3011 = arith.addi %add3A_3009, %add3A_3010 : i32
      %dma_start3A_3012 = arith.constant 0 : i32
      %dma_start3A_3013 = arith.constant 0 : i32
      %dma_start3A_3014 = tpu.memref_slice %arg9[%dma_start3A_3012, %dma_start3A_3013] : memref<112x512xf32, #tpu.memory_space<vmem>> -> memref<104x512xf32, #tpu.memory_space<vmem>>
      %dma_start3A_3015 = arith.constant 0 : i32
      %dma_start3A_3016 = tpu.memref_slice %arg5[%add3A_3011, %dma_start3A_3015] : memref<77000x512xf32, #tpu.memory_space<hbm>> -> memref<104x512xf32, #tpu.memory_space<hbm>>
      %dma_start3A_3017 = arith.constant 0 : i32
      %dma_start3A_3018 = tpu.memref_slice %arg5[%add3A_3011, %dma_start3A_3017] : memref<77000x512xf32, #tpu.memory_space<hbm>> -> memref<104x512xf32, #tpu.memory_space<hbm>>
      %dma_start3A_3019 = arith.constant 0 : i32
      %dma_start3A_3020 = arith.constant 0 : i32
      %dma_start3A_3021 = tpu.memref_slice %arg9[%dma_start3A_3019, %dma_start3A_3020] : memref<112x512xf32, #tpu.memory_space<vmem>> -> memref<104x512xf32, #tpu.memory_space<vmem>>
      tpu.enqueue_dma source(%dma_start3A_3021 : memref<104x512xf32, #tpu.memory_space<vmem>>) target(%dma_start3A_3018 : memref<104x512xf32, #tpu.memory_space<hbm>>) target_semaphore(%arg14 : memref<!tpu.dma_semaphore, #tpu.memory_space<semaphore_mem>>)
      %mul3A_3022 = arith.constant 1000 : i32
      %mul3A_3023 = arith.muli %add3A_1766, %mul3A_3022 : i32
      %add3A_3024 = arith.constant 21000 : i32
      %add3A_3025 = arith.addi %add3A_3024, %mul3A_3023 : i32
      %add3A_3026 = arith.constant 784 : i32
      %add3A_3027 = arith.addi %add3A_3025, %add3A_3026 : i32
      %dma_wait3A_3028 = arith.constant 0 : i32
      %dma_wait3A_3029 = arith.constant 0 : i32
      %dma_wait3A_3030 = tpu.memref_slice %arg10[%dma_wait3A_3028, %dma_wait3A_3029] : memref<112x512xf32, #tpu.memory_space<vmem>> -> memref<112x512xf32, #tpu.memory_space<vmem>>
      %dma_wait3A_3031 = arith.constant 0 : i32
      %dma_wait3A_3032 = tpu.memref_slice %arg5[%add3A_3027, %dma_wait3A_3031] : memref<77000x512xf32, #tpu.memory_space<hbm>> -> memref<112x512xf32, #tpu.memory_space<hbm>>
      %dma_wait3A_3033 = arith.constant 0 : i32
      %dma_wait3A_3034 = tpu.memref_slice %arg5[%add3A_3027, %dma_wait3A_3033] : memref<77000x512xf32, #tpu.memory_space<hbm>> -> memref<112x512xf32, #tpu.memory_space<hbm>>
      %dma_wait3A_3035 = arith.constant 0 : i32
      %dma_wait3A_3036 = arith.constant 0 : i32
      %dma_wait3A_3037 = tpu.memref_slice %arg10[%dma_wait3A_3035, %dma_wait3A_3036] : memref<112x512xf32, #tpu.memory_space<vmem>> -> memref<112x512xf32, #tpu.memory_space<vmem>>
      tpu.wait_dma2 semaphore(%arg15 : memref<!tpu.dma_semaphore, #tpu.memory_space<semaphore_mem>>) src(%dma_wait3A_3037 : memref<112x512xf32, #tpu.memory_space<vmem>>) dst(%dma_wait3A_3034 : memref<112x512xf32, #tpu.memory_space<hbm>>)
      %mul3A_3038 = arith.constant 1000 : i32
      %mul3A_3039 = arith.muli %add3A_1766, %mul3A_3038 : i32
      %add3A_3040 = arith.constant 21000 : i32
      %add3A_3041 = arith.addi %add3A_3040, %mul3A_3039 : i32
      %add3A_3042 = arith.constant 896 : i32
      %add3A_3043 = arith.addi %add3A_3041, %add3A_3042 : i32
      %dma_wait3A_3044 = arith.constant 0 : i32
      %dma_wait3A_3045 = arith.constant 0 : i32
      %dma_wait3A_3046 = tpu.memref_slice %arg9[%dma_wait3A_3044, %dma_wait3A_3045] : memref<112x512xf32, #tpu.memory_space<vmem>> -> memref<104x512xf32, #tpu.memory_space<vmem>>
      %dma_wait3A_3047 = arith.constant 0 : i32
      %dma_wait3A_3048 = tpu.memref_slice %arg5[%add3A_3043, %dma_wait3A_3047] : memref<77000x512xf32, #tpu.memory_space<hbm>> -> memref<104x512xf32, #tpu.memory_space<hbm>>
      %dma_wait3A_3049 = arith.constant 0 : i32
      %dma_wait3A_3050 = tpu.memref_slice %arg5[%add3A_3043, %dma_wait3A_3049] : memref<77000x512xf32, #tpu.memory_space<hbm>> -> memref<104x512xf32, #tpu.memory_space<hbm>>
      %dma_wait3A_3051 = arith.constant 0 : i32
      %dma_wait3A_3052 = arith.constant 0 : i32
      %dma_wait3A_3053 = tpu.memref_slice %arg9[%dma_wait3A_3051, %dma_wait3A_3052] : memref<112x512xf32, #tpu.memory_space<vmem>> -> memref<104x512xf32, #tpu.memory_space<vmem>>
      tpu.wait_dma2 semaphore(%arg14 : memref<!tpu.dma_semaphore, #tpu.memory_space<semaphore_mem>>) src(%dma_wait3A_3053 : memref<104x512xf32, #tpu.memory_space<vmem>>) dst(%dma_wait3A_3050 : memref<104x512xf32, #tpu.memory_space<hbm>>)
    } else {
    }
    return
  }
}

</mosaic_0001>

<sc_bundles>
// kernel: kernel.3.cloned.1.call-start
scs
__scs_entry_jumppad:
0x0: {  	(pc) =	sbr.rel $0x88, $3  }
0x1: {  	(tag) =	ssettag $0x0;
	lr =	simm.s32 $0x1  }
0x2: {  	[smem:$0x3F9E] =	sst lr;
	_ =	strace $0xD0000000  }
0x3: {  	_ = 	snop  }
0x4: {  	_ = 	snop  }
0x5: {  	_ = 	snop  }
0x6: {  	_ = 	snop  }
0x7: {  	_ = 	snop  }
__scs_overlays_trampoline_lowered:
0x8: {  	[smem:$0x3FAD] =	sst s0  }
0x9: {  	[smem:$0x3FAE] =	sst s1  }
0xa: {  	[smem:$0x3FAF] =	sst s2  }
0xb: {  	[smem:$0x3FB0] =	sst s3  }
0xc: {  	[smem:$0x3FB1] =	sst s4  }
0xd: {  	[smem:$0x3FB2] =	sst s5  }
0xe: {  	[smem:$0x3FB3] =	sst s6  }
0xf: {  	[smem:$0x3FB4] =	sst s7  }
0x10: {  	[smem:$0x3FB5] =	sst s8  }
0x11: {  	[smem:$0x3FB6] =	sst s9;
	s0 =	simm.s32 @!p0 $0x0  }
0x12: {  	s1 =	sld [smem:$0x3F9C];
	s0 =	simm.s32 @p0 $0x1  }
0x13: {  	[smem:$0x3FB7] =	sst s0;
	s0 =	simm.s32 @!p1 $0x0  }
0x14: {  	s2 =	sld [smem:$0x3F9B];
	s0 =	simm.s32 @p1 $0x1  }
0x15: {  	[smem:$0x3FB8] =	sst s0;
	s0 =	simm.s32 @!p2 $0x0  }
0x16: {  	s3 =	sld [smem:$0x3FDB];
	s0 =	simm.s32 @p2 $0x1  }
0x17: {  	s4 =	simm.s32 $0x1BF5;
	[smem:$0x3FBA] =	sst s0  }
0x18: {  	s0 =	sld [smem:$0x3F9D];
	_ =	swait.ge [sflag:s4], $0x0  }
0x19: {  	s7 =	sld [smem:$0x3F9E]  }
0x1a: {  	s8 =	sadd.s32 $0xFFFFE003, lr  }
0x1b: {  	s9 =	sadd.s32 $0xFFFFFEF7, lr;
	s5 =	simm.s32 $0xFFFFFFFF;
	p2 =	slt.u32 s8, $0xFFFFF086  }
0x1c: {  	p1 =	slt.u32 s9, $0xF7A;
	s5 =	simm.s32 @!p2 $0x0  }
0x1d: {  	s5 =	simm.s32 @p1 $0x1;
	p0 =	seq.s32 s7, s2  }
0x1e: {  	s7 =	smul.u32 @!p0 $0xF7A, s2;
	p2 =	seq.s32 @!p0 s5, $0x0  }
0x1f: {  	s9 =	smul.u32 $0xF7A, s1;
	s8 =	simm.s32 @!p0 $0x1BF5;
	p2 =	por !p2, p0  }
0x20: {  	[sflag:s8] =	ssyncset.s32 @!p0 $0xFFFFF086;
	s6 =	sadd.s32 @!p0 s3, s7;
	s7 =	simm.s32 @!p0 $0x108  }
0x21: {  	s3 =	sadd.s32 s3, s9;
	s6 =	sadd.s32 @!p0 $0x88, s6;
	s7 =	simm.s32 @p2 $0x1082  }
0x22: {  	[simem:s7], [sflag:s8] =	dma.local @!p0 [hbm:s6], $0xF7A  }
0x23: {  	s9 =	sor.u32 $0xD0000000, s2;
	s6 =	simm.s32 $0x108;
	_ =	swait.ge @!p0 [sflag:s8], $0x0  }
0x24: {  	s3 =	sadd.s32 $0x88, s3;
	s6 =	simm.s32 @!p1 $0x1082;
	[sflag:s4] =	ssyncset.s32 $0xFFFFF086  }
0x25: {  	[simem:s6], [sflag:s4] =	dma.local [hbm:s3], $0xF7A  }
0x26: {  	[smem:$0x3F9E] =	sst s1;
	(tag) =	ssettag s2;
	_ =	strace s9  }
0x27: {  	s1 =	sld [smem:$0x3FAE]  }
0x28: {  	s2 =	sld [smem:$0x3FAF]  }
0x29: {  	s4 =	sld [smem:$0x3FB1]  }
0x2a: {  	p0 =	seq.s32 s5, $0x0;
	s5 =	sld [smem:$0x3FB2]  }
0x2b: {  	s6 =	sld [smem:$0x3FB3]  }
0x2c: {  	s7 =	sld [smem:$0x3FB4]  }
0x2d: {  	s3 =	simm.s32 $0x108;
	s8 =	sld [smem:$0x3FB5]  }
0x2e: {  	s3 =	simm.s32 @!p0 $0x1082;
	s9 =	sld [smem:$0x3FB6]  }
0x2f: {  	lr =	sadd.s32 s0, s3;
	s0 =	sld [smem:$0x3FAD]  }
0x30: {  	s3 =	sld [smem:$0x3FB0]  }
0x31: {  	[smem:$0x3FB9] =	sst s10  }
0x32: {  	s10 =	sld [smem:$0x3FB7];
	_ =	sdelay $0x3  }
0x33: {  	p0 =	seq.s32 s10, $0x1;
	s10 =	sld [smem:$0x3FB9];
	_ =	sdelay $0x3  }
0x34: {  	[smem:$0x3FB9] =	sst s10  }
0x35: {  	s10 =	sld [smem:$0x3FB8];
	_ =	sdelay $0x3  }
0x36: {  	p1 =	seq.s32 s10, $0x1;
	s10 =	sld [smem:$0x3FB9];
	_ =	sdelay $0x3  }
0x37: {  	[smem:$0x3FB9] =	sst s10  }
0x38: {  	s10 =	sld [smem:$0x3FBA]  }
0x39: {  	_ = 	snop;
	(pc) =	sbr.ind lr, $3  }
0x3a: {  	_ = 	snop  }
0x3b: {  	_ = 	snop  }
0x3c: {  	p2 =	seq.s32 s10, $0x1;
	s10 =	sld [smem:$0x3FB9]  }
0x3d: {  	_ =	shalt  }
0x3e: {  	_ =	shalt  }
0x3f: {  	_ =	shalt  }
0x40: {  	_ =	shalt  }
0x41: {  	_ =	shalt  }
0x42: {  	_ =	shalt  }
0x43: {  	_ =	shalt  }
0x44: {  	_ =	shalt  }
0x45: {  	_ =	shalt  }
0x46: {  	_ =	shalt  }
0x47: {  	_ =	shalt  }
0x48: {  	_ =	shalt  }
0x49: {  	_ =	shalt  }
0x4a: {  	_ =	shalt  }
0x4b: {  	_ =	shalt  }
0x4c: {  	_ =	shalt  }
0x4d: {  	_ =	shalt  }
0x4e: {  	_ =	shalt  }
0x4f: {  	_ =	shalt  }
0x50: {  	_ =	shalt  }
0x51: {  	_ =	shalt  }
0x52: {  	_ =	shalt  }
0x53: {  	_ =	shalt  }
0x54: {  	_ =	shalt  }
0x55: {  	_ =	shalt  }
0x56: {  	_ =	shalt  }
0x57: {  	_ =	shalt  }
0x58: {  	_ =	shalt  }
0x59: {  	_ =	shalt  }
0x5a: {  	_ =	shalt  }
0x5b: {  	_ =	shalt  }
0x5c: {  	_ =	shalt  }
0x5d: {  	_ =	shalt  }
0x5e: {  	_ =	shalt  }
0x5f: {  	_ =	shalt  }
0x60: {  	_ =	shalt  }
0x61: {  	_ =	shalt  }
0x62: {  	_ =	shalt  }
0x63: {  	_ =	shalt  }
0x64: {  	_ =	shalt  }
0x65: {  	_ =	shalt  }
0x66: {  	_ =	shalt  }
0x67: {  	_ =	shalt  }
0x68: {  	_ =	shalt  }
0x69: {  	_ =	shalt  }
0x6a: {  	_ =	shalt  }
0x6b: {  	_ =	shalt  }
0x6c: {  	_ =	shalt  }
0x6d: {  	_ =	shalt  }
0x6e: {  	_ =	shalt  }
0x6f: {  	_ =	shalt  }
0x70: {  	_ =	shalt  }
0x71: {  	_ =	shalt  }
0x72: {  	_ =	shalt  }
0x73: {  	_ =	shalt  }
0x74: {  	_ =	shalt  }
0x75: {  	_ =	shalt  }
0x76: {  	_ =	shalt  }
0x77: {  	_ =	shalt  }
0x78: {  	_ =	shalt  }
0x79: {  	_ =	shalt  }
0x7a: {  	_ =	shalt  }
0x7b: {  	_ =	shalt  }
0x7c: {  	_ =	shalt  }
0x7d: {  	_ =	shalt  }
0x7e: {  	_ =	shalt  }
0x7f: {  	_ =	shalt  }
0x80: {  	_ =	shalt  }
0x81: {  	_ =	shalt  }
0x82: {  	_ =	shalt  }
0x83: {  	_ =	shalt  }
0x84: {  	_ =	shalt  }
0x85: {  	_ =	shalt  }
0x86: {  	_ =	shalt  }
0x87: {  	_ =	shalt  }
.Lfunc_end0:
.L_simem_size_0:
called_computation_lowered:
.L_overlay_start_0:
0x88: {  	s2 =	sld [smem:$0x3FD9]  }
0x89: {  	s3 =	sld [smem:$0x3FFE];
	_ =	sdelay $0x1  }
0x8a: {  	s1 =	srdreg.scid  }
0x8b: {  	s0 =	sand.u32 $0x1, s1  }
0x8c: {  	s18 =	sshll.u32 s0, $0xA;
	s2 =	sadd.s32 s3, s2  }
0x8d: {  	s2 =	sadd.s32 s2, s18  }
0x8e: {  	[smem:$0x3FC5] =	sst s2  }
0x8f: {  	_ = 	snop  }
0x90: {  	s2 =	sld [smem:$0x3FC9]  }
0x91: {  	s19 =	sld [smem:$0x3FC8]  }
0x92: {  	s4 =	sld [smem:$0x3FC7]  }
0x93: {  	s5 =	sld [smem:$0x3FD0];
	(tm) =	ssettm $0x1  }
0x94: {  	s6 =	sld [smem:$0x3FFB];
	_ =	sdelay $0x3  }
0x95: {  	_ =	strace s6  }
0x96: {  	s6 =	sld [smem:$0x3FFC];
	_ =	sdelay $0x3  }
0x97: {  	_ =	strace s6  }
0x98: {  	s6 =	sld [smem:$0x3FFD];
	_ =	sdelay $0x3  }
0x99: {  	_ =	strace s6  }
0x9a: {  	_ =	strace $0x8FFFFFFF  }
0x9b: {  	s20 =	sld [smem:$0x3FDB];
	_ =	sdelay $0x1  }
0x9c: {  	s7 =	simm.s32 $_scs_section_size  }
0x9d: {  	s8 =	simm.s32 $_size__tile_overlayer_lowered;
	s9 =	simm.s32 $_tile_overlayer_lowered  }
0x9e: {  	s23 =	simm.s32 $0x1BFF;
	s22 =	sshll.u32 s9, $0x1;
	s6 =	sadd.s32 s7, s20  }
0x9f: {  	s10 =	simm.s32 $0x0;
	s21 =	sshll.u32 s8, $0x1;
	s8 =	sadd.s32 s22, s6  }
0xa0: {  	[timem:s10], [sflag:s23] =	dma.local [hbm:s8], s21  }
0xa1: {  	_ =	swait.ge [sflag:s23], s21  }
0xa2: {  	s7 =	ssub.s32 $0x0, s21;
	[sflag:s23] =	ssyncset.done $0x0  }
0xa3: {  	[sflag:s23] =	ssyncadd.s32 s7;
	_ =	sdelay $0x1  }
0xa4: {  	s24 =	simm.s32 $0x1B8B  }
0xa5: {  	_ =	swait.ge [sflag:s24], $0x1  }
0xa6: {  	[sflag:s24] =	ssyncset.done $0x0  }
0xa7: {  	s25 =	simm.s32 $0x1B8E;
	[sflag:s24] =	ssyncadd.s32 $0xFFFFFFFF  }
0xa8: {  	s26 =	simm.s32 $execute0_lowered;
	[smem:$0x3FD2] =	sst s25  }
0xa9: {  	s7 =	sshll.u32 s26, $0x1;
	_ =	strace $0x80000046;
	[dreg:$0x1] =	wrdreg $0xFFFFFFFF  }
0xaa: {  	s28 =	simm.s32 $_size_execute0_lowered;
	s6 =	sadd.s32 s6, s7;
	[dreg:$0x0] =	wrdreg $0x0  }
0xab: {  	s7 =	sshll.u32 s28, $0x1;
	[dreg:$0x2] =	wrdreg s6  }
0xac: {  	[dreg:$0x3] =	wrdreg s7  }
0xad: {  	[dreg:$0x4] =	wrdreg $0xC0  }
0xae: {  	_ =	task [dreg:s10], $0x5FFFF  }
0xaf: {  	[dreg:$0x1] =	wrdreg $0xFFFFFFFF  }
0xb0: {  	[dreg:$0x0] =	wrdreg $0x60  }
0xb1: {  	[dreg:$0x2] =	wrdreg s2  }
0xb2: {  	[dreg:$0x3] =	wrdreg s19  }
0xb3: {  	[dreg:$0x4] =	wrdreg s4  }
0xb4: {  	[dreg:$0x5] =	wrdreg s5  }
0xb5: {  	[dreg:$0x6] =	wrdreg $0x9  }
0xb6: {  	_ =	task.clear_ibuf [dreg:s10], $0x7FFFF;
	_ =	strace $0x90000046  }
0xb7: {  	s29 =	simm.s32 $0x9;
	_ =	strace $0x80000048  }
0xb8: {  	_ =	swait.ge [sflag:s29], $0x1  }
0xb9: {  	[sflag:s29] =	ssyncadd.s32 $0xFFFFFFFF  }
0xba: {  	_ =	strace $0x90000048  }
0xbb: {  	_ =	sfence  }
0xbc: {  	s30 =	sld [smem:$0x0];
	_ =	sdelay $0x2  }
0xbd: {  	s31 =	sshll.u32 s1, $0xD;
	s1 =	sshrl.u32 s1, $0x2  }
0xbe: {  	s3 =	sand.u32 $0x4000, s31;
	s1 =	sadd.s32 s1, s30  }
0xbf: {  	s0 =	sor.u32 s3, s0;
	s1 =	sshll.u32 s1, $0x11  }
0xc0: {  	s0 =	sor.u32 s1, s0  }
0xc1: {  	s0 =	sadd.s32 $0x8F2B, s0  }
0xc2: {  	[sflag:s0] =	ssyncadd.remote.s32 $0x1  }
0xc3: {  	_ =	sfence.sel $0xFFFF  }
0xc4: {  	[dreg:$0x0] =	wrdreg $0xFFFFFFFF;
	(pc) =	sbr.abs _section_cstart, $3  }
0xc5: {  	[dreg:$0x1] =	wrdreg $0xFFFFFFFF  }
0xc6: {  	_ =	task.clear_ibuf [dreg:s10], $0x2FFFF;
	_ =	strace $0x9FFFFFFF  }
0xc7: {  	(tm) =	ssettm $0x7FFFFFFF  }
tec
execute0_lowered:
.L_overlay_start_1:
0x0: {  	(tag) =	ssettag $0x1  }
0x1: {  	s0 =	srdreg.scid;
	s11 =	stileid.u32;
	v0 =	vlaneseq.u32  }
0x2: {  	v15 =	vimm.s32 $0xDA88;
	vm0 =	vcmask $0x300;
	s3 =	sand.u32 $0x1, s0;
	s9 =	sshll.u32 s11, $0x1;
	v1 =	vmul.u32 $0x38, v0  }
0x3: {  	v15 =	vsel vm0, $0xD900, v15;
	vm0 =	vcmask $0x704;
	s1 =	sor.u32 s3, s9  }
0x4: {  	v15 =	vsel vm0, $0xD938, v15;
	vm0 =	vcmask $0xB08;
	v2 =	vadd.s32 s1, v1  }
0x5: {  	v4 =	vadd.s32 $0x700, v1;
	v6 =	vadd.s32 $0xA80, v1;
	v8 =	vadd.s32 $0xE00, v1  }
0x6: {  	v10 =	vadd.s32 $0x1180, v1;
	v12 =	vadd.s32 $0x1500, v1;
	v14 =	vadd.s32 $0x1880, v1  }
0x7: {  	v16 =	vor.u32 $0x1C00, v1;
	v18 =	vadd.s32 $0x1F80, v1;
	v61 =	vadd.s32 $0x2300, v1  }
0x8: {  	v62 =	vadd.s32 $0x2680, v1;
	v0 =	vadd.s32 $0x2A00, v1;
	v57 =	vadd.s32 $0x2D80, v1  }
0x9: {  	v58 =	vadd.s32 $0x3100, v1;
	v59 =	vadd.s32 $0x3480, v1;
	v30 =	vor.u32 $0x3800, v1  }
0xa: {  	v31 =	vadd.s32 $0x3B80, v1;
	v43 =	vadd.s32 $0x3F00, v1;
	v21 =	vadd.s32 $0x4280, v1  }
0xb: {  	v29 =	vadd.s32 $0x4600, v1;
	v54 =	vadd.s32 $0x4980, v1;
	v33 =	vadd.s32 $0x4D00, v1  }
0xc: {  	v42 =	vadd.s32 $0x5080, v1;
	v47 =	vor.u32 $0x5400, v1;
	v40 =	vadd.s32 $0x5780, v1  }
0xd: {  	v26 =	vadd.s32 $0x5B00, v1;
	v41 =	vadd.s32 $0x5E80, v1;
	v36 =	vadd.s32 $0x6200, v1  }
0xe: {  	v38 =	vadd.s32 $0x6580, v1;
	v39 =	vadd.s32 $0x6900, v1;
	v32 =	vadd.s32 $0x6C80, v1  }
0xf: {  	v34 =	vor.u32 $0x7000, v1;
	v35 =	vadd.s32 $0x7380, v1;
	v25 =	vadd.s32 $0x7700, v1  }
0x10: {  	v27 =	vadd.s32 $0x7A80, v1;
	v28 =	vadd.s32 $0x7E00, v1;
	v13 =	vadd.s32 $0x8180, v1  }
0x11: {  	v22 =	vadd.s32 $0x8500, v1;
	v24 =	vadd.s32 $0x8880, v1;
	v5 =	vor.u32 $0x8C00, v1  }
0x12: {  	v17 =	vadd.s32 $0x8F80, v1;
	v19 =	vadd.s32 $0x9300, v1;
	v7 =	vadd.s32 $0x9680, v1  }
0x13: {  	v9 =	vadd.s32 $0x9A00, v1;
	v11 =	vadd.s32 $0x9D80, v1;
	v51 =	vadd.s32 $0xA100, v1  }
0x14: {  	v52 =	vadd.s32 $0xA480, v1;
	v53 =	vor.u32 $0xA800, v1;
	v44 =	vadd.s32 $0xAB80, v1  }
0x15: {  	v45 =	vadd.s32 $0xAF00, v1;
	v46 =	vadd.s32 $0xB280, v1;
	v20 =	vadd.s32 $0xB600, v1  }
0x16: {  	v23 =	vadd.s32 $0xB980, v1;
	v48 =	vadd.s32 $0xBD00, v1;
	v49 =	vadd.s32 $0xC080, v1  }
0x17: {  	v15 =	vsel vm0, $0xD970, v15;
	vm0 =	vcmask $0xF0C;
	v50 =	vor.u32 $0xC400, v1;
	[tilespmem:$0x1FF50] =	vst v2  }
0x18: {  	v56 =	vadd.s32 $0xC780, v1;
	v55 =	vadd.s32 $0xCB00, v1;
	v63 =	vadd.s32 $0xCE80, v1;
	[tilespmem:$0x1FB60] =	vst v33  }
0x19: {  	v3 =	vadd.s32 $0xD200, v1;
	s0 =	sor.u32 $0x20, s1;
	v60 =	vadd.s32 $0xD580, v1;
	v2 =	vadd.s32 $0x380, v1;
	[tilespmem:$0x1FBC0] =	vst v26  }
0x1a: {  	v15 =	vsel vm0, $0xD9A8, v15;
	vm0 =	vcmask $0x1310;
	[tilespmem:$0x1FAB0] =	vst v3;
	v1 =	vadd.s32 s0, v1  }
0x1b: {  	v15 =	vsel vm0, $0xD9E0, v15;
	vm0 =	vcmask $0x1714;
	[tilespmem:$0x1FF60] =	vst v1;
	v1 =	vadd.s32 s1, v2  }
0x1c: {  	v15 =	vsel vm0, $0xDA18, v15;
	vm0 =	vcmask $0x1B18;
	[tilespmem:$0x1F890] =	vst v1;
	v1 =	vadd.s32 s0, v2  }
0x1d: {  	v37 =	vsel vm0, $0xDA50, v15;
	[tilespmem:$0x1F8A0] =	vst v1  }
0x1e: {  	v1 =	vadd.s32 s1, v4;
	[tilespmem:$0x1FE90] =	vst v37  }
0x1f: {  	[tilespmem:$0x1F8B0] =	vst v1;
	v1 =	vadd.s32 s0, v4  }
0x20: {  	[tilespmem:$0x1F8C0] =	vst v1;
	v1 =	vadd.s32 s1, v6  }
0x21: {  	[tilespmem:$0x1F8D0] =	vst v1;
	v1 =	vadd.s32 s0, v6  }
0x22: {  	[tilespmem:$0x1F8E0] =	vst v1;
	v1 =	vadd.s32 s1, v8  }
0x23: {  	[tilespmem:$0x1F8F0] =	vst v1;
	v1 =	vadd.s32 s0, v8  }
0x24: {  	[tilespmem:$0x1F900] =	vst v1;
	v1 =	vadd.s32 s1, v10  }
0x25: {  	[tilespmem:$0x1F910] =	vst v1;
	v1 =	vadd.s32 s0, v10  }
0x26: {  	[tilespmem:$0x1F920] =	vst v1;
	v1 =	vadd.s32 s1, v12  }
0x27: {  	[tilespmem:$0x1F930] =	vst v1;
	v1 =	vadd.s32 s0, v12  }
0x28: {  	[tilespmem:$0x1F940] =	vst v1;
	v1 =	vadd.s32 s1, v14  }
0x29: {  	p0 =	seq.s32 s3, $0x1;
	p1 =	seq.s32 s1, $0x0;
	[tilespmem:$0x1FD40] =	vst v1;
	v1 =	vadd.s32 s0, v14  }
0x2a: {  	p1 =	por !p1, !p0;
	[tilespmem:$0x1FF70] =	vst v1;
	v1 =	vadd.s32 s1, v16  }
0x2b: {  	s2 =	simm.s32 $0x1;
	p1 =	por !p1, !p1;
	[tilespmem:$0x1F950] =	vst v1;
	v1 =	vadd.s32 s0, v16  }
0x2c: {  	s2 =	simm.s32 @!p1 $0x0;
	[tilespmem:$0x1F960] =	vst v1;
	v1 =	vadd.s32 s1, v18  }
0x2d: {  	s6 =	ssub.s32 s11, s2;
	[tilespmem:$0x1F970] =	vst v1;
	v1 =	vadd.s32 s0, v18  }
0x2e: {  	[tilespmem:$0x1F980] =	vst v1;
	v1 =	vmov s6  }
0x2f: {  	[tilespmem:$0x1FBE0] =	vst v1;
	v1 =	vmov s1  }
0x30: {  	[tilespmem:$0x1FF40] =	vst v1;
	v1 =	vadd.s32 s1, v61  }
0x31: {  	[tilespmem:$0x1F990] =	vst v1;
	v1 =	vadd.s32 s1, v62  }
0x32: {  	[tilespmem:$0x1F9A0] =	vst v1;
	v1 =	vadd.s32 s1, v0  }
0x33: {  	[tilespmem:$0x1F9B0] =	vst v1;
	v1 =	vadd.s32 s1, v57  }
0x34: {  	[tilespmem:$0x1F9C0] =	vst v1;
	v1 =	vadd.s32 s1, v58  }
0x35: {  	[tilespmem:$0x1FBA0] =	vst v1;
	v1 =	vadd.s32 s1, v59  }
0x36: {  	[tilespmem:$0x1F9D0] =	vst v1;
	v1 =	vadd.s32 s1, v30  }
0x37: {  	[tilespmem:$0x1F9E0] =	vst v1;
	v1 =	vadd.s32 s1, v31  }
0x38: {  	[tilespmem:$0x1F9F0] =	vst v1;
	v1 =	vadd.s32 s1, v43  }
0x39: {  	[tilespmem:$0x1FA00] =	vst v1;
	v1 =	vadd.s32 s1, v21  }
0x3a: {  	[tilespmem:$0x1FA10] =	vst v1;
	v1 =	vadd.s32 s1, v29  }
0x3b: {  	[tilespmem:$0x1FA20] =	vst v1;
	v1 =	vadd.s32 s1, v54  }
0x3c: {  	[tilespmem:$0x1FBD0] =	vst v1;
	v1 =	vadd.s32 s1, v33  }
0x3d: {  	[tilespmem:$0x1FA30] =	vst v1;
	v1 =	vadd.s32 s1, v42  }
0x3e: {  	[tilespmem:$0x1FA40] =	vst v1;
	v1 =	vadd.s32 s1, v47  }
0x3f: {  	[tilespmem:$0x1FA50] =	vst v1;
	v1 =	vadd.s32 s1, v40  }
0x40: {  	[tilespmem:$0x1FA60] =	vst v1;
	v1 =	vadd.s32 s1, v26  }
0x41: {  	[tilespmem:$0x1FA70] =	vst v1;
	v1 =	vadd.s32 s1, v41  }
0x42: {  	[tilespmem:$0x1FA80] =	vst v1;
	v1 =	vadd.s32 s1, v38  }
0x43: {  	[tilespmem:$0x1FA90] =	vst v1;
	v1 =	vadd.s32 s1, v39  }
0x44: {  	[tilespmem:$0x1FAA0] =	vst v1;
	v1 =	vadd.s32 s1, v32  }
0x45: {  	s12 =	rddreg [dreg:$0x0];
	[tilespmem:$0x1FFA0] =	vst v1;
	v1 =	vadd.s32 s1, v34  }
0x46: {  	s7 =	rddreg [dreg:$0x1];
	[tilespmem:$0x1FDC0] =	vst v1;
	v1 =	vadd.s32 s1, v35  }
0x47: {  	s5 =	rddreg [dreg:$0x3];
	s4 =	simm.s32 $0x0;
	[tilespmem:$0x1FF20] =	vst v1;
	v1 =	vadd.s32 s1, v25  }
0x48: {  	[smem:$0x7FF] =	sst s4;
	[tilespmem:$0x1FD80] =	vst v1;
	v1 =	vadd.s32 s1, v28  }
0x49: {  	v3 =	vmov v61;
	v2 =	vadd.s32 s1, v53;
	s2 =	rddreg [dreg:$0x2];
	_ =	strace $0x80000047;
	[tilespmem:$0x1FF10] =	vst v1  }
0x4a: {  	v3 =	vadd.s32 s0, v3;
	[tilespmem:$0x1FED0] =	vst v2  }
0x4b: {  	v1 =	vadd.s32 s1, v13;
	[tilespmem:$0x1FAC0] =	vst v3  }
0x4c: {  	v4 =	vmov v62;
	v2 =	vadd.s32 s1, v44;
	[tilespmem:$0x1FDA0] =	vst v1  }
0x4d: {  	v3 =	vadd.s32 s0, v4;
	[tilespmem:$0x1FEA0] =	vst v2  }
0x4e: {  	v1 =	vadd.s32 s1, v22;
	[tilespmem:$0x1FAD0] =	vst v3  }
0x4f: {  	v2 =	vadd.s32 s1, v45;
	[tilespmem:$0x1FF00] =	vst v1  }
0x50: {  	v3 =	vadd.s32 s0, v0;
	[tilespmem:$0x1FE20] =	vst v2  }
0x51: {  	v1 =	vadd.s32 s1, v24;
	[tilespmem:$0x1FAE0] =	vst v3  }
0x52: {  	v3 =	vadd.s32 s0, v57;
	[tilespmem:$0x1FE00] =	vst v1  }
0x53: {  	[tilespmem:$0x1FAF0] =	vst v3;
	v3 =	vadd.s32 s0, v59  }
0x54: {  	[tilespmem:$0x1FB00] =	vst v3;
	v3 =	vadd.s32 s0, v30  }
0x55: {  	[tilespmem:$0x1FB10] =	vst v3;
	v3 =	vadd.s32 s0, v31  }
0x56: {  	[tilespmem:$0x1FB20] =	vst v3;
	v3 =	vadd.s32 s0, v43  }
0x57: {  	[tilespmem:$0x1FB30] =	vst v3;
	v3 =	vadd.s32 s0, v21  }
0x58: {  	[tilespmem:$0x1FB40] =	vst v3;
	v3 =	vadd.s32 s0, v29  }
0x59: {  	v2 =	vadd.s32 s1, v46;
	[tilespmem:$0x1FB50] =	vst v3;
	v3 =	vld [tilespmem:$0x1FB60]  }
0x5a: {  	v1 =	vadd.s32 s1, v5;
	[tilespmem:$0x1FEC0] =	vst v2  }
0x5b: {  	v2 =	vadd.s32 s1, v20;
	[tilespmem:$0x1FEF0] =	vst v1  }
0x5c: {  	v1 =	vadd.s32 s1, v17;
	[tilespmem:$0x1FEB0] =	vst v2  }
0x5d: {  	v2 =	vadd.s32 s1, v23;
	[tilespmem:$0x1FD00] =	vst v1  }
0x5e: {  	s8 =	smul.u32 $0xA0, s1;
	[tilespmem:$0x1FE60] =	vst v2;
	v3 =	vadd.s32 s0, v3  }
0x5f: {  	s9 =	simm.s32 $0x1578;
	v15 =	vmov v47;
	[tilespmem:$0x1FB70] =	vst v3;
	v3 =	vadd.s32 s0, v42  }
0x60: {  	s3 =	ssub.s32 $0x2, s3;
	s9 =	simm.s32 @!p0 $0x1388;
	s8 =	smin.u32 s8, $0x12E8;
	[tilespmem:$0x1FB80] =	vst v3;
	v3 =	vadd.s32 s0, v15  }
0x61: {  	s10 =	sshrl.u32 s3, $0x1;
	s8 =	sshll.u32 s8, $0x6;
	s6 =	smul.u32 $0x3E8, s6;
	[tilespmem:$0x1FB90] =	vst v3;
	v3 =	vadd.s32 s0, v40  }
0x62: {  	s3 =	ssub.s32 s3, s10;
	s10 =	sadd.s32 s7, s8;
	s13 =	sadd.s32 $0x1400, s8;
	v30 =	vadd.s32 s0, v27;
	[tilespmem:$0x1FBB0] =	vst v3;
	v3 =	vld [tilespmem:$0x1FBC0]  }
0x63: {  	s7 =	sadd.s32 s7, s13;
	s6 =	sadd.s32 s6, s9;
	[dreg:$0x5] =	wrdreg s10;
	v1 =	vadd.s32 s1, v7;
	[tilespmem:$0x1FFC0] =	vst v30  }
0x64: {  	s15 =	sadd.s32 s5, s8;
	s9 =	sshll.u32 s6, $0x6;
	[dreg:$0x6] =	wrdreg s7;
	[tilespmem:$0x1FEE0] =	vst v1;
	v1 =	vadd.s32 s1, v9  }
0x65: {  	s16 =	sadd.s32 s5, s13;
	s14 =	sand.u32 $0x1FFFFE00, s9;
	[dreg:$0x7] =	wrdreg s15;
	[tilespmem:$0x1FD30] =	vst v1;
	v1 =	vadd.s32 s1, v11  }
0x66: {  	s17 =	sadd.s32 s5, s9;
	s6 =	sadd.s32 s5, s14;
	[dreg:$0x8] =	wrdreg s16;
	[tilespmem:$0x1FD60] =	vst v1;
	v1 =	vadd.s32 s1, v51  }
0x67: {  	s18 =	sadd.s32 $0x400, s6;
	[dreg:$0x9] =	wrdreg s17;
	[tilespmem:$0x1FD50] =	vst v1;
	v3 =	vadd.s32 s0, v3  }
0x68: {  	s19 =	sadd.s32 $0x800, s6;
	[dreg:$0xa] =	wrdreg s18;
	[tilespmem:$0x1FBF0] =	vst v3;
	v3 =	vadd.s32 s0, v41  }
0x69: {  	s20 =	sadd.s32 $0xC00, s6;
	[dreg:$0xb] =	wrdreg s19;
	[tilespmem:$0x1FC00] =	vst v3;
	v3 =	vadd.s32 s0, v38  }
0x6a: {  	s21 =	sadd.s32 $0x1000, s6;
	[dreg:$0xc] =	wrdreg s20;
	[tilespmem:$0x1FC10] =	vst v3;
	v3 =	vadd.s32 s0, v39  }
0x6b: {  	s22 =	sadd.s32 $0x1400, s6;
	[dreg:$0xd] =	wrdreg s21;
	[tilespmem:$0x1FC20] =	vst v3;
	v3 =	vadd.s32 s0, v32  }
0x6c: {  	s23 =	sadd.s32 $0x1800, s6;
	[dreg:$0xe] =	wrdreg s22;
	[tilespmem:$0x1FC30] =	vst v3;
	v3 =	vadd.s32 s0, v34  }
0x6d: {  	s25 =	sadd.s32 $0x1C00, s6;
	[dreg:$0xf] =	wrdreg s23;
	[tilespmem:$0x1FC40] =	vst v3;
	v3 =	vadd.s32 s0, v35  }
0x6e: {  	s26 =	sadd.s32 $0x2000, s6;
	[dreg:$0x10] =	wrdreg s25;
	[tilespmem:$0x1FC50] =	vst v3;
	v3 =	vadd.s32 s0, v25  }
0x6f: {  	s28 =	sadd.s32 $0x2400, s6;
	[dreg:$0x11] =	wrdreg s26;
	[tilespmem:$0x1FC60] =	vst v3;
	v3 =	vadd.s32 s0, v28  }
0x70: {  	s29 =	sadd.s32 $0x2800, s6;
	[dreg:$0x12] =	wrdreg s28;
	[tilespmem:$0x1FC70] =	vst v3;
	v3 =	vadd.s32 s0, v13  }
0x71: {  	s31 =	sadd.s32 $0x2C00, s6;
	[dreg:$0x13] =	wrdreg s29;
	[tilespmem:$0x1FC80] =	vst v3;
	v3 =	vadd.s32 s0, v22  }
0x72: {  	s8 =	sadd.s32 $0x3000, s6;
	[dreg:$0x14] =	wrdreg s31;
	[tilespmem:$0x1FC90] =	vst v3;
	v3 =	vadd.s32 s0, v24  }
0x73: {  	s9 =	sadd.s32 $0x3400, s6;
	[dreg:$0x15] =	wrdreg s8;
	[tilespmem:$0x1FCA0] =	vst v3;
	v3 =	vadd.s32 s0, v5  }
0x74: {  	s13 =	sadd.s32 $0x3C00, s6;
	[dreg:$0x16] =	wrdreg s9;
	[tilespmem:$0x1FCB0] =	vst v3;
	v3 =	vadd.s32 s0, v17  }
0x75: {  	s14 =	sadd.s32 $0x4000, s6;
	[dreg:$0x18] =	wrdreg s13;
	[tilespmem:$0x1FCC0] =	vst v3;
	v3 =	vadd.s32 s0, v7  }
0x76: {  	s10 =	sadd.s32 $0x3800, s6;
	[dreg:$0x19] =	wrdreg s14;
	[tilespmem:$0x1FCD0] =	vst v3;
	v3 =	vadd.s32 s0, v9  }
0x77: {  	s15 =	sadd.s32 $0x4400, s6;
	[dreg:$0x17] =	wrdreg s10;
	[tilespmem:$0x1FCE0] =	vst v3;
	v3 =	vadd.s32 s0, v11  }
0x78: {  	s16 =	sadd.s32 $0x4800, s6;
	[dreg:$0x1a] =	wrdreg s15;
	[tilespmem:$0x1FCF0] =	vst v3;
	v3 =	vadd.s32 s0, v51  }
0x79: {  	s17 =	sadd.s32 $0x4C00, s6;
	[dreg:$0x1b] =	wrdreg s16;
	[tilespmem:$0x1FD10] =	vst v3;
	v3 =	vadd.s32 s0, v52  }
0x7a: {  	v10 =	vadd.s32 s1, v49;
	s18 =	sadd.s32 $0x5000, s6;
	[dreg:$0x1c] =	wrdreg s17;
	[tilespmem:$0x1FD20] =	vst v3;
	v3 =	vadd.s32 s0, v53  }
0x7b: {  	v12 =	vadd.s32 s1, v50;
	v14 =	vadd.s32 s1, v56;
	s19 =	sadd.s32 $0x5400, s6;
	[dreg:$0x1d] =	wrdreg s18;
	[tilespmem:$0x1FD70] =	vst v3;
	v3 =	vadd.s32 s0, v45  }
0x7c: {  	v16 =	vadd.s32 s1, v60;
	v18 =	vadd.s32 s1, v55;
	s20 =	sadd.s32 $0x5800, s6;
	[dreg:$0x1e] =	wrdreg s19;
	[tilespmem:$0x1FD90] =	vst v3;
	v3 =	vadd.s32 s0, v46  }
0x7d: {  	v61 =	vadd.s32 s1, v19;
	v62 =	vadd.s32 s1, v63;
	s21 =	sadd.s32 $0x5C00, s6;
	[dreg:$0x1f] =	wrdreg s20;
	[tilespmem:$0x1FDB0] =	vst v3;
	v3 =	vadd.s32 s0, v20  }
0x7e: {  	s24 =	smul.u32 $0x7D000, s1;
	v8 =	vmovc v54;
	v54 =	vadd.s32 s1, v27;
	v33 =	vadd.s32 s1, v36;
	s22 =	sadd.s32 $0x6000, s6;
	v6 =	vld [tilespmem:$0x1FAB0];
	[smem:$0x7E2] =	sst s21;
	[tilespmem:$0x1FDD0] =	vst v3;
	v3 =	vadd.s32 s0, v23  }
0x7f: {  	v47 =	vadd.s32 s1, v37;
	v37 =	vadd.s32 s0, v58;
	s23 =	sadd.s32 $0x6400, s6;
	v58 =	vld [tilespmem:$0x1FBD0];
	[smem:$0x7E3] =	sst s22;
	[tilespmem:$0x1FDE0] =	vst v3;
	v3 =	vadd.s32 s0, v48  }
0x80: {  	v26 =	vadd.s32 s1, v48;
	s7 =	sshrl.u32 s24, $0x3;
	s24 =	sadd.s32 $0x6800, s6;
	[smem:$0x7E4] =	sst s23;
	v21 =	vld [tilespmem:$0x1FBE0];
	v1 =	vadd.s32 s1, v52;
	[tilespmem:$0x1FDF0] =	vst v3;
	v3 =	vadd.s32 s0, v49  }
0x81: {  	s25 =	sadd.s32 $0x6C00, s6;
	[smem:$0x7E5] =	sst s24;
	v27 =	vshll.u32 v37, $0x2;
	v31 =	vadd.s32 s0, v19;
	v59 =	vmovc v1;
	v1 =	vld [tilespmem:$0x1FE90];
	[tilespmem:$0x1FE10] =	vst v3;
	v3 =	vadd.s32 s0, v56  }
0x82: {  	s28 =	sadd.s32 $0x7000, s6;
	[smem:$0x7E6] =	sst s25;
	v4 =	vld [tilespmem:$0x1FEB0];
	v19 =	vshll.u32 v61, $0x2;
	v27 =	vand.u32 $0x7FFFFFE0, v27;
	[tilespmem:$0x1FE30] =	vst v3;
	v3 =	vadd.s32 s0, v55  }
0x83: {  	s29 =	sadd.s32 $0x7400, s6;
	[smem:$0x7E7] =	sst s28;
	v29 =	vadd.s32 s0, v36;
	v36 =	vadd.s32 s0, v44;
	v44 =	vld [tilespmem:$0x1FD80];
	[tilespmem:$0x1FE40] =	vst v3;
	v3 =	vadd.s32 s0, v63  }
0x84: {  	s26 =	smul.u32 $0x7D000, s0;
	s31 =	sadd.s32 $0x7800, s6;
	[smem:$0x7E8] =	sst s29;
	v30 =	vshll.u32 v30, $0x2;
	v2 =	vadd.s32 s1, v6;
	v57 =	vld [tilespmem:$0x1FD60];
	[tilespmem:$0x1FE50] =	vst v3;
	v3 =	vadd.s32 s0, v6  }
0x85: {  	s6 =	sadd.s32 $0x7C00, s6;
	[smem:$0x7E9] =	sst s31;
	v43 =	vadd.s32 s0, v8;
	v8 =	vmovc v33;
	v19 =	vand.u32 $0x7FFFFFE0, v19;
	v33 =	vld [tilespmem:$0x1FD50];
	[tilespmem:$0x1FE70] =	vst v3;
	v3 =	vadd.s32 s0, v60  }
0x86: {  	[smem:$0x7EA] =	sst s6;
	s31 =	sadd.s32 $0x100, s12;
	v30 =	vand.u32 $0x7FFFFFE0, v30;
	s1 =	sadd.s32 s5, s7;
	v15 =	vld [tilespmem:$0x1FD40];
	v5 =	vadd.s32 s0, v1;
	[tilespmem:$0x1FE80] =	vst v3;
	v3 =	vshll.u32 v21, $0x2  }
0x87: {  	s9 =	sshrl.u32 s26, $0x3;
	[smem:$0x7FD] =	sst s31;
	s10 =	sadd.s32 $0x149E00, s1;
	v40 =	vld [tilespmem:$0x1FBA0];
	[tilespmem:$0x1FF30] =	vst v5;
	v5 =	vand.u32 $0x7, v21;
	v3 =	vand.u32 $0xFFFFFFE0, v3  }
0x88: {  	s5 =	sadd.s32 s5, s9;
	s13 =	sadd.s32 $0x14D600, s1;
	s14 =	sadd.s32 $0x150E00, s1;
	v3 =	vor.u32 v5, v3;
	v5 =	vld [tilespmem:$0x1FF40]  }
0x89: {  	s15 =	sadd.s32 $0x148200, s1;
	s16 =	sadd.s32 $0x154600, s1;
	s17 =	sadd.s32 $0x148200, s5;
	v38 =	vadd.s32 s0, v50;
	v50 =	vld [tilespmem:$0x1FF00]  }
0x8a: {  	vm0 =	vmmov $0xffff;
	[tilespmem:$0x1FF90] =	vst v43;
	s19 =	sadd.s32 $0x149E00, s5;
	[smem:$0x7EB] =	sst s10;
	v28 =	vshll.u32 v43, $0x2;
	v43 =	vld [tilespmem:$0x1FFA0]  }
0x8b: {  	[tilespmem:$0x1FFD0] =	vst v31;
	v31 =	vshll.u32 v31, $0x2;
	s18 =	sadd.s32 $0x14BA00, s1;
	s20 =	sadd.s32 $0x14BA00, s5;
	[smem:$0x7EC] =	sst s13;
	v25 =	vshll.u32 v12, $0x2;
	v24 =	vmov s0;
	v1 =	vld [tilespmem:$0x1FEA0]  }
0x8c: {  	v31 =	vand.u32 $0x7FFFFFE0, v31;
	[smem:$0x7ED] =	sst s14;
	v25 =	vand.u32 $0x7FFFFFE0, v25;
	v39 =	vand.u32 $0x7, v24;
	v24 =	vld [tilespmem:$0x1FF60]  }
0x8d: {  	s21 =	sadd.s32 $0x14F200, s1;
	[smem:$0x7EE] =	sst s15;
	v13 =	vshll.u32 v8, $0x2;
	v17 =	vshll.u32 v54, $0x2;
	v23 =	vand.u32 $0x7, v5;
	v5 =	vld [tilespmem:$0x1FF50]  }
0x8e: {  	[smem:$0x7EF] =	sst s16;
	v13 =	vand.u32 $0x7FFFFFE0, v13;
	v7 =	vshll.u32 v15, $0x2;
	v17 =	vand.u32 $0x7FFFFFE0, v17;
	v51 =	vld [tilespmem:$0x1FD00]  }
0x8f: {  	[smem:$0x7F0] =	sst s17;
	v9 =	vshll.u32 v40, $0x2;
	v7 =	vand.u32 $0x7FFFFFE0, v7;
	v11 =	vshll.u32 v58, $0x2;
	v52 =	vld [tilespmem:$0x1FEF0]  }
0x90: {  	[smem:$0x7F1] =	sst s18;
	v9 =	vand.u32 $0x7FFFFFE0, v9;
	v11 =	vand.u32 $0x7FFFFFE0, v11;
	v22 =	vshll.u32 v1, $0x2;
	v53 =	vld [tilespmem:$0x1FD30]  }
0x91: {  	[smem:$0x7F2] =	sst s19;
	v22 =	vand.u32 $0x7FFFFFE0, v22;
	v45 =	vld [tilespmem:$0x1FF20];
	v7 =	vor.u32 v23, v7;
	v9 =	vor.u32 v23, v9  }
0x92: {  	s22 =	sadd.s32 $0x14D600, s5;
	[smem:$0x7F3] =	sst s20;
	v46 =	vld [tilespmem:$0x1FDA0];
	v11 =	vor.u32 v23, v11;
	v13 =	vor.u32 v23, v13;
	v41 =	vmovc v5;
	v5 =	vshll.u32 v5, $0x2  }
0x93: {  	s23 =	sadd.s32 $0x14F200, s5;
	[smem:$0x7F4] =	sst s21;
	v20 =	vld [tilespmem:$0x1FDC0];
	v17 =	vor.u32 v23, v17;
	v19 =	vor.u32 v23, v19;
	v5 =	vand.u32 $0x7FFFFFE0, v5  }
0x94: {  	s25 =	sadd.s32 $0x150E00, s5;
	[smem:$0x7F5] =	sst s22;
	v22 =	vor.u32 v23, v22;
	v5 =	vor.u32 v23, v5;
	v23 =	vor.u32 v23, v25;
	v25 =	vld [tilespmem:$0x1FF70]  }
0x95: {  	v0 =	vlaneseq.u32;
	[tilespmem:$0x1FFB0] =	vst v29;
	v29 =	vshll.u32 v29, $0x2;
	s24 =	sadd.s32 $0x152A00, s1;
	s26 =	sadd.s32 $0x152A00, s5;
	[smem:$0x7F6] =	sst s23;
	v32 =	vshll.u32 v36, $0x2;
	v48 =	vld [tilespmem:$0x1FF10]  }
0x96: {  	v29 =	vand.u32 $0x7FFFFFE0, v29;
	[smem:$0x7F7] =	sst s24;
	v32 =	vand.u32 $0x7FFFFFE0, v32;
	v35 =	vshll.u32 v38, $0x2;
	v49 =	vld [tilespmem:$0x1FE00]  }
.Ltmp0:
0x97: {  	[smem:$0x7F8] =	sst s25;
	v35 =	vand.u32 $0x7FFFFFE0, v35;
	v28 =	vand.u32 $0x7FFFFFE0, v28;
	v27 =	vor.u32 v39, v27;
	v56 =	vld [tilespmem:$0x1FE20];
	(pc) =	sbr.rel .LBB2_1-.Ltmp0, $4  }
0x98: {  	p0 =	sgt.u32 s11, $0xB;
	[tilespmem:$0x1FF80] =	vst v37;
	s1 =	sadd.s32 $0x156200, s1;
	[smem:$0x7F9] =	sst s26;
	v28 =	vor.u32 v39, v28;
	v29 =	vor.u32 v39, v29;
	v30 =	vor.u32 v39, v30;
	v55 =	vld [tilespmem:$0x1FEE0]  }
0x99: {  	s6 =	simm.s32 $0x1C180;
	[tilespmem:$0x1FFE0] =	vst v36;
	s28 =	sadd.s32 $0x154600, s5;
	[smem:$0x7FA] =	sst s1;
	v31 =	vor.u32 v39, v31;
	v24 =	vshll.u32 v24, $0x2;
	v63 =	vld [tilespmem:$0x1FEC0];
	v25 =	vshll.u32 v25, $0x2  }
0x9a: {  	s30 =	simm.s32 $0x5;
	s29 =	sadd.s32 $0x156200, s5;
	[smem:$0x7FB] =	sst s28;
	v32 =	vor.u32 v39, v32;
	v24 =	vand.u32 $0x7FFFFFE0, v24;
	v6 =	vld [tilespmem:$0x1FE60];
	v25 =	vand.u32 $0x7FFFFFE0, v25  }
0x9b: {  	s5 =	smax.u32 s3, $0x1;
	[smem:$0x7FC] =	sst s29;
	s24 =	sadd.s32 $0x100, s2;
	[tilespmem:$0x1FFF0] =	vst v38;
	v34 =	vor.u32 v39, v35;
	v24 =	vor.u32 v39, v24;
	v60 =	vld [tilespmem:$0x1FED0];
	v25 =	vor.u32 v39, v25  }
.LBB2_3:
0x9c: {  	s0 =	sld [smem:$0x7E1];
	_ =	sdelay $0x2  }
0x9d: {  	s5 =	sadd.s32 $0xFFFFFFFF, s0  }
0x9e: {  	p1 =	sne.s32 s5, $0x0  }
.Ltmp1:
0x9f: {  	_ = 	snop;
	(pc) =	sbr.rel @!p1 .LBB2_4-.Ltmp1, $1  }
0xa0: {  	_ =	sdelay $0x3  }
.LBB2_1:
0xa1: {  	[smem:$0x7E1] =	sst s5  }
0xa2: {  	s11 =	rddreg [dreg:$0x5];
	s0 =	simm.s32 $0x180  }
0xa3: {  	[tilespmem:s0], [sflag:$0x1] =	stream.linear.gather [hbm4b:s11+s4], $0xA000, $0x38;
	[tilespmem:$0x1E180] =	vst v63  }
0xa4: {  	s12 =	rddreg [dreg:$0x6];
	s13 =	simm.s32 $0xE180;
	s31 =	simm.s32 $0x1  }
0xa5: {  	[tilespmem:s13], [sflag:$0x2] =	stream.linear.gather [hbm4b:s12+s4], $0xA000, $0x38;
	[tilespmem:$0x1E180] =	vst v63  }
0xa6: {  	_ =	swait.ge [sflag:s31], $0xA000  }
0xa7: {  	s1 =	simm.s32 $0x180;
	v35 =	vand.u32 $0x7, v0;
	v36 =	vshrl.u32 v0, $0x3;
	[sflag:s31] =	ssyncset.done $0x0  }
0xa8: {  	s3 =	simm.s32 $0x2;
	v37 =	vperm.xlane v3, v35;
	v36 =	vmul.u32 $0x8, v36;
	s14 =	rddreg [dreg:$0x7];
	[sflag:s31] =	ssyncadd.s32 $0xFFFF6000  }
0xa9: {  	[hbm4b:s14+s4] =	stream.linear.scatter [tilespmem:s1], [sflag:$0x3], $0xA000, $0x38;
	[tilespmem:$0x1E180] =	vst v63  }
0xaa: {  	v38 =	vadd.s32 v36, v37;
	_ =	swait.ge [sflag:s3], $0xA000  }
0xab: {  	v37 =	vor.u32 $0x8, v0;
	[sflag:s3] =	ssyncset.done $0x0;
	s15 =	rddreg [dreg:$0x8]  }
0xac: {  	s5 =	simm.s32 $0xE180;
	v39 =	vperm.xlane v3, v37;
	s12 =	sld [smem:$0x7FD];
	[sflag:s3] =	ssyncadd.s32 $0xFFFF6000  }
0xad: {  	[hbm4b:s15+s4] =	stream.linear.scatter [tilespmem:s5], [sflag:$0x4], $0xA000, $0x38;
	[tilespmem:$0x1E180] =	vst v63  }
0xae: {  	v39 =	vadd.s32 v36, v39;
	s16 =	rddreg [dreg:$0x0];
	[tilespmem:$0x100] =	vst v21  }
0xaf: {  	[tilespmem:s6], [sflag:$0x5] =	stream.indirect_vreg.gather [hbm4b:s16+s4], $0x80, v38, vm0, $0xb8;
	[tilespmem:$0x1E180] =	vst v63  }
0xb0: {  	s13 =	simm.s32 $0x1C980  }
0xb1: {  	[tilespmem:s13], [sflag:$0x5] =	stream.indirect_vreg.gather [hbm4b:s12+s4], $0x80, v38, vm0, $0xb8;
	[tilespmem:$0x1E180] =	vst v63  }
0xb2: {  	s17 =	simm.s32 $0x1D180  }
0xb3: {  	[tilespmem:s17], [sflag:$0x5] =	stream.indirect_vreg.gather [hbm4b:s16+s4], $0x80, v39, vm0, $0xb8;
	[tilespmem:$0x1E180] =	vst v63  }
0xb4: {  	s18 =	simm.s32 $0x1D980  }
0xb5: {  	[tilespmem:s18], [sflag:$0x5] =	stream.indirect_vreg.gather [hbm4b:s12+s4], $0x80, v39, vm0, $0xb8;
	[tilespmem:$0x1E180] =	vst v63  }
0xb6: {  	_ =	swait.ge [sflag:s30], $0x2000  }
0xb7: {  	[sflag:s30] =	ssyncset.done $0x0;
	s19 =	rddreg [dreg:$0x9]  }
0xb8: {  	s20 =	rddreg [dreg:$0xa];
	[sflag:s30] =	ssyncadd.s32 $0xFFFFE000  }
0xb9: {  	[hbm4b:s19+s4] =	stream.linear.scatter [tilespmem:s6], [sflag:$0x5], $0x2000, $0x38;
	[tilespmem:$0x1E180] =	vst v63  }
0xba: {  	s21 =	rddreg [dreg:$0xb]  }
0xbb: {  	[hbm4b:s20+s4] =	stream.linear.scatter [tilespmem:s6], [sflag:$0x5], $0x2000, $0x38;
	[tilespmem:$0x1E180] =	vst v63  }
0xbc: {  	s22 =	rddreg [dreg:$0xc]  }
0xbd: {  	[hbm4b:s21+s4] =	stream.linear.scatter [tilespmem:s6], [sflag:$0x5], $0x2000, $0x38;
	[tilespmem:$0x1E180] =	vst v63  }
0xbe: {  	s23 =	rddreg [dreg:$0xd]  }
0xbf: {  	[hbm4b:s22+s4] =	stream.linear.scatter [tilespmem:s6], [sflag:$0x5], $0x2000, $0x38;
	[tilespmem:$0x1E180] =	vst v63  }
0xc0: {  	s25 =	rddreg [dreg:$0xe]  }
0xc1: {  	[hbm4b:s23+s4] =	stream.linear.scatter [tilespmem:s6], [sflag:$0x5], $0x2000, $0x38;
	[tilespmem:$0x1E180] =	vst v63  }
0xc2: {  	s26 =	rddreg [dreg:$0xf]  }
0xc3: {  	[hbm4b:s25+s4] =	stream.linear.scatter [tilespmem:s6], [sflag:$0x5], $0x2000, $0x38;
	[tilespmem:$0x1E180] =	vst v63  }
0xc4: {  	s28 =	rddreg [dreg:$0x10]  }
0xc5: {  	[hbm4b:s26+s4] =	stream.linear.scatter [tilespmem:s6], [sflag:$0x5], $0x2000, $0x38;
	[tilespmem:$0x1E180] =	vst v63  }
0xc6: {  	s29 =	rddreg [dreg:$0x11]  }
0xc7: {  	[hbm4b:s28+s4] =	stream.linear.scatter [tilespmem:s6], [sflag:$0x5], $0x2000, $0x38;
	[tilespmem:$0x1E180] =	vst v63  }
0xc8: {  	s0 =	rddreg [dreg:$0x12]  }
0xc9: {  	[hbm4b:s29+s4] =	stream.linear.scatter [tilespmem:s6], [sflag:$0x5], $0x2000, $0x38;
	[tilespmem:$0x1E180] =	vst v63  }
0xca: {  	s7 =	rddreg [dreg:$0x13]  }
0xcb: {  	[hbm4b:s0+s4] =	stream.linear.scatter [tilespmem:s6], [sflag:$0x5], $0x2000, $0x38;
	[tilespmem:$0x1E180] =	vst v63  }
0xcc: {  	s8 =	rddreg [dreg:$0x14]  }
0xcd: {  	[hbm4b:s7+s4] =	stream.linear.scatter [tilespmem:s6], [sflag:$0x5], $0x2000, $0x38;
	[tilespmem:$0x1E180] =	vst v63  }
0xce: {  	s9 =	rddreg [dreg:$0x15]  }
0xcf: {  	[hbm4b:s8+s4] =	stream.linear.scatter [tilespmem:s6], [sflag:$0x5], $0x2000, $0x38;
	[tilespmem:$0x1E180] =	vst v63  }
0xd0: {  	s10 =	rddreg [dreg:$0x16]  }
0xd1: {  	[hbm4b:s9+s4] =	stream.linear.scatter [tilespmem:s6], [sflag:$0x5], $0x2000, $0x38;
	[tilespmem:$0x1E180] =	vst v63  }
0xd2: {  	s12 =	rddreg [dreg:$0x17]  }
0xd3: {  	[hbm4b:s10+s4] =	stream.linear.scatter [tilespmem:s6], [sflag:$0x5], $0x2000, $0x38;
	[tilespmem:$0x1E180] =	vst v63  }
0xd4: {  	s13 =	rddreg [dreg:$0x18]  }
0xd5: {  	[hbm4b:s12+s4] =	stream.linear.scatter [tilespmem:s6], [sflag:$0x5], $0x2000, $0x38;
	[tilespmem:$0x1E180] =	vst v63  }
0xd6: {  	s14 =	rddreg [dreg:$0x19]  }
0xd7: {  	[hbm4b:s13+s4] =	stream.linear.scatter [tilespmem:s6], [sflag:$0x5], $0x2000, $0x38;
	[tilespmem:$0x1E180] =	vst v63  }
0xd8: {  	s15 =	rddreg [dreg:$0x1a]  }
0xd9: {  	[hbm4b:s14+s4] =	stream.linear.scatter [tilespmem:s6], [sflag:$0x5], $0x2000, $0x38;
	[tilespmem:$0x1E180] =	vst v63  }
0xda: {  	s16 =	rddreg [dreg:$0x1b]  }
0xdb: {  	[hbm4b:s15+s4] =	stream.linear.scatter [tilespmem:s6], [sflag:$0x5], $0x2000, $0x38;
	[tilespmem:$0x1E180] =	vst v63  }
0xdc: {  	s17 =	rddreg [dreg:$0x1c]  }
0xdd: {  	[hbm4b:s16+s4] =	stream.linear.scatter [tilespmem:s6], [sflag:$0x5], $0x2000, $0x38;
	[tilespmem:$0x1E180] =	vst v63  }
0xde: {  	s18 =	rddreg [dreg:$0x1d]  }
0xdf: {  	[hbm4b:s17+s4] =	stream.linear.scatter [tilespmem:s6], [sflag:$0x5], $0x2000, $0x38;
	[tilespmem:$0x1E180] =	vst v63  }
0xe0: {  	s19 =	rddreg [dreg:$0x1e]  }
0xe1: {  	[hbm4b:s18+s4] =	stream.linear.scatter [tilespmem:s6], [sflag:$0x5], $0x2000, $0x38;
	[tilespmem:$0x1E180] =	vst v63  }
0xe2: {  	s20 =	rddreg [dreg:$0x1f]  }
0xe3: {  	[hbm4b:s19+s4] =	stream.linear.scatter [tilespmem:s6], [sflag:$0x5], $0x2000, $0x38;
	[tilespmem:$0x1E180] =	vst v63  }
0xe4: {  	s21 =	sld [smem:$0x7E2]  }
0xe5: {  	[hbm4b:s20+s4] =	stream.linear.scatter [tilespmem:s6], [sflag:$0x5], $0x2000, $0x38;
	[tilespmem:$0x1E180] =	vst v63  }
0xe6: {  	s22 =	sld [smem:$0x7E3]  }
0xe7: {  	[hbm4b:s21+s4] =	stream.linear.scatter [tilespmem:s6], [sflag:$0x5], $0x2000, $0x38;
	[tilespmem:$0x1E180] =	vst v63  }
0xe8: {  	s23 =	sld [smem:$0x7E4]  }
0xe9: {  	[hbm4b:s22+s4] =	stream.linear.scatter [tilespmem:s6], [sflag:$0x5], $0x2000, $0x38;
	[tilespmem:$0x1E180] =	vst v63  }
0xea: {  	s25 =	sld [smem:$0x7E5]  }
0xeb: {  	[hbm4b:s23+s4] =	stream.linear.scatter [tilespmem:s6], [sflag:$0x5], $0x2000, $0x38;
	[tilespmem:$0x1E180] =	vst v63  }
0xec: {  	s26 =	sld [smem:$0x7E6]  }
0xed: {  	[hbm4b:s25+s4] =	stream.linear.scatter [tilespmem:s6], [sflag:$0x5], $0x2000, $0x38;
	[tilespmem:$0x1E180] =	vst v63  }
0xee: {  	s28 =	sld [smem:$0x7E7]  }
0xef: {  	[hbm4b:s26+s4] =	stream.linear.scatter [tilespmem:s6], [sflag:$0x5], $0x2000, $0x38;
	[tilespmem:$0x1E180] =	vst v63  }
0xf0: {  	s29 =	sld [smem:$0x7E8]  }
0xf1: {  	[hbm4b:s28+s4] =	stream.linear.scatter [tilespmem:s6], [sflag:$0x5], $0x2000, $0x38;
	[tilespmem:$0x1E180] =	vst v63  }
0xf2: {  	s0 =	sld [smem:$0x7E9]  }
0xf3: {  	[hbm4b:s29+s4] =	stream.linear.scatter [tilespmem:s6], [sflag:$0x5], $0x2000, $0x38;
	[tilespmem:$0x1E180] =	vst v63  }
0xf4: {  	s7 =	sld [smem:$0x7EA]  }
0xf5: {  	[hbm4b:s0+s4] =	stream.linear.scatter [tilespmem:s6], [sflag:$0x5], $0x2000, $0x38;
	[tilespmem:$0x1E180] =	vst v63  }
0xf6: {  	s29 =	simm.s32 $0x3  }
0xf7: {  	[hbm4b:s7+s4] =	stream.linear.scatter [tilespmem:s6], [sflag:$0x5], $0x1000, $0x38;
	[tilespmem:$0x1E180] =	vst v63  }
0xf8: {  	_ =	swait.ge [sflag:s29], $0xA000  }
0xf9: {  	[sflag:s29] =	ssyncset.done $0x0  }
0xfa: {  	s0 =	simm.s32 $0x4;
	[sflag:s29] =	ssyncadd.s32 $0xFFFF6000  }
0xfb: {  	_ =	swait.ge [sflag:s0], $0xA000  }
0xfc: {  	[sflag:s0] =	ssyncset.done $0x0  }
0xfd: {  	[sflag:s0] =	ssyncadd.s32 $0xFFFF6000  }
0xfe: {  	_ =	swait.ge [sflag:s30], $0x2000  }
0xff: {  	[sflag:s30] =	ssyncset.done $0x0  }
0x100: {  	[sflag:s30] =	ssyncadd.s32 $0xFFFFE000  }
0x101: {  	_ =	swait.ge [sflag:s30], $0x2000  }
0x102: {  	[sflag:s30] =	ssyncset.done $0x0  }
0x103: {  	[sflag:s30] =	ssyncadd.s32 $0xFFFFE000  }
0x104: {  	_ =	swait.ge [sflag:s30], $0x2000  }
0x105: {  	[sflag:s30] =	ssyncset.done $0x0  }
0x106: {  	[sflag:s30] =	ssyncadd.s32 $0xFFFFE000  }
0x107: {  	_ =	swait.ge [sflag:s30], $0x2000  }
0x108: {  	[sflag:s30] =	ssyncset.done $0x0  }
0x109: {  	[sflag:s30] =	ssyncadd.s32 $0xFFFFE000  }
0x10a: {  	_ =	swait.ge [sflag:s30], $0x2000  }
0x10b: {  	[sflag:s30] =	ssyncset.done $0x0  }
0x10c: {  	[sflag:s30] =	ssyncadd.s32 $0xFFFFE000  }
0x10d: {  	_ =	swait.ge [sflag:s30], $0x2000  }
0x10e: {  	[sflag:s30] =	ssyncset.done $0x0  }
0x10f: {  	[sflag:s30] =	ssyncadd.s32 $0xFFFFE000  }
0x110: {  	_ =	swait.ge [sflag:s30], $0x2000  }
0x111: {  	[sflag:s30] =	ssyncset.done $0x0  }
0x112: {  	[sflag:s30] =	ssyncadd.s32 $0xFFFFE000  }
0x113: {  	_ =	swait.ge [sflag:s30], $0x2000  }
0x114: {  	[sflag:s30] =	ssyncset.done $0x0  }
0x115: {  	[sflag:s30] =	ssyncadd.s32 $0xFFFFE000  }
0x116: {  	_ =	swait.ge [sflag:s30], $0x2000  }
0x117: {  	[sflag:s30] =	ssyncset.done $0x0  }
0x118: {  	[sflag:s30] =	ssyncadd.s32 $0xFFFFE000  }
0x119: {  	_ =	swait.ge [sflag:s30], $0x2000  }
0x11a: {  	[sflag:s30] =	ssyncset.done $0x0  }
0x11b: {  	[sflag:s30] =	ssyncadd.s32 $0xFFFFE000  }
0x11c: {  	_ =	swait.ge [sflag:s30], $0x2000  }
0x11d: {  	[sflag:s30] =	ssyncset.done $0x0  }
0x11e: {  	[sflag:s30] =	ssyncadd.s32 $0xFFFFE000  }
0x11f: {  	_ =	swait.ge [sflag:s30], $0x2000  }
0x120: {  	[sflag:s30] =	ssyncset.done $0x0  }
0x121: {  	[sflag:s30] =	ssyncadd.s32 $0xFFFFE000  }
0x122: {  	_ =	swait.ge [sflag:s30], $0x2000  }
0x123: {  	[sflag:s30] =	ssyncset.done $0x0  }
0x124: {  	[sflag:s30] =	ssyncadd.s32 $0xFFFFE000  }
0x125: {  	_ =	swait.ge [sflag:s30], $0x2000  }
0x126: {  	[sflag:s30] =	ssyncset.done $0x0  }
0x127: {  	[sflag:s30] =	ssyncadd.s32 $0xFFFFE000  }
0x128: {  	_ =	swait.ge [sflag:s30], $0x2000  }
0x129: {  	[sflag:s30] =	ssyncset.done $0x0  }
0x12a: {  	[sflag:s30] =	ssyncadd.s32 $0xFFFFE000  }
0x12b: {  	_ =	swait.ge [sflag:s30], $0x2000  }
0x12c: {  	[sflag:s30] =	ssyncset.done $0x0  }
0x12d: {  	[sflag:s30] =	ssyncadd.s32 $0xFFFFE000  }
0x12e: {  	_ =	swait.ge [sflag:s30], $0x2000  }
0x12f: {  	[sflag:s30] =	ssyncset.done $0x0  }
0x130: {  	[sflag:s30] =	ssyncadd.s32 $0xFFFFE000  }
0x131: {  	_ =	swait.ge [sflag:s30], $0x2000  }
0x132: {  	[sflag:s30] =	ssyncset.done $0x0  }
0x133: {  	[sflag:s30] =	ssyncadd.s32 $0xFFFFE000  }
0x134: {  	_ =	swait.ge [sflag:s30], $0x2000  }
0x135: {  	[sflag:s30] =	ssyncset.done $0x0  }
0x136: {  	[sflag:s30] =	ssyncadd.s32 $0xFFFFE000  }
0x137: {  	_ =	swait.ge [sflag:s30], $0x2000  }
0x138: {  	[sflag:s30] =	ssyncset.done $0x0  }
0x139: {  	[sflag:s30] =	ssyncadd.s32 $0xFFFFE000  }
0x13a: {  	_ =	swait.ge [sflag:s30], $0x2000  }
0x13b: {  	[sflag:s30] =	ssyncset.done $0x0  }
0x13c: {  	[sflag:s30] =	ssyncadd.s32 $0xFFFFE000  }
0x13d: {  	_ =	swait.ge [sflag:s30], $0x2000  }
0x13e: {  	[sflag:s30] =	ssyncset.done $0x0  }
0x13f: {  	[sflag:s30] =	ssyncadd.s32 $0xFFFFE000  }
0x140: {  	_ =	swait.ge [sflag:s30], $0x2000  }
0x141: {  	[sflag:s30] =	ssyncset.done $0x0  }
0x142: {  	[sflag:s30] =	ssyncadd.s32 $0xFFFFE000  }
0x143: {  	_ =	swait.ge [sflag:s30], $0x2000  }
0x144: {  	[sflag:s30] =	ssyncset.done $0x0  }
0x145: {  	[sflag:s30] =	ssyncadd.s32 $0xFFFFE000  }
0x146: {  	_ =	swait.ge [sflag:s30], $0x2000  }
0x147: {  	[sflag:s30] =	ssyncset.done $0x0  }
0x148: {  	[sflag:s30] =	ssyncadd.s32 $0xFFFFE000  }
0x149: {  	_ =	swait.ge [sflag:s30], $0x2000  }
0x14a: {  	[sflag:s30] =	ssyncset.done $0x0  }
0x14b: {  	[sflag:s30] =	ssyncadd.s32 $0xFFFFE000  }
0x14c: {  	_ =	swait.ge [sflag:s30], $0x2000  }
0x14d: {  	[sflag:s30] =	ssyncset.done $0x0  }
0x14e: {  	[sflag:s30] =	ssyncadd.s32 $0xFFFFE000  }
0x14f: {  	_ =	swait.ge [sflag:s30], $0x2000  }
0x150: {  	[sflag:s30] =	ssyncset.done $0x0  }
0x151: {  	[sflag:s30] =	ssyncadd.s32 $0xFFFFE000  }
0x152: {  	_ =	swait.ge [sflag:s30], $0x2000  }
0x153: {  	[sflag:s30] =	ssyncset.done $0x0  }
0x154: {  	[sflag:s30] =	ssyncadd.s32 $0xFFFFE000  }
0x155: {  	_ =	swait.ge [sflag:s30], $0x2000  }
0x156: {  	[sflag:s30] =	ssyncset.done $0x0  }
0x157: {  	[sflag:s30] =	ssyncadd.s32 $0xFFFFE000  }
0x158: {  	_ =	swait.ge [sflag:s30], $0x2000  }
0x159: {  	[sflag:s30] =	ssyncset.done $0x0  }
0x15a: {  	[sflag:s30] =	ssyncadd.s32 $0xFFFFE000  }
0x15b: {  	_ =	swait.ge [sflag:s30], $0x1000  }
0x15c: {  	v42 =	vld [tilespmem:$0x1F890];
	_ =	sdelay $0x2  }
0x15d: {  	[sflag:s30] =	ssyncset.done $0x0  }
0x15e: {  	[sflag:s30] =	ssyncadd.s32 $0xFFFFF000  }
0x15f: {  	[tilespmem:$0x10] =	vst v42;
	v42 =	vld [tilespmem:$0x1F8B0];
	_ =	sdelay $0x4  }
0x160: {  	[tilespmem:$0x20] =	vst v42;
	v42 =	vld [tilespmem:$0x1F8D0];
	_ =	sdelay $0x4  }
0x161: {  	[tilespmem:$0x30] =	vst v42;
	v42 =	vld [tilespmem:$0x1F8F0];
	_ =	sdelay $0x4  }
0x162: {  	[tilespmem:$0x40] =	vst v42;
	v42 =	vld [tilespmem:$0x1F910];
	_ =	sdelay $0x3  }
0x163: {  	v38 =	vperm.xlane v5, v35  }
0x164: {  	[tilespmem:$0x50] =	vst v42;
	v42 =	vld [tilespmem:$0x1F930]  }
0x165: {  	v38 =	vadd.s32 v36, v38;
	_ =	sdelay $0x1  }
0x166: {  	v39 =	vperm.xlane v5, v37  }
0x167: {  	[tilespmem:$0x0] =	vst v41  }
0x168: {  	v39 =	vadd.s32 v36, v39;
	[tilespmem:$0x60] =	vst v42  }
0x169: {  	[tilespmem:s1], [sflag:$0x1] =	stream.indirect_vreg.gather [hbm4b:s2+s4], $0x80, v38, vm0, $0xb8;
	[tilespmem:$0x1E180] =	vst v63  }
0x16a: {  	s8 =	simm.s32 $0x980  }
0x16b: {  	[tilespmem:s8], [sflag:$0x1] =	stream.indirect_vreg.gather [hbm4b:s24+s4], $0x80, v38, vm0, $0xb8;
	[tilespmem:$0x1E180] =	vst v63  }
0x16c: {  	s9 =	simm.s32 $0x1180  }
0x16d: {  	[tilespmem:s9], [sflag:$0x1] =	stream.indirect_vreg.gather [hbm4b:s2+s4], $0x80, v39, vm0, $0xb8;
	[tilespmem:$0x1E180] =	vst v63  }
0x16e: {  	s10 =	simm.s32 $0x1980  }
0x16f: {  	[tilespmem:s10], [sflag:$0x1] =	stream.indirect_vreg.gather [hbm4b:s24+s4], $0x80, v39, vm0, $0xb8;
	[tilespmem:$0x1E180] =	vst v63  }
0x170: {  	v38 =	vld [tilespmem:$0x10];
	_ =	sdelay $0x4  }
0x171: {  	v42 =	vshll.u32 v38, $0x2  }
0x172: {  	v38 =	vand.u32 $0x7, v38;
	v39 =	vand.u32 $0xFFFFFFE0, v42  }
0x173: {  	v38 =	vor.u32 v38, v39  }
0x174: {  	v39 =	vperm.xlane v38, v35;
	_ =	sdelay $0x1  }
0x175: {  	v39 =	vadd.s32 v36, v39;
	_ =	sdelay $0x1  }
0x176: {  	v38 =	vperm.xlane v38, v37;
	_ =	sdelay $0x1  }
0x177: {  	s11 =	simm.s32 $0x2180;
	v38 =	vadd.s32 v36, v38  }
0x178: {  	[tilespmem:s11], [sflag:$0x1] =	stream.indirect_vreg.gather [hbm4b:s2+s4], $0x80, v39, vm0, $0xb8;
	[tilespmem:$0x1E180] =	vst v63  }
0x179: {  	s12 =	simm.s32 $0x2980  }
0x17a: {  	[tilespmem:s12], [sflag:$0x1] =	stream.indirect_vreg.gather [hbm4b:s24+s4], $0x80, v39, vm0, $0xb8;
	[tilespmem:$0x1E180] =	vst v63  }
0x17b: {  	s13 =	simm.s32 $0x3180  }
0x17c: {  	[tilespmem:s13], [sflag:$0x1] =	stream.indirect_vreg.gather [hbm4b:s2+s4], $0x80, v38, vm0, $0xb8;
	[tilespmem:$0x1E180] =	vst v63  }
0x17d: {  	s14 =	simm.s32 $0x3980  }
0x17e: {  	[tilespmem:s14], [sflag:$0x1] =	stream.indirect_vreg.gather [hbm4b:s24+s4], $0x80, v38, vm0, $0xb8;
	[tilespmem:$0x1E180] =	vst v63  }
0x17f: {  	v38 =	vld [tilespmem:$0x20];
	_ =	sdelay $0x4  }
0x180: {  	v42 =	vshll.u32 v38, $0x2  }
0x181: {  	v38 =	vand.u32 $0x7, v38;
	v39 =	vand.u32 $0xFFFFFFE0, v42  }
0x182: {  	v38 =	vor.u32 v38, v39  }
0x183: {  	v39 =	vperm.xlane v38, v35;
	_ =	sdelay $0x1  }
0x184: {  	v39 =	vadd.s32 v36, v39;
	_ =	sdelay $0x1  }
0x185: {  	v38 =	vperm.xlane v38, v37;
	_ =	sdelay $0x1  }
0x186: {  	s15 =	simm.s32 $0x4180;
	v38 =	vadd.s32 v36, v38  }
0x187: {  	[tilespmem:s15], [sflag:$0x1] =	stream.indirect_vreg.gather [hbm4b:s2+s4], $0x80, v39, vm0, $0xb8;
	[tilespmem:$0x1E180] =	vst v63  }
0x188: {  	s16 =	simm.s32 $0x4980  }
0x189: {  	[tilespmem:s16], [sflag:$0x1] =	stream.indirect_vreg.gather [hbm4b:s24+s4], $0x80, v39, vm0, $0xb8;
	[tilespmem:$0x1E180] =	vst v63  }
0x18a: {  	s17 =	simm.s32 $0x5180  }
0x18b: {  	[tilespmem:s17], [sflag:$0x1] =	stream.indirect_vreg.gather [hbm4b:s2+s4], $0x80, v38, vm0, $0xb8;
	[tilespmem:$0x1E180] =	vst v63  }
0x18c: {  	s18 =	simm.s32 $0x5980  }
0x18d: {  	[tilespmem:s18], [sflag:$0x1] =	stream.indirect_vreg.gather [hbm4b:s24+s4], $0x80, v38, vm0, $0xb8;
	[tilespmem:$0x1E180] =	vst v63  }
0x18e: {  	v38 =	vld [tilespmem:$0x30];
	_ =	sdelay $0x4  }
0x18f: {  	v42 =	vshll.u32 v38, $0x2  }
0x190: {  	v38 =	vand.u32 $0x7, v38;
	v39 =	vand.u32 $0xFFFFFFE0, v42  }
0x191: {  	v38 =	vor.u32 v38, v39  }
0x192: {  	v39 =	vperm.xlane v38, v35;
	_ =	sdelay $0x1  }
0x193: {  	v39 =	vadd.s32 v36, v39;
	_ =	sdelay $0x1  }
0x194: {  	v38 =	vperm.xlane v38, v37;
	_ =	sdelay $0x1  }
0x195: {  	s19 =	simm.s32 $0x6180;
	v38 =	vadd.s32 v36, v38  }
0x196: {  	[tilespmem:s19], [sflag:$0x1] =	stream.indirect_vreg.gather [hbm4b:s2+s4], $0x80, v39, vm0, $0xb8;
	[tilespmem:$0x1E180] =	vst v63  }
0x197: {  	s20 =	simm.s32 $0x6980  }
0x198: {  	[tilespmem:s20], [sflag:$0x1] =	stream.indirect_vreg.gather [hbm4b:s24+s4], $0x80, v39, vm0, $0xb8;
	[tilespmem:$0x1E180] =	vst v63  }
0x199: {  	s21 =	simm.s32 $0x7180  }
0x19a: {  	[tilespmem:s21], [sflag:$0x1] =	stream.indirect_vreg.gather [hbm4b:s2+s4], $0x80, v38, vm0, $0xb8;
	[tilespmem:$0x1E180] =	vst v63  }
0x19b: {  	s22 =	simm.s32 $0x7980  }
0x19c: {  	[tilespmem:s22], [sflag:$0x1] =	stream.indirect_vreg.gather [hbm4b:s24+s4], $0x80, v38, vm0, $0xb8;
	[tilespmem:$0x1E180] =	vst v63  }
0x19d: {  	v38 =	vld [tilespmem:$0x40];
	_ =	sdelay $0x4  }
0x19e: {  	v42 =	vshll.u32 v38, $0x2  }
0x19f: {  	v38 =	vand.u32 $0x7, v38;
	v39 =	vand.u32 $0xFFFFFFE0, v42  }
0x1a0: {  	v38 =	vor.u32 v38, v39  }
0x1a1: {  	v39 =	vperm.xlane v38, v35;
	_ =	sdelay $0x1  }
0x1a2: {  	v39 =	vadd.s32 v36, v39;
	_ =	sdelay $0x1  }
0x1a3: {  	v38 =	vperm.xlane v38, v37;
	_ =	sdelay $0x1  }
0x1a4: {  	s23 =	simm.s32 $0x8180;
	v38 =	vadd.s32 v36, v38  }
0x1a5: {  	[tilespmem:s23], [sflag:$0x1] =	stream.indirect_vreg.gather [hbm4b:s2+s4], $0x80, v39, vm0, $0xb8;
	[tilespmem:$0x1E180] =	vst v63  }
0x1a6: {  	s25 =	simm.s32 $0x8980  }
0x1a7: {  	[tilespmem:s25], [sflag:$0x1] =	stream.indirect_vreg.gather [hbm4b:s24+s4], $0x80, v39, vm0, $0xb8;
	[tilespmem:$0x1E180] =	vst v63  }
0x1a8: {  	s26 =	simm.s32 $0x9180  }
0x1a9: {  	[tilespmem:s26], [sflag:$0x1] =	stream.indirect_vreg.gather [hbm4b:s2+s4], $0x80, v38, vm0, $0xb8;
	[tilespmem:$0x1E180] =	vst v63  }
0x1aa: {  	s28 =	simm.s32 $0x9980  }
0x1ab: {  	[tilespmem:s28], [sflag:$0x1] =	stream.indirect_vreg.gather [hbm4b:s24+s4], $0x80, v38, vm0, $0xb8;
	[tilespmem:$0x1E180] =	vst v63  }
0x1ac: {  	v38 =	vld [tilespmem:$0x50];
	_ =	sdelay $0x4  }
0x1ad: {  	v42 =	vshll.u32 v38, $0x2  }
0x1ae: {  	v38 =	vand.u32 $0x7, v38;
	v39 =	vand.u32 $0xFFFFFFE0, v42  }
0x1af: {  	v38 =	vor.u32 v38, v39  }
0x1b0: {  	v39 =	vperm.xlane v38, v35;
	_ =	sdelay $0x1  }
0x1b1: {  	v39 =	vadd.s32 v36, v39;
	_ =	sdelay $0x1  }
0x1b2: {  	v38 =	vperm.xlane v38, v37;
	_ =	sdelay $0x1  }
0x1b3: {  	s8 =	simm.s32 $0xA180;
	v38 =	vadd.s32 v36, v38  }
0x1b4: {  	[tilespmem:s8], [sflag:$0x1] =	stream.indirect_vreg.gather [hbm4b:s2+s4], $0x80, v39, vm0, $0xb8;
	[tilespmem:$0x1E180] =	vst v63  }
0x1b5: {  	s9 =	simm.s32 $0xA980  }
0x1b6: {  	[tilespmem:s9], [sflag:$0x1] =	stream.indirect_vreg.gather [hbm4b:s24+s4], $0x80, v39, vm0, $0xb8;
	[tilespmem:$0x1E180] =	vst v63  }
0x1b7: {  	s11 =	simm.s32 $0xB180  }
0x1b8: {  	[tilespmem:s11], [sflag:$0x1] =	stream.indirect_vreg.gather [hbm4b:s2+s4], $0x80, v38, vm0, $0xb8;
	[tilespmem:$0x1E180] =	vst v63  }
0x1b9: {  	s12 =	simm.s32 $0xB980  }
0x1ba: {  	[tilespmem:s12], [sflag:$0x1] =	stream.indirect_vreg.gather [hbm4b:s24+s4], $0x80, v38, vm0, $0xb8;
	[tilespmem:$0x1E180] =	vst v63  }
0x1bb: {  	v38 =	vld [tilespmem:$0x60];
	_ =	sdelay $0x4  }
0x1bc: {  	v42 =	vshll.u32 v38, $0x2  }
0x1bd: {  	v38 =	vand.u32 $0x7, v38;
	v39 =	vand.u32 $0xFFFFFFE0, v42  }
0x1be: {  	v38 =	vor.u32 v38, v39  }
0x1bf: {  	v39 =	vperm.xlane v38, v35;
	_ =	sdelay $0x1  }
0x1c0: {  	v39 =	vadd.s32 v36, v39;
	_ =	sdelay $0x1  }
0x1c1: {  	v38 =	vperm.xlane v38, v37;
	_ =	sdelay $0x1  }
0x1c2: {  	s13 =	simm.s32 $0xC180;
	v38 =	vadd.s32 v36, v38  }
0x1c3: {  	[tilespmem:s13], [sflag:$0x1] =	stream.indirect_vreg.gather [hbm4b:s2+s4], $0x80, v39, vm0, $0xb8;
	[tilespmem:$0x1E180] =	vst v63  }
0x1c4: {  	s14 =	simm.s32 $0xC980  }
0x1c5: {  	v42 =	vld [tilespmem:$0x1F950];
	[tilespmem:s14], [sflag:$0x1] =	stream.indirect_vreg.gather [hbm4b:s24+s4], $0x80, v39, vm0, $0xb8  }
0x1c6: {  	s15 =	simm.s32 $0xD180  }
0x1c7: {  	[tilespmem:s15], [sflag:$0x1] =	stream.indirect_vreg.gather [hbm4b:s2+s4], $0x80, v38, vm0, $0xb8;
	[tilespmem:$0x1E180] =	vst v63  }
0x1c8: {  	s22 =	simm.s32 $0xD980  }
0x1c9: {  	[tilespmem:s22], [sflag:$0x1] =	stream.indirect_vreg.gather [hbm4b:s24+s4], $0x80, v38, vm0, $0xb8;
	[tilespmem:$0x1E180] =	vst v63  }
0x1ca: {  	[tilespmem:$0x90] =	vst v42;
	v42 =	vld [tilespmem:$0x1F970];
	_ =	sdelay $0x4  }
0x1cb: {  	[tilespmem:$0xA0] =	vst v42;
	v42 =	vld [tilespmem:$0x1F990];
	_ =	sdelay $0x4  }
0x1cc: {  	[tilespmem:$0xB0] =	vst v42;
	v42 =	vld [tilespmem:$0x1F9A0];
	_ =	sdelay $0x4  }
0x1cd: {  	[tilespmem:$0xC0] =	vst v42;
	v42 =	vld [tilespmem:$0x1F9B0];
	_ =	sdelay $0x3  }
0x1ce: {  	v38 =	vperm.xlane v7, v35  }
0x1cf: {  	[tilespmem:$0xD0] =	vst v42;
	v42 =	vld [tilespmem:$0x1F9C0]  }
0x1d0: {  	v38 =	vadd.s32 v36, v38;
	_ =	sdelay $0x1  }
0x1d1: {  	v39 =	vperm.xlane v7, v37  }
0x1d2: {  	[tilespmem:$0x80] =	vst v15  }
0x1d3: {  	v39 =	vadd.s32 v36, v39;
	[tilespmem:$0xE0] =	vst v42  }
0x1d4: {  	[tilespmem:s5], [sflag:$0x2] =	stream.indirect_vreg.gather [hbm4b:s2+s4], $0x80, v38, vm0, $0xb8;
	[tilespmem:$0x1E180] =	vst v63  }
0x1d5: {  	s25 =	simm.s32 $0xE980  }
0x1d6: {  	[tilespmem:s25], [sflag:$0x2] =	stream.indirect_vreg.gather [hbm4b:s24+s4], $0x80, v38, vm0, $0xb8;
	[tilespmem:$0x1E180] =	vst v63  }
0x1d7: {  	s26 =	simm.s32 $0xF180  }
0x1d8: {  	[tilespmem:s26], [sflag:$0x2] =	stream.indirect_vreg.gather [hbm4b:s2+s4], $0x80, v39, vm0, $0xb8;
	[tilespmem:$0x1E180] =	vst v63  }
0x1d9: {  	s28 =	simm.s32 $0xF980  }
0x1da: {  	[tilespmem:s28], [sflag:$0x2] =	stream.indirect_vreg.gather [hbm4b:s24+s4], $0x80, v39, vm0, $0xb8;
	[tilespmem:$0x1E180] =	vst v63  }
0x1db: {  	v38 =	vld [tilespmem:$0x90];
	_ =	sdelay $0x4  }
0x1dc: {  	v42 =	vshll.u32 v38, $0x2  }
0x1dd: {  	v38 =	vand.u32 $0x7, v38;
	v39 =	vand.u32 $0xFFFFFFE0, v42  }
0x1de: {  	v38 =	vor.u32 v38, v39  }
0x1df: {  	v39 =	vperm.xlane v38, v35;
	_ =	sdelay $0x1  }
0x1e0: {  	v39 =	vadd.s32 v36, v39;
	_ =	sdelay $0x1  }
0x1e1: {  	v38 =	vperm.xlane v38, v37;
	_ =	sdelay $0x1  }
0x1e2: {  	s5 =	simm.s32 $0x10180;
	v38 =	vadd.s32 v36, v38  }
0x1e3: {  	[tilespmem:s5], [sflag:$0x2] =	stream.indirect_vreg.gather [hbm4b:s2+s4], $0x80, v39, vm0, $0xb8;
	[tilespmem:$0x1E180] =	vst v63  }
0x1e4: {  	s9 =	simm.s32 $0x10980  }
0x1e5: {  	[tilespmem:s9], [sflag:$0x2] =	stream.indirect_vreg.gather [hbm4b:s24+s4], $0x80, v39, vm0, $0xb8;
	[tilespmem:$0x1E180] =	vst v63  }
0x1e6: {  	s11 =	simm.s32 $0x11180  }
0x1e7: {  	[tilespmem:s11], [sflag:$0x2] =	stream.indirect_vreg.gather [hbm4b:s2+s4], $0x80, v38, vm0, $0xb8;
	[tilespmem:$0x1E180] =	vst v63  }
0x1e8: {  	s12 =	simm.s32 $0x11980  }
0x1e9: {  	[tilespmem:s12], [sflag:$0x2] =	stream.indirect_vreg.gather [hbm4b:s24+s4], $0x80, v38, vm0, $0xb8;
	[tilespmem:$0x1E180] =	vst v63  }
0x1ea: {  	v38 =	vld [tilespmem:$0xA0];
	_ =	sdelay $0x4  }
0x1eb: {  	v42 =	vshll.u32 v38, $0x2  }
0x1ec: {  	v38 =	vand.u32 $0x7, v38;
	v39 =	vand.u32 $0xFFFFFFE0, v42  }
0x1ed: {  	v38 =	vor.u32 v38, v39  }
0x1ee: {  	v39 =	vperm.xlane v38, v35;
	_ =	sdelay $0x1  }
0x1ef: {  	v39 =	vadd.s32 v36, v39;
	_ =	sdelay $0x1  }
0x1f0: {  	v38 =	vperm.xlane v38, v37;
	_ =	sdelay $0x1  }
0x1f1: {  	s13 =	simm.s32 $0x12180;
	v38 =	vadd.s32 v36, v38  }
0x1f2: {  	[tilespmem:s13], [sflag:$0x2] =	stream.indirect_vreg.gather [hbm4b:s2+s4], $0x80, v39, vm0, $0xb8;
	[tilespmem:$0x1E180] =	vst v63  }
0x1f3: {  	s14 =	simm.s32 $0x12980  }
0x1f4: {  	[tilespmem:s14], [sflag:$0x2] =	stream.indirect_vreg.gather [hbm4b:s24+s4], $0x80, v39, vm0, $0xb8;
	[tilespmem:$0x1E180] =	vst v63  }
0x1f5: {  	s15 =	simm.s32 $0x13180  }
0x1f6: {  	[tilespmem:s15], [sflag:$0x2] =	stream.indirect_vreg.gather [hbm4b:s2+s4], $0x80, v38, vm0, $0xb8;
	[tilespmem:$0x1E180] =	vst v63  }
0x1f7: {  	s25 =	simm.s32 $0x13980  }
0x1f8: {  	[tilespmem:s25], [sflag:$0x2] =	stream.indirect_vreg.gather [hbm4b:s24+s4], $0x80, v38, vm0, $0xb8;
	[tilespmem:$0x1E180] =	vst v63  }
0x1f9: {  	v38 =	vld [tilespmem:$0xB0];
	_ =	sdelay $0x4  }
0x1fa: {  	v42 =	vshll.u32 v38, $0x2  }
0x1fb: {  	v38 =	vand.u32 $0x7, v38;
	v39 =	vand.u32 $0xFFFFFFE0, v42  }
0x1fc: {  	v38 =	vor.u32 v38, v39  }
0x1fd: {  	v39 =	vperm.xlane v38, v35;
	_ =	sdelay $0x1  }
0x1fe: {  	v39 =	vadd.s32 v36, v39;
	_ =	sdelay $0x1  }
0x1ff: {  	v38 =	vperm.xlane v38, v37;
	_ =	sdelay $0x1  }
0x200: {  	s26 =	simm.s32 $0x14180;
	v38 =	vadd.s32 v36, v38  }
0x201: {  	[tilespmem:s26], [sflag:$0x2] =	stream.indirect_vreg.gather [hbm4b:s2+s4], $0x80, v39, vm0, $0xb8;
	[tilespmem:$0x1E180] =	vst v63  }
0x202: {  	s5 =	simm.s32 $0x14980  }
0x203: {  	[tilespmem:s5], [sflag:$0x2] =	stream.indirect_vreg.gather [hbm4b:s24+s4], $0x80, v39, vm0, $0xb8;
	[tilespmem:$0x1E180] =	vst v63  }
0x204: {  	s9 =	simm.s32 $0x15180  }
0x205: {  	[tilespmem:s9], [sflag:$0x2] =	stream.indirect_vreg.gather [hbm4b:s2+s4], $0x80, v38, vm0, $0xb8;
	[tilespmem:$0x1E180] =	vst v63  }
0x206: {  	s11 =	simm.s32 $0x15980  }
0x207: {  	[tilespmem:s11], [sflag:$0x2] =	stream.indirect_vreg.gather [hbm4b:s24+s4], $0x80, v38, vm0, $0xb8;
	[tilespmem:$0x1E180] =	vst v63  }
0x208: {  	v38 =	vld [tilespmem:$0xC0];
	_ =	sdelay $0x4  }
0x209: {  	v42 =	vshll.u32 v38, $0x2  }
0x20a: {  	v38 =	vand.u32 $0x7, v38;
	v39 =	vand.u32 $0xFFFFFFE0, v42  }
0x20b: {  	v38 =	vor.u32 v38, v39  }
0x20c: {  	v39 =	vperm.xlane v38, v35;
	_ =	sdelay $0x1  }
0x20d: {  	v39 =	vadd.s32 v36, v39;
	_ =	sdelay $0x1  }
0x20e: {  	v38 =	vperm.xlane v38, v37;
	_ =	sdelay $0x1  }
0x20f: {  	s12 =	simm.s32 $0x16180;
	v38 =	vadd.s32 v36, v38  }
0x210: {  	[tilespmem:s12], [sflag:$0x2] =	stream.indirect_vreg.gather [hbm4b:s2+s4], $0x80, v39, vm0, $0xb8;
	[tilespmem:$0x1E180] =	vst v63  }
0x211: {  	s13 =	simm.s32 $0x16980  }
0x212: {  	[tilespmem:s13], [sflag:$0x2] =	stream.indirect_vreg.gather [hbm4b:s24+s4], $0x80, v39, vm0, $0xb8;
	[tilespmem:$0x1E180] =	vst v63  }
0x213: {  	s14 =	simm.s32 $0x17180  }
0x214: {  	[tilespmem:s14], [sflag:$0x2] =	stream.indirect_vreg.gather [hbm4b:s2+s4], $0x80, v38, vm0, $0xb8;
	[tilespmem:$0x1E180] =	vst v63  }
0x215: {  	s15 =	simm.s32 $0x17980  }
0x216: {  	[tilespmem:s15], [sflag:$0x2] =	stream.indirect_vreg.gather [hbm4b:s24+s4], $0x80, v38, vm0, $0xb8;
	[tilespmem:$0x1E180] =	vst v63  }
0x217: {  	v38 =	vld [tilespmem:$0xD0];
	_ =	sdelay $0x4  }
0x218: {  	v42 =	vshll.u32 v38, $0x2  }
0x219: {  	v38 =	vand.u32 $0x7, v38;
	v39 =	vand.u32 $0xFFFFFFE0, v42  }
0x21a: {  	v38 =	vor.u32 v38, v39  }
0x21b: {  	v39 =	vperm.xlane v38, v35;
	_ =	sdelay $0x1  }
0x21c: {  	v39 =	vadd.s32 v36, v39;
	_ =	sdelay $0x1  }
0x21d: {  	v38 =	vperm.xlane v38, v37;
	_ =	sdelay $0x1  }
0x21e: {  	s25 =	simm.s32 $0x18180;
	v38 =	vadd.s32 v36, v38  }
0x21f: {  	[tilespmem:s25], [sflag:$0x2] =	stream.indirect_vreg.gather [hbm4b:s2+s4], $0x80, v39, vm0, $0xb8;
	[tilespmem:$0x1E180] =	vst v63  }
0x220: {  	s26 =	simm.s32 $0x18980  }
0x221: {  	[tilespmem:s26], [sflag:$0x2] =	stream.indirect_vreg.gather [hbm4b:s24+s4], $0x80, v39, vm0, $0xb8;
	[tilespmem:$0x1E180] =	vst v63  }
0x222: {  	s5 =	simm.s32 $0x19180  }
0x223: {  	[tilespmem:s5], [sflag:$0x2] =	stream.indirect_vreg.gather [hbm4b:s2+s4], $0x80, v38, vm0, $0xb8;
	[tilespmem:$0x1E180] =	vst v63  }
0x224: {  	s9 =	simm.s32 $0x19980  }
0x225: {  	[tilespmem:s9], [sflag:$0x2] =	stream.indirect_vreg.gather [hbm4b:s24+s4], $0x80, v38, vm0, $0xb8;
	[tilespmem:$0x1E180] =	vst v63  }
0x226: {  	v38 =	vld [tilespmem:$0xE0];
	_ =	sdelay $0x4  }
0x227: {  	v42 =	vshll.u32 v38, $0x2  }
0x228: {  	v38 =	vand.u32 $0x7, v38;
	v39 =	vand.u32 $0xFFFFFFE0, v42  }
0x229: {  	v38 =	vor.u32 v38, v39  }
0x22a: {  	v39 =	vperm.xlane v38, v35;
	_ =	sdelay $0x1  }
0x22b: {  	v39 =	vadd.s32 v36, v39;
	_ =	sdelay $0x1  }
0x22c: {  	v38 =	vperm.xlane v38, v37;
	_ =	sdelay $0x1  }
0x22d: {  	s11 =	simm.s32 $0x1A180;
	v38 =	vadd.s32 v36, v38  }
0x22e: {  	[tilespmem:s11], [sflag:$0x2] =	stream.indirect_vreg.gather [hbm4b:s2+s4], $0x80, v39, vm0, $0xb8;
	[tilespmem:$0x1E180] =	vst v63  }
0x22f: {  	s12 =	simm.s32 $0x1A980  }
0x230: {  	[tilespmem:s12], [sflag:$0x2] =	stream.indirect_vreg.gather [hbm4b:s24+s4], $0x80, v39, vm0, $0xb8;
	[tilespmem:$0x1E180] =	vst v63  }
0x231: {  	s13 =	simm.s32 $0x1B180  }
0x232: {  	[tilespmem:s13], [sflag:$0x2] =	stream.indirect_vreg.gather [hbm4b:s2+s4], $0x80, v38, vm0, $0xb8;
	[tilespmem:$0x1E180] =	vst v63  }
0x233: {  	s14 =	simm.s32 $0x1B980  }
0x234: {  	[tilespmem:s14], [sflag:$0x2] =	stream.indirect_vreg.gather [hbm4b:s24+s4], $0x80, v38, vm0, $0xb8;
	[tilespmem:$0x1E180] =	vst v63  }
0x235: {  	_ =	swait.ge [sflag:s31], $0xE000  }
0x236: {  	s15 =	sld [smem:$0x7EE]  }
0x237: {  	[sflag:s31] =	ssyncset.done $0x0  }
0x238: {  	s25 =	simm.s32 $0x180;
	[sflag:s31] =	ssyncadd.s32 $0xFFFF2000  }
0x239: {  	[hbm4b:s15+s4] =	stream.linear.scatter [tilespmem:s25], [sflag:$0x3], $0xE000, $0x38;
	[tilespmem:$0x1E180] =	vst v63  }
0x23a: {  	_ =	swait.ge [sflag:s29], $0xE000  }
0x23b: {  	v42 =	vld [tilespmem:$0x1F9D0];
	_ =	sdelay $0x2  }
0x23c: {  	[sflag:s29] =	ssyncset.done $0x0  }
0x23d: {  	[sflag:s29] =	ssyncadd.s32 $0xFFFF2000  }
0x23e: {  	[tilespmem:$0x10] =	vst v42;
	v42 =	vld [tilespmem:$0x1F9E0];
	_ =	sdelay $0x4  }
0x23f: {  	[tilespmem:$0x20] =	vst v42;
	v42 =	vld [tilespmem:$0x1F9F0];
	_ =	sdelay $0x4  }
0x240: {  	[tilespmem:$0x30] =	vst v42;
	v42 =	vld [tilespmem:$0x1FA00];
	_ =	sdelay $0x4  }
0x241: {  	[tilespmem:$0x40] =	vst v42;
	v42 =	vld [tilespmem:$0x1FA10];
	_ =	sdelay $0x3  }
0x242: {  	v38 =	vperm.xlane v9, v35  }
0x243: {  	[tilespmem:$0x50] =	vst v42;
	v42 =	vld [tilespmem:$0x1FA20]  }
0x244: {  	v38 =	vadd.s32 v36, v38;
	_ =	sdelay $0x1  }
0x245: {  	v39 =	vperm.xlane v9, v37  }
0x246: {  	[tilespmem:$0x0] =	vst v40  }
0x247: {  	v39 =	vadd.s32 v36, v39;
	[tilespmem:$0x60] =	vst v42  }
0x248: {  	[tilespmem:s25], [sflag:$0x1] =	stream.indirect_vreg.gather [hbm4b:s2+s4], $0x80, v38, vm0, $0xb8;
	[tilespmem:$0x1E180] =	vst v63  }
0x249: {  	s25 =	simm.s32 $0x980  }
0x24a: {  	[tilespmem:s25], [sflag:$0x1] =	stream.indirect_vreg.gather [hbm4b:s24+s4], $0x80, v38, vm0, $0xb8;
	[tilespmem:$0x1E180] =	vst v63  }
0x24b: {  	s26 =	simm.s32 $0x1180  }
0x24c: {  	[tilespmem:s26], [sflag:$0x1] =	stream.indirect_vreg.gather [hbm4b:s2+s4], $0x80, v39, vm0, $0xb8;
	[tilespmem:$0x1E180] =	vst v63  }
0x24d: {  	s7 =	simm.s32 $0x1980  }
0x24e: {  	[tilespmem:s7], [sflag:$0x1] =	stream.indirect_vreg.gather [hbm4b:s24+s4], $0x80, v39, vm0, $0xb8;
	[tilespmem:$0x1E180] =	vst v63  }
0x24f: {  	v38 =	vld [tilespmem:$0x10];
	_ =	sdelay $0x4  }
0x250: {  	v42 =	vshll.u32 v38, $0x2  }
0x251: {  	v38 =	vand.u32 $0x7, v38;
	v39 =	vand.u32 $0xFFFFFFE0, v42  }
0x252: {  	v38 =	vor.u32 v38, v39  }
0x253: {  	v39 =	vperm.xlane v38, v35;
	_ =	sdelay $0x1  }
0x254: {  	v39 =	vadd.s32 v36, v39;
	_ =	sdelay $0x1  }
0x255: {  	v38 =	vperm.xlane v38, v37;
	_ =	sdelay $0x1  }
0x256: {  	s7 =	simm.s32 $0x2180;
	v38 =	vadd.s32 v36, v38  }
0x257: {  	[tilespmem:s7], [sflag:$0x1] =	stream.indirect_vreg.gather [hbm4b:s2+s4], $0x80, v39, vm0, $0xb8;
	[tilespmem:$0x1E180] =	vst v63  }
0x258: {  	s12 =	simm.s32 $0x2980  }
0x259: {  	[tilespmem:s12], [sflag:$0x1] =	stream.indirect_vreg.gather [hbm4b:s24+s4], $0x80, v39, vm0, $0xb8;
	[tilespmem:$0x1E180] =	vst v63  }
0x25a: {  	s9 =	simm.s32 $0x3180  }
0x25b: {  	[tilespmem:s9], [sflag:$0x1] =	stream.indirect_vreg.gather [hbm4b:s2+s4], $0x80, v38, vm0, $0xb8;
	[tilespmem:$0x1E180] =	vst v63  }
0x25c: {  	s10 =	simm.s32 $0x3980  }
0x25d: {  	[tilespmem:s10], [sflag:$0x1] =	stream.indirect_vreg.gather [hbm4b:s24+s4], $0x80, v38, vm0, $0xb8;
	[tilespmem:$0x1E180] =	vst v63  }
0x25e: {  	v38 =	vld [tilespmem:$0x20];
	_ =	sdelay $0x4  }
0x25f: {  	v42 =	vshll.u32 v38, $0x2  }
0x260: {  	v38 =	vand.u32 $0x7, v38;
	v39 =	vand.u32 $0xFFFFFFE0, v42  }
0x261: {  	v38 =	vor.u32 v38, v39  }
0x262: {  	v39 =	vperm.xlane v38, v35;
	_ =	sdelay $0x1  }
0x263: {  	v39 =	vadd.s32 v36, v39;
	_ =	sdelay $0x1  }
0x264: {  	v38 =	vperm.xlane v38, v37;
	_ =	sdelay $0x1  }
0x265: {  	s10 =	simm.s32 $0x4180;
	v38 =	vadd.s32 v36, v38  }
0x266: {  	[tilespmem:s10], [sflag:$0x1] =	stream.indirect_vreg.gather [hbm4b:s2+s4], $0x80, v39, vm0, $0xb8;
	[tilespmem:$0x1E180] =	vst v63  }
0x267: {  	s14 =	simm.s32 $0x4980  }
0x268: {  	[tilespmem:s14], [sflag:$0x1] =	stream.indirect_vreg.gather [hbm4b:s24+s4], $0x80, v39, vm0, $0xb8;
	[tilespmem:$0x1E180] =	vst v63  }
0x269: {  	s15 =	simm.s32 $0x5180  }
0x26a: {  	[tilespmem:s15], [sflag:$0x1] =	stream.indirect_vreg.gather [hbm4b:s2+s4], $0x80, v38, vm0, $0xb8;
	[tilespmem:$0x1E180] =	vst v63  }
0x26b: {  	s16 =	simm.s32 $0x5980  }
0x26c: {  	[tilespmem:s16], [sflag:$0x1] =	stream.indirect_vreg.gather [hbm4b:s24+s4], $0x80, v38, vm0, $0xb8;
	[tilespmem:$0x1E180] =	vst v63  }
0x26d: {  	v38 =	vld [tilespmem:$0x30];
	_ =	sdelay $0x4  }
0x26e: {  	v42 =	vshll.u32 v38, $0x2  }
0x26f: {  	v38 =	vand.u32 $0x7, v38;
	v39 =	vand.u32 $0xFFFFFFE0, v42  }
0x270: {  	v38 =	vor.u32 v38, v39  }
0x271: {  	v39 =	vperm.xlane v38, v35;
	_ =	sdelay $0x1  }
0x272: {  	v39 =	vadd.s32 v36, v39;
	_ =	sdelay $0x1  }
0x273: {  	v38 =	vperm.xlane v38, v37;
	_ =	sdelay $0x1  }
0x274: {  	s17 =	simm.s32 $0x6180;
	v38 =	vadd.s32 v36, v38  }
0x275: {  	[tilespmem:s17], [sflag:$0x1] =	stream.indirect_vreg.gather [hbm4b:s2+s4], $0x80, v39, vm0, $0xb8;
	[tilespmem:$0x1E180] =	vst v63  }
0x276: {  	s18 =	simm.s32 $0x6980  }
0x277: {  	[tilespmem:s18], [sflag:$0x1] =	stream.indirect_vreg.gather [hbm4b:s24+s4], $0x80, v39, vm0, $0xb8;
	[tilespmem:$0x1E180] =	vst v63  }
0x278: {  	s20 =	simm.s32 $0x7180  }
0x279: {  	[tilespmem:s20], [sflag:$0x1] =	stream.indirect_vreg.gather [hbm4b:s2+s4], $0x80, v38, vm0, $0xb8;
	[tilespmem:$0x1E180] =	vst v63  }
0x27a: {  	s21 =	simm.s32 $0x7980  }
0x27b: {  	[tilespmem:s21], [sflag:$0x1] =	stream.indirect_vreg.gather [hbm4b:s24+s4], $0x80, v38, vm0, $0xb8;
	[tilespmem:$0x1E180] =	vst v63  }
0x27c: {  	v38 =	vld [tilespmem:$0x40];
	_ =	sdelay $0x4  }
0x27d: {  	v42 =	vshll.u32 v38, $0x2  }
0x27e: {  	v38 =	vand.u32 $0x7, v38;
	v39 =	vand.u32 $0xFFFFFFE0, v42  }
0x27f: {  	v38 =	vor.u32 v38, v39  }
0x280: {  	v39 =	vperm.xlane v38, v35;
	_ =	sdelay $0x1  }
0x281: {  	v39 =	vadd.s32 v36, v39;
	_ =	sdelay $0x1  }
0x282: {  	v38 =	vperm.xlane v38, v37;
	_ =	sdelay $0x1  }
0x283: {  	s13 =	simm.s32 $0x8180;
	v38 =	vadd.s32 v36, v38  }
0x284: {  	[tilespmem:s13], [sflag:$0x1] =	stream.indirect_vreg.gather [hbm4b:s2+s4], $0x80, v39, vm0, $0xb8;
	[tilespmem:$0x1E180] =	vst v63  }
0x285: {  	s5 =	simm.s32 $0x8980  }
0x286: {  	[tilespmem:s5], [sflag:$0x1] =	stream.indirect_vreg.gather [hbm4b:s24+s4], $0x80, v39, vm0, $0xb8;
	[tilespmem:$0x1E180] =	vst v63  }
0x287: {  	s11 =	simm.s32 $0x9180  }
0x288: {  	[tilespmem:s11], [sflag:$0x1] =	stream.indirect_vreg.gather [hbm4b:s2+s4], $0x80, v38, vm0, $0xb8;
	[tilespmem:$0x1E180] =	vst v63  }
0x289: {  	s19 =	simm.s32 $0x9980  }
0x28a: {  	[tilespmem:s19], [sflag:$0x1] =	stream.indirect_vreg.gather [hbm4b:s24+s4], $0x80, v38, vm0, $0xb8;
	[tilespmem:$0x1E180] =	vst v63  }
0x28b: {  	v38 =	vld [tilespmem:$0x50];
	_ =	sdelay $0x4  }
0x28c: {  	v42 =	vshll.u32 v38, $0x2  }
0x28d: {  	v38 =	vand.u32 $0x7, v38;
	v39 =	vand.u32 $0xFFFFFFE0, v42  }
0x28e: {  	v38 =	vor.u32 v38, v39  }
0x28f: {  	v39 =	vperm.xlane v38, v35;
	_ =	sdelay $0x1  }
0x290: {  	v39 =	vadd.s32 v36, v39;
	_ =	sdelay $0x1  }
0x291: {  	v38 =	vperm.xlane v38, v37;
	_ =	sdelay $0x1  }
0x292: {  	s19 =	simm.s32 $0xA180;
	v38 =	vadd.s32 v36, v38  }
0x293: {  	[tilespmem:s19], [sflag:$0x1] =	stream.indirect_vreg.gather [hbm4b:s2+s4], $0x80, v39, vm0, $0xb8;
	[tilespmem:$0x1E180] =	vst v63  }
0x294: {  	s20 =	simm.s32 $0xA980  }
0x295: {  	[tilespmem:s20], [sflag:$0x1] =	stream.indirect_vreg.gather [hbm4b:s24+s4], $0x80, v39, vm0, $0xb8;
	[tilespmem:$0x1E180] =	vst v63  }
0x296: {  	s21 =	simm.s32 $0xB180  }
0x297: {  	[tilespmem:s21], [sflag:$0x1] =	stream.indirect_vreg.gather [hbm4b:s2+s4], $0x80, v38, vm0, $0xb8;
	[tilespmem:$0x1E180] =	vst v63  }
0x298: {  	s23 =	simm.s32 $0xB980  }
0x299: {  	[tilespmem:s23], [sflag:$0x1] =	stream.indirect_vreg.gather [hbm4b:s24+s4], $0x80, v38, vm0, $0xb8;
	[tilespmem:$0x1E180] =	vst v63  }
0x29a: {  	v38 =	vld [tilespmem:$0x60];
	_ =	sdelay $0x4  }
0x29b: {  	v42 =	vshll.u32 v38, $0x2  }
0x29c: {  	v38 =	vand.u32 $0x7, v38;
	v39 =	vand.u32 $0xFFFFFFE0, v42  }
0x29d: {  	v38 =	vor.u32 v38, v39  }
0x29e: {  	v39 =	vperm.xlane v38, v35;
	_ =	sdelay $0x1  }
0x29f: {  	v39 =	vadd.s32 v36, v39;
	_ =	sdelay $0x1  }
0x2a0: {  	v38 =	vperm.xlane v38, v37;
	_ =	sdelay $0x1  }
0x2a1: {  	s23 =	simm.s32 $0xC180;
	v38 =	vadd.s32 v36, v38  }
0x2a2: {  	[tilespmem:s23], [sflag:$0x1] =	stream.indirect_vreg.gather [hbm4b:s2+s4], $0x80, v39, vm0, $0xb8;
	[tilespmem:$0x1E180] =	vst v63  }
0x2a3: {  	s26 =	simm.s32 $0xC980  }
0x2a4: {  	[tilespmem:s26], [sflag:$0x1] =	stream.indirect_vreg.gather [hbm4b:s24+s4], $0x80, v39, vm0, $0xb8;
	[tilespmem:$0x1E180] =	vst v63  }
0x2a5: {  	s17 =	simm.s32 $0xD180  }
0x2a6: {  	[tilespmem:s17], [sflag:$0x1] =	stream.indirect_vreg.gather [hbm4b:s2+s4], $0x80, v38, vm0, $0xb8;
	[tilespmem:$0x1E180] =	vst v63  }
0x2a7: {  	s8 =	simm.s32 $0xD980  }
0x2a8: {  	[tilespmem:s8], [sflag:$0x1] =	stream.indirect_vreg.gather [hbm4b:s24+s4], $0x80, v38, vm0, $0xb8;
	[tilespmem:$0x1E180] =	vst v63  }
0x2a9: {  	_ =	swait.ge [sflag:s3], $0xE000  }
0x2aa: {  	s18 =	sld [smem:$0x7EB]  }
0x2ab: {  	[sflag:s3] =	ssyncset.done $0x0  }
0x2ac: {  	s1 =	simm.s32 $0xE180;
	[sflag:s3] =	ssyncadd.s32 $0xFFFF2000  }
0x2ad: {  	[hbm4b:s18+s4] =	stream.linear.scatter [tilespmem:s1], [sflag:$0x4], $0xE000, $0x38;
	[tilespmem:$0x1E180] =	vst v63  }
0x2ae: {  	_ =	swait.ge [sflag:s0], $0xE000  }
0x2af: {  	v42 =	vld [tilespmem:$0x1FA30];
	_ =	sdelay $0x2  }
0x2b0: {  	[sflag:s0] =	ssyncset.done $0x0  }
0x2b1: {  	[sflag:s0] =	ssyncadd.s32 $0xFFFF2000  }
0x2b2: {  	[tilespmem:$0x90] =	vst v42;
	v42 =	vld [tilespmem:$0x1FA40];
	_ =	sdelay $0x4  }
0x2b3: {  	[tilespmem:$0xA0] =	vst v42;
	v42 =	vld [tilespmem:$0x1FA50];
	_ =	sdelay $0x4  }
0x2b4: {  	[tilespmem:$0xB0] =	vst v42;
	v42 =	vld [tilespmem:$0x1FA60];
	_ =	sdelay $0x4  }
0x2b5: {  	[tilespmem:$0xC0] =	vst v42;
	v42 =	vld [tilespmem:$0x1FA70];
	_ =	sdelay $0x3  }
0x2b6: {  	v38 =	vperm.xlane v11, v35  }
0x2b7: {  	[tilespmem:$0xD0] =	vst v42;
	v42 =	vld [tilespmem:$0x1FA80]  }
0x2b8: {  	v38 =	vadd.s32 v36, v38;
	_ =	sdelay $0x1  }
0x2b9: {  	v39 =	vperm.xlane v11, v37  }
0x2ba: {  	[tilespmem:$0x80] =	vst v58  }
0x2bb: {  	v39 =	vadd.s32 v36, v39;
	[tilespmem:$0xE0] =	vst v42  }
0x2bc: {  	[tilespmem:s1], [sflag:$0x2] =	stream.indirect_vreg.gather [hbm4b:s2+s4], $0x80, v38, vm0, $0xb8;
	[tilespmem:$0x1E180] =	vst v63  }
0x2bd: {  	s8 =	simm.s32 $0xE980  }
0x2be: {  	[tilespmem:s8], [sflag:$0x2] =	stream.indirect_vreg.gather [hbm4b:s24+s4], $0x80, v38, vm0, $0xb8;
	[tilespmem:$0x1E180] =	vst v63  }
0x2bf: {  	s11 =	simm.s32 $0xF180  }
0x2c0: {  	[tilespmem:s11], [sflag:$0x2] =	stream.indirect_vreg.gather [hbm4b:s2+s4], $0x80, v39, vm0, $0xb8;
	[tilespmem:$0x1E180] =	vst v63  }
0x2c1: {  	s22 =	simm.s32 $0xF980  }
0x2c2: {  	[tilespmem:s22], [sflag:$0x2] =	stream.indirect_vreg.gather [hbm4b:s24+s4], $0x80, v39, vm0, $0xb8;
	[tilespmem:$0x1E180] =	vst v63  }
0x2c3: {  	v38 =	vld [tilespmem:$0x90];
	_ =	sdelay $0x4  }
0x2c4: {  	v42 =	vshll.u32 v38, $0x2  }
0x2c5: {  	v38 =	vand.u32 $0x7, v38;
	v39 =	vand.u32 $0xFFFFFFE0, v42  }
0x2c6: {  	v38 =	vor.u32 v38, v39  }
0x2c7: {  	v39 =	vperm.xlane v38, v35;
	_ =	sdelay $0x1  }
0x2c8: {  	v39 =	vadd.s32 v36, v39;
	_ =	sdelay $0x1  }
0x2c9: {  	v38 =	vperm.xlane v38, v37;
	_ =	sdelay $0x1  }
0x2ca: {  	s17 =	simm.s32 $0x10180;
	v38 =	vadd.s32 v36, v38  }
0x2cb: {  	[tilespmem:s17], [sflag:$0x2] =	stream.indirect_vreg.gather [hbm4b:s2+s4], $0x80, v39, vm0, $0xb8;
	[tilespmem:$0x1E180] =	vst v63  }
0x2cc: {  	s22 =	simm.s32 $0x10980  }
0x2cd: {  	[tilespmem:s22], [sflag:$0x2] =	stream.indirect_vreg.gather [hbm4b:s24+s4], $0x80, v39, vm0, $0xb8;
	[tilespmem:$0x1E180] =	vst v63  }
0x2ce: {  	s28 =	simm.s32 $0x11180  }
0x2cf: {  	[tilespmem:s28], [sflag:$0x2] =	stream.indirect_vreg.gather [hbm4b:s2+s4], $0x80, v38, vm0, $0xb8;
	[tilespmem:$0x1E180] =	vst v63  }
0x2d0: {  	s8 =	simm.s32 $0x11980  }
0x2d1: {  	[tilespmem:s8], [sflag:$0x2] =	stream.indirect_vreg.gather [hbm4b:s24+s4], $0x80, v38, vm0, $0xb8;
	[tilespmem:$0x1E180] =	vst v63  }
0x2d2: {  	v38 =	vld [tilespmem:$0xA0];
	_ =	sdelay $0x4  }
0x2d3: {  	v42 =	vshll.u32 v38, $0x2  }
0x2d4: {  	v38 =	vand.u32 $0x7, v38;
	v39 =	vand.u32 $0xFFFFFFE0, v42  }
0x2d5: {  	v38 =	vor.u32 v38, v39  }
0x2d6: {  	v39 =	vperm.xlane v38, v35;
	_ =	sdelay $0x1  }
0x2d7: {  	v39 =	vadd.s32 v36, v39;
	_ =	sdelay $0x1  }
0x2d8: {  	v38 =	vperm.xlane v38, v37;
	_ =	sdelay $0x1  }
0x2d9: {  	s18 =	simm.s32 $0x12180;
	v38 =	vadd.s32 v36, v38  }
0x2da: {  	[tilespmem:s18], [sflag:$0x2] =	stream.indirect_vreg.gather [hbm4b:s2+s4], $0x80, v39, vm0, $0xb8;
	[tilespmem:$0x1E180] =	vst v63  }
0x2db: {  	s28 =	simm.s32 $0x12980  }
0x2dc: {  	[tilespmem:s28], [sflag:$0x2] =	stream.indirect_vreg.gather [hbm4b:s24+s4], $0x80, v39, vm0, $0xb8;
	[tilespmem:$0x1E180] =	vst v63  }
0x2dd: {  	s1 =	simm.s32 $0x13180  }
0x2de: {  	[tilespmem:s1], [sflag:$0x2] =	stream.indirect_vreg.gather [hbm4b:s2+s4], $0x80, v38, vm0, $0xb8;
	[tilespmem:$0x1E180] =	vst v63  }
0x2df: {  	s17 =	simm.s32 $0x13980  }
0x2e0: {  	[tilespmem:s17], [sflag:$0x2] =	stream.indirect_vreg.gather [hbm4b:s24+s4], $0x80, v38, vm0, $0xb8;
	[tilespmem:$0x1E180] =	vst v63  }
0x2e1: {  	v38 =	vld [tilespmem:$0xB0];
	_ =	sdelay $0x4  }
0x2e2: {  	v42 =	vshll.u32 v38, $0x2  }
0x2e3: {  	v38 =	vand.u32 $0x7, v38;
	v39 =	vand.u32 $0xFFFFFFE0, v42  }
0x2e4: {  	v38 =	vor.u32 v38, v39  }
0x2e5: {  	v39 =	vperm.xlane v38, v35;
	_ =	sdelay $0x1  }
0x2e6: {  	v39 =	vadd.s32 v36, v39;
	_ =	sdelay $0x1  }
0x2e7: {  	v38 =	vperm.xlane v38, v37;
	_ =	sdelay $0x1  }
0x2e8: {  	s18 =	simm.s32 $0x14180;
	v38 =	vadd.s32 v36, v38  }
0x2e9: {  	[tilespmem:s18], [sflag:$0x2] =	stream.indirect_vreg.gather [hbm4b:s2+s4], $0x80, v39, vm0, $0xb8;
	[tilespmem:$0x1E180] =	vst v63  }
0x2ea: {  	s28 =	simm.s32 $0x14980  }
0x2eb: {  	[tilespmem:s28], [sflag:$0x2] =	stream.indirect_vreg.gather [hbm4b:s24+s4], $0x80, v39, vm0, $0xb8;
	[tilespmem:$0x1E180] =	vst v63  }
0x2ec: {  	s1 =	simm.s32 $0x15180  }
0x2ed: {  	[tilespmem:s1], [sflag:$0x2] =	stream.indirect_vreg.gather [hbm4b:s2+s4], $0x80, v38, vm0, $0xb8;
	[tilespmem:$0x1E180] =	vst v63  }
0x2ee: {  	s17 =	simm.s32 $0x15980  }
0x2ef: {  	[tilespmem:s17], [sflag:$0x2] =	stream.indirect_vreg.gather [hbm4b:s24+s4], $0x80, v38, vm0, $0xb8;
	[tilespmem:$0x1E180] =	vst v63  }
0x2f0: {  	v38 =	vld [tilespmem:$0xC0];
	_ =	sdelay $0x4  }
0x2f1: {  	v42 =	vshll.u32 v38, $0x2  }
0x2f2: {  	v38 =	vand.u32 $0x7, v38;
	v39 =	vand.u32 $0xFFFFFFE0, v42  }
0x2f3: {  	v38 =	vor.u32 v38, v39  }
0x2f4: {  	v39 =	vperm.xlane v38, v35;
	_ =	sdelay $0x1  }
0x2f5: {  	v39 =	vadd.s32 v36, v39;
	_ =	sdelay $0x1  }
0x2f6: {  	v38 =	vperm.xlane v38, v37;
	_ =	sdelay $0x1  }
0x2f7: {  	s18 =	simm.s32 $0x16180;
	v38 =	vadd.s32 v36, v38  }
0x2f8: {  	[tilespmem:s18], [sflag:$0x2] =	stream.indirect_vreg.gather [hbm4b:s2+s4], $0x80, v39, vm0, $0xb8;
	[tilespmem:$0x1E180] =	vst v63  }
0x2f9: {  	s28 =	simm.s32 $0x16980  }
0x2fa: {  	[tilespmem:s28], [sflag:$0x2] =	stream.indirect_vreg.gather [hbm4b:s24+s4], $0x80, v39, vm0, $0xb8;
	[tilespmem:$0x1E180] =	vst v63  }
0x2fb: {  	s1 =	simm.s32 $0x17180  }
0x2fc: {  	[tilespmem:s1], [sflag:$0x2] =	stream.indirect_vreg.gather [hbm4b:s2+s4], $0x80, v38, vm0, $0xb8;
	[tilespmem:$0x1E180] =	vst v63  }
0x2fd: {  	s17 =	simm.s32 $0x17980  }
0x2fe: {  	[tilespmem:s17], [sflag:$0x2] =	stream.indirect_vreg.gather [hbm4b:s24+s4], $0x80, v38, vm0, $0xb8;
	[tilespmem:$0x1E180] =	vst v63  }
0x2ff: {  	v38 =	vld [tilespmem:$0xD0];
	_ =	sdelay $0x4  }
0x300: {  	v42 =	vshll.u32 v38, $0x2  }
0x301: {  	v38 =	vand.u32 $0x7, v38;
	v39 =	vand.u32 $0xFFFFFFE0, v42  }
0x302: {  	v38 =	vor.u32 v38, v39  }
0x303: {  	v39 =	vperm.xlane v38, v35;
	_ =	sdelay $0x1  }
0x304: {  	v39 =	vadd.s32 v36, v39;
	_ =	sdelay $0x1  }
0x305: {  	v38 =	vperm.xlane v38, v37;
	_ =	sdelay $0x1  }
0x306: {  	s18 =	simm.s32 $0x18180;
	v38 =	vadd.s32 v36, v38  }
0x307: {  	[tilespmem:s18], [sflag:$0x2] =	stream.indirect_vreg.gather [hbm4b:s2+s4], $0x80, v39, vm0, $0xb8;
	[tilespmem:$0x1E180] =	vst v63  }
0x308: {  	s28 =	simm.s32 $0x18980  }
0x309: {  	[tilespmem:s28], [sflag:$0x2] =	stream.indirect_vreg.gather [hbm4b:s24+s4], $0x80, v39, vm0, $0xb8;
	[tilespmem:$0x1E180] =	vst v63  }
0x30a: {  	s1 =	simm.s32 $0x19180  }
0x30b: {  	[tilespmem:s1], [sflag:$0x2] =	stream.indirect_vreg.gather [hbm4b:s2+s4], $0x80, v38, vm0, $0xb8;
	[tilespmem:$0x1E180] =	vst v63  }
0x30c: {  	s17 =	simm.s32 $0x19980  }
0x30d: {  	[tilespmem:s17], [sflag:$0x2] =	stream.indirect_vreg.gather [hbm4b:s24+s4], $0x80, v38, vm0, $0xb8;
	[tilespmem:$0x1E180] =	vst v63  }
0x30e: {  	v38 =	vld [tilespmem:$0xE0];
	_ =	sdelay $0x4  }
0x30f: {  	v42 =	vshll.u32 v38, $0x2  }
0x310: {  	v38 =	vand.u32 $0x7, v38;
	v39 =	vand.u32 $0xFFFFFFE0, v42  }
0x311: {  	v38 =	vor.u32 v38, v39  }
0x312: {  	v39 =	vperm.xlane v38, v35;
	_ =	sdelay $0x1  }
0x313: {  	v39 =	vadd.s32 v36, v39;
	_ =	sdelay $0x1  }
0x314: {  	v38 =	vperm.xlane v38, v37;
	_ =	sdelay $0x1  }
0x315: {  	s18 =	simm.s32 $0x1A180;
	v38 =	vadd.s32 v36, v38  }
0x316: {  	[tilespmem:s18], [sflag:$0x2] =	stream.indirect_vreg.gather [hbm4b:s2+s4], $0x80, v39, vm0, $0xb8;
	[tilespmem:$0x1E180] =	vst v63  }
0x317: {  	s28 =	simm.s32 $0x1A980  }
0x318: {  	[tilespmem:s28], [sflag:$0x2] =	stream.indirect_vreg.gather [hbm4b:s24+s4], $0x80, v39, vm0, $0xb8;
	[tilespmem:$0x1E180] =	vst v63  }
0x319: {  	s1 =	simm.s32 $0x1B180  }
0x31a: {  	[tilespmem:s1], [sflag:$0x2] =	stream.indirect_vreg.gather [hbm4b:s2+s4], $0x80, v38, vm0, $0xb8;
	[tilespmem:$0x1E180] =	vst v63  }
0x31b: {  	s11 =	simm.s32 $0x1B980  }
0x31c: {  	[tilespmem:s11], [sflag:$0x2] =	stream.indirect_vreg.gather [hbm4b:s24+s4], $0x80, v38, vm0, $0xb8;
	[tilespmem:$0x1E180] =	vst v63  }
0x31d: {  	_ =	swait.ge [sflag:s31], $0xE000  }
0x31e: {  	s17 =	sld [smem:$0x7F1]  }
0x31f: {  	[sflag:s31] =	ssyncset.done $0x0  }
0x320: {  	s18 =	simm.s32 $0x180;
	[sflag:s31] =	ssyncadd.s32 $0xFFFF2000  }
0x321: {  	[hbm4b:s17+s4] =	stream.linear.scatter [tilespmem:s18], [sflag:$0x3], $0xE000, $0x38;
	[tilespmem:$0x1E180] =	vst v63  }
0x322: {  	_ =	swait.ge [sflag:s29], $0xE000  }
0x323: {  	v42 =	vld [tilespmem:$0x1FA90];
	_ =	sdelay $0x2  }
0x324: {  	[sflag:s29] =	ssyncset.done $0x0  }
0x325: {  	[sflag:s29] =	ssyncadd.s32 $0xFFFF2000  }
0x326: {  	[tilespmem:$0x10] =	vst v42;
	v42 =	vld [tilespmem:$0x1FAA0]  }
0x327: {  	v38 =	vperm.xlane v13, v35  }
0x328: {  	[tilespmem:$0x0] =	vst v8  }
0x329: {  	v38 =	vadd.s32 v36, v38;
	[tilespmem:$0x30] =	vst v43  }
0x32a: {  	[tilespmem:$0x40] =	vst v20  }
0x32b: {  	[tilespmem:$0x20] =	vst v42;
	v42 =	vperm.xlane v13, v37  }
0x32c: {  	[tilespmem:$0x50] =	vst v45  }
0x32d: {  	[tilespmem:$0x60] =	vst v44;
	v39 =	vadd.s32 v36, v42  }
0x32e: {  	[tilespmem:s18], [sflag:$0x1] =	stream.indirect_vreg.gather [hbm4b:s2+s4], $0x80, v38, vm0, $0xb8;
	[tilespmem:$0x1E180] =	vst v63  }
0x32f: {  	_ = 	snop  }
0x330: {  	[tilespmem:s25], [sflag:$0x1] =	stream.indirect_vreg.gather [hbm4b:s24+s4], $0x80, v38, vm0, $0xb8;
	[tilespmem:$0x1E180] =	vst v63  }
0x331: {  	s28 =	simm.s32 $0x1180  }
0x332: {  	[tilespmem:s28], [sflag:$0x1] =	stream.indirect_vreg.gather [hbm4b:s2+s4], $0x80, v39, vm0, $0xb8;
	[tilespmem:$0x1E180] =	vst v63  }
0x333: {  	s18 =	simm.s32 $0x1980  }
0x334: {  	[tilespmem:s18], [sflag:$0x1] =	stream.indirect_vreg.gather [hbm4b:s24+s4], $0x80, v39, vm0, $0xb8;
	[tilespmem:$0x1E180] =	vst v63  }
0x335: {  	v38 =	vld [tilespmem:$0x10];
	_ =	sdelay $0x4  }
0x336: {  	v42 =	vshll.u32 v38, $0x2  }
0x337: {  	v38 =	vand.u32 $0x7, v38;
	v39 =	vand.u32 $0xFFFFFFE0, v42  }
0x338: {  	v38 =	vor.u32 v38, v39  }
0x339: {  	v39 =	vperm.xlane v38, v35;
	_ =	sdelay $0x1  }
0x33a: {  	v39 =	vadd.s32 v36, v39;
	_ =	sdelay $0x1  }
0x33b: {  	v38 =	vperm.xlane v38, v37;
	_ =	sdelay $0x1  }
0x33c: {  	v38 =	vadd.s32 v36, v38  }
0x33d: {  	[tilespmem:s7], [sflag:$0x1] =	stream.indirect_vreg.gather [hbm4b:s2+s4], $0x80, v39, vm0, $0xb8;
	[tilespmem:$0x1E180] =	vst v63  }
0x33e: {  	_ = 	snop  }
0x33f: {  	[tilespmem:s12], [sflag:$0x1] =	stream.indirect_vreg.gather [hbm4b:s24+s4], $0x80, v39, vm0, $0xb8;
	[tilespmem:$0x1E180] =	vst v63  }
0x340: {  	_ = 	snop  }
0x341: {  	[tilespmem:s9], [sflag:$0x1] =	stream.indirect_vreg.gather [hbm4b:s2+s4], $0x80, v38, vm0, $0xb8;
	[tilespmem:$0x1E180] =	vst v63  }
0x342: {  	s17 =	simm.s32 $0x3980  }
0x343: {  	[tilespmem:s17], [sflag:$0x1] =	stream.indirect_vreg.gather [hbm4b:s24+s4], $0x80, v38, vm0, $0xb8;
	[tilespmem:$0x1E180] =	vst v63  }
0x344: {  	v38 =	vld [tilespmem:$0x20];
	_ =	sdelay $0x4  }
0x345: {  	v42 =	vshll.u32 v38, $0x2  }
0x346: {  	v38 =	vand.u32 $0x7, v38;
	v39 =	vand.u32 $0xFFFFFFE0, v42  }
0x347: {  	v38 =	vor.u32 v38, v39  }
0x348: {  	v39 =	vperm.xlane v38, v35;
	_ =	sdelay $0x1  }
0x349: {  	v39 =	vadd.s32 v36, v39;
	_ =	sdelay $0x1  }
0x34a: {  	v38 =	vperm.xlane v38, v37;
	_ =	sdelay $0x1  }
0x34b: {  	v38 =	vadd.s32 v36, v38  }
0x34c: {  	[tilespmem:s10], [sflag:$0x1] =	stream.indirect_vreg.gather [hbm4b:s2+s4], $0x80, v39, vm0, $0xb8;
	[tilespmem:$0x1E180] =	vst v63  }
0x34d: {  	_ = 	snop  }
0x34e: {  	[tilespmem:s14], [sflag:$0x1] =	stream.indirect_vreg.gather [hbm4b:s24+s4], $0x80, v39, vm0, $0xb8;
	[tilespmem:$0x1E180] =	vst v63  }
0x34f: {  	_ = 	snop  }
0x350: {  	[tilespmem:s15], [sflag:$0x1] =	stream.indirect_vreg.gather [hbm4b:s2+s4], $0x80, v38, vm0, $0xb8;
	[tilespmem:$0x1E180] =	vst v63  }
0x351: {  	s12 =	simm.s32 $0x5980  }
0x352: {  	[tilespmem:s12], [sflag:$0x1] =	stream.indirect_vreg.gather [hbm4b:s24+s4], $0x80, v38, vm0, $0xb8;
	[tilespmem:$0x1E180] =	vst v63  }
0x353: {  	v38 =	vld [tilespmem:$0x30];
	_ =	sdelay $0x4  }
0x354: {  	v42 =	vshll.u32 v38, $0x2  }
0x355: {  	v38 =	vand.u32 $0x7, v38;
	v39 =	vand.u32 $0xFFFFFFE0, v42  }
0x356: {  	v38 =	vor.u32 v38, v39  }
0x357: {  	v39 =	vperm.xlane v38, v35;
	_ =	sdelay $0x1  }
0x358: {  	v39 =	vadd.s32 v36, v39;
	_ =	sdelay $0x1  }
0x359: {  	v38 =	vperm.xlane v38, v37;
	_ =	sdelay $0x1  }
0x35a: {  	s25 =	simm.s32 $0x6180;
	v38 =	vadd.s32 v36, v38  }
0x35b: {  	[tilespmem:s25], [sflag:$0x1] =	stream.indirect_vreg.gather [hbm4b:s2+s4], $0x80, v39, vm0, $0xb8;
	[tilespmem:$0x1E180] =	vst v63  }
0x35c: {  	s28 =	simm.s32 $0x6980  }
0x35d: {  	[tilespmem:s28], [sflag:$0x1] =	stream.indirect_vreg.gather [hbm4b:s24+s4], $0x80, v39, vm0, $0xb8;
	[tilespmem:$0x1E180] =	vst v63  }
0x35e: {  	s16 =	simm.s32 $0x7180  }
0x35f: {  	[tilespmem:s16], [sflag:$0x1] =	stream.indirect_vreg.gather [hbm4b:s2+s4], $0x80, v38, vm0, $0xb8;
	[tilespmem:$0x1E180] =	vst v63  }
0x360: {  	s16 =	simm.s32 $0x7980  }
0x361: {  	[tilespmem:s16], [sflag:$0x1] =	stream.indirect_vreg.gather [hbm4b:s24+s4], $0x80, v38, vm0, $0xb8;
	[tilespmem:$0x1E180] =	vst v63  }
0x362: {  	v38 =	vld [tilespmem:$0x40];
	_ =	sdelay $0x4  }
0x363: {  	v42 =	vshll.u32 v38, $0x2  }
0x364: {  	v38 =	vand.u32 $0x7, v38;
	v39 =	vand.u32 $0xFFFFFFE0, v42  }
0x365: {  	v38 =	vor.u32 v38, v39  }
0x366: {  	v39 =	vperm.xlane v38, v35;
	_ =	sdelay $0x1  }
0x367: {  	v39 =	vadd.s32 v36, v39;
	_ =	sdelay $0x1  }
0x368: {  	v38 =	vperm.xlane v38, v37;
	_ =	sdelay $0x1  }
0x369: {  	v38 =	vadd.s32 v36, v38  }
0x36a: {  	[tilespmem:s13], [sflag:$0x1] =	stream.indirect_vreg.gather [hbm4b:s2+s4], $0x80, v39, vm0, $0xb8;
	[tilespmem:$0x1E180] =	vst v63  }
0x36b: {  	s14 =	simm.s32 $0x8980  }
0x36c: {  	[tilespmem:s14], [sflag:$0x1] =	stream.indirect_vreg.gather [hbm4b:s24+s4], $0x80, v39, vm0, $0xb8;
	[tilespmem:$0x1E180] =	vst v63  }
0x36d: {  	s15 =	simm.s32 $0x9180  }
0x36e: {  	[tilespmem:s15], [sflag:$0x1] =	stream.indirect_vreg.gather [hbm4b:s2+s4], $0x80, v38, vm0, $0xb8;
	[tilespmem:$0x1E180] =	vst v63  }
0x36f: {  	s13 =	simm.s32 $0x9980  }
0x370: {  	[tilespmem:s13], [sflag:$0x1] =	stream.indirect_vreg.gather [hbm4b:s24+s4], $0x80, v38, vm0, $0xb8;
	[tilespmem:$0x1E180] =	vst v63  }
0x371: {  	v38 =	vld [tilespmem:$0x50];
	_ =	sdelay $0x4  }
0x372: {  	v42 =	vshll.u32 v38, $0x2  }
0x373: {  	v38 =	vand.u32 $0x7, v38;
	v39 =	vand.u32 $0xFFFFFFE0, v42  }
0x374: {  	v38 =	vor.u32 v38, v39  }
0x375: {  	v39 =	vperm.xlane v38, v35;
	_ =	sdelay $0x1  }
0x376: {  	v39 =	vadd.s32 v36, v39;
	_ =	sdelay $0x1  }
0x377: {  	v38 =	vperm.xlane v38, v37;
	_ =	sdelay $0x1  }
0x378: {  	v38 =	vadd.s32 v36, v38  }
0x379: {  	[tilespmem:s19], [sflag:$0x1] =	stream.indirect_vreg.gather [hbm4b:s2+s4], $0x80, v39, vm0, $0xb8;
	[tilespmem:$0x1E180] =	vst v63  }
0x37a: {  	_ = 	snop  }
0x37b: {  	[tilespmem:s20], [sflag:$0x1] =	stream.indirect_vreg.gather [hbm4b:s24+s4], $0x80, v39, vm0, $0xb8;
	[tilespmem:$0x1E180] =	vst v63  }
0x37c: {  	_ = 	snop  }
0x37d: {  	[tilespmem:s21], [sflag:$0x1] =	stream.indirect_vreg.gather [hbm4b:s2+s4], $0x80, v38, vm0, $0xb8;
	[tilespmem:$0x1E180] =	vst v63  }
0x37e: {  	s14 =	simm.s32 $0xB980  }
0x37f: {  	[tilespmem:s14], [sflag:$0x1] =	stream.indirect_vreg.gather [hbm4b:s24+s4], $0x80, v38, vm0, $0xb8;
	[tilespmem:$0x1E180] =	vst v63  }
0x380: {  	v38 =	vld [tilespmem:$0x60];
	_ =	sdelay $0x4  }
0x381: {  	v42 =	vshll.u32 v38, $0x2  }
0x382: {  	v38 =	vand.u32 $0x7, v38;
	v39 =	vand.u32 $0xFFFFFFE0, v42  }
0x383: {  	v38 =	vor.u32 v38, v39  }
0x384: {  	v39 =	vperm.xlane v38, v35;
	_ =	sdelay $0x1  }
0x385: {  	v39 =	vadd.s32 v36, v39;
	_ =	sdelay $0x1  }
0x386: {  	v38 =	vperm.xlane v38, v37;
	_ =	sdelay $0x1  }
0x387: {  	v38 =	vadd.s32 v36, v38  }
0x388: {  	[tilespmem:s23], [sflag:$0x1] =	stream.indirect_vreg.gather [hbm4b:s2+s4], $0x80, v39, vm0, $0xb8;
	[tilespmem:$0x1E180] =	vst v63  }
0x389: {  	_ = 	snop  }
0x38a: {  	[tilespmem:s26], [sflag:$0x1] =	stream.indirect_vreg.gather [hbm4b:s24+s4], $0x80, v39, vm0, $0xb8;
	[tilespmem:$0x1E180] =	vst v63  }
0x38b: {  	s20 =	simm.s32 $0xD180  }
0x38c: {  	[tilespmem:s20], [sflag:$0x1] =	stream.indirect_vreg.gather [hbm4b:s2+s4], $0x80, v38, vm0, $0xb8;
	[tilespmem:$0x1E180] =	vst v63  }
0x38d: {  	s15 =	simm.s32 $0xD980  }
0x38e: {  	[tilespmem:s15], [sflag:$0x1] =	stream.indirect_vreg.gather [hbm4b:s24+s4], $0x80, v38, vm0, $0xb8;
	[tilespmem:$0x1E180] =	vst v63  }
0x38f: {  	_ =	swait.ge [sflag:s3], $0xE000  }
0x390: {  	s21 =	sld [smem:$0x7EC]  }
0x391: {  	[sflag:s3] =	ssyncset.done $0x0  }
0x392: {  	s5 =	simm.s32 $0xE180;
	[sflag:s3] =	ssyncadd.s32 $0xFFFF2000  }
0x393: {  	[hbm4b:s21+s4] =	stream.linear.scatter [tilespmem:s5], [sflag:$0x4], $0xE000, $0x38;
	[tilespmem:$0x1E180] =	vst v63  }
0x394: {  	_ =	swait.ge [sflag:s0], $0xE000  }
0x395: {  	[sflag:s0] =	ssyncset.done $0x0  }
0x396: {  	[sflag:s0] =	ssyncadd.s32 $0xFFFF2000  }
0x397: {  	v42 =	vperm.xlane v17, v35;
	[tilespmem:$0x80] =	vst v54  }
0x398: {  	[tilespmem:$0x90] =	vst v48  }
0x399: {  	v38 =	vadd.s32 v36, v42;
	[tilespmem:$0xA0] =	vst v46  }
0x39a: {  	[tilespmem:$0xB0] =	vst v50  }
0x39b: {  	v42 =	vperm.xlane v17, v37;
	[tilespmem:$0xC0] =	vst v49  }
0x39c: {  	[tilespmem:$0xD0] =	vst v52  }
0x39d: {  	v39 =	vadd.s32 v36, v42;
	[tilespmem:$0xE0] =	vst v51  }
0x39e: {  	[tilespmem:s5], [sflag:$0x2] =	stream.indirect_vreg.gather [hbm4b:s2+s4], $0x80, v38, vm0, $0xb8;
	[tilespmem:$0x1E180] =	vst v63  }
0x39f: {  	s23 =	simm.s32 $0xE980  }
0x3a0: {  	[tilespmem:s23], [sflag:$0x2] =	stream.indirect_vreg.gather [hbm4b:s24+s4], $0x80, v38, vm0, $0xb8;
	[tilespmem:$0x1E180] =	vst v63  }
0x3a1: {  	s26 =	simm.s32 $0xF180  }
0x3a2: {  	[tilespmem:s26], [sflag:$0x2] =	stream.indirect_vreg.gather [hbm4b:s2+s4], $0x80, v39, vm0, $0xb8;
	[tilespmem:$0x1E180] =	vst v63  }
0x3a3: {  	s19 =	simm.s32 $0xF980  }
0x3a4: {  	[tilespmem:s19], [sflag:$0x2] =	stream.indirect_vreg.gather [hbm4b:s24+s4], $0x80, v39, vm0, $0xb8;
	[tilespmem:$0x1E180] =	vst v63  }
0x3a5: {  	v38 =	vld [tilespmem:$0x90];
	_ =	sdelay $0x4  }
0x3a6: {  	v42 =	vshll.u32 v38, $0x2  }
0x3a7: {  	v38 =	vand.u32 $0x7, v38;
	v39 =	vand.u32 $0xFFFFFFE0, v42  }
0x3a8: {  	v38 =	vor.u32 v38, v39  }
0x3a9: {  	v39 =	vperm.xlane v38, v35;
	_ =	sdelay $0x1  }
0x3aa: {  	v39 =	vadd.s32 v36, v39;
	_ =	sdelay $0x1  }
0x3ab: {  	v38 =	vperm.xlane v38, v37;
	_ =	sdelay $0x1  }
0x3ac: {  	s5 =	simm.s32 $0x10180;
	v38 =	vadd.s32 v36, v38  }
0x3ad: {  	[tilespmem:s5], [sflag:$0x2] =	stream.indirect_vreg.gather [hbm4b:s2+s4], $0x80, v39, vm0, $0xb8;
	[tilespmem:$0x1E180] =	vst v63  }
0x3ae: {  	_ = 	snop  }
0x3af: {  	[tilespmem:s22], [sflag:$0x2] =	stream.indirect_vreg.gather [hbm4b:s24+s4], $0x80, v39, vm0, $0xb8;
	[tilespmem:$0x1E180] =	vst v63  }
0x3b0: {  	s5 =	simm.s32 $0x11180  }
0x3b1: {  	[tilespmem:s5], [sflag:$0x2] =	stream.indirect_vreg.gather [hbm4b:s2+s4], $0x80, v38, vm0, $0xb8;
	[tilespmem:$0x1E180] =	vst v63  }
0x3b2: {  	_ = 	snop  }
0x3b3: {  	[tilespmem:s8], [sflag:$0x2] =	stream.indirect_vreg.gather [hbm4b:s24+s4], $0x80, v38, vm0, $0xb8;
	[tilespmem:$0x1E180] =	vst v63  }
0x3b4: {  	v38 =	vld [tilespmem:$0xA0];
	_ =	sdelay $0x4  }
0x3b5: {  	v42 =	vshll.u32 v38, $0x2  }
0x3b6: {  	v38 =	vand.u32 $0x7, v38;
	v39 =	vand.u32 $0xFFFFFFE0, v42  }
0x3b7: {  	v38 =	vor.u32 v38, v39  }
0x3b8: {  	v39 =	vperm.xlane v38, v35;
	_ =	sdelay $0x1  }
0x3b9: {  	v39 =	vadd.s32 v36, v39;
	_ =	sdelay $0x1  }
0x3ba: {  	v38 =	vperm.xlane v38, v37;
	_ =	sdelay $0x1  }
0x3bb: {  	s9 =	simm.s32 $0x12180;
	v38 =	vadd.s32 v36, v38  }
0x3bc: {  	[tilespmem:s9], [sflag:$0x2] =	stream.indirect_vreg.gather [hbm4b:s2+s4], $0x80, v39, vm0, $0xb8;
	[tilespmem:$0x1E180] =	vst v63  }
0x3bd: {  	s10 =	simm.s32 $0x12980  }
0x3be: {  	[tilespmem:s10], [sflag:$0x2] =	stream.indirect_vreg.gather [hbm4b:s24+s4], $0x80, v39, vm0, $0xb8;
	[tilespmem:$0x1E180] =	vst v63  }
0x3bf: {  	s11 =	simm.s32 $0x13180  }
0x3c0: {  	[tilespmem:s11], [sflag:$0x2] =	stream.indirect_vreg.gather [hbm4b:s2+s4], $0x80, v38, vm0, $0xb8;
	[tilespmem:$0x1E180] =	vst v63  }
0x3c1: {  	s20 =	simm.s32 $0x13980  }
0x3c2: {  	[tilespmem:s20], [sflag:$0x2] =	stream.indirect_vreg.gather [hbm4b:s24+s4], $0x80, v38, vm0, $0xb8;
	[tilespmem:$0x1E180] =	vst v63  }
0x3c3: {  	v38 =	vld [tilespmem:$0xB0];
	_ =	sdelay $0x4  }
0x3c4: {  	v42 =	vshll.u32 v38, $0x2  }
0x3c5: {  	v38 =	vand.u32 $0x7, v38;
	v39 =	vand.u32 $0xFFFFFFE0, v42  }
0x3c6: {  	v38 =	vor.u32 v38, v39  }
0x3c7: {  	v39 =	vperm.xlane v38, v35;
	_ =	sdelay $0x1  }
0x3c8: {  	v39 =	vadd.s32 v36, v39;
	_ =	sdelay $0x1  }
0x3c9: {  	v38 =	vperm.xlane v38, v37;
	_ =	sdelay $0x1  }
0x3ca: {  	s21 =	simm.s32 $0x14180;
	v38 =	vadd.s32 v36, v38  }
0x3cb: {  	[tilespmem:s21], [sflag:$0x2] =	stream.indirect_vreg.gather [hbm4b:s2+s4], $0x80, v39, vm0, $0xb8;
	[tilespmem:$0x1E180] =	vst v63  }
0x3cc: {  	s23 =	simm.s32 $0x14980  }
0x3cd: {  	[tilespmem:s23], [sflag:$0x2] =	stream.indirect_vreg.gather [hbm4b:s24+s4], $0x80, v39, vm0, $0xb8;
	[tilespmem:$0x1E180] =	vst v63  }
0x3ce: {  	s8 =	simm.s32 $0x15180  }
0x3cf: {  	[tilespmem:s8], [sflag:$0x2] =	stream.indirect_vreg.gather [hbm4b:s2+s4], $0x80, v38, vm0, $0xb8;
	[tilespmem:$0x1E180] =	vst v63  }
0x3d0: {  	s9 =	simm.s32 $0x15980  }
0x3d1: {  	[tilespmem:s9], [sflag:$0x2] =	stream.indirect_vreg.gather [hbm4b:s24+s4], $0x80, v38, vm0, $0xb8;
	[tilespmem:$0x1E180] =	vst v63  }
0x3d2: {  	v38 =	vld [tilespmem:$0xC0];
	_ =	sdelay $0x4  }
0x3d3: {  	v42 =	vshll.u32 v38, $0x2  }
0x3d4: {  	v38 =	vand.u32 $0x7, v38;
	v39 =	vand.u32 $0xFFFFFFE0, v42  }
0x3d5: {  	v38 =	vor.u32 v38, v39  }
0x3d6: {  	v39 =	vperm.xlane v38, v35;
	_ =	sdelay $0x1  }
0x3d7: {  	v39 =	vadd.s32 v36, v39;
	_ =	sdelay $0x1  }
0x3d8: {  	v38 =	vperm.xlane v38, v37;
	_ =	sdelay $0x1  }
0x3d9: {  	s10 =	simm.s32 $0x16180;
	v38 =	vadd.s32 v36, v38  }
0x3da: {  	[tilespmem:s10], [sflag:$0x2] =	stream.indirect_vreg.gather [hbm4b:s2+s4], $0x80, v39, vm0, $0xb8;
	[tilespmem:$0x1E180] =	vst v63  }
0x3db: {  	s20 =	simm.s32 $0x16980  }
0x3dc: {  	[tilespmem:s20], [sflag:$0x2] =	stream.indirect_vreg.gather [hbm4b:s24+s4], $0x80, v39, vm0, $0xb8;
	[tilespmem:$0x1E180] =	vst v63  }
0x3dd: {  	s21 =	simm.s32 $0x17180  }
0x3de: {  	[tilespmem:s21], [sflag:$0x2] =	stream.indirect_vreg.gather [hbm4b:s2+s4], $0x80, v38, vm0, $0xb8;
	[tilespmem:$0x1E180] =	vst v63  }
0x3df: {  	s23 =	simm.s32 $0x17980  }
0x3e0: {  	[tilespmem:s23], [sflag:$0x2] =	stream.indirect_vreg.gather [hbm4b:s24+s4], $0x80, v38, vm0, $0xb8;
	[tilespmem:$0x1E180] =	vst v63  }
0x3e1: {  	v38 =	vld [tilespmem:$0xD0];
	_ =	sdelay $0x4  }
0x3e2: {  	v42 =	vshll.u32 v38, $0x2  }
0x3e3: {  	v38 =	vand.u32 $0x7, v38;
	v39 =	vand.u32 $0xFFFFFFE0, v42  }
0x3e4: {  	v38 =	vor.u32 v38, v39  }
0x3e5: {  	v39 =	vperm.xlane v38, v35;
	_ =	sdelay $0x1  }
0x3e6: {  	v39 =	vadd.s32 v36, v39;
	_ =	sdelay $0x1  }
0x3e7: {  	v38 =	vperm.xlane v38, v37;
	_ =	sdelay $0x1  }
0x3e8: {  	s8 =	simm.s32 $0x18180;
	v38 =	vadd.s32 v36, v38  }
0x3e9: {  	[tilespmem:s8], [sflag:$0x2] =	stream.indirect_vreg.gather [hbm4b:s2+s4], $0x80, v39, vm0, $0xb8;
	[tilespmem:$0x1E180] =	vst v63  }
0x3ea: {  	s9 =	simm.s32 $0x18980  }
0x3eb: {  	[tilespmem:s9], [sflag:$0x2] =	stream.indirect_vreg.gather [hbm4b:s24+s4], $0x80, v39, vm0, $0xb8;
	[tilespmem:$0x1E180] =	vst v63  }
0x3ec: {  	s10 =	simm.s32 $0x19180  }
0x3ed: {  	[tilespmem:s10], [sflag:$0x2] =	stream.indirect_vreg.gather [hbm4b:s2+s4], $0x80, v38, vm0, $0xb8;
	[tilespmem:$0x1E180] =	vst v63  }
0x3ee: {  	s20 =	simm.s32 $0x19980  }
0x3ef: {  	[tilespmem:s20], [sflag:$0x2] =	stream.indirect_vreg.gather [hbm4b:s24+s4], $0x80, v38, vm0, $0xb8;
	[tilespmem:$0x1E180] =	vst v63  }
0x3f0: {  	v38 =	vld [tilespmem:$0xE0];
	_ =	sdelay $0x4  }
0x3f1: {  	v42 =	vshll.u32 v38, $0x2  }
0x3f2: {  	v38 =	vand.u32 $0x7, v38;
	v39 =	vand.u32 $0xFFFFFFE0, v42  }
0x3f3: {  	v38 =	vor.u32 v38, v39  }
0x3f4: {  	v39 =	vperm.xlane v38, v35;
	_ =	sdelay $0x1  }
0x3f5: {  	v39 =	vadd.s32 v36, v39;
	_ =	sdelay $0x1  }
0x3f6: {  	v38 =	vperm.xlane v38, v37;
	_ =	sdelay $0x1  }
0x3f7: {  	s21 =	simm.s32 $0x1A180;
	v38 =	vadd.s32 v36, v38  }
0x3f8: {  	[tilespmem:s21], [sflag:$0x2] =	stream.indirect_vreg.gather [hbm4b:s2+s4], $0x80, v39, vm0, $0xb8;
	[tilespmem:$0x1E180] =	vst v63  }
0x3f9: {  	s23 =	simm.s32 $0x1A980  }
0x3fa: {  	[tilespmem:s23], [sflag:$0x2] =	stream.indirect_vreg.gather [hbm4b:s24+s4], $0x80, v39, vm0, $0xb8;
	[tilespmem:$0x1E180] =	vst v63  }
0x3fb: {  	s8 =	simm.s32 $0x1B180  }
0x3fc: {  	[tilespmem:s8], [sflag:$0x2] =	stream.indirect_vreg.gather [hbm4b:s2+s4], $0x80, v38, vm0, $0xb8;
	[tilespmem:$0x1E180] =	vst v63  }
0x3fd: {  	s9 =	simm.s32 $0x1B980  }
0x3fe: {  	[tilespmem:s9], [sflag:$0x2] =	stream.indirect_vreg.gather [hbm4b:s24+s4], $0x80, v38, vm0, $0xb8;
	[tilespmem:$0x1E180] =	vst v63  }
0x3ff: {  	_ =	swait.ge [sflag:s31], $0xE000  }
0x400: {  	s10 =	sld [smem:$0x7F4]  }
0x401: {  	[sflag:s31] =	ssyncset.done $0x0  }
0x402: {  	s1 =	simm.s32 $0x180;
	[sflag:s31] =	ssyncadd.s32 $0xFFFF2000  }
0x403: {  	[hbm4b:s10+s4] =	stream.linear.scatter [tilespmem:s1], [sflag:$0x3], $0xE000, $0x38;
	[tilespmem:$0x1E180] =	vst v63  }
0x404: {  	_ =	swait.ge [sflag:s29], $0xE000  }
0x405: {  	[sflag:s29] =	ssyncset.done $0x0  }
0x406: {  	[sflag:s29] =	ssyncadd.s32 $0xFFFF2000  }
0x407: {  	v42 =	vperm.xlane v19, v35;
	[tilespmem:$0x0] =	vst v61  }
0x408: {  	[tilespmem:$0x10] =	vst v55  }
0x409: {  	v38 =	vadd.s32 v36, v42;
	[tilespmem:$0x20] =	vst v53  }
0x40a: {  	[tilespmem:$0x30] =	vst v57  }
0x40b: {  	v42 =	vperm.xlane v19, v37;
	[tilespmem:$0x40] =	vst v33  }
0x40c: {  	[tilespmem:$0x50] =	vst v59  }
0x40d: {  	v39 =	vadd.s32 v36, v42;
	[tilespmem:$0x60] =	vst v60  }
0x40e: {  	[tilespmem:s1], [sflag:$0x1] =	stream.indirect_vreg.gather [hbm4b:s2+s4], $0x80, v38, vm0, $0xb8;
	[tilespmem:$0x1E180] =	vst v63  }
0x40f: {  	s1 =	simm.s32 $0x980  }
0x410: {  	[tilespmem:s1], [sflag:$0x1] =	stream.indirect_vreg.gather [hbm4b:s24+s4], $0x80, v38, vm0, $0xb8;
	[tilespmem:$0x1E180] =	vst v63  }
0x411: {  	s20 =	simm.s32 $0x1180  }
0x412: {  	[tilespmem:s20], [sflag:$0x1] =	stream.indirect_vreg.gather [hbm4b:s2+s4], $0x80, v39, vm0, $0xb8;
	[tilespmem:$0x1E180] =	vst v63  }
0x413: {  	_ = 	snop  }
0x414: {  	[tilespmem:s18], [sflag:$0x1] =	stream.indirect_vreg.gather [hbm4b:s24+s4], $0x80, v39, vm0, $0xb8;
	[tilespmem:$0x1E180] =	vst v63  }
0x415: {  	v38 =	vld [tilespmem:$0x10];
	_ =	sdelay $0x4  }
0x416: {  	v42 =	vshll.u32 v38, $0x2  }
0x417: {  	v38 =	vand.u32 $0x7, v38;
	v39 =	vand.u32 $0xFFFFFFE0, v42  }
0x418: {  	v38 =	vor.u32 v38, v39  }
0x419: {  	v39 =	vperm.xlane v38, v35;
	_ =	sdelay $0x1  }
0x41a: {  	v39 =	vadd.s32 v36, v39;
	_ =	sdelay $0x1  }
0x41b: {  	v38 =	vperm.xlane v38, v37;
	_ =	sdelay $0x1  }
0x41c: {  	s8 =	simm.s32 $0x2180;
	v38 =	vadd.s32 v36, v38  }
0x41d: {  	[tilespmem:s8], [sflag:$0x1] =	stream.indirect_vreg.gather [hbm4b:s2+s4], $0x80, v39, vm0, $0xb8;
	[tilespmem:$0x1E180] =	vst v63  }
0x41e: {  	s9 =	simm.s32 $0x2980  }
0x41f: {  	[tilespmem:s9], [sflag:$0x1] =	stream.indirect_vreg.gather [hbm4b:s24+s4], $0x80, v39, vm0, $0xb8;
	[tilespmem:$0x1E180] =	vst v63  }
0x420: {  	s10 =	simm.s32 $0x3180  }
0x421: {  	[tilespmem:s10], [sflag:$0x1] =	stream.indirect_vreg.gather [hbm4b:s2+s4], $0x80, v38, vm0, $0xb8;
	[tilespmem:$0x1E180] =	vst v63  }
0x422: {  	_ = 	snop  }
0x423: {  	[tilespmem:s17], [sflag:$0x1] =	stream.indirect_vreg.gather [hbm4b:s24+s4], $0x80, v38, vm0, $0xb8;
	[tilespmem:$0x1E180] =	vst v63  }
0x424: {  	v38 =	vld [tilespmem:$0x20];
	_ =	sdelay $0x4  }
0x425: {  	v42 =	vshll.u32 v38, $0x2  }
0x426: {  	v38 =	vand.u32 $0x7, v38;
	v39 =	vand.u32 $0xFFFFFFE0, v42  }
0x427: {  	v38 =	vor.u32 v38, v39  }
0x428: {  	v39 =	vperm.xlane v38, v35;
	_ =	sdelay $0x1  }
0x429: {  	v39 =	vadd.s32 v36, v39;
	_ =	sdelay $0x1  }
0x42a: {  	v38 =	vperm.xlane v38, v37;
	_ =	sdelay $0x1  }
0x42b: {  	s17 =	simm.s32 $0x4180;
	v38 =	vadd.s32 v36, v38  }
0x42c: {  	[tilespmem:s17], [sflag:$0x1] =	stream.indirect_vreg.gather [hbm4b:s2+s4], $0x80, v39, vm0, $0xb8;
	[tilespmem:$0x1E180] =	vst v63  }
0x42d: {  	s17 =	simm.s32 $0x4980  }
0x42e: {  	[tilespmem:s17], [sflag:$0x1] =	stream.indirect_vreg.gather [hbm4b:s24+s4], $0x80, v39, vm0, $0xb8;
	[tilespmem:$0x1E180] =	vst v63  }
0x42f: {  	s17 =	simm.s32 $0x5180  }
0x430: {  	[tilespmem:s17], [sflag:$0x1] =	stream.indirect_vreg.gather [hbm4b:s2+s4], $0x80, v38, vm0, $0xb8;
	[tilespmem:$0x1E180] =	vst v63  }
0x431: {  	_ = 	snop  }
0x432: {  	[tilespmem:s12], [sflag:$0x1] =	stream.indirect_vreg.gather [hbm4b:s24+s4], $0x80, v38, vm0, $0xb8;
	[tilespmem:$0x1E180] =	vst v63  }
0x433: {  	v38 =	vld [tilespmem:$0x30];
	_ =	sdelay $0x4  }
0x434: {  	v42 =	vshll.u32 v38, $0x2  }
0x435: {  	v38 =	vand.u32 $0x7, v38;
	v39 =	vand.u32 $0xFFFFFFE0, v42  }
0x436: {  	v38 =	vor.u32 v38, v39  }
0x437: {  	v39 =	vperm.xlane v38, v35;
	_ =	sdelay $0x1  }
0x438: {  	v39 =	vadd.s32 v36, v39;
	_ =	sdelay $0x1  }
0x439: {  	v38 =	vperm.xlane v38, v37;
	_ =	sdelay $0x1  }
0x43a: {  	v38 =	vadd.s32 v36, v38  }
0x43b: {  	[tilespmem:s25], [sflag:$0x1] =	stream.indirect_vreg.gather [hbm4b:s2+s4], $0x80, v39, vm0, $0xb8;
	[tilespmem:$0x1E180] =	vst v63  }
0x43c: {  	_ = 	snop  }
0x43d: {  	[tilespmem:s28], [sflag:$0x1] =	stream.indirect_vreg.gather [hbm4b:s24+s4], $0x80, v39, vm0, $0xb8;
	[tilespmem:$0x1E180] =	vst v63  }
0x43e: {  	s17 =	simm.s32 $0x7180  }
0x43f: {  	[tilespmem:s17], [sflag:$0x1] =	stream.indirect_vreg.gather [hbm4b:s2+s4], $0x80, v38, vm0, $0xb8;
	[tilespmem:$0x1E180] =	vst v63  }
0x440: {  	_ = 	snop  }
0x441: {  	[tilespmem:s16], [sflag:$0x1] =	stream.indirect_vreg.gather [hbm4b:s24+s4], $0x80, v38, vm0, $0xb8;
	[tilespmem:$0x1E180] =	vst v63  }
0x442: {  	v38 =	vld [tilespmem:$0x40];
	_ =	sdelay $0x4  }
0x443: {  	v42 =	vshll.u32 v38, $0x2  }
0x444: {  	v38 =	vand.u32 $0x7, v38;
	v39 =	vand.u32 $0xFFFFFFE0, v42  }
0x445: {  	v38 =	vor.u32 v38, v39  }
0x446: {  	v39 =	vperm.xlane v38, v35;
	_ =	sdelay $0x1  }
0x447: {  	v39 =	vadd.s32 v36, v39;
	_ =	sdelay $0x1  }
0x448: {  	v38 =	vperm.xlane v38, v37;
	_ =	sdelay $0x1  }
0x449: {  	s17 =	simm.s32 $0x8180;
	v38 =	vadd.s32 v36, v38  }
0x44a: {  	[tilespmem:s17], [sflag:$0x1] =	stream.indirect_vreg.gather [hbm4b:s2+s4], $0x80, v39, vm0, $0xb8;
	[tilespmem:$0x1E180] =	vst v63  }
0x44b: {  	s17 =	simm.s32 $0x8980  }
0x44c: {  	[tilespmem:s17], [sflag:$0x1] =	stream.indirect_vreg.gather [hbm4b:s24+s4], $0x80, v39, vm0, $0xb8;
	[tilespmem:$0x1E180] =	vst v63  }
0x44d: {  	s17 =	simm.s32 $0x9180  }
0x44e: {  	[tilespmem:s17], [sflag:$0x1] =	stream.indirect_vreg.gather [hbm4b:s2+s4], $0x80, v38, vm0, $0xb8;
	[tilespmem:$0x1E180] =	vst v63  }
0x44f: {  	_ = 	snop  }
0x450: {  	[tilespmem:s13], [sflag:$0x1] =	stream.indirect_vreg.gather [hbm4b:s24+s4], $0x80, v38, vm0, $0xb8;
	[tilespmem:$0x1E180] =	vst v63  }
0x451: {  	v38 =	vld [tilespmem:$0x50];
	_ =	sdelay $0x4  }
0x452: {  	v42 =	vshll.u32 v38, $0x2  }
0x453: {  	v38 =	vand.u32 $0x7, v38;
	v39 =	vand.u32 $0xFFFFFFE0, v42  }
0x454: {  	v38 =	vor.u32 v38, v39  }
0x455: {  	v39 =	vperm.xlane v38, v35;
	_ =	sdelay $0x1  }
0x456: {  	v39 =	vadd.s32 v36, v39;
	_ =	sdelay $0x1  }
0x457: {  	v38 =	vperm.xlane v38, v37;
	_ =	sdelay $0x1  }
0x458: {  	s17 =	simm.s32 $0xA180;
	v38 =	vadd.s32 v36, v38  }
0x459: {  	[tilespmem:s17], [sflag:$0x1] =	stream.indirect_vreg.gather [hbm4b:s2+s4], $0x80, v39, vm0, $0xb8;
	[tilespmem:$0x1E180] =	vst v63  }
0x45a: {  	s17 =	simm.s32 $0xA980  }
0x45b: {  	[tilespmem:s17], [sflag:$0x1] =	stream.indirect_vreg.gather [hbm4b:s24+s4], $0x80, v39, vm0, $0xb8;
	[tilespmem:$0x1E180] =	vst v63  }
0x45c: {  	s17 =	simm.s32 $0xB180  }
0x45d: {  	[tilespmem:s17], [sflag:$0x1] =	stream.indirect_vreg.gather [hbm4b:s2+s4], $0x80, v38, vm0, $0xb8;
	[tilespmem:$0x1E180] =	vst v63  }
0x45e: {  	_ = 	snop  }
0x45f: {  	[tilespmem:s14], [sflag:$0x1] =	stream.indirect_vreg.gather [hbm4b:s24+s4], $0x80, v38, vm0, $0xb8;
	[tilespmem:$0x1E180] =	vst v63  }
0x460: {  	v38 =	vld [tilespmem:$0x60];
	_ =	sdelay $0x4  }
0x461: {  	v42 =	vshll.u32 v38, $0x2  }
0x462: {  	v38 =	vand.u32 $0x7, v38;
	v39 =	vand.u32 $0xFFFFFFE0, v42  }
0x463: {  	v38 =	vor.u32 v38, v39  }
0x464: {  	v39 =	vperm.xlane v38, v35;
	_ =	sdelay $0x1  }
0x465: {  	v39 =	vadd.s32 v36, v39;
	_ =	sdelay $0x1  }
0x466: {  	v38 =	vperm.xlane v38, v37;
	_ =	sdelay $0x1  }
0x467: {  	s17 =	simm.s32 $0xC180;
	v38 =	vadd.s32 v36, v38  }
0x468: {  	[tilespmem:s17], [sflag:$0x1] =	stream.indirect_vreg.gather [hbm4b:s2+s4], $0x80, v39, vm0, $0xb8;
	[tilespmem:$0x1E180] =	vst v63  }
0x469: {  	s17 =	simm.s32 $0xC980  }
0x46a: {  	[tilespmem:s17], [sflag:$0x1] =	stream.indirect_vreg.gather [hbm4b:s24+s4], $0x80, v39, vm0, $0xb8;
	[tilespmem:$0x1E180] =	vst v63  }
0x46b: {  	s17 =	simm.s32 $0xD180  }
0x46c: {  	[tilespmem:s17], [sflag:$0x1] =	stream.indirect_vreg.gather [hbm4b:s2+s4], $0x80, v38, vm0, $0xb8;
	[tilespmem:$0x1E180] =	vst v63  }
0x46d: {  	_ = 	snop  }
0x46e: {  	[tilespmem:s15], [sflag:$0x1] =	stream.indirect_vreg.gather [hbm4b:s24+s4], $0x80, v38, vm0, $0xb8;
	[tilespmem:$0x1E180] =	vst v63  }
0x46f: {  	_ =	swait.ge [sflag:s3], $0xE000  }
0x470: {  	s11 =	sld [smem:$0x7ED]  }
0x471: {  	[sflag:s3] =	ssyncset.done $0x0  }
0x472: {  	s17 =	simm.s32 $0xE180;
	[sflag:s3] =	ssyncadd.s32 $0xFFFF2000  }
0x473: {  	[hbm4b:s11+s4] =	stream.linear.scatter [tilespmem:s17], [sflag:$0x4], $0xE000, $0x38;
	[tilespmem:$0x1E180] =	vst v63  }
0x474: {  	_ =	swait.ge [sflag:s0], $0xE000  }
0x475: {  	[sflag:s0] =	ssyncset.done $0x0  }
0x476: {  	[sflag:s0] =	ssyncadd.s32 $0xFFFF2000  }
0x477: {  	v42 =	vperm.xlane v22, v35;
	[tilespmem:$0x80] =	vst v1  }
0x478: {  	[tilespmem:$0x90] =	vst v56  }
0x479: {  	v38 =	vadd.s32 v36, v42;
	[tilespmem:$0xA0] =	vst v63  }
0x47a: {  	[tilespmem:$0xB0] =	vst v4  }
0x47b: {  	v42 =	vperm.xlane v22, v37;
	[tilespmem:$0xC0] =	vst v6  }
0x47c: {  	[tilespmem:$0xD0] =	vst v26  }
0x47d: {  	v39 =	vadd.s32 v36, v42;
	[tilespmem:$0xE0] =	vst v10  }
0x47e: {  	[tilespmem:s17], [sflag:$0x2] =	stream.indirect_vreg.gather [hbm4b:s2+s4], $0x80, v38, vm0, $0xb8;
	[tilespmem:$0x1E180] =	vst v63  }
0x47f: {  	s11 =	simm.s32 $0xE980  }
0x480: {  	[tilespmem:s11], [sflag:$0x2] =	stream.indirect_vreg.gather [hbm4b:s24+s4], $0x80, v38, vm0, $0xb8;
	[tilespmem:$0x1E180] =	vst v63  }
0x481: {  	s26 =	simm.s32 $0xF180  }
0x482: {  	[tilespmem:s26], [sflag:$0x2] =	stream.indirect_vreg.gather [hbm4b:s2+s4], $0x80, v39, vm0, $0xb8;
	[tilespmem:$0x1E180] =	vst v63  }
0x483: {  	_ = 	snop  }
0x484: {  	[tilespmem:s19], [sflag:$0x2] =	stream.indirect_vreg.gather [hbm4b:s24+s4], $0x80, v39, vm0, $0xb8;
	[tilespmem:$0x1E180] =	vst v63  }
0x485: {  	v38 =	vld [tilespmem:$0x90];
	_ =	sdelay $0x4  }
0x486: {  	v42 =	vshll.u32 v38, $0x2  }
0x487: {  	v38 =	vand.u32 $0x7, v38;
	v39 =	vand.u32 $0xFFFFFFE0, v42  }
0x488: {  	v38 =	vor.u32 v38, v39  }
0x489: {  	v39 =	vperm.xlane v38, v35;
	_ =	sdelay $0x1  }
0x48a: {  	v39 =	vadd.s32 v36, v39;
	_ =	sdelay $0x1  }
0x48b: {  	v38 =	vperm.xlane v38, v37;
	_ =	sdelay $0x1  }
0x48c: {  	s19 =	simm.s32 $0x10180;
	v38 =	vadd.s32 v36, v38  }
0x48d: {  	[tilespmem:s19], [sflag:$0x2] =	stream.indirect_vreg.gather [hbm4b:s2+s4], $0x80, v39, vm0, $0xb8;
	[tilespmem:$0x1E180] =	vst v63  }
0x48e: {  	s26 =	simm.s32 $0x10980  }
0x48f: {  	[tilespmem:s26], [sflag:$0x2] =	stream.indirect_vreg.gather [hbm4b:s24+s4], $0x80, v39, vm0, $0xb8;
	[tilespmem:$0x1E180] =	vst v63  }
0x490: {  	_ = 	snop  }
0x491: {  	[tilespmem:s5], [sflag:$0x2] =	stream.indirect_vreg.gather [hbm4b:s2+s4], $0x80, v38, vm0, $0xb8;
	[tilespmem:$0x1E180] =	vst v63  }
0x492: {  	s19 =	simm.s32 $0x11980  }
0x493: {  	[tilespmem:s19], [sflag:$0x2] =	stream.indirect_vreg.gather [hbm4b:s24+s4], $0x80, v38, vm0, $0xb8;
	[tilespmem:$0x1E180] =	vst v63  }
0x494: {  	v38 =	vld [tilespmem:$0xA0];
	_ =	sdelay $0x4  }
0x495: {  	v42 =	vshll.u32 v38, $0x2  }
0x496: {  	v38 =	vand.u32 $0x7, v38;
	v39 =	vand.u32 $0xFFFFFFE0, v42  }
0x497: {  	v38 =	vor.u32 v38, v39  }
0x498: {  	v39 =	vperm.xlane v38, v35;
	_ =	sdelay $0x1  }
0x499: {  	v39 =	vadd.s32 v36, v39;
	_ =	sdelay $0x1  }
0x49a: {  	v38 =	vperm.xlane v38, v37;
	_ =	sdelay $0x1  }
0x49b: {  	s22 =	simm.s32 $0x12180;
	v38 =	vadd.s32 v36, v38  }
0x49c: {  	[tilespmem:s22], [sflag:$0x2] =	stream.indirect_vreg.gather [hbm4b:s2+s4], $0x80, v39, vm0, $0xb8;
	[tilespmem:$0x1E180] =	vst v63  }
0x49d: {  	s22 =	simm.s32 $0x12980  }
0x49e: {  	[tilespmem:s22], [sflag:$0x2] =	stream.indirect_vreg.gather [hbm4b:s24+s4], $0x80, v39, vm0, $0xb8;
	[tilespmem:$0x1E180] =	vst v63  }
0x49f: {  	s7 =	simm.s32 $0x13180  }
0x4a0: {  	[tilespmem:s7], [sflag:$0x2] =	stream.indirect_vreg.gather [hbm4b:s2+s4], $0x80, v38, vm0, $0xb8;
	[tilespmem:$0x1E180] =	vst v63  }
0x4a1: {  	s26 =	simm.s32 $0x13980  }
0x4a2: {  	[tilespmem:s26], [sflag:$0x2] =	stream.indirect_vreg.gather [hbm4b:s24+s4], $0x80, v38, vm0, $0xb8;
	[tilespmem:$0x1E180] =	vst v63  }
0x4a3: {  	v38 =	vld [tilespmem:$0xB0];
	_ =	sdelay $0x4  }
0x4a4: {  	v42 =	vshll.u32 v38, $0x2  }
0x4a5: {  	v38 =	vand.u32 $0x7, v38;
	v39 =	vand.u32 $0xFFFFFFE0, v42  }
0x4a6: {  	v38 =	vor.u32 v38, v39  }
0x4a7: {  	v39 =	vperm.xlane v38, v35;
	_ =	sdelay $0x1  }
0x4a8: {  	v39 =	vadd.s32 v36, v39;
	_ =	sdelay $0x1  }
0x4a9: {  	v38 =	vperm.xlane v38, v37;
	_ =	sdelay $0x1  }
0x4aa: {  	s7 =	simm.s32 $0x14180;
	v38 =	vadd.s32 v36, v38  }
0x4ab: {  	[tilespmem:s7], [sflag:$0x2] =	stream.indirect_vreg.gather [hbm4b:s2+s4], $0x80, v39, vm0, $0xb8;
	[tilespmem:$0x1E180] =	vst v63  }
0x4ac: {  	s11 =	simm.s32 $0x14980  }
0x4ad: {  	[tilespmem:s11], [sflag:$0x2] =	stream.indirect_vreg.gather [hbm4b:s24+s4], $0x80, v39, vm0, $0xb8;
	[tilespmem:$0x1E180] =	vst v63  }
0x4ae: {  	s19 =	simm.s32 $0x15180  }
0x4af: {  	[tilespmem:s19], [sflag:$0x2] =	stream.indirect_vreg.gather [hbm4b:s2+s4], $0x80, v38, vm0, $0xb8;
	[tilespmem:$0x1E180] =	vst v63  }
0x4b0: {  	s22 =	simm.s32 $0x15980  }
0x4b1: {  	[tilespmem:s22], [sflag:$0x2] =	stream.indirect_vreg.gather [hbm4b:s24+s4], $0x80, v38, vm0, $0xb8;
	[tilespmem:$0x1E180] =	vst v63  }
0x4b2: {  	v38 =	vld [tilespmem:$0xC0];
	_ =	sdelay $0x4  }
0x4b3: {  	v42 =	vshll.u32 v38, $0x2  }
0x4b4: {  	v38 =	vand.u32 $0x7, v38;
	v39 =	vand.u32 $0xFFFFFFE0, v42  }
0x4b5: {  	v38 =	vor.u32 v38, v39  }
0x4b6: {  	v39 =	vperm.xlane v38, v35;
	_ =	sdelay $0x1  }
0x4b7: {  	v39 =	vadd.s32 v36, v39;
	_ =	sdelay $0x1  }
0x4b8: {  	v38 =	vperm.xlane v38, v37;
	_ =	sdelay $0x1  }
0x4b9: {  	s26 =	simm.s32 $0x16180;
	v38 =	vadd.s32 v36, v38  }
0x4ba: {  	[tilespmem:s26], [sflag:$0x2] =	stream.indirect_vreg.gather [hbm4b:s2+s4], $0x80, v39, vm0, $0xb8;
	[tilespmem:$0x1E180] =	vst v63  }
0x4bb: {  	s7 =	simm.s32 $0x16980  }
0x4bc: {  	[tilespmem:s7], [sflag:$0x2] =	stream.indirect_vreg.gather [hbm4b:s24+s4], $0x80, v39, vm0, $0xb8;
	[tilespmem:$0x1E180] =	vst v63  }
0x4bd: {  	s11 =	simm.s32 $0x17180  }
0x4be: {  	[tilespmem:s11], [sflag:$0x2] =	stream.indirect_vreg.gather [hbm4b:s2+s4], $0x80, v38, vm0, $0xb8;
	[tilespmem:$0x1E180] =	vst v63  }
0x4bf: {  	s19 =	simm.s32 $0x17980  }
0x4c0: {  	[tilespmem:s19], [sflag:$0x2] =	stream.indirect_vreg.gather [hbm4b:s24+s4], $0x80, v38, vm0, $0xb8;
	[tilespmem:$0x1E180] =	vst v63  }
0x4c1: {  	v38 =	vld [tilespmem:$0xD0];
	_ =	sdelay $0x4  }
0x4c2: {  	v42 =	vshll.u32 v38, $0x2  }
0x4c3: {  	v38 =	vand.u32 $0x7, v38;
	v39 =	vand.u32 $0xFFFFFFE0, v42  }
0x4c4: {  	v38 =	vor.u32 v38, v39  }
0x4c5: {  	v39 =	vperm.xlane v38, v35;
	_ =	sdelay $0x1  }
0x4c6: {  	v39 =	vadd.s32 v36, v39;
	_ =	sdelay $0x1  }
0x4c7: {  	v38 =	vperm.xlane v38, v37;
	_ =	sdelay $0x1  }
0x4c8: {  	s22 =	simm.s32 $0x18180;
	v38 =	vadd.s32 v36, v38  }
0x4c9: {  	[tilespmem:s22], [sflag:$0x2] =	stream.indirect_vreg.gather [hbm4b:s2+s4], $0x80, v39, vm0, $0xb8;
	[tilespmem:$0x1E180] =	vst v63  }
0x4ca: {  	s26 =	simm.s32 $0x18980  }
0x4cb: {  	[tilespmem:s26], [sflag:$0x2] =	stream.indirect_vreg.gather [hbm4b:s24+s4], $0x80, v39, vm0, $0xb8;
	[tilespmem:$0x1E180] =	vst v63  }
0x4cc: {  	s7 =	simm.s32 $0x19180  }
0x4cd: {  	[tilespmem:s7], [sflag:$0x2] =	stream.indirect_vreg.gather [hbm4b:s2+s4], $0x80, v38, vm0, $0xb8;
	[tilespmem:$0x1E180] =	vst v63  }
0x4ce: {  	s11 =	simm.s32 $0x19980  }
0x4cf: {  	[tilespmem:s11], [sflag:$0x2] =	stream.indirect_vreg.gather [hbm4b:s24+s4], $0x80, v38, vm0, $0xb8;
	[tilespmem:$0x1E180] =	vst v63  }
0x4d0: {  	v38 =	vld [tilespmem:$0xE0];
	_ =	sdelay $0x4  }
0x4d1: {  	v42 =	vshll.u32 v38, $0x2  }
0x4d2: {  	v38 =	vand.u32 $0x7, v38;
	v39 =	vand.u32 $0xFFFFFFE0, v42  }
0x4d3: {  	v38 =	vor.u32 v38, v39  }
0x4d4: {  	v39 =	vperm.xlane v38, v35;
	_ =	sdelay $0x1  }
0x4d5: {  	v39 =	vadd.s32 v36, v39;
	_ =	sdelay $0x1  }
0x4d6: {  	v38 =	vperm.xlane v38, v37;
	_ =	sdelay $0x1  }
0x4d7: {  	s19 =	simm.s32 $0x1A180;
	v38 =	vadd.s32 v36, v38  }
0x4d8: {  	[tilespmem:s19], [sflag:$0x2] =	stream.indirect_vreg.gather [hbm4b:s2+s4], $0x80, v39, vm0, $0xb8;
	[tilespmem:$0x1E180] =	vst v63  }
0x4d9: {  	s21 =	simm.s32 $0x1A980  }
0x4da: {  	[tilespmem:s21], [sflag:$0x2] =	stream.indirect_vreg.gather [hbm4b:s24+s4], $0x80, v39, vm0, $0xb8;
	[tilespmem:$0x1E180] =	vst v63  }
0x4db: {  	s23 =	simm.s32 $0x1B180  }
0x4dc: {  	[tilespmem:s23], [sflag:$0x2] =	stream.indirect_vreg.gather [hbm4b:s2+s4], $0x80, v38, vm0, $0xb8;
	[tilespmem:$0x1E180] =	vst v63  }
0x4dd: {  	s22 =	simm.s32 $0x1B980  }
0x4de: {  	[tilespmem:s22], [sflag:$0x2] =	stream.indirect_vreg.gather [hbm4b:s24+s4], $0x80, v38, vm0, $0xb8;
	[tilespmem:$0x1E180] =	vst v63  }
0x4df: {  	_ =	swait.ge [sflag:s31], $0xE000  }
0x4e0: {  	s23 =	sld [smem:$0x7F7]  }
0x4e1: {  	[sflag:s31] =	ssyncset.done $0x0  }
0x4e2: {  	s26 =	simm.s32 $0x180;
	[sflag:s31] =	ssyncadd.s32 $0xFFFF2000  }
0x4e3: {  	[hbm4b:s23+s4] =	stream.linear.scatter [tilespmem:s26], [sflag:$0x3], $0xE000, $0x38;
	[tilespmem:$0x1E180] =	vst v63  }
0x4e4: {  	_ =	swait.ge [sflag:s29], $0xE000  }
0x4e5: {  	[sflag:s29] =	ssyncset.done $0x0  }
0x4e6: {  	[sflag:s29] =	ssyncadd.s32 $0xFFFF2000  }
0x4e7: {  	v42 =	vperm.xlane v23, v35;
	[tilespmem:$0x0] =	vst v12  }
0x4e8: {  	[tilespmem:$0x10] =	vst v14  }
0x4e9: {  	v38 =	vadd.s32 v36, v42;
	[tilespmem:$0x20] =	vst v18  }
0x4ea: {  	[tilespmem:$0x30] =	vst v62  }
0x4eb: {  	v42 =	vperm.xlane v23, v37;
	[tilespmem:$0x40] =	vst v2  }
0x4ec: {  	[tilespmem:$0x50] =	vst v16  }
0x4ed: {  	v39 =	vadd.s32 v36, v42;
	[tilespmem:$0x60] =	vst v47  }
0x4ee: {  	[tilespmem:s26], [sflag:$0x1] =	stream.indirect_vreg.gather [hbm4b:s2+s4], $0x80, v38, vm0, $0xb8;
	[tilespmem:$0x1E180] =	vst v63  }
0x4ef: {  	_ = 	snop  }
0x4f0: {  	[tilespmem:s1], [sflag:$0x1] =	stream.indirect_vreg.gather [hbm4b:s24+s4], $0x80, v38, vm0, $0xb8;
	[tilespmem:$0x1E180] =	vst v63  }
0x4f1: {  	_ = 	snop  }
0x4f2: {  	[tilespmem:s20], [sflag:$0x1] =	stream.indirect_vreg.gather [hbm4b:s2+s4], $0x80, v39, vm0, $0xb8;
	[tilespmem:$0x1E180] =	vst v63  }
0x4f3: {  	s18 =	simm.s32 $0x1980  }
0x4f4: {  	[tilespmem:s18], [sflag:$0x1] =	stream.indirect_vreg.gather [hbm4b:s24+s4], $0x80, v39, vm0, $0xb8;
	[tilespmem:$0x1E180] =	vst v63  }
0x4f5: {  	v38 =	vld [tilespmem:$0x10];
	_ =	sdelay $0x4  }
0x4f6: {  	v42 =	vshll.u32 v38, $0x2  }
0x4f7: {  	v38 =	vand.u32 $0x7, v38;
	v39 =	vand.u32 $0xFFFFFFE0, v42  }
0x4f8: {  	v38 =	vor.u32 v38, v39  }
0x4f9: {  	v39 =	vperm.xlane v38, v35;
	_ =	sdelay $0x1  }
0x4fa: {  	v39 =	vadd.s32 v36, v39;
	_ =	sdelay $0x1  }
0x4fb: {  	v38 =	vperm.xlane v38, v37;
	_ =	sdelay $0x1  }
0x4fc: {  	v38 =	vadd.s32 v36, v38  }
0x4fd: {  	[tilespmem:s8], [sflag:$0x1] =	stream.indirect_vreg.gather [hbm4b:s2+s4], $0x80, v39, vm0, $0xb8;
	[tilespmem:$0x1E180] =	vst v63  }
0x4fe: {  	_ = 	snop  }
0x4ff: {  	[tilespmem:s9], [sflag:$0x1] =	stream.indirect_vreg.gather [hbm4b:s24+s4], $0x80, v39, vm0, $0xb8;
	[tilespmem:$0x1E180] =	vst v63  }
0x500: {  	_ = 	snop  }
0x501: {  	[tilespmem:s10], [sflag:$0x1] =	stream.indirect_vreg.gather [hbm4b:s2+s4], $0x80, v38, vm0, $0xb8;
	[tilespmem:$0x1E180] =	vst v63  }
0x502: {  	s8 =	simm.s32 $0x3980  }
0x503: {  	[tilespmem:s8], [sflag:$0x1] =	stream.indirect_vreg.gather [hbm4b:s24+s4], $0x80, v38, vm0, $0xb8;
	[tilespmem:$0x1E180] =	vst v63  }
0x504: {  	v38 =	vld [tilespmem:$0x20];
	_ =	sdelay $0x4  }
0x505: {  	v42 =	vshll.u32 v38, $0x2  }
0x506: {  	v38 =	vand.u32 $0x7, v38;
	v39 =	vand.u32 $0xFFFFFFE0, v42  }
0x507: {  	v38 =	vor.u32 v38, v39  }
0x508: {  	v39 =	vperm.xlane v38, v35;
	_ =	sdelay $0x1  }
0x509: {  	v39 =	vadd.s32 v36, v39;
	_ =	sdelay $0x1  }
0x50a: {  	v38 =	vperm.xlane v38, v37;
	_ =	sdelay $0x1  }
0x50b: {  	s9 =	simm.s32 $0x4180;
	v38 =	vadd.s32 v36, v38  }
0x50c: {  	[tilespmem:s9], [sflag:$0x1] =	stream.indirect_vreg.gather [hbm4b:s2+s4], $0x80, v39, vm0, $0xb8;
	[tilespmem:$0x1E180] =	vst v63  }
0x50d: {  	s10 =	simm.s32 $0x4980  }
0x50e: {  	[tilespmem:s10], [sflag:$0x1] =	stream.indirect_vreg.gather [hbm4b:s24+s4], $0x80, v39, vm0, $0xb8;
	[tilespmem:$0x1E180] =	vst v63  }
0x50f: {  	s11 =	simm.s32 $0x5180  }
0x510: {  	[tilespmem:s11], [sflag:$0x1] =	stream.indirect_vreg.gather [hbm4b:s2+s4], $0x80, v38, vm0, $0xb8;
	[tilespmem:$0x1E180] =	vst v63  }
0x511: {  	s12 =	simm.s32 $0x5980  }
0x512: {  	[tilespmem:s12], [sflag:$0x1] =	stream.indirect_vreg.gather [hbm4b:s24+s4], $0x80, v38, vm0, $0xb8;
	[tilespmem:$0x1E180] =	vst v63  }
0x513: {  	v38 =	vld [tilespmem:$0x30];
	_ =	sdelay $0x4  }
0x514: {  	v42 =	vshll.u32 v38, $0x2  }
0x515: {  	v38 =	vand.u32 $0x7, v38;
	v39 =	vand.u32 $0xFFFFFFE0, v42  }
0x516: {  	v38 =	vor.u32 v38, v39  }
0x517: {  	v39 =	vperm.xlane v38, v35;
	_ =	sdelay $0x1  }
0x518: {  	v39 =	vadd.s32 v36, v39;
	_ =	sdelay $0x1  }
0x519: {  	v38 =	vperm.xlane v38, v37;
	_ =	sdelay $0x1  }
0x51a: {  	s25 =	simm.s32 $0x6180;
	v38 =	vadd.s32 v36, v38  }
0x51b: {  	[tilespmem:s25], [sflag:$0x1] =	stream.indirect_vreg.gather [hbm4b:s2+s4], $0x80, v39, vm0, $0xb8;
	[tilespmem:$0x1E180] =	vst v63  }
0x51c: {  	s28 =	simm.s32 $0x6980  }
0x51d: {  	[tilespmem:s28], [sflag:$0x1] =	stream.indirect_vreg.gather [hbm4b:s24+s4], $0x80, v39, vm0, $0xb8;
	[tilespmem:$0x1E180] =	vst v63  }
0x51e: {  	s12 =	simm.s32 $0x7180  }
0x51f: {  	[tilespmem:s12], [sflag:$0x1] =	stream.indirect_vreg.gather [hbm4b:s2+s4], $0x80, v38, vm0, $0xb8;
	[tilespmem:$0x1E180] =	vst v63  }
0x520: {  	s16 =	simm.s32 $0x7980  }
0x521: {  	[tilespmem:s16], [sflag:$0x1] =	stream.indirect_vreg.gather [hbm4b:s24+s4], $0x80, v38, vm0, $0xb8;
	[tilespmem:$0x1E180] =	vst v63  }
0x522: {  	v38 =	vld [tilespmem:$0x40];
	_ =	sdelay $0x4  }
0x523: {  	v42 =	vshll.u32 v38, $0x2  }
0x524: {  	v38 =	vand.u32 $0x7, v38;
	v39 =	vand.u32 $0xFFFFFFE0, v42  }
0x525: {  	v38 =	vor.u32 v38, v39  }
0x526: {  	v39 =	vperm.xlane v38, v35;
	_ =	sdelay $0x1  }
0x527: {  	v39 =	vadd.s32 v36, v39;
	_ =	sdelay $0x1  }
0x528: {  	v38 =	vperm.xlane v38, v37;
	_ =	sdelay $0x1  }
0x529: {  	s16 =	simm.s32 $0x8180;
	v38 =	vadd.s32 v36, v38  }
0x52a: {  	[tilespmem:s16], [sflag:$0x1] =	stream.indirect_vreg.gather [hbm4b:s2+s4], $0x80, v39, vm0, $0xb8;
	[tilespmem:$0x1E180] =	vst v63  }
0x52b: {  	s18 =	simm.s32 $0x8980  }
0x52c: {  	[tilespmem:s18], [sflag:$0x1] =	stream.indirect_vreg.gather [hbm4b:s24+s4], $0x80, v39, vm0, $0xb8;
	[tilespmem:$0x1E180] =	vst v63  }
0x52d: {  	s19 =	simm.s32 $0x9180  }
0x52e: {  	[tilespmem:s19], [sflag:$0x1] =	stream.indirect_vreg.gather [hbm4b:s2+s4], $0x80, v38, vm0, $0xb8;
	[tilespmem:$0x1E180] =	vst v63  }
0x52f: {  	s13 =	simm.s32 $0x9980  }
0x530: {  	[tilespmem:s13], [sflag:$0x1] =	stream.indirect_vreg.gather [hbm4b:s24+s4], $0x80, v38, vm0, $0xb8;
	[tilespmem:$0x1E180] =	vst v63  }
0x531: {  	v38 =	vld [tilespmem:$0x50];
	_ =	sdelay $0x4  }
0x532: {  	v42 =	vshll.u32 v38, $0x2  }
0x533: {  	v38 =	vand.u32 $0x7, v38;
	v39 =	vand.u32 $0xFFFFFFE0, v42  }
0x534: {  	v38 =	vor.u32 v38, v39  }
0x535: {  	v39 =	vperm.xlane v38, v35;
	_ =	sdelay $0x1  }
0x536: {  	v39 =	vadd.s32 v36, v39;
	_ =	sdelay $0x1  }
0x537: {  	v38 =	vperm.xlane v38, v37;
	_ =	sdelay $0x1  }
0x538: {  	s20 =	simm.s32 $0xA180;
	v38 =	vadd.s32 v36, v38  }
0x539: {  	[tilespmem:s20], [sflag:$0x1] =	stream.indirect_vreg.gather [hbm4b:s2+s4], $0x80, v39, vm0, $0xb8;
	[tilespmem:$0x1E180] =	vst v63  }
0x53a: {  	s21 =	simm.s32 $0xA980  }
0x53b: {  	[tilespmem:s21], [sflag:$0x1] =	stream.indirect_vreg.gather [hbm4b:s24+s4], $0x80, v39, vm0, $0xb8;
	[tilespmem:$0x1E180] =	vst v63  }
0x53c: {  	s22 =	simm.s32 $0xB180  }
0x53d: {  	[tilespmem:s22], [sflag:$0x1] =	stream.indirect_vreg.gather [hbm4b:s2+s4], $0x80, v38, vm0, $0xb8;
	[tilespmem:$0x1E180] =	vst v63  }
0x53e: {  	s14 =	simm.s32 $0xB980  }
0x53f: {  	[tilespmem:s14], [sflag:$0x1] =	stream.indirect_vreg.gather [hbm4b:s24+s4], $0x80, v38, vm0, $0xb8;
	[tilespmem:$0x1E180] =	vst v63  }
0x540: {  	v38 =	vld [tilespmem:$0x60];
	_ =	sdelay $0x4  }
0x541: {  	v42 =	vshll.u32 v38, $0x2  }
0x542: {  	v38 =	vand.u32 $0x7, v38;
	v39 =	vand.u32 $0xFFFFFFE0, v42  }
0x543: {  	v38 =	vor.u32 v38, v39  }
0x544: {  	v39 =	vperm.xlane v38, v35;
	_ =	sdelay $0x1  }
0x545: {  	v39 =	vadd.s32 v36, v39;
	_ =	sdelay $0x1  }
0x546: {  	v38 =	vperm.xlane v38, v37;
	_ =	sdelay $0x1  }
0x547: {  	s23 =	simm.s32 $0xC180;
	v38 =	vadd.s32 v36, v38  }
0x548: {  	[tilespmem:s23], [sflag:$0x1] =	stream.indirect_vreg.gather [hbm4b:s2+s4], $0x80, v39, vm0, $0xb8;
	[tilespmem:$0x1E180] =	vst v63  }
0x549: {  	s25 =	simm.s32 $0xC980  }
0x54a: {  	[tilespmem:s25], [sflag:$0x1] =	stream.indirect_vreg.gather [hbm4b:s24+s4], $0x80, v39, vm0, $0xb8;
	[tilespmem:$0x1E180] =	vst v63  }
0x54b: {  	s26 =	simm.s32 $0xD180  }
0x54c: {  	[tilespmem:s26], [sflag:$0x1] =	stream.indirect_vreg.gather [hbm4b:s2+s4], $0x80, v38, vm0, $0xb8;
	[tilespmem:$0x1E180] =	vst v63  }
0x54d: {  	s15 =	simm.s32 $0xD980  }
0x54e: {  	[tilespmem:s15], [sflag:$0x1] =	stream.indirect_vreg.gather [hbm4b:s24+s4], $0x80, v38, vm0, $0xb8;
	[tilespmem:$0x1E180] =	vst v63  }
0x54f: {  	_ =	swait.ge [sflag:s3], $0xE000  }
0x550: {  	s28 =	sld [smem:$0x7EF]  }
0x551: {  	[sflag:s3] =	ssyncset.done $0x0  }
0x552: {  	s17 =	simm.s32 $0xE180;
	[sflag:s3] =	ssyncadd.s32 $0xFFFF2000  }
0x553: {  	[hbm4b:s28+s4] =	stream.linear.scatter [tilespmem:s17], [sflag:$0x4], $0xE000, $0x38;
	[tilespmem:$0x1E180] =	vst v63  }
0x554: {  	_ =	swait.ge [sflag:s31], $0xE000  }
0x555: {  	[sflag:s31] =	ssyncset.done $0x0  }
0x556: {  	[sflag:s31] =	ssyncadd.s32 $0xFFFF2000;
	s31 =	sld [smem:$0x7FA];
	_ =	sdelay $0x1  }
0x557: {  	s5 =	simm.s32 $0x180  }
0x558: {  	[hbm4b:s31+s4] =	stream.linear.scatter [tilespmem:s5], [sflag:$0x3], $0xD000, $0x38;
	[tilespmem:$0x1E180] =	vst v63  }
0x559: {  	_ =	swait.ge [sflag:s0], $0xE000  }
.Ltmp2:
0x55a: {  	[sflag:s0] =	ssyncset.done $0x0;
	(pc) =	sbr.rel @p0 .LBB2_3-.Ltmp2, $4  }
0x55b: {  	[sflag:s0] =	ssyncadd.s32 $0xFFFF2000  }
0x55c: {  	_ =	swait.ge [sflag:s29], $0xD000  }
0x55d: {  	[sflag:s29] =	ssyncset.done $0x0  }
0x55e: {  	[sflag:s29] =	ssyncadd.s32 $0xFFFF3000  }
0x55f: {  	v42 =	vld [tilespmem:$0x1F8C0];
	_ =	sdelay $0x4  }
0x560: {  	[tilespmem:$0x20] =	vst v42;
	v42 =	vld [tilespmem:$0x1F8E0];
	_ =	sdelay $0x4  }
0x561: {  	[tilespmem:$0x30] =	vst v42;
	v42 =	vld [tilespmem:$0x1F900];
	_ =	sdelay $0x3  }
0x562: {  	v38 =	vld [tilespmem:$0x1FF60]  }
0x563: {  	[tilespmem:$0x40] =	vst v42;
	v42 =	vld [tilespmem:$0x1F920];
	_ =	sdelay $0x2  }
0x564: {  	v39 =	vld [tilespmem:$0x1F8A0]  }
0x565: {  	[tilespmem:$0x0] =	vst v38;
	v38 =	vperm.xlane v24, v35  }
0x566: {  	[tilespmem:$0x50] =	vst v42;
	v42 =	vld [tilespmem:$0x1F940]  }
0x567: {  	v38 =	vadd.s32 v36, v38;
	_ =	sdelay $0x1  }
0x568: {  	[tilespmem:$0x10] =	vst v39;
	v39 =	vperm.xlane v24, v37;
	_ =	sdelay $0x1  }
0x569: {  	s0 =	simm.s32 $0x180;
	v39 =	vadd.s32 v36, v39;
	[tilespmem:$0x60] =	vst v42  }
0x56a: {  	[tilespmem:s0], [sflag:$0x1] =	stream.indirect_vreg.gather [hbm4b:s2+s4], $0x80, v38, vm0, $0xb8;
	[tilespmem:$0x1E180] =	vst v63  }
0x56b: {  	s7 =	simm.s32 $0x980  }
0x56c: {  	[tilespmem:s7], [sflag:$0x1] =	stream.indirect_vreg.gather [hbm4b:s24+s4], $0x80, v38, vm0, $0xb8;
	[tilespmem:$0x1E180] =	vst v63  }
0x56d: {  	s8 =	simm.s32 $0x1180  }
0x56e: {  	[tilespmem:s8], [sflag:$0x1] =	stream.indirect_vreg.gather [hbm4b:s2+s4], $0x80, v39, vm0, $0xb8;
	[tilespmem:$0x1E180] =	vst v63  }
0x56f: {  	s9 =	simm.s32 $0x1980  }
0x570: {  	[tilespmem:s9], [sflag:$0x1] =	stream.indirect_vreg.gather [hbm4b:s24+s4], $0x80, v39, vm0, $0xb8;
	[tilespmem:$0x1E180] =	vst v63  }
0x571: {  	v38 =	vld [tilespmem:$0x10];
	_ =	sdelay $0x4  }
0x572: {  	v42 =	vshll.u32 v38, $0x2  }
0x573: {  	v38 =	vand.u32 $0x7, v38;
	v39 =	vand.u32 $0xFFFFFFE0, v42  }
0x574: {  	v38 =	vor.u32 v38, v39  }
0x575: {  	v39 =	vperm.xlane v38, v35;
	_ =	sdelay $0x1  }
0x576: {  	v39 =	vadd.s32 v36, v39;
	_ =	sdelay $0x1  }
0x577: {  	v38 =	vperm.xlane v38, v37;
	_ =	sdelay $0x1  }
0x578: {  	s10 =	simm.s32 $0x2180;
	v38 =	vadd.s32 v36, v38  }
0x579: {  	[tilespmem:s10], [sflag:$0x1] =	stream.indirect_vreg.gather [hbm4b:s2+s4], $0x80, v39, vm0, $0xb8;
	[tilespmem:$0x1E180] =	vst v63  }
0x57a: {  	s11 =	simm.s32 $0x2980  }
0x57b: {  	[tilespmem:s11], [sflag:$0x1] =	stream.indirect_vreg.gather [hbm4b:s24+s4], $0x80, v39, vm0, $0xb8;
	[tilespmem:$0x1E180] =	vst v63  }
0x57c: {  	s12 =	simm.s32 $0x3180  }
0x57d: {  	[tilespmem:s12], [sflag:$0x1] =	stream.indirect_vreg.gather [hbm4b:s2+s4], $0x80, v38, vm0, $0xb8;
	[tilespmem:$0x1E180] =	vst v63  }
0x57e: {  	s13 =	simm.s32 $0x3980  }
0x57f: {  	[tilespmem:s13], [sflag:$0x1] =	stream.indirect_vreg.gather [hbm4b:s24+s4], $0x80, v38, vm0, $0xb8;
	[tilespmem:$0x1E180] =	vst v63  }
0x580: {  	v38 =	vld [tilespmem:$0x20];
	_ =	sdelay $0x4  }
0x581: {  	v42 =	vshll.u32 v38, $0x2  }
0x582: {  	v38 =	vand.u32 $0x7, v38;
	v39 =	vand.u32 $0xFFFFFFE0, v42  }
0x583: {  	v38 =	vor.u32 v38, v39  }
0x584: {  	v39 =	vperm.xlane v38, v35;
	_ =	sdelay $0x1  }
0x585: {  	v39 =	vadd.s32 v36, v39;
	_ =	sdelay $0x1  }
0x586: {  	v38 =	vperm.xlane v38, v37;
	_ =	sdelay $0x1  }
0x587: {  	s14 =	simm.s32 $0x4180;
	v38 =	vadd.s32 v36, v38  }
0x588: {  	[tilespmem:s14], [sflag:$0x1] =	stream.indirect_vreg.gather [hbm4b:s2+s4], $0x80, v39, vm0, $0xb8;
	[tilespmem:$0x1E180] =	vst v63  }
0x589: {  	s15 =	simm.s32 $0x4980  }
0x58a: {  	[tilespmem:s15], [sflag:$0x1] =	stream.indirect_vreg.gather [hbm4b:s24+s4], $0x80, v39, vm0, $0xb8;
	[tilespmem:$0x1E180] =	vst v63  }
0x58b: {  	s16 =	simm.s32 $0x5180  }
0x58c: {  	[tilespmem:s16], [sflag:$0x1] =	stream.indirect_vreg.gather [hbm4b:s2+s4], $0x80, v38, vm0, $0xb8;
	[tilespmem:$0x1E180] =	vst v63  }
0x58d: {  	s17 =	simm.s32 $0x5980  }
0x58e: {  	[tilespmem:s17], [sflag:$0x1] =	stream.indirect_vreg.gather [hbm4b:s24+s4], $0x80, v38, vm0, $0xb8;
	[tilespmem:$0x1E180] =	vst v63  }
0x58f: {  	v38 =	vld [tilespmem:$0x30];
	_ =	sdelay $0x4  }
0x590: {  	v42 =	vshll.u32 v38, $0x2  }
0x591: {  	v38 =	vand.u32 $0x7, v38;
	v39 =	vand.u32 $0xFFFFFFE0, v42  }
0x592: {  	v38 =	vor.u32 v38, v39  }
0x593: {  	v39 =	vperm.xlane v38, v35;
	_ =	sdelay $0x1  }
0x594: {  	v39 =	vadd.s32 v36, v39;
	_ =	sdelay $0x1  }
0x595: {  	v38 =	vperm.xlane v38, v37;
	_ =	sdelay $0x1  }
0x596: {  	s18 =	simm.s32 $0x6180;
	v38 =	vadd.s32 v36, v38  }
0x597: {  	[tilespmem:s18], [sflag:$0x1] =	stream.indirect_vreg.gather [hbm4b:s2+s4], $0x80, v39, vm0, $0xb8;
	[tilespmem:$0x1E180] =	vst v63  }
0x598: {  	s19 =	simm.s32 $0x6980  }
0x599: {  	[tilespmem:s19], [sflag:$0x1] =	stream.indirect_vreg.gather [hbm4b:s24+s4], $0x80, v39, vm0, $0xb8;
	[tilespmem:$0x1E180] =	vst v63  }
0x59a: {  	s20 =	simm.s32 $0x7180  }
0x59b: {  	[tilespmem:s20], [sflag:$0x1] =	stream.indirect_vreg.gather [hbm4b:s2+s4], $0x80, v38, vm0, $0xb8;
	[tilespmem:$0x1E180] =	vst v63  }
0x59c: {  	s21 =	simm.s32 $0x7980  }
0x59d: {  	[tilespmem:s21], [sflag:$0x1] =	stream.indirect_vreg.gather [hbm4b:s24+s4], $0x80, v38, vm0, $0xb8;
	[tilespmem:$0x1E180] =	vst v63  }
0x59e: {  	v38 =	vld [tilespmem:$0x40];
	_ =	sdelay $0x4  }
0x59f: {  	v42 =	vshll.u32 v38, $0x2  }
0x5a0: {  	v38 =	vand.u32 $0x7, v38;
	v39 =	vand.u32 $0xFFFFFFE0, v42  }
0x5a1: {  	v38 =	vor.u32 v38, v39  }
0x5a2: {  	v39 =	vperm.xlane v38, v35;
	_ =	sdelay $0x1  }
0x5a3: {  	v39 =	vadd.s32 v36, v39;
	_ =	sdelay $0x1  }
0x5a4: {  	v38 =	vperm.xlane v38, v37;
	_ =	sdelay $0x1  }
0x5a5: {  	s22 =	simm.s32 $0x8180;
	v38 =	vadd.s32 v36, v38  }
0x5a6: {  	[tilespmem:s22], [sflag:$0x1] =	stream.indirect_vreg.gather [hbm4b:s2+s4], $0x80, v39, vm0, $0xb8;
	[tilespmem:$0x1E180] =	vst v63  }
0x5a7: {  	s23 =	simm.s32 $0x8980  }
0x5a8: {  	[tilespmem:s23], [sflag:$0x1] =	stream.indirect_vreg.gather [hbm4b:s24+s4], $0x80, v39, vm0, $0xb8;
	[tilespmem:$0x1E180] =	vst v63  }
0x5a9: {  	s25 =	simm.s32 $0x9180  }
0x5aa: {  	[tilespmem:s25], [sflag:$0x1] =	stream.indirect_vreg.gather [hbm4b:s2+s4], $0x80, v38, vm0, $0xb8;
	[tilespmem:$0x1E180] =	vst v63  }
0x5ab: {  	s26 =	simm.s32 $0x9980  }
0x5ac: {  	[tilespmem:s26], [sflag:$0x1] =	stream.indirect_vreg.gather [hbm4b:s24+s4], $0x80, v38, vm0, $0xb8;
	[tilespmem:$0x1E180] =	vst v63  }
0x5ad: {  	v38 =	vld [tilespmem:$0x50];
	_ =	sdelay $0x4  }
0x5ae: {  	v42 =	vshll.u32 v38, $0x2  }
0x5af: {  	v38 =	vand.u32 $0x7, v38;
	v39 =	vand.u32 $0xFFFFFFE0, v42  }
0x5b0: {  	v38 =	vor.u32 v38, v39  }
0x5b1: {  	v39 =	vperm.xlane v38, v35;
	_ =	sdelay $0x1  }
0x5b2: {  	v39 =	vadd.s32 v36, v39;
	_ =	sdelay $0x1  }
0x5b3: {  	v38 =	vperm.xlane v38, v37;
	_ =	sdelay $0x1  }
0x5b4: {  	s28 =	simm.s32 $0xA180;
	v38 =	vadd.s32 v36, v38  }
0x5b5: {  	[tilespmem:s28], [sflag:$0x1] =	stream.indirect_vreg.gather [hbm4b:s2+s4], $0x80, v39, vm0, $0xb8;
	[tilespmem:$0x1E180] =	vst v63  }
0x5b6: {  	s29 =	simm.s32 $0xA980  }
0x5b7: {  	[tilespmem:s29], [sflag:$0x1] =	stream.indirect_vreg.gather [hbm4b:s24+s4], $0x80, v39, vm0, $0xb8;
	[tilespmem:$0x1E180] =	vst v63  }
0x5b8: {  	s31 =	simm.s32 $0xB180  }
0x5b9: {  	[tilespmem:s31], [sflag:$0x1] =	stream.indirect_vreg.gather [hbm4b:s2+s4], $0x80, v38, vm0, $0xb8;
	[tilespmem:$0x1E180] =	vst v63  }
0x5ba: {  	s1 =	simm.s32 $0xB980  }
0x5bb: {  	[tilespmem:s1], [sflag:$0x1] =	stream.indirect_vreg.gather [hbm4b:s24+s4], $0x80, v38, vm0, $0xb8;
	[tilespmem:$0x1E180] =	vst v63  }
0x5bc: {  	v38 =	vld [tilespmem:$0x60];
	_ =	sdelay $0x4  }
0x5bd: {  	v42 =	vshll.u32 v38, $0x2  }
0x5be: {  	v38 =	vand.u32 $0x7, v38;
	v39 =	vand.u32 $0xFFFFFFE0, v42  }
0x5bf: {  	v38 =	vor.u32 v38, v39  }
0x5c0: {  	v39 =	vperm.xlane v38, v35;
	_ =	sdelay $0x1  }
0x5c1: {  	v39 =	vadd.s32 v36, v39;
	_ =	sdelay $0x1  }
0x5c2: {  	v38 =	vperm.xlane v38, v37;
	_ =	sdelay $0x1  }
0x5c3: {  	s3 =	simm.s32 $0xC180;
	v38 =	vadd.s32 v36, v38  }
0x5c4: {  	[tilespmem:s3], [sflag:$0x1] =	stream.indirect_vreg.gather [hbm4b:s2+s4], $0x80, v39, vm0, $0xb8;
	[tilespmem:$0x1E180] =	vst v63  }
0x5c5: {  	s7 =	simm.s32 $0xC980  }
0x5c6: {  	v42 =	vld [tilespmem:$0x1FF70];
	[tilespmem:s7], [sflag:$0x1] =	stream.indirect_vreg.gather [hbm4b:s24+s4], $0x80, v39, vm0, $0xb8  }
0x5c7: {  	s9 =	simm.s32 $0xD180  }
0x5c8: {  	[tilespmem:s9], [sflag:$0x1] =	stream.indirect_vreg.gather [hbm4b:s2+s4], $0x80, v38, vm0, $0xb8;
	[tilespmem:$0x1E180] =	vst v63  }
0x5c9: {  	s10 =	simm.s32 $0xD980  }
0x5ca: {  	[tilespmem:s10], [sflag:$0x1] =	stream.indirect_vreg.gather [hbm4b:s24+s4], $0x80, v38, vm0, $0xb8;
	[tilespmem:$0x1E180] =	vst v63  }
0x5cb: {  	[tilespmem:$0x80] =	vst v42;
	v42 =	vld [tilespmem:$0x1F960];
	_ =	sdelay $0x4  }
0x5cc: {  	[tilespmem:$0x90] =	vst v42;
	v42 =	vld [tilespmem:$0x1F980];
	_ =	sdelay $0x4  }
0x5cd: {  	[tilespmem:$0xA0] =	vst v42;
	v42 =	vld [tilespmem:$0x1FAC0];
	_ =	sdelay $0x4  }
0x5ce: {  	[tilespmem:$0xB0] =	vst v42;
	v42 =	vld [tilespmem:$0x1FAD0];
	_ =	sdelay $0x4  }
0x5cf: {  	[tilespmem:$0xC0] =	vst v42;
	v42 =	vld [tilespmem:$0x1FAE0];
	_ =	sdelay $0x3  }
0x5d0: {  	v38 =	vperm.xlane v25, v35  }
0x5d1: {  	[tilespmem:$0xD0] =	vst v42;
	v42 =	vld [tilespmem:$0x1FAF0]  }
0x5d2: {  	v38 =	vadd.s32 v36, v38;
	_ =	sdelay $0x1  }
0x5d3: {  	v39 =	vperm.xlane v25, v37;
	_ =	sdelay $0x1  }
0x5d4: {  	s11 =	simm.s32 $0xE180;
	v39 =	vadd.s32 v36, v39;
	[tilespmem:$0xE0] =	vst v42  }
0x5d5: {  	[tilespmem:s11], [sflag:$0x2] =	stream.indirect_vreg.gather [hbm4b:s2+s4], $0x80, v38, vm0, $0xb8;
	[tilespmem:$0x1E180] =	vst v63  }
0x5d6: {  	s13 =	simm.s32 $0xE980  }
0x5d7: {  	[tilespmem:s13], [sflag:$0x2] =	stream.indirect_vreg.gather [hbm4b:s24+s4], $0x80, v38, vm0, $0xb8;
	[tilespmem:$0x1E180] =	vst v63  }
0x5d8: {  	s14 =	simm.s32 $0xF180  }
0x5d9: {  	[tilespmem:s14], [sflag:$0x2] =	stream.indirect_vreg.gather [hbm4b:s2+s4], $0x80, v39, vm0, $0xb8;
	[tilespmem:$0x1E180] =	vst v63  }
0x5da: {  	s16 =	simm.s32 $0xF980  }
0x5db: {  	[tilespmem:s16], [sflag:$0x2] =	stream.indirect_vreg.gather [hbm4b:s24+s4], $0x80, v39, vm0, $0xb8;
	[tilespmem:$0x1E180] =	vst v63  }
0x5dc: {  	v38 =	vld [tilespmem:$0x90];
	_ =	sdelay $0x4  }
0x5dd: {  	v42 =	vshll.u32 v38, $0x2  }
0x5de: {  	v38 =	vand.u32 $0x7, v38;
	v39 =	vand.u32 $0xFFFFFFE0, v42  }
0x5df: {  	v38 =	vor.u32 v38, v39  }
0x5e0: {  	v39 =	vperm.xlane v38, v35;
	_ =	sdelay $0x1  }
0x5e1: {  	v39 =	vadd.s32 v36, v39;
	_ =	sdelay $0x1  }
0x5e2: {  	v38 =	vperm.xlane v38, v37;
	_ =	sdelay $0x1  }
0x5e3: {  	s17 =	simm.s32 $0x10180;
	v38 =	vadd.s32 v36, v38  }
0x5e4: {  	[tilespmem:s17], [sflag:$0x2] =	stream.indirect_vreg.gather [hbm4b:s2+s4], $0x80, v39, vm0, $0xb8;
	[tilespmem:$0x1E180] =	vst v63  }
0x5e5: {  	s19 =	simm.s32 $0x10980  }
0x5e6: {  	[tilespmem:s19], [sflag:$0x2] =	stream.indirect_vreg.gather [hbm4b:s24+s4], $0x80, v39, vm0, $0xb8;
	[tilespmem:$0x1E180] =	vst v63  }
0x5e7: {  	s20 =	simm.s32 $0x11180  }
0x5e8: {  	[tilespmem:s20], [sflag:$0x2] =	stream.indirect_vreg.gather [hbm4b:s2+s4], $0x80, v38, vm0, $0xb8;
	[tilespmem:$0x1E180] =	vst v63  }
0x5e9: {  	s22 =	simm.s32 $0x11980  }
0x5ea: {  	[tilespmem:s22], [sflag:$0x2] =	stream.indirect_vreg.gather [hbm4b:s24+s4], $0x80, v38, vm0, $0xb8;
	[tilespmem:$0x1E180] =	vst v63  }
0x5eb: {  	v38 =	vld [tilespmem:$0xA0];
	_ =	sdelay $0x4  }
0x5ec: {  	v42 =	vshll.u32 v38, $0x2  }
0x5ed: {  	v38 =	vand.u32 $0x7, v38;
	v39 =	vand.u32 $0xFFFFFFE0, v42  }
0x5ee: {  	v38 =	vor.u32 v38, v39  }
0x5ef: {  	v39 =	vperm.xlane v38, v35;
	_ =	sdelay $0x1  }
0x5f0: {  	v39 =	vadd.s32 v36, v39;
	_ =	sdelay $0x1  }
0x5f1: {  	v38 =	vperm.xlane v38, v37;
	_ =	sdelay $0x1  }
0x5f2: {  	s26 =	simm.s32 $0x12180;
	v38 =	vadd.s32 v36, v38  }
0x5f3: {  	[tilespmem:s26], [sflag:$0x2] =	stream.indirect_vreg.gather [hbm4b:s2+s4], $0x80, v39, vm0, $0xb8;
	[tilespmem:$0x1E180] =	vst v63  }
0x5f4: {  	s28 =	simm.s32 $0x12980  }
0x5f5: {  	[tilespmem:s28], [sflag:$0x2] =	stream.indirect_vreg.gather [hbm4b:s24+s4], $0x80, v39, vm0, $0xb8;
	[tilespmem:$0x1E180] =	vst v63  }
0x5f6: {  	s29 =	simm.s32 $0x13180  }
0x5f7: {  	[tilespmem:s29], [sflag:$0x2] =	stream.indirect_vreg.gather [hbm4b:s2+s4], $0x80, v38, vm0, $0xb8;
	[tilespmem:$0x1E180] =	vst v63  }
0x5f8: {  	s31 =	simm.s32 $0x13980  }
0x5f9: {  	[tilespmem:s31], [sflag:$0x2] =	stream.indirect_vreg.gather [hbm4b:s24+s4], $0x80, v38, vm0, $0xb8;
	[tilespmem:$0x1E180] =	vst v63  }
0x5fa: {  	v38 =	vld [tilespmem:$0xB0];
	_ =	sdelay $0x4  }
0x5fb: {  	v42 =	vshll.u32 v38, $0x2  }
0x5fc: {  	v38 =	vand.u32 $0x7, v38;
	v39 =	vand.u32 $0xFFFFFFE0, v42  }
0x5fd: {  	v38 =	vor.u32 v38, v39  }
0x5fe: {  	v39 =	vperm.xlane v38, v35;
	_ =	sdelay $0x1  }
0x5ff: {  	v39 =	vadd.s32 v36, v39;
	_ =	sdelay $0x1  }
0x600: {  	v38 =	vperm.xlane v38, v37;
	_ =	sdelay $0x1  }
0x601: {  	s1 =	simm.s32 $0x14180;
	v38 =	vadd.s32 v36, v38  }
0x602: {  	[tilespmem:s1], [sflag:$0x2] =	stream.indirect_vreg.gather [hbm4b:s2+s4], $0x80, v39, vm0, $0xb8;
	[tilespmem:$0x1E180] =	vst v63  }
0x603: {  	s7 =	simm.s32 $0x14980  }
0x604: {  	[tilespmem:s7], [sflag:$0x2] =	stream.indirect_vreg.gather [hbm4b:s24+s4], $0x80, v39, vm0, $0xb8;
	[tilespmem:$0x1E180] =	vst v63  }
0x605: {  	s9 =	simm.s32 $0x15180  }
0x606: {  	[tilespmem:s9], [sflag:$0x2] =	stream.indirect_vreg.gather [hbm4b:s2+s4], $0x80, v38, vm0, $0xb8;
	[tilespmem:$0x1E180] =	vst v63  }
0x607: {  	s10 =	simm.s32 $0x15980  }
0x608: {  	[tilespmem:s10], [sflag:$0x2] =	stream.indirect_vreg.gather [hbm4b:s24+s4], $0x80, v38, vm0, $0xb8;
	[tilespmem:$0x1E180] =	vst v63  }
0x609: {  	v38 =	vld [tilespmem:$0xC0];
	_ =	sdelay $0x4  }
0x60a: {  	v42 =	vshll.u32 v38, $0x2  }
0x60b: {  	v38 =	vand.u32 $0x7, v38;
	v39 =	vand.u32 $0xFFFFFFE0, v42  }
0x60c: {  	v38 =	vor.u32 v38, v39  }
0x60d: {  	v39 =	vperm.xlane v38, v35;
	_ =	sdelay $0x1  }
0x60e: {  	v39 =	vadd.s32 v36, v39;
	_ =	sdelay $0x1  }
0x60f: {  	v38 =	vperm.xlane v38, v37;
	_ =	sdelay $0x1  }
0x610: {  	s11 =	simm.s32 $0x16180;
	v38 =	vadd.s32 v36, v38  }
0x611: {  	[tilespmem:s11], [sflag:$0x2] =	stream.indirect_vreg.gather [hbm4b:s2+s4], $0x80, v39, vm0, $0xb8;
	[tilespmem:$0x1E180] =	vst v63  }
0x612: {  	s17 =	simm.s32 $0x16980  }
0x613: {  	[tilespmem:s17], [sflag:$0x2] =	stream.indirect_vreg.gather [hbm4b:s24+s4], $0x80, v39, vm0, $0xb8;
	[tilespmem:$0x1E180] =	vst v63  }
0x614: {  	s19 =	simm.s32 $0x17180  }
0x615: {  	[tilespmem:s19], [sflag:$0x2] =	stream.indirect_vreg.gather [hbm4b:s2+s4], $0x80, v38, vm0, $0xb8;
	[tilespmem:$0x1E180] =	vst v63  }
0x616: {  	s20 =	simm.s32 $0x17980  }
0x617: {  	[tilespmem:s20], [sflag:$0x2] =	stream.indirect_vreg.gather [hbm4b:s24+s4], $0x80, v38, vm0, $0xb8;
	[tilespmem:$0x1E180] =	vst v63  }
0x618: {  	v38 =	vld [tilespmem:$0xD0];
	_ =	sdelay $0x4  }
0x619: {  	v42 =	vshll.u32 v38, $0x2  }
0x61a: {  	v38 =	vand.u32 $0x7, v38;
	v39 =	vand.u32 $0xFFFFFFE0, v42  }
0x61b: {  	v38 =	vor.u32 v38, v39  }
0x61c: {  	v39 =	vperm.xlane v38, v35;
	_ =	sdelay $0x1  }
0x61d: {  	v39 =	vadd.s32 v36, v39;
	_ =	sdelay $0x1  }
0x61e: {  	v38 =	vperm.xlane v38, v37;
	_ =	sdelay $0x1  }
0x61f: {  	s22 =	simm.s32 $0x18180;
	v38 =	vadd.s32 v36, v38  }
0x620: {  	[tilespmem:s22], [sflag:$0x2] =	stream.indirect_vreg.gather [hbm4b:s2+s4], $0x80, v39, vm0, $0xb8;
	[tilespmem:$0x1E180] =	vst v63  }
0x621: {  	s26 =	simm.s32 $0x18980  }
0x622: {  	[tilespmem:s26], [sflag:$0x2] =	stream.indirect_vreg.gather [hbm4b:s24+s4], $0x80, v39, vm0, $0xb8;
	[tilespmem:$0x1E180] =	vst v63  }
0x623: {  	s28 =	simm.s32 $0x19180  }
0x624: {  	[tilespmem:s28], [sflag:$0x2] =	stream.indirect_vreg.gather [hbm4b:s2+s4], $0x80, v38, vm0, $0xb8;
	[tilespmem:$0x1E180] =	vst v63  }
0x625: {  	s29 =	simm.s32 $0x19980  }
0x626: {  	[tilespmem:s29], [sflag:$0x2] =	stream.indirect_vreg.gather [hbm4b:s24+s4], $0x80, v38, vm0, $0xb8;
	[tilespmem:$0x1E180] =	vst v63  }
0x627: {  	v38 =	vld [tilespmem:$0xE0];
	_ =	sdelay $0x4  }
0x628: {  	v42 =	vshll.u32 v38, $0x2  }
0x629: {  	v38 =	vand.u32 $0x7, v38;
	v39 =	vand.u32 $0xFFFFFFE0, v42  }
0x62a: {  	v38 =	vor.u32 v38, v39  }
0x62b: {  	v39 =	vperm.xlane v38, v35;
	_ =	sdelay $0x1  }
0x62c: {  	v39 =	vadd.s32 v36, v39;
	_ =	sdelay $0x1  }
0x62d: {  	v38 =	vperm.xlane v38, v37;
	_ =	sdelay $0x1  }
0x62e: {  	s31 =	simm.s32 $0x1A180;
	v38 =	vadd.s32 v36, v38  }
0x62f: {  	[tilespmem:s31], [sflag:$0x2] =	stream.indirect_vreg.gather [hbm4b:s2+s4], $0x80, v39, vm0, $0xb8;
	[tilespmem:$0x1E180] =	vst v63  }
0x630: {  	s1 =	simm.s32 $0x1A980  }
0x631: {  	[tilespmem:s1], [sflag:$0x2] =	stream.indirect_vreg.gather [hbm4b:s24+s4], $0x80, v39, vm0, $0xb8;
	[tilespmem:$0x1E180] =	vst v63  }
0x632: {  	s7 =	simm.s32 $0x1B180  }
0x633: {  	[tilespmem:s7], [sflag:$0x2] =	stream.indirect_vreg.gather [hbm4b:s2+s4], $0x80, v38, vm0, $0xb8;
	[tilespmem:$0x1E180] =	vst v63  }
0x634: {  	s9 =	simm.s32 $0x1B980;
	s22 =	simm.s32 $0x1  }
0x635: {  	[tilespmem:s9], [sflag:$0x2] =	stream.indirect_vreg.gather [hbm4b:s24+s4], $0x80, v38, vm0, $0xb8;
	[tilespmem:$0x1E180] =	vst v63  }
0x636: {  	_ =	swait.ge [sflag:s22], $0xE000  }
0x637: {  	s11 =	sld [smem:$0x7F0]  }
0x638: {  	[sflag:s22] =	ssyncset.done $0x0  }
0x639: {  	s10 =	simm.s32 $0x180;
	s28 =	simm.s32 $0x3;
	[sflag:s22] =	ssyncadd.s32 $0xFFFF2000  }
0x63a: {  	[hbm4b:s11+s4] =	stream.linear.scatter [tilespmem:s10], [sflag:$0x3], $0xE000, $0x38;
	[tilespmem:$0x1E180] =	vst v63  }
0x63b: {  	_ =	swait.ge [sflag:s28], $0xE000  }
0x63c: {  	v42 =	vld [tilespmem:$0x1FF80];
	_ =	sdelay $0x2  }
0x63d: {  	[sflag:s28] =	ssyncset.done $0x0  }
0x63e: {  	[sflag:s28] =	ssyncadd.s32 $0xFFFF2000  }
0x63f: {  	[tilespmem:$0x0] =	vst v42;
	v42 =	vld [tilespmem:$0x1FB00];
	_ =	sdelay $0x4  }
0x640: {  	[tilespmem:$0x10] =	vst v42;
	v42 =	vld [tilespmem:$0x1FB10];
	_ =	sdelay $0x4  }
0x641: {  	[tilespmem:$0x20] =	vst v42;
	v42 =	vld [tilespmem:$0x1FB20];
	_ =	sdelay $0x4  }
0x642: {  	[tilespmem:$0x30] =	vst v42;
	v42 =	vld [tilespmem:$0x1FB30];
	_ =	sdelay $0x4  }
0x643: {  	[tilespmem:$0x40] =	vst v42;
	v42 =	vld [tilespmem:$0x1FB40];
	_ =	sdelay $0x3  }
0x644: {  	v38 =	vperm.xlane v27, v35  }
0x645: {  	[tilespmem:$0x50] =	vst v42;
	v42 =	vld [tilespmem:$0x1FB50]  }
0x646: {  	v38 =	vadd.s32 v36, v38;
	_ =	sdelay $0x1  }
0x647: {  	v39 =	vperm.xlane v27, v37;
	_ =	sdelay $0x1  }
0x648: {  	v39 =	vadd.s32 v36, v39;
	[tilespmem:$0x60] =	vst v42  }
0x649: {  	[tilespmem:s10], [sflag:$0x1] =	stream.indirect_vreg.gather [hbm4b:s2+s4], $0x80, v38, vm0, $0xb8;
	[tilespmem:$0x1E180] =	vst v63  }
0x64a: {  	s11 =	simm.s32 $0x980  }
0x64b: {  	[tilespmem:s11], [sflag:$0x1] =	stream.indirect_vreg.gather [hbm4b:s24+s4], $0x80, v38, vm0, $0xb8;
	[tilespmem:$0x1E180] =	vst v63  }
0x64c: {  	s1 =	simm.s32 $0x1180  }
0x64d: {  	[tilespmem:s1], [sflag:$0x1] =	stream.indirect_vreg.gather [hbm4b:s2+s4], $0x80, v39, vm0, $0xb8;
	[tilespmem:$0x1E180] =	vst v63  }
0x64e: {  	s5 =	simm.s32 $0x1980  }
0x64f: {  	[tilespmem:s5], [sflag:$0x1] =	stream.indirect_vreg.gather [hbm4b:s24+s4], $0x80, v39, vm0, $0xb8;
	[tilespmem:$0x1E180] =	vst v63  }
0x650: {  	v38 =	vld [tilespmem:$0x10];
	_ =	sdelay $0x4  }
0x651: {  	v42 =	vshll.u32 v38, $0x2  }
0x652: {  	v38 =	vand.u32 $0x7, v38;
	v39 =	vand.u32 $0xFFFFFFE0, v42  }
0x653: {  	v38 =	vor.u32 v38, v39  }
0x654: {  	v39 =	vperm.xlane v38, v35;
	_ =	sdelay $0x1  }
0x655: {  	v39 =	vadd.s32 v36, v39;
	_ =	sdelay $0x1  }
0x656: {  	v38 =	vperm.xlane v38, v37;
	_ =	sdelay $0x1  }
0x657: {  	s5 =	simm.s32 $0x2180;
	v38 =	vadd.s32 v36, v38  }
0x658: {  	[tilespmem:s5], [sflag:$0x1] =	stream.indirect_vreg.gather [hbm4b:s2+s4], $0x80, v39, vm0, $0xb8;
	[tilespmem:$0x1E180] =	vst v63  }
0x659: {  	s29 =	simm.s32 $0x2980  }
0x65a: {  	[tilespmem:s29], [sflag:$0x1] =	stream.indirect_vreg.gather [hbm4b:s24+s4], $0x80, v39, vm0, $0xb8;
	[tilespmem:$0x1E180] =	vst v63  }
0x65b: {  	s7 =	simm.s32 $0x3180  }
0x65c: {  	[tilespmem:s7], [sflag:$0x1] =	stream.indirect_vreg.gather [hbm4b:s2+s4], $0x80, v38, vm0, $0xb8;
	[tilespmem:$0x1E180] =	vst v63  }
0x65d: {  	s8 =	simm.s32 $0x3980  }
0x65e: {  	[tilespmem:s8], [sflag:$0x1] =	stream.indirect_vreg.gather [hbm4b:s24+s4], $0x80, v38, vm0, $0xb8;
	[tilespmem:$0x1E180] =	vst v63  }
0x65f: {  	v38 =	vld [tilespmem:$0x20];
	_ =	sdelay $0x4  }
0x660: {  	v42 =	vshll.u32 v38, $0x2  }
0x661: {  	v38 =	vand.u32 $0x7, v38;
	v39 =	vand.u32 $0xFFFFFFE0, v42  }
0x662: {  	v38 =	vor.u32 v38, v39  }
0x663: {  	v39 =	vperm.xlane v38, v35;
	_ =	sdelay $0x1  }
0x664: {  	v39 =	vadd.s32 v36, v39;
	_ =	sdelay $0x1  }
0x665: {  	v38 =	vperm.xlane v38, v37;
	_ =	sdelay $0x1  }
0x666: {  	s8 =	simm.s32 $0x4180;
	v38 =	vadd.s32 v36, v38  }
0x667: {  	[tilespmem:s8], [sflag:$0x1] =	stream.indirect_vreg.gather [hbm4b:s2+s4], $0x80, v39, vm0, $0xb8;
	[tilespmem:$0x1E180] =	vst v63  }
0x668: {  	s9 =	simm.s32 $0x4980  }
0x669: {  	[tilespmem:s9], [sflag:$0x1] =	stream.indirect_vreg.gather [hbm4b:s24+s4], $0x80, v39, vm0, $0xb8;
	[tilespmem:$0x1E180] =	vst v63  }
0x66a: {  	s10 =	simm.s32 $0x5180  }
0x66b: {  	[tilespmem:s10], [sflag:$0x1] =	stream.indirect_vreg.gather [hbm4b:s2+s4], $0x80, v38, vm0, $0xb8;
	[tilespmem:$0x1E180] =	vst v63  }
0x66c: {  	s12 =	simm.s32 $0x5980  }
0x66d: {  	[tilespmem:s12], [sflag:$0x1] =	stream.indirect_vreg.gather [hbm4b:s24+s4], $0x80, v38, vm0, $0xb8;
	[tilespmem:$0x1E180] =	vst v63  }
0x66e: {  	v38 =	vld [tilespmem:$0x30];
	_ =	sdelay $0x4  }
0x66f: {  	v42 =	vshll.u32 v38, $0x2  }
0x670: {  	v38 =	vand.u32 $0x7, v38;
	v39 =	vand.u32 $0xFFFFFFE0, v42  }
0x671: {  	v38 =	vor.u32 v38, v39  }
0x672: {  	v39 =	vperm.xlane v38, v35;
	_ =	sdelay $0x1  }
0x673: {  	v39 =	vadd.s32 v36, v39;
	_ =	sdelay $0x1  }
0x674: {  	v38 =	vperm.xlane v38, v37;
	_ =	sdelay $0x1  }
0x675: {  	s12 =	simm.s32 $0x6180;
	v38 =	vadd.s32 v36, v38  }
0x676: {  	[tilespmem:s12], [sflag:$0x1] =	stream.indirect_vreg.gather [hbm4b:s2+s4], $0x80, v39, vm0, $0xb8;
	[tilespmem:$0x1E180] =	vst v63  }
0x677: {  	s17 =	simm.s32 $0x6980  }
0x678: {  	[tilespmem:s17], [sflag:$0x1] =	stream.indirect_vreg.gather [hbm4b:s24+s4], $0x80, v39, vm0, $0xb8;
	[tilespmem:$0x1E180] =	vst v63  }
0x679: {  	s19 =	simm.s32 $0x7180  }
0x67a: {  	[tilespmem:s19], [sflag:$0x1] =	stream.indirect_vreg.gather [hbm4b:s2+s4], $0x80, v38, vm0, $0xb8;
	[tilespmem:$0x1E180] =	vst v63  }
0x67b: {  	s15 =	simm.s32 $0x7980  }
0x67c: {  	[tilespmem:s15], [sflag:$0x1] =	stream.indirect_vreg.gather [hbm4b:s24+s4], $0x80, v38, vm0, $0xb8;
	[tilespmem:$0x1E180] =	vst v63  }
0x67d: {  	v38 =	vld [tilespmem:$0x40];
	_ =	sdelay $0x4  }
0x67e: {  	v42 =	vshll.u32 v38, $0x2  }
0x67f: {  	v38 =	vand.u32 $0x7, v38;
	v39 =	vand.u32 $0xFFFFFFE0, v42  }
0x680: {  	v38 =	vor.u32 v38, v39  }
0x681: {  	v39 =	vperm.xlane v38, v35;
	_ =	sdelay $0x1  }
0x682: {  	v39 =	vadd.s32 v36, v39;
	_ =	sdelay $0x1  }
0x683: {  	v38 =	vperm.xlane v38, v37;
	_ =	sdelay $0x1  }
0x684: {  	s20 =	simm.s32 $0x8180;
	v38 =	vadd.s32 v36, v38  }
0x685: {  	[tilespmem:s20], [sflag:$0x1] =	stream.indirect_vreg.gather [hbm4b:s2+s4], $0x80, v39, vm0, $0xb8;
	[tilespmem:$0x1E180] =	vst v63  }
0x686: {  	s26 =	simm.s32 $0x8980  }
0x687: {  	[tilespmem:s26], [sflag:$0x1] =	stream.indirect_vreg.gather [hbm4b:s24+s4], $0x80, v39, vm0, $0xb8;
	[tilespmem:$0x1E180] =	vst v63  }
0x688: {  	s17 =	simm.s32 $0x9180  }
0x689: {  	[tilespmem:s17], [sflag:$0x1] =	stream.indirect_vreg.gather [hbm4b:s2+s4], $0x80, v38, vm0, $0xb8;
	[tilespmem:$0x1E180] =	vst v63  }
0x68a: {  	s18 =	simm.s32 $0x9980  }
0x68b: {  	[tilespmem:s18], [sflag:$0x1] =	stream.indirect_vreg.gather [hbm4b:s24+s4], $0x80, v38, vm0, $0xb8;
	[tilespmem:$0x1E180] =	vst v63  }
0x68c: {  	v38 =	vld [tilespmem:$0x50];
	_ =	sdelay $0x4  }
0x68d: {  	v42 =	vshll.u32 v38, $0x2  }
0x68e: {  	v38 =	vand.u32 $0x7, v38;
	v39 =	vand.u32 $0xFFFFFFE0, v42  }
0x68f: {  	v38 =	vor.u32 v38, v39  }
0x690: {  	v39 =	vperm.xlane v38, v35;
	_ =	sdelay $0x1  }
0x691: {  	v39 =	vadd.s32 v36, v39;
	_ =	sdelay $0x1  }
0x692: {  	v38 =	vperm.xlane v38, v37;
	_ =	sdelay $0x1  }
0x693: {  	s18 =	simm.s32 $0xA180;
	v38 =	vadd.s32 v36, v38  }
0x694: {  	[tilespmem:s18], [sflag:$0x1] =	stream.indirect_vreg.gather [hbm4b:s2+s4], $0x80, v39, vm0, $0xb8;
	[tilespmem:$0x1E180] =	vst v63  }
0x695: {  	s19 =	simm.s32 $0xA980  }
0x696: {  	[tilespmem:s19], [sflag:$0x1] =	stream.indirect_vreg.gather [hbm4b:s24+s4], $0x80, v39, vm0, $0xb8;
	[tilespmem:$0x1E180] =	vst v63  }
0x697: {  	s20 =	simm.s32 $0xB180  }
0x698: {  	[tilespmem:s20], [sflag:$0x1] =	stream.indirect_vreg.gather [hbm4b:s2+s4], $0x80, v38, vm0, $0xb8;
	[tilespmem:$0x1E180] =	vst v63  }
0x699: {  	s21 =	simm.s32 $0xB980  }
0x69a: {  	[tilespmem:s21], [sflag:$0x1] =	stream.indirect_vreg.gather [hbm4b:s24+s4], $0x80, v38, vm0, $0xb8;
	[tilespmem:$0x1E180] =	vst v63  }
0x69b: {  	v38 =	vld [tilespmem:$0x60];
	_ =	sdelay $0x4  }
0x69c: {  	v42 =	vshll.u32 v38, $0x2  }
0x69d: {  	v38 =	vand.u32 $0x7, v38;
	v39 =	vand.u32 $0xFFFFFFE0, v42  }
0x69e: {  	v38 =	vor.u32 v38, v39  }
0x69f: {  	v39 =	vperm.xlane v38, v35;
	_ =	sdelay $0x1  }
0x6a0: {  	v39 =	vadd.s32 v36, v39;
	_ =	sdelay $0x1  }
0x6a1: {  	v38 =	vperm.xlane v38, v37;
	_ =	sdelay $0x1  }
0x6a2: {  	s21 =	simm.s32 $0xC180;
	v38 =	vadd.s32 v36, v38  }
0x6a3: {  	[tilespmem:s21], [sflag:$0x1] =	stream.indirect_vreg.gather [hbm4b:s2+s4], $0x80, v39, vm0, $0xb8;
	[tilespmem:$0x1E180] =	vst v63  }
0x6a4: {  	s3 =	simm.s32 $0xC980  }
0x6a5: {  	[tilespmem:s3], [sflag:$0x1] =	stream.indirect_vreg.gather [hbm4b:s24+s4], $0x80, v39, vm0, $0xb8;
	[tilespmem:$0x1E180] =	vst v63  }
0x6a6: {  	s25 =	simm.s32 $0xD180  }
0x6a7: {  	[tilespmem:s25], [sflag:$0x1] =	stream.indirect_vreg.gather [hbm4b:s2+s4], $0x80, v38, vm0, $0xb8;
	[tilespmem:$0x1E180] =	vst v63  }
0x6a8: {  	s23 =	simm.s32 $0xD980;
	s3 =	simm.s32 $0x2  }
0x6a9: {  	[tilespmem:s23], [sflag:$0x1] =	stream.indirect_vreg.gather [hbm4b:s24+s4], $0x80, v38, vm0, $0xb8;
	[tilespmem:$0x1E180] =	vst v63  }
0x6aa: {  	_ =	swait.ge [sflag:s3], $0xE000  }
0x6ab: {  	s31 =	sld [smem:$0x7F2]  }
0x6ac: {  	[sflag:s3] =	ssyncset.done $0x0  }
0x6ad: {  	s0 =	simm.s32 $0xE180;
	[sflag:s3] =	ssyncadd.s32 $0xFFFF2000  }
0x6ae: {  	[hbm4b:s31+s4] =	stream.linear.scatter [tilespmem:s0], [sflag:$0x4], $0xE000, $0x38;
	[tilespmem:$0x1E180] =	vst v63  }
0x6af: {  	s31 =	simm.s32 $0x4  }
0x6b0: {  	_ =	swait.ge [sflag:s31], $0xE000  }
0x6b1: {  	v42 =	vld [tilespmem:$0x1FF90];
	_ =	sdelay $0x2  }
0x6b2: {  	[sflag:s31] =	ssyncset.done $0x0  }
0x6b3: {  	[sflag:s31] =	ssyncadd.s32 $0xFFFF2000  }
0x6b4: {  	[tilespmem:$0x80] =	vst v42;
	v42 =	vld [tilespmem:$0x1FB70];
	_ =	sdelay $0x4  }
0x6b5: {  	[tilespmem:$0x90] =	vst v42;
	v42 =	vld [tilespmem:$0x1FB80];
	_ =	sdelay $0x4  }
0x6b6: {  	[tilespmem:$0xA0] =	vst v42;
	v42 =	vld [tilespmem:$0x1FB90];
	_ =	sdelay $0x4  }
0x6b7: {  	[tilespmem:$0xB0] =	vst v42;
	v42 =	vld [tilespmem:$0x1FBB0];
	_ =	sdelay $0x4  }
0x6b8: {  	[tilespmem:$0xC0] =	vst v42;
	v42 =	vld [tilespmem:$0x1FBF0];
	_ =	sdelay $0x3  }
0x6b9: {  	v38 =	vperm.xlane v28, v35  }
0x6ba: {  	[tilespmem:$0xD0] =	vst v42;
	v42 =	vld [tilespmem:$0x1FC00]  }
0x6bb: {  	v38 =	vadd.s32 v36, v38;
	_ =	sdelay $0x1  }
0x6bc: {  	v39 =	vperm.xlane v28, v37;
	_ =	sdelay $0x1  }
0x6bd: {  	v39 =	vadd.s32 v36, v39;
	[tilespmem:$0xE0] =	vst v42  }
0x6be: {  	[tilespmem:s0], [sflag:$0x2] =	stream.indirect_vreg.gather [hbm4b:s2+s4], $0x80, v38, vm0, $0xb8;
	[tilespmem:$0x1E180] =	vst v63  }
0x6bf: {  	s23 =	simm.s32 $0xE980  }
0x6c0: {  	[tilespmem:s23], [sflag:$0x2] =	stream.indirect_vreg.gather [hbm4b:s24+s4], $0x80, v38, vm0, $0xb8;
	[tilespmem:$0x1E180] =	vst v63  }
0x6c1: {  	s25 =	simm.s32 $0xF180  }
0x6c2: {  	[tilespmem:s25], [sflag:$0x2] =	stream.indirect_vreg.gather [hbm4b:s2+s4], $0x80, v39, vm0, $0xb8;
	[tilespmem:$0x1E180] =	vst v63  }
0x6c3: {  	s13 =	simm.s32 $0xF980  }
0x6c4: {  	[tilespmem:s13], [sflag:$0x2] =	stream.indirect_vreg.gather [hbm4b:s24+s4], $0x80, v39, vm0, $0xb8;
	[tilespmem:$0x1E180] =	vst v63  }
0x6c5: {  	v38 =	vld [tilespmem:$0x90];
	_ =	sdelay $0x4  }
0x6c6: {  	v42 =	vshll.u32 v38, $0x2  }
0x6c7: {  	v38 =	vand.u32 $0x7, v38;
	v39 =	vand.u32 $0xFFFFFFE0, v42  }
0x6c8: {  	v38 =	vor.u32 v38, v39  }
0x6c9: {  	v39 =	vperm.xlane v38, v35;
	_ =	sdelay $0x1  }
0x6ca: {  	v39 =	vadd.s32 v36, v39;
	_ =	sdelay $0x1  }
0x6cb: {  	v38 =	vperm.xlane v38, v37;
	_ =	sdelay $0x1  }
0x6cc: {  	s26 =	simm.s32 $0x10180;
	v38 =	vadd.s32 v36, v38  }
0x6cd: {  	[tilespmem:s26], [sflag:$0x2] =	stream.indirect_vreg.gather [hbm4b:s2+s4], $0x80, v39, vm0, $0xb8;
	[tilespmem:$0x1E180] =	vst v63  }
0x6ce: {  	s11 =	simm.s32 $0x10980  }
0x6cf: {  	[tilespmem:s11], [sflag:$0x2] =	stream.indirect_vreg.gather [hbm4b:s24+s4], $0x80, v39, vm0, $0xb8;
	[tilespmem:$0x1E180] =	vst v63  }
0x6d0: {  	s13 =	simm.s32 $0x11180  }
0x6d1: {  	[tilespmem:s13], [sflag:$0x2] =	stream.indirect_vreg.gather [hbm4b:s2+s4], $0x80, v38, vm0, $0xb8;
	[tilespmem:$0x1E180] =	vst v63  }
0x6d2: {  	s14 =	simm.s32 $0x11980  }
0x6d3: {  	[tilespmem:s14], [sflag:$0x2] =	stream.indirect_vreg.gather [hbm4b:s24+s4], $0x80, v38, vm0, $0xb8;
	[tilespmem:$0x1E180] =	vst v63  }
0x6d4: {  	v38 =	vld [tilespmem:$0xA0];
	_ =	sdelay $0x4  }
0x6d5: {  	v42 =	vshll.u32 v38, $0x2  }
0x6d6: {  	v38 =	vand.u32 $0x7, v38;
	v39 =	vand.u32 $0xFFFFFFE0, v42  }
0x6d7: {  	v38 =	vor.u32 v38, v39  }
0x6d8: {  	v39 =	vperm.xlane v38, v35;
	_ =	sdelay $0x1  }
0x6d9: {  	v39 =	vadd.s32 v36, v39;
	_ =	sdelay $0x1  }
0x6da: {  	v38 =	vperm.xlane v38, v37;
	_ =	sdelay $0x1  }
0x6db: {  	s14 =	simm.s32 $0x12180;
	v38 =	vadd.s32 v36, v38  }
0x6dc: {  	[tilespmem:s14], [sflag:$0x2] =	stream.indirect_vreg.gather [hbm4b:s2+s4], $0x80, v39, vm0, $0xb8;
	[tilespmem:$0x1E180] =	vst v63  }
0x6dd: {  	s15 =	simm.s32 $0x12980  }
0x6de: {  	[tilespmem:s15], [sflag:$0x2] =	stream.indirect_vreg.gather [hbm4b:s24+s4], $0x80, v39, vm0, $0xb8;
	[tilespmem:$0x1E180] =	vst v63  }
0x6df: {  	s11 =	simm.s32 $0x13180  }
0x6e0: {  	[tilespmem:s11], [sflag:$0x2] =	stream.indirect_vreg.gather [hbm4b:s2+s4], $0x80, v38, vm0, $0xb8;
	[tilespmem:$0x1E180] =	vst v63  }
0x6e1: {  	s16 =	simm.s32 $0x13980  }
0x6e2: {  	[tilespmem:s16], [sflag:$0x2] =	stream.indirect_vreg.gather [hbm4b:s24+s4], $0x80, v38, vm0, $0xb8;
	[tilespmem:$0x1E180] =	vst v63  }
0x6e3: {  	v38 =	vld [tilespmem:$0xB0];
	_ =	sdelay $0x4  }
0x6e4: {  	v42 =	vshll.u32 v38, $0x2  }
0x6e5: {  	v38 =	vand.u32 $0x7, v38;
	v39 =	vand.u32 $0xFFFFFFE0, v42  }
0x6e6: {  	v38 =	vor.u32 v38, v39  }
0x6e7: {  	v39 =	vperm.xlane v38, v35;
	_ =	sdelay $0x1  }
0x6e8: {  	v39 =	vadd.s32 v36, v39;
	_ =	sdelay $0x1  }
0x6e9: {  	v38 =	vperm.xlane v38, v37;
	_ =	sdelay $0x1  }
0x6ea: {  	s13 =	simm.s32 $0x14180;
	v38 =	vadd.s32 v36, v38  }
0x6eb: {  	[tilespmem:s13], [sflag:$0x2] =	stream.indirect_vreg.gather [hbm4b:s2+s4], $0x80, v39, vm0, $0xb8;
	[tilespmem:$0x1E180] =	vst v63  }
0x6ec: {  	s14 =	simm.s32 $0x14980  }
0x6ed: {  	[tilespmem:s14], [sflag:$0x2] =	stream.indirect_vreg.gather [hbm4b:s24+s4], $0x80, v39, vm0, $0xb8;
	[tilespmem:$0x1E180] =	vst v63  }
0x6ee: {  	s15 =	simm.s32 $0x15180  }
0x6ef: {  	[tilespmem:s15], [sflag:$0x2] =	stream.indirect_vreg.gather [hbm4b:s2+s4], $0x80, v38, vm0, $0xb8;
	[tilespmem:$0x1E180] =	vst v63  }
0x6f0: {  	s16 =	simm.s32 $0x15980  }
0x6f1: {  	[tilespmem:s16], [sflag:$0x2] =	stream.indirect_vreg.gather [hbm4b:s24+s4], $0x80, v38, vm0, $0xb8;
	[tilespmem:$0x1E180] =	vst v63  }
0x6f2: {  	v38 =	vld [tilespmem:$0xC0];
	_ =	sdelay $0x4  }
0x6f3: {  	v42 =	vshll.u32 v38, $0x2  }
0x6f4: {  	v38 =	vand.u32 $0x7, v38;
	v39 =	vand.u32 $0xFFFFFFE0, v42  }
0x6f5: {  	v38 =	vor.u32 v38, v39  }
0x6f6: {  	v39 =	vperm.xlane v38, v35;
	_ =	sdelay $0x1  }
0x6f7: {  	v39 =	vadd.s32 v36, v39;
	_ =	sdelay $0x1  }
0x6f8: {  	v38 =	vperm.xlane v38, v37;
	_ =	sdelay $0x1  }
0x6f9: {  	s11 =	simm.s32 $0x16180;
	v38 =	vadd.s32 v36, v38  }
0x6fa: {  	[tilespmem:s11], [sflag:$0x2] =	stream.indirect_vreg.gather [hbm4b:s2+s4], $0x80, v39, vm0, $0xb8;
	[tilespmem:$0x1E180] =	vst v63  }
0x6fb: {  	s13 =	simm.s32 $0x16980  }
0x6fc: {  	[tilespmem:s13], [sflag:$0x2] =	stream.indirect_vreg.gather [hbm4b:s24+s4], $0x80, v39, vm0, $0xb8;
	[tilespmem:$0x1E180] =	vst v63  }
0x6fd: {  	s14 =	simm.s32 $0x17180  }
0x6fe: {  	[tilespmem:s14], [sflag:$0x2] =	stream.indirect_vreg.gather [hbm4b:s2+s4], $0x80, v38, vm0, $0xb8;
	[tilespmem:$0x1E180] =	vst v63  }
0x6ff: {  	s15 =	simm.s32 $0x17980  }
0x700: {  	[tilespmem:s15], [sflag:$0x2] =	stream.indirect_vreg.gather [hbm4b:s24+s4], $0x80, v38, vm0, $0xb8;
	[tilespmem:$0x1E180] =	vst v63  }
0x701: {  	v38 =	vld [tilespmem:$0xD0];
	_ =	sdelay $0x4  }
0x702: {  	v42 =	vshll.u32 v38, $0x2  }
0x703: {  	v38 =	vand.u32 $0x7, v38;
	v39 =	vand.u32 $0xFFFFFFE0, v42  }
0x704: {  	v38 =	vor.u32 v38, v39  }
0x705: {  	v39 =	vperm.xlane v38, v35;
	_ =	sdelay $0x1  }
0x706: {  	v39 =	vadd.s32 v36, v39;
	_ =	sdelay $0x1  }
0x707: {  	v38 =	vperm.xlane v38, v37;
	_ =	sdelay $0x1  }
0x708: {  	s16 =	simm.s32 $0x18180;
	v38 =	vadd.s32 v36, v38  }
0x709: {  	[tilespmem:s16], [sflag:$0x2] =	stream.indirect_vreg.gather [hbm4b:s2+s4], $0x80, v39, vm0, $0xb8;
	[tilespmem:$0x1E180] =	vst v63  }
0x70a: {  	s11 =	simm.s32 $0x18980  }
0x70b: {  	[tilespmem:s11], [sflag:$0x2] =	stream.indirect_vreg.gather [hbm4b:s24+s4], $0x80, v39, vm0, $0xb8;
	[tilespmem:$0x1E180] =	vst v63  }
0x70c: {  	s13 =	simm.s32 $0x19180  }
0x70d: {  	[tilespmem:s13], [sflag:$0x2] =	stream.indirect_vreg.gather [hbm4b:s2+s4], $0x80, v38, vm0, $0xb8;
	[tilespmem:$0x1E180] =	vst v63  }
0x70e: {  	s14 =	simm.s32 $0x19980  }
0x70f: {  	[tilespmem:s14], [sflag:$0x2] =	stream.indirect_vreg.gather [hbm4b:s24+s4], $0x80, v38, vm0, $0xb8;
	[tilespmem:$0x1E180] =	vst v63  }
0x710: {  	v38 =	vld [tilespmem:$0xE0];
	_ =	sdelay $0x4  }
0x711: {  	v42 =	vshll.u32 v38, $0x2  }
0x712: {  	v38 =	vand.u32 $0x7, v38;
	v39 =	vand.u32 $0xFFFFFFE0, v42  }
0x713: {  	v38 =	vor.u32 v38, v39  }
0x714: {  	v39 =	vperm.xlane v38, v35;
	_ =	sdelay $0x1  }
0x715: {  	v39 =	vadd.s32 v36, v39;
	_ =	sdelay $0x1  }
0x716: {  	v38 =	vperm.xlane v38, v37;
	_ =	sdelay $0x1  }
0x717: {  	s15 =	simm.s32 $0x1A180;
	v38 =	vadd.s32 v36, v38  }
0x718: {  	[tilespmem:s15], [sflag:$0x2] =	stream.indirect_vreg.gather [hbm4b:s2+s4], $0x80, v39, vm0, $0xb8;
	[tilespmem:$0x1E180] =	vst v63  }
0x719: {  	s16 =	simm.s32 $0x1A980  }
0x71a: {  	[tilespmem:s16], [sflag:$0x2] =	stream.indirect_vreg.gather [hbm4b:s24+s4], $0x80, v39, vm0, $0xb8;
	[tilespmem:$0x1E180] =	vst v63  }
0x71b: {  	s11 =	simm.s32 $0x1B180  }
0x71c: {  	[tilespmem:s11], [sflag:$0x2] =	stream.indirect_vreg.gather [hbm4b:s2+s4], $0x80, v38, vm0, $0xb8;
	[tilespmem:$0x1E180] =	vst v63  }
0x71d: {  	s13 =	simm.s32 $0x1B980  }
0x71e: {  	[tilespmem:s13], [sflag:$0x2] =	stream.indirect_vreg.gather [hbm4b:s24+s4], $0x80, v38, vm0, $0xb8;
	[tilespmem:$0x1E180] =	vst v63  }
0x71f: {  	_ =	swait.ge [sflag:s22], $0xE000  }
0x720: {  	s14 =	sld [smem:$0x7F3]  }
0x721: {  	[sflag:s22] =	ssyncset.done $0x0  }
0x722: {  	s15 =	simm.s32 $0x180;
	[sflag:s22] =	ssyncadd.s32 $0xFFFF2000  }
0x723: {  	[hbm4b:s14+s4] =	stream.linear.scatter [tilespmem:s15], [sflag:$0x3], $0xE000, $0x38;
	[tilespmem:$0x1E180] =	vst v63  }
0x724: {  	_ =	swait.ge [sflag:s28], $0xE000  }
0x725: {  	v42 =	vld [tilespmem:$0x1FFB0];
	_ =	sdelay $0x2  }
0x726: {  	[sflag:s28] =	ssyncset.done $0x0  }
0x727: {  	[sflag:s28] =	ssyncadd.s32 $0xFFFF2000  }
0x728: {  	[tilespmem:$0x0] =	vst v42;
	v42 =	vld [tilespmem:$0x1FC10];
	_ =	sdelay $0x4  }
0x729: {  	[tilespmem:$0x10] =	vst v42;
	v42 =	vld [tilespmem:$0x1FC20];
	_ =	sdelay $0x4  }
0x72a: {  	[tilespmem:$0x20] =	vst v42;
	v42 =	vld [tilespmem:$0x1FC30];
	_ =	sdelay $0x4  }
0x72b: {  	[tilespmem:$0x30] =	vst v42;
	v42 =	vld [tilespmem:$0x1FC40];
	_ =	sdelay $0x4  }
0x72c: {  	[tilespmem:$0x40] =	vst v42;
	v42 =	vld [tilespmem:$0x1FC50];
	_ =	sdelay $0x3  }
0x72d: {  	v38 =	vperm.xlane v29, v35  }
0x72e: {  	[tilespmem:$0x50] =	vst v42;
	v42 =	vld [tilespmem:$0x1FC60]  }
0x72f: {  	v38 =	vadd.s32 v36, v38;
	_ =	sdelay $0x1  }
0x730: {  	v39 =	vperm.xlane v29, v37;
	_ =	sdelay $0x1  }
0x731: {  	v39 =	vadd.s32 v36, v39;
	[tilespmem:$0x60] =	vst v42  }
0x732: {  	[tilespmem:s15], [sflag:$0x1] =	stream.indirect_vreg.gather [hbm4b:s2+s4], $0x80, v38, vm0, $0xb8;
	[tilespmem:$0x1E180] =	vst v63  }
0x733: {  	s16 =	simm.s32 $0x980  }
0x734: {  	[tilespmem:s16], [sflag:$0x1] =	stream.indirect_vreg.gather [hbm4b:s24+s4], $0x80, v38, vm0, $0xb8;
	[tilespmem:$0x1E180] =	vst v63  }
0x735: {  	_ = 	snop  }
0x736: {  	[tilespmem:s1], [sflag:$0x1] =	stream.indirect_vreg.gather [hbm4b:s2+s4], $0x80, v39, vm0, $0xb8;
	[tilespmem:$0x1E180] =	vst v63  }
0x737: {  	s13 =	simm.s32 $0x1980  }
0x738: {  	[tilespmem:s13], [sflag:$0x1] =	stream.indirect_vreg.gather [hbm4b:s24+s4], $0x80, v39, vm0, $0xb8;
	[tilespmem:$0x1E180] =	vst v63  }
0x739: {  	v38 =	vld [tilespmem:$0x10];
	_ =	sdelay $0x4  }
0x73a: {  	v42 =	vshll.u32 v38, $0x2  }
0x73b: {  	v38 =	vand.u32 $0x7, v38;
	v39 =	vand.u32 $0xFFFFFFE0, v42  }
0x73c: {  	v38 =	vor.u32 v38, v39  }
0x73d: {  	v39 =	vperm.xlane v38, v35;
	_ =	sdelay $0x1  }
0x73e: {  	v39 =	vadd.s32 v36, v39;
	_ =	sdelay $0x1  }
0x73f: {  	v38 =	vperm.xlane v38, v37;
	_ =	sdelay $0x1  }
0x740: {  	v38 =	vadd.s32 v36, v38  }
0x741: {  	[tilespmem:s5], [sflag:$0x1] =	stream.indirect_vreg.gather [hbm4b:s2+s4], $0x80, v39, vm0, $0xb8;
	[tilespmem:$0x1E180] =	vst v63  }
0x742: {  	_ = 	snop  }
0x743: {  	[tilespmem:s29], [sflag:$0x1] =	stream.indirect_vreg.gather [hbm4b:s24+s4], $0x80, v39, vm0, $0xb8;
	[tilespmem:$0x1E180] =	vst v63  }
0x744: {  	_ = 	snop  }
0x745: {  	[tilespmem:s7], [sflag:$0x1] =	stream.indirect_vreg.gather [hbm4b:s2+s4], $0x80, v38, vm0, $0xb8;
	[tilespmem:$0x1E180] =	vst v63  }
0x746: {  	s14 =	simm.s32 $0x3980  }
0x747: {  	[tilespmem:s14], [sflag:$0x1] =	stream.indirect_vreg.gather [hbm4b:s24+s4], $0x80, v38, vm0, $0xb8;
	[tilespmem:$0x1E180] =	vst v63  }
0x748: {  	v38 =	vld [tilespmem:$0x20];
	_ =	sdelay $0x4  }
0x749: {  	v42 =	vshll.u32 v38, $0x2  }
0x74a: {  	v38 =	vand.u32 $0x7, v38;
	v39 =	vand.u32 $0xFFFFFFE0, v42  }
0x74b: {  	v38 =	vor.u32 v38, v39  }
0x74c: {  	v39 =	vperm.xlane v38, v35;
	_ =	sdelay $0x1  }
0x74d: {  	v39 =	vadd.s32 v36, v39;
	_ =	sdelay $0x1  }
0x74e: {  	v38 =	vperm.xlane v38, v37;
	_ =	sdelay $0x1  }
0x74f: {  	v38 =	vadd.s32 v36, v38  }
0x750: {  	[tilespmem:s8], [sflag:$0x1] =	stream.indirect_vreg.gather [hbm4b:s2+s4], $0x80, v39, vm0, $0xb8;
	[tilespmem:$0x1E180] =	vst v63  }
0x751: {  	_ = 	snop  }
0x752: {  	[tilespmem:s9], [sflag:$0x1] =	stream.indirect_vreg.gather [hbm4b:s24+s4], $0x80, v39, vm0, $0xb8;
	[tilespmem:$0x1E180] =	vst v63  }
0x753: {  	_ = 	snop  }
0x754: {  	[tilespmem:s10], [sflag:$0x1] =	stream.indirect_vreg.gather [hbm4b:s2+s4], $0x80, v38, vm0, $0xb8;
	[tilespmem:$0x1E180] =	vst v63  }
0x755: {  	s15 =	simm.s32 $0x5980  }
0x756: {  	[tilespmem:s15], [sflag:$0x1] =	stream.indirect_vreg.gather [hbm4b:s24+s4], $0x80, v38, vm0, $0xb8;
	[tilespmem:$0x1E180] =	vst v63  }
0x757: {  	v38 =	vld [tilespmem:$0x30];
	_ =	sdelay $0x4  }
0x758: {  	v42 =	vshll.u32 v38, $0x2  }
0x759: {  	v38 =	vand.u32 $0x7, v38;
	v39 =	vand.u32 $0xFFFFFFE0, v42  }
0x75a: {  	v38 =	vor.u32 v38, v39  }
0x75b: {  	v39 =	vperm.xlane v38, v35;
	_ =	sdelay $0x1  }
0x75c: {  	v39 =	vadd.s32 v36, v39;
	_ =	sdelay $0x1  }
0x75d: {  	v38 =	vperm.xlane v38, v37;
	_ =	sdelay $0x1  }
0x75e: {  	v38 =	vadd.s32 v36, v38  }
0x75f: {  	[tilespmem:s12], [sflag:$0x1] =	stream.indirect_vreg.gather [hbm4b:s2+s4], $0x80, v39, vm0, $0xb8;
	[tilespmem:$0x1E180] =	vst v63  }
0x760: {  	s7 =	simm.s32 $0x6980  }
0x761: {  	[tilespmem:s7], [sflag:$0x1] =	stream.indirect_vreg.gather [hbm4b:s24+s4], $0x80, v39, vm0, $0xb8;
	[tilespmem:$0x1E180] =	vst v63  }
0x762: {  	s8 =	simm.s32 $0x7180  }
0x763: {  	[tilespmem:s8], [sflag:$0x1] =	stream.indirect_vreg.gather [hbm4b:s2+s4], $0x80, v38, vm0, $0xb8;
	[tilespmem:$0x1E180] =	vst v63  }
0x764: {  	s16 =	simm.s32 $0x7980  }
0x765: {  	[tilespmem:s16], [sflag:$0x1] =	stream.indirect_vreg.gather [hbm4b:s24+s4], $0x80, v38, vm0, $0xb8;
	[tilespmem:$0x1E180] =	vst v63  }
0x766: {  	v38 =	vld [tilespmem:$0x40];
	_ =	sdelay $0x4  }
0x767: {  	v42 =	vshll.u32 v38, $0x2  }
0x768: {  	v38 =	vand.u32 $0x7, v38;
	v39 =	vand.u32 $0xFFFFFFE0, v42  }
0x769: {  	v38 =	vor.u32 v38, v39  }
0x76a: {  	v39 =	vperm.xlane v38, v35;
	_ =	sdelay $0x1  }
0x76b: {  	v39 =	vadd.s32 v36, v39;
	_ =	sdelay $0x1  }
0x76c: {  	v38 =	vperm.xlane v38, v37;
	_ =	sdelay $0x1  }
0x76d: {  	s9 =	simm.s32 $0x8180;
	v38 =	vadd.s32 v36, v38  }
0x76e: {  	[tilespmem:s9], [sflag:$0x1] =	stream.indirect_vreg.gather [hbm4b:s2+s4], $0x80, v39, vm0, $0xb8;
	[tilespmem:$0x1E180] =	vst v63  }
0x76f: {  	s10 =	simm.s32 $0x8980  }
0x770: {  	[tilespmem:s10], [sflag:$0x1] =	stream.indirect_vreg.gather [hbm4b:s24+s4], $0x80, v39, vm0, $0xb8;
	[tilespmem:$0x1E180] =	vst v63  }
0x771: {  	_ = 	snop  }
0x772: {  	[tilespmem:s17], [sflag:$0x1] =	stream.indirect_vreg.gather [hbm4b:s2+s4], $0x80, v38, vm0, $0xb8;
	[tilespmem:$0x1E180] =	vst v63  }
0x773: {  	s17 =	simm.s32 $0x9980  }
0x774: {  	[tilespmem:s17], [sflag:$0x1] =	stream.indirect_vreg.gather [hbm4b:s24+s4], $0x80, v38, vm0, $0xb8;
	[tilespmem:$0x1E180] =	vst v63  }
0x775: {  	v38 =	vld [tilespmem:$0x50];
	_ =	sdelay $0x4  }
0x776: {  	v42 =	vshll.u32 v38, $0x2  }
0x777: {  	v38 =	vand.u32 $0x7, v38;
	v39 =	vand.u32 $0xFFFFFFE0, v42  }
0x778: {  	v38 =	vor.u32 v38, v39  }
0x779: {  	v39 =	vperm.xlane v38, v35;
	_ =	sdelay $0x1  }
0x77a: {  	v39 =	vadd.s32 v36, v39;
	_ =	sdelay $0x1  }
0x77b: {  	v38 =	vperm.xlane v38, v37;
	_ =	sdelay $0x1  }
0x77c: {  	v38 =	vadd.s32 v36, v38  }
0x77d: {  	[tilespmem:s18], [sflag:$0x1] =	stream.indirect_vreg.gather [hbm4b:s2+s4], $0x80, v39, vm0, $0xb8;
	[tilespmem:$0x1E180] =	vst v63  }
0x77e: {  	_ = 	snop  }
0x77f: {  	[tilespmem:s19], [sflag:$0x1] =	stream.indirect_vreg.gather [hbm4b:s24+s4], $0x80, v39, vm0, $0xb8;
	[tilespmem:$0x1E180] =	vst v63  }
0x780: {  	_ = 	snop  }
0x781: {  	[tilespmem:s20], [sflag:$0x1] =	stream.indirect_vreg.gather [hbm4b:s2+s4], $0x80, v38, vm0, $0xb8;
	[tilespmem:$0x1E180] =	vst v63  }
0x782: {  	s18 =	simm.s32 $0xB980  }
0x783: {  	[tilespmem:s18], [sflag:$0x1] =	stream.indirect_vreg.gather [hbm4b:s24+s4], $0x80, v38, vm0, $0xb8;
	[tilespmem:$0x1E180] =	vst v63  }
0x784: {  	v38 =	vld [tilespmem:$0x60];
	_ =	sdelay $0x4  }
0x785: {  	v42 =	vshll.u32 v38, $0x2  }
0x786: {  	v38 =	vand.u32 $0x7, v38;
	v39 =	vand.u32 $0xFFFFFFE0, v42  }
0x787: {  	v38 =	vor.u32 v38, v39  }
0x788: {  	v39 =	vperm.xlane v38, v35;
	_ =	sdelay $0x1  }
0x789: {  	v39 =	vadd.s32 v36, v39;
	_ =	sdelay $0x1  }
0x78a: {  	v38 =	vperm.xlane v38, v37;
	_ =	sdelay $0x1  }
0x78b: {  	v38 =	vadd.s32 v36, v38  }
0x78c: {  	[tilespmem:s21], [sflag:$0x1] =	stream.indirect_vreg.gather [hbm4b:s2+s4], $0x80, v39, vm0, $0xb8;
	[tilespmem:$0x1E180] =	vst v63  }
0x78d: {  	s12 =	simm.s32 $0xC980  }
0x78e: {  	[tilespmem:s12], [sflag:$0x1] =	stream.indirect_vreg.gather [hbm4b:s24+s4], $0x80, v39, vm0, $0xb8;
	[tilespmem:$0x1E180] =	vst v63  }
0x78f: {  	s19 =	simm.s32 $0xD180  }
0x790: {  	[tilespmem:s19], [sflag:$0x1] =	stream.indirect_vreg.gather [hbm4b:s2+s4], $0x80, v38, vm0, $0xb8;
	[tilespmem:$0x1E180] =	vst v63  }
0x791: {  	s11 =	simm.s32 $0xD980  }
0x792: {  	[tilespmem:s11], [sflag:$0x1] =	stream.indirect_vreg.gather [hbm4b:s24+s4], $0x80, v38, vm0, $0xb8;
	[tilespmem:$0x1E180] =	vst v63  }
0x793: {  	_ =	swait.ge [sflag:s3], $0xE000  }
0x794: {  	s20 =	sld [smem:$0x7F5]  }
0x795: {  	[sflag:s3] =	ssyncset.done $0x0  }
0x796: {  	s21 =	simm.s32 $0xE180;
	[sflag:s3] =	ssyncadd.s32 $0xFFFF2000  }
0x797: {  	[hbm4b:s20+s4] =	stream.linear.scatter [tilespmem:s21], [sflag:$0x4], $0xE000, $0x38;
	[tilespmem:$0x1E180] =	vst v63  }
0x798: {  	_ =	swait.ge [sflag:s31], $0xE000  }
0x799: {  	v42 =	vld [tilespmem:$0x1FFC0];
	_ =	sdelay $0x2  }
0x79a: {  	[sflag:s31] =	ssyncset.done $0x0  }
0x79b: {  	[sflag:s31] =	ssyncadd.s32 $0xFFFF2000  }
0x79c: {  	[tilespmem:$0x80] =	vst v42;
	v42 =	vld [tilespmem:$0x1FC70];
	_ =	sdelay $0x4  }
0x79d: {  	[tilespmem:$0x90] =	vst v42;
	v42 =	vld [tilespmem:$0x1FC80];
	_ =	sdelay $0x4  }
0x79e: {  	[tilespmem:$0xA0] =	vst v42;
	v42 =	vld [tilespmem:$0x1FC90];
	_ =	sdelay $0x4  }
0x79f: {  	[tilespmem:$0xB0] =	vst v42;
	v42 =	vld [tilespmem:$0x1FCA0];
	_ =	sdelay $0x4  }
0x7a0: {  	[tilespmem:$0xC0] =	vst v42;
	v42 =	vld [tilespmem:$0x1FCB0];
	_ =	sdelay $0x3  }
0x7a1: {  	v38 =	vperm.xlane v30, v35  }
0x7a2: {  	[tilespmem:$0xD0] =	vst v42;
	v42 =	vld [tilespmem:$0x1FCC0]  }
0x7a3: {  	v38 =	vadd.s32 v36, v38;
	_ =	sdelay $0x1  }
0x7a4: {  	v39 =	vperm.xlane v30, v37;
	_ =	sdelay $0x1  }
0x7a5: {  	v39 =	vadd.s32 v36, v39;
	[tilespmem:$0xE0] =	vst v42  }
0x7a6: {  	[tilespmem:s21], [sflag:$0x2] =	stream.indirect_vreg.gather [hbm4b:s2+s4], $0x80, v38, vm0, $0xb8;
	[tilespmem:$0x1E180] =	vst v63  }
0x7a7: {  	_ = 	snop  }
0x7a8: {  	[tilespmem:s23], [sflag:$0x2] =	stream.indirect_vreg.gather [hbm4b:s24+s4], $0x80, v38, vm0, $0xb8;
	[tilespmem:$0x1E180] =	vst v63  }
0x7a9: {  	_ = 	snop  }
0x7aa: {  	[tilespmem:s25], [sflag:$0x2] =	stream.indirect_vreg.gather [hbm4b:s2+s4], $0x80, v39, vm0, $0xb8;
	[tilespmem:$0x1E180] =	vst v63  }
0x7ab: {  	s29 =	simm.s32 $0xF980  }
0x7ac: {  	[tilespmem:s29], [sflag:$0x2] =	stream.indirect_vreg.gather [hbm4b:s24+s4], $0x80, v39, vm0, $0xb8;
	[tilespmem:$0x1E180] =	vst v63  }
0x7ad: {  	v38 =	vld [tilespmem:$0x90];
	_ =	sdelay $0x4  }
0x7ae: {  	v42 =	vshll.u32 v38, $0x2  }
0x7af: {  	v38 =	vand.u32 $0x7, v38;
	v39 =	vand.u32 $0xFFFFFFE0, v42  }
0x7b0: {  	v38 =	vor.u32 v38, v39  }
0x7b1: {  	v39 =	vperm.xlane v38, v35;
	_ =	sdelay $0x1  }
0x7b2: {  	v39 =	vadd.s32 v36, v39;
	_ =	sdelay $0x1  }
0x7b3: {  	v38 =	vperm.xlane v38, v37;
	_ =	sdelay $0x1  }
0x7b4: {  	v38 =	vadd.s32 v36, v38  }
0x7b5: {  	[tilespmem:s26], [sflag:$0x2] =	stream.indirect_vreg.gather [hbm4b:s2+s4], $0x80, v39, vm0, $0xb8;
	[tilespmem:$0x1E180] =	vst v63  }
0x7b6: {  	s0 =	simm.s32 $0x10980  }
0x7b7: {  	[tilespmem:s0], [sflag:$0x2] =	stream.indirect_vreg.gather [hbm4b:s24+s4], $0x80, v39, vm0, $0xb8;
	[tilespmem:$0x1E180] =	vst v63  }
0x7b8: {  	s1 =	simm.s32 $0x11180  }
0x7b9: {  	[tilespmem:s1], [sflag:$0x2] =	stream.indirect_vreg.gather [hbm4b:s2+s4], $0x80, v38, vm0, $0xb8;
	[tilespmem:$0x1E180] =	vst v63  }
0x7ba: {  	s5 =	simm.s32 $0x11980  }
0x7bb: {  	[tilespmem:s5], [sflag:$0x2] =	stream.indirect_vreg.gather [hbm4b:s24+s4], $0x80, v38, vm0, $0xb8;
	[tilespmem:$0x1E180] =	vst v63  }
0x7bc: {  	v38 =	vld [tilespmem:$0xA0];
	_ =	sdelay $0x4  }
0x7bd: {  	v42 =	vshll.u32 v38, $0x2  }
0x7be: {  	v38 =	vand.u32 $0x7, v38;
	v39 =	vand.u32 $0xFFFFFFE0, v42  }
0x7bf: {  	v38 =	vor.u32 v38, v39  }
0x7c0: {  	v39 =	vperm.xlane v38, v35;
	_ =	sdelay $0x1  }
0x7c1: {  	v39 =	vadd.s32 v36, v39;
	_ =	sdelay $0x1  }
0x7c2: {  	v38 =	vperm.xlane v38, v37;
	_ =	sdelay $0x1  }
0x7c3: {  	s7 =	simm.s32 $0x12180;
	v38 =	vadd.s32 v36, v38  }
0x7c4: {  	[tilespmem:s7], [sflag:$0x2] =	stream.indirect_vreg.gather [hbm4b:s2+s4], $0x80, v39, vm0, $0xb8;
	[tilespmem:$0x1E180] =	vst v63  }
0x7c5: {  	s8 =	simm.s32 $0x12980  }
0x7c6: {  	[tilespmem:s8], [sflag:$0x2] =	stream.indirect_vreg.gather [hbm4b:s24+s4], $0x80, v39, vm0, $0xb8;
	[tilespmem:$0x1E180] =	vst v63  }
0x7c7: {  	s9 =	simm.s32 $0x13180  }
0x7c8: {  	[tilespmem:s9], [sflag:$0x2] =	stream.indirect_vreg.gather [hbm4b:s2+s4], $0x80, v38, vm0, $0xb8;
	[tilespmem:$0x1E180] =	vst v63  }
0x7c9: {  	s1 =	simm.s32 $0x13980  }
0x7ca: {  	[tilespmem:s1], [sflag:$0x2] =	stream.indirect_vreg.gather [hbm4b:s24+s4], $0x80, v38, vm0, $0xb8;
	[tilespmem:$0x1E180] =	vst v63  }
0x7cb: {  	v38 =	vld [tilespmem:$0xB0];
	_ =	sdelay $0x4  }
0x7cc: {  	v42 =	vshll.u32 v38, $0x2  }
0x7cd: {  	v38 =	vand.u32 $0x7, v38;
	v39 =	vand.u32 $0xFFFFFFE0, v42  }
0x7ce: {  	v38 =	vor.u32 v38, v39  }
0x7cf: {  	v39 =	vperm.xlane v38, v35;
	_ =	sdelay $0x1  }
0x7d0: {  	v39 =	vadd.s32 v36, v39;
	_ =	sdelay $0x1  }
0x7d1: {  	v38 =	vperm.xlane v38, v37;
	_ =	sdelay $0x1  }
0x7d2: {  	s10 =	simm.s32 $0x14180;
	v38 =	vadd.s32 v36, v38  }
0x7d3: {  	[tilespmem:s10], [sflag:$0x2] =	stream.indirect_vreg.gather [hbm4b:s2+s4], $0x80, v39, vm0, $0xb8;
	[tilespmem:$0x1E180] =	vst v63  }
0x7d4: {  	s11 =	simm.s32 $0x14980  }
0x7d5: {  	[tilespmem:s11], [sflag:$0x2] =	stream.indirect_vreg.gather [hbm4b:s24+s4], $0x80, v39, vm0, $0xb8;
	[tilespmem:$0x1E180] =	vst v63  }
0x7d6: {  	s29 =	simm.s32 $0x15180  }
0x7d7: {  	[tilespmem:s29], [sflag:$0x2] =	stream.indirect_vreg.gather [hbm4b:s2+s4], $0x80, v38, vm0, $0xb8;
	[tilespmem:$0x1E180] =	vst v63  }
0x7d8: {  	s0 =	simm.s32 $0x15980  }
0x7d9: {  	[tilespmem:s0], [sflag:$0x2] =	stream.indirect_vreg.gather [hbm4b:s24+s4], $0x80, v38, vm0, $0xb8;
	[tilespmem:$0x1E180] =	vst v63  }
0x7da: {  	v38 =	vld [tilespmem:$0xC0];
	_ =	sdelay $0x4  }
0x7db: {  	v42 =	vshll.u32 v38, $0x2  }
0x7dc: {  	v38 =	vand.u32 $0x7, v38;
	v39 =	vand.u32 $0xFFFFFFE0, v42  }
0x7dd: {  	v38 =	vor.u32 v38, v39  }
0x7de: {  	v39 =	vperm.xlane v38, v35;
	_ =	sdelay $0x1  }
0x7df: {  	v39 =	vadd.s32 v36, v39;
	_ =	sdelay $0x1  }
0x7e0: {  	v38 =	vperm.xlane v38, v37;
	_ =	sdelay $0x1  }
0x7e1: {  	s5 =	simm.s32 $0x16180;
	v38 =	vadd.s32 v36, v38  }
0x7e2: {  	[tilespmem:s5], [sflag:$0x2] =	stream.indirect_vreg.gather [hbm4b:s2+s4], $0x80, v39, vm0, $0xb8;
	[tilespmem:$0x1E180] =	vst v63  }
0x7e3: {  	s7 =	simm.s32 $0x16980  }
0x7e4: {  	[tilespmem:s7], [sflag:$0x2] =	stream.indirect_vreg.gather [hbm4b:s24+s4], $0x80, v39, vm0, $0xb8;
	[tilespmem:$0x1E180] =	vst v63  }
0x7e5: {  	s0 =	simm.s32 $0x17180  }
0x7e6: {  	[tilespmem:s0], [sflag:$0x2] =	stream.indirect_vreg.gather [hbm4b:s2+s4], $0x80, v38, vm0, $0xb8;
	[tilespmem:$0x1E180] =	vst v63  }
0x7e7: {  	s5 =	simm.s32 $0x17980  }
0x7e8: {  	[tilespmem:s5], [sflag:$0x2] =	stream.indirect_vreg.gather [hbm4b:s24+s4], $0x80, v38, vm0, $0xb8;
	[tilespmem:$0x1E180] =	vst v63  }
0x7e9: {  	v38 =	vld [tilespmem:$0xD0];
	_ =	sdelay $0x4  }
0x7ea: {  	v42 =	vshll.u32 v38, $0x2  }
0x7eb: {  	v38 =	vand.u32 $0x7, v38;
	v39 =	vand.u32 $0xFFFFFFE0, v42  }
0x7ec: {  	v38 =	vor.u32 v38, v39  }
0x7ed: {  	v39 =	vperm.xlane v38, v35;
	_ =	sdelay $0x1  }
0x7ee: {  	v39 =	vadd.s32 v36, v39;
	_ =	sdelay $0x1  }
0x7ef: {  	v38 =	vperm.xlane v38, v37;
	_ =	sdelay $0x1  }
0x7f0: {  	s7 =	simm.s32 $0x18180;
	v38 =	vadd.s32 v36, v38  }
0x7f1: {  	[tilespmem:s7], [sflag:$0x2] =	stream.indirect_vreg.gather [hbm4b:s2+s4], $0x80, v39, vm0, $0xb8;
	[tilespmem:$0x1E180] =	vst v63  }
0x7f2: {  	s0 =	simm.s32 $0x18980  }
0x7f3: {  	[tilespmem:s0], [sflag:$0x2] =	stream.indirect_vreg.gather [hbm4b:s24+s4], $0x80, v39, vm0, $0xb8;
	[tilespmem:$0x1E180] =	vst v63  }
0x7f4: {  	s5 =	simm.s32 $0x19180  }
0x7f5: {  	[tilespmem:s5], [sflag:$0x2] =	stream.indirect_vreg.gather [hbm4b:s2+s4], $0x80, v38, vm0, $0xb8;
	[tilespmem:$0x1E180] =	vst v63  }
0x7f6: {  	s7 =	simm.s32 $0x19980  }
0x7f7: {  	[tilespmem:s7], [sflag:$0x2] =	stream.indirect_vreg.gather [hbm4b:s24+s4], $0x80, v38, vm0, $0xb8;
	[tilespmem:$0x1E180] =	vst v63  }
0x7f8: {  	v38 =	vld [tilespmem:$0xE0];
	_ =	sdelay $0x4  }
0x7f9: {  	v42 =	vshll.u32 v38, $0x2  }
0x7fa: {  	v38 =	vand.u32 $0x7, v38;
	v39 =	vand.u32 $0xFFFFFFE0, v42  }
0x7fb: {  	v38 =	vor.u32 v38, v39  }
0x7fc: {  	v39 =	vperm.xlane v38, v35;
	_ =	sdelay $0x1  }
0x7fd: {  	v39 =	vadd.s32 v36, v39;
	_ =	sdelay $0x1  }
0x7fe: {  	v38 =	vperm.xlane v38, v37;
	_ =	sdelay $0x1  }
0x7ff: {  	s0 =	simm.s32 $0x1A180;
	v38 =	vadd.s32 v36, v38  }
0x800: {  	[tilespmem:s0], [sflag:$0x2] =	stream.indirect_vreg.gather [hbm4b:s2+s4], $0x80, v39, vm0, $0xb8;
	[tilespmem:$0x1E180] =	vst v63  }
0x801: {  	s5 =	simm.s32 $0x1A980  }
0x802: {  	[tilespmem:s5], [sflag:$0x2] =	stream.indirect_vreg.gather [hbm4b:s24+s4], $0x80, v39, vm0, $0xb8;
	[tilespmem:$0x1E180] =	vst v63  }
0x803: {  	s7 =	simm.s32 $0x1B180  }
0x804: {  	[tilespmem:s7], [sflag:$0x2] =	stream.indirect_vreg.gather [hbm4b:s2+s4], $0x80, v38, vm0, $0xb8;
	[tilespmem:$0x1E180] =	vst v63  }
0x805: {  	s0 =	simm.s32 $0x1B980  }
0x806: {  	[tilespmem:s0], [sflag:$0x2] =	stream.indirect_vreg.gather [hbm4b:s24+s4], $0x80, v38, vm0, $0xb8;
	[tilespmem:$0x1E180] =	vst v63  }
0x807: {  	_ =	swait.ge [sflag:s22], $0xE000  }
0x808: {  	s5 =	sld [smem:$0x7F6]  }
0x809: {  	[sflag:s22] =	ssyncset.done $0x0  }
0x80a: {  	s7 =	simm.s32 $0x180;
	[sflag:s22] =	ssyncadd.s32 $0xFFFF2000  }
0x80b: {  	[hbm4b:s5+s4] =	stream.linear.scatter [tilespmem:s7], [sflag:$0x3], $0xE000, $0x38;
	[tilespmem:$0x1E180] =	vst v63  }
0x80c: {  	_ =	swait.ge [sflag:s28], $0xE000  }
0x80d: {  	v42 =	vld [tilespmem:$0x1FFD0];
	_ =	sdelay $0x2  }
0x80e: {  	[sflag:s28] =	ssyncset.done $0x0  }
0x80f: {  	[sflag:s28] =	ssyncadd.s32 $0xFFFF2000  }
0x810: {  	[tilespmem:$0x0] =	vst v42;
	v42 =	vld [tilespmem:$0x1FCD0];
	_ =	sdelay $0x4  }
0x811: {  	[tilespmem:$0x10] =	vst v42;
	v42 =	vld [tilespmem:$0x1FCE0];
	_ =	sdelay $0x4  }
0x812: {  	[tilespmem:$0x20] =	vst v42;
	v42 =	vld [tilespmem:$0x1FCF0];
	_ =	sdelay $0x4  }
0x813: {  	[tilespmem:$0x30] =	vst v42;
	v42 =	vld [tilespmem:$0x1FD10];
	_ =	sdelay $0x4  }
0x814: {  	[tilespmem:$0x40] =	vst v42;
	v42 =	vld [tilespmem:$0x1FD20];
	_ =	sdelay $0x3  }
0x815: {  	v38 =	vperm.xlane v31, v35  }
0x816: {  	[tilespmem:$0x50] =	vst v42;
	v42 =	vld [tilespmem:$0x1FD70]  }
0x817: {  	v38 =	vadd.s32 v36, v38;
	_ =	sdelay $0x1  }
0x818: {  	v39 =	vperm.xlane v31, v37;
	_ =	sdelay $0x1  }
0x819: {  	v39 =	vadd.s32 v36, v39;
	[tilespmem:$0x60] =	vst v42  }
0x81a: {  	[tilespmem:s7], [sflag:$0x1] =	stream.indirect_vreg.gather [hbm4b:s2+s4], $0x80, v38, vm0, $0xb8;
	[tilespmem:$0x1E180] =	vst v63  }
0x81b: {  	s0 =	simm.s32 $0x980  }
0x81c: {  	[tilespmem:s0], [sflag:$0x1] =	stream.indirect_vreg.gather [hbm4b:s24+s4], $0x80, v38, vm0, $0xb8;
	[tilespmem:$0x1E180] =	vst v63  }
0x81d: {  	s5 =	simm.s32 $0x1180  }
0x81e: {  	[tilespmem:s5], [sflag:$0x1] =	stream.indirect_vreg.gather [hbm4b:s2+s4], $0x80, v39, vm0, $0xb8;
	[tilespmem:$0x1E180] =	vst v63  }
0x81f: {  	_ = 	snop  }
0x820: {  	[tilespmem:s13], [sflag:$0x1] =	stream.indirect_vreg.gather [hbm4b:s24+s4], $0x80, v39, vm0, $0xb8;
	[tilespmem:$0x1E180] =	vst v63  }
0x821: {  	v38 =	vld [tilespmem:$0x10];
	_ =	sdelay $0x4  }
0x822: {  	v42 =	vshll.u32 v38, $0x2  }
0x823: {  	v38 =	vand.u32 $0x7, v38;
	v39 =	vand.u32 $0xFFFFFFE0, v42  }
0x824: {  	v38 =	vor.u32 v38, v39  }
0x825: {  	v39 =	vperm.xlane v38, v35;
	_ =	sdelay $0x1  }
0x826: {  	v39 =	vadd.s32 v36, v39;
	_ =	sdelay $0x1  }
0x827: {  	v38 =	vperm.xlane v38, v37;
	_ =	sdelay $0x1  }
0x828: {  	s13 =	simm.s32 $0x2180;
	v38 =	vadd.s32 v36, v38  }
0x829: {  	[tilespmem:s13], [sflag:$0x1] =	stream.indirect_vreg.gather [hbm4b:s2+s4], $0x80, v39, vm0, $0xb8;
	[tilespmem:$0x1E180] =	vst v63  }
0x82a: {  	s11 =	simm.s32 $0x2980  }
0x82b: {  	[tilespmem:s11], [sflag:$0x1] =	stream.indirect_vreg.gather [hbm4b:s24+s4], $0x80, v39, vm0, $0xb8;
	[tilespmem:$0x1E180] =	vst v63  }
0x82c: {  	s11 =	simm.s32 $0x3180  }
0x82d: {  	[tilespmem:s11], [sflag:$0x1] =	stream.indirect_vreg.gather [hbm4b:s2+s4], $0x80, v38, vm0, $0xb8;
	[tilespmem:$0x1E180] =	vst v63  }
0x82e: {  	_ = 	snop  }
0x82f: {  	[tilespmem:s14], [sflag:$0x1] =	stream.indirect_vreg.gather [hbm4b:s24+s4], $0x80, v38, vm0, $0xb8;
	[tilespmem:$0x1E180] =	vst v63  }
0x830: {  	v38 =	vld [tilespmem:$0x20];
	_ =	sdelay $0x4  }
0x831: {  	v42 =	vshll.u32 v38, $0x2  }
0x832: {  	v38 =	vand.u32 $0x7, v38;
	v39 =	vand.u32 $0xFFFFFFE0, v42  }
0x833: {  	v38 =	vor.u32 v38, v39  }
0x834: {  	v39 =	vperm.xlane v38, v35;
	_ =	sdelay $0x1  }
0x835: {  	v39 =	vadd.s32 v36, v39;
	_ =	sdelay $0x1  }
0x836: {  	v38 =	vperm.xlane v38, v37;
	_ =	sdelay $0x1  }
0x837: {  	s11 =	simm.s32 $0x4180;
	v38 =	vadd.s32 v36, v38  }
0x838: {  	[tilespmem:s11], [sflag:$0x1] =	stream.indirect_vreg.gather [hbm4b:s2+s4], $0x80, v39, vm0, $0xb8;
	[tilespmem:$0x1E180] =	vst v63  }
0x839: {  	s11 =	simm.s32 $0x4980  }
0x83a: {  	[tilespmem:s11], [sflag:$0x1] =	stream.indirect_vreg.gather [hbm4b:s24+s4], $0x80, v39, vm0, $0xb8;
	[tilespmem:$0x1E180] =	vst v63  }
0x83b: {  	s11 =	simm.s32 $0x5180  }
0x83c: {  	[tilespmem:s11], [sflag:$0x1] =	stream.indirect_vreg.gather [hbm4b:s2+s4], $0x80, v38, vm0, $0xb8;
	[tilespmem:$0x1E180] =	vst v63  }
0x83d: {  	_ = 	snop  }
0x83e: {  	[tilespmem:s15], [sflag:$0x1] =	stream.indirect_vreg.gather [hbm4b:s24+s4], $0x80, v38, vm0, $0xb8;
	[tilespmem:$0x1E180] =	vst v63  }
0x83f: {  	v38 =	vld [tilespmem:$0x30];
	_ =	sdelay $0x4  }
0x840: {  	v42 =	vshll.u32 v38, $0x2  }
0x841: {  	v38 =	vand.u32 $0x7, v38;
	v39 =	vand.u32 $0xFFFFFFE0, v42  }
0x842: {  	v38 =	vor.u32 v38, v39  }
0x843: {  	v39 =	vperm.xlane v38, v35;
	_ =	sdelay $0x1  }
0x844: {  	v39 =	vadd.s32 v36, v39;
	_ =	sdelay $0x1  }
0x845: {  	v38 =	vperm.xlane v38, v37;
	_ =	sdelay $0x1  }
0x846: {  	s11 =	simm.s32 $0x6180;
	v38 =	vadd.s32 v36, v38  }
0x847: {  	[tilespmem:s11], [sflag:$0x1] =	stream.indirect_vreg.gather [hbm4b:s2+s4], $0x80, v39, vm0, $0xb8;
	[tilespmem:$0x1E180] =	vst v63  }
0x848: {  	s11 =	simm.s32 $0x6980  }
0x849: {  	[tilespmem:s11], [sflag:$0x1] =	stream.indirect_vreg.gather [hbm4b:s24+s4], $0x80, v39, vm0, $0xb8;
	[tilespmem:$0x1E180] =	vst v63  }
0x84a: {  	s11 =	simm.s32 $0x7180  }
0x84b: {  	[tilespmem:s11], [sflag:$0x1] =	stream.indirect_vreg.gather [hbm4b:s2+s4], $0x80, v38, vm0, $0xb8;
	[tilespmem:$0x1E180] =	vst v63  }
0x84c: {  	_ = 	snop  }
0x84d: {  	[tilespmem:s16], [sflag:$0x1] =	stream.indirect_vreg.gather [hbm4b:s24+s4], $0x80, v38, vm0, $0xb8;
	[tilespmem:$0x1E180] =	vst v63  }
0x84e: {  	v38 =	vld [tilespmem:$0x40];
	_ =	sdelay $0x4  }
0x84f: {  	v42 =	vshll.u32 v38, $0x2  }
0x850: {  	v38 =	vand.u32 $0x7, v38;
	v39 =	vand.u32 $0xFFFFFFE0, v42  }
0x851: {  	v38 =	vor.u32 v38, v39  }
0x852: {  	v39 =	vperm.xlane v38, v35;
	_ =	sdelay $0x1  }
0x853: {  	v39 =	vadd.s32 v36, v39;
	_ =	sdelay $0x1  }
0x854: {  	v38 =	vperm.xlane v38, v37;
	_ =	sdelay $0x1  }
0x855: {  	s11 =	simm.s32 $0x8180;
	v38 =	vadd.s32 v36, v38  }
0x856: {  	[tilespmem:s11], [sflag:$0x1] =	stream.indirect_vreg.gather [hbm4b:s2+s4], $0x80, v39, vm0, $0xb8;
	[tilespmem:$0x1E180] =	vst v63  }
0x857: {  	s11 =	simm.s32 $0x8980  }
0x858: {  	[tilespmem:s11], [sflag:$0x1] =	stream.indirect_vreg.gather [hbm4b:s24+s4], $0x80, v39, vm0, $0xb8;
	[tilespmem:$0x1E180] =	vst v63  }
0x859: {  	s11 =	simm.s32 $0x9180  }
0x85a: {  	[tilespmem:s11], [sflag:$0x1] =	stream.indirect_vreg.gather [hbm4b:s2+s4], $0x80, v38, vm0, $0xb8;
	[tilespmem:$0x1E180] =	vst v63  }
0x85b: {  	_ = 	snop  }
0x85c: {  	[tilespmem:s17], [sflag:$0x1] =	stream.indirect_vreg.gather [hbm4b:s24+s4], $0x80, v38, vm0, $0xb8;
	[tilespmem:$0x1E180] =	vst v63  }
0x85d: {  	v38 =	vld [tilespmem:$0x50];
	_ =	sdelay $0x4  }
0x85e: {  	v42 =	vshll.u32 v38, $0x2  }
0x85f: {  	v38 =	vand.u32 $0x7, v38;
	v39 =	vand.u32 $0xFFFFFFE0, v42  }
0x860: {  	v38 =	vor.u32 v38, v39  }
0x861: {  	v39 =	vperm.xlane v38, v35;
	_ =	sdelay $0x1  }
0x862: {  	v39 =	vadd.s32 v36, v39;
	_ =	sdelay $0x1  }
0x863: {  	v38 =	vperm.xlane v38, v37;
	_ =	sdelay $0x1  }
0x864: {  	s11 =	simm.s32 $0xA180;
	v38 =	vadd.s32 v36, v38  }
0x865: {  	[tilespmem:s11], [sflag:$0x1] =	stream.indirect_vreg.gather [hbm4b:s2+s4], $0x80, v39, vm0, $0xb8;
	[tilespmem:$0x1E180] =	vst v63  }
0x866: {  	s11 =	simm.s32 $0xA980  }
0x867: {  	[tilespmem:s11], [sflag:$0x1] =	stream.indirect_vreg.gather [hbm4b:s24+s4], $0x80, v39, vm0, $0xb8;
	[tilespmem:$0x1E180] =	vst v63  }
0x868: {  	s11 =	simm.s32 $0xB180  }
0x869: {  	[tilespmem:s11], [sflag:$0x1] =	stream.indirect_vreg.gather [hbm4b:s2+s4], $0x80, v38, vm0, $0xb8;
	[tilespmem:$0x1E180] =	vst v63  }
0x86a: {  	_ = 	snop  }
0x86b: {  	[tilespmem:s18], [sflag:$0x1] =	stream.indirect_vreg.gather [hbm4b:s24+s4], $0x80, v38, vm0, $0xb8;
	[tilespmem:$0x1E180] =	vst v63  }
0x86c: {  	v38 =	vld [tilespmem:$0x60];
	_ =	sdelay $0x4  }
0x86d: {  	v42 =	vshll.u32 v38, $0x2  }
0x86e: {  	v38 =	vand.u32 $0x7, v38;
	v39 =	vand.u32 $0xFFFFFFE0, v42  }
0x86f: {  	v38 =	vor.u32 v38, v39  }
0x870: {  	v39 =	vperm.xlane v38, v35;
	_ =	sdelay $0x1  }
0x871: {  	v39 =	vadd.s32 v36, v39;
	_ =	sdelay $0x1  }
0x872: {  	v38 =	vperm.xlane v38, v37;
	_ =	sdelay $0x1  }
0x873: {  	s11 =	simm.s32 $0xC180;
	v38 =	vadd.s32 v36, v38  }
0x874: {  	[tilespmem:s11], [sflag:$0x1] =	stream.indirect_vreg.gather [hbm4b:s2+s4], $0x80, v39, vm0, $0xb8;
	[tilespmem:$0x1E180] =	vst v63  }
0x875: {  	_ = 	snop  }
0x876: {  	[tilespmem:s12], [sflag:$0x1] =	stream.indirect_vreg.gather [hbm4b:s24+s4], $0x80, v39, vm0, $0xb8;
	[tilespmem:$0x1E180] =	vst v63  }
0x877: {  	_ = 	snop  }
0x878: {  	[tilespmem:s19], [sflag:$0x1] =	stream.indirect_vreg.gather [hbm4b:s2+s4], $0x80, v38, vm0, $0xb8;
	[tilespmem:$0x1E180] =	vst v63  }
0x879: {  	s11 =	simm.s32 $0xD980  }
0x87a: {  	[tilespmem:s11], [sflag:$0x1] =	stream.indirect_vreg.gather [hbm4b:s24+s4], $0x80, v38, vm0, $0xb8;
	[tilespmem:$0x1E180] =	vst v63  }
0x87b: {  	_ =	swait.ge [sflag:s3], $0xE000  }
0x87c: {  	s11 =	sld [smem:$0x7F8]  }
0x87d: {  	[sflag:s3] =	ssyncset.done $0x0  }
0x87e: {  	s20 =	simm.s32 $0xE180;
	[sflag:s3] =	ssyncadd.s32 $0xFFFF2000  }
0x87f: {  	[hbm4b:s11+s4] =	stream.linear.scatter [tilespmem:s20], [sflag:$0x4], $0xE000, $0x38;
	[tilespmem:$0x1E180] =	vst v63  }
0x880: {  	_ =	swait.ge [sflag:s31], $0xE000  }
0x881: {  	v42 =	vld [tilespmem:$0x1FFE0];
	_ =	sdelay $0x2  }
0x882: {  	[sflag:s31] =	ssyncset.done $0x0  }
0x883: {  	[sflag:s31] =	ssyncadd.s32 $0xFFFF2000  }
0x884: {  	[tilespmem:$0x80] =	vst v42;
	v42 =	vld [tilespmem:$0x1FD90];
	_ =	sdelay $0x4  }
0x885: {  	[tilespmem:$0x90] =	vst v42;
	v42 =	vld [tilespmem:$0x1FDB0];
	_ =	sdelay $0x4  }
0x886: {  	[tilespmem:$0xA0] =	vst v42;
	v42 =	vld [tilespmem:$0x1FDD0];
	_ =	sdelay $0x4  }
0x887: {  	[tilespmem:$0xB0] =	vst v42;
	v42 =	vld [tilespmem:$0x1FDE0];
	_ =	sdelay $0x4  }
0x888: {  	[tilespmem:$0xC0] =	vst v42;
	v42 =	vld [tilespmem:$0x1FDF0];
	_ =	sdelay $0x3  }
0x889: {  	v38 =	vperm.xlane v32, v35  }
0x88a: {  	[tilespmem:$0xD0] =	vst v42;
	v42 =	vld [tilespmem:$0x1FE10]  }
0x88b: {  	v38 =	vadd.s32 v36, v38;
	_ =	sdelay $0x1  }
0x88c: {  	v39 =	vperm.xlane v32, v37;
	_ =	sdelay $0x1  }
0x88d: {  	v39 =	vadd.s32 v36, v39;
	[tilespmem:$0xE0] =	vst v42  }
0x88e: {  	[tilespmem:s20], [sflag:$0x2] =	stream.indirect_vreg.gather [hbm4b:s2+s4], $0x80, v38, vm0, $0xb8;
	[tilespmem:$0x1E180] =	vst v63  }
0x88f: {  	s21 =	simm.s32 $0xE980  }
0x890: {  	[tilespmem:s21], [sflag:$0x2] =	stream.indirect_vreg.gather [hbm4b:s24+s4], $0x80, v38, vm0, $0xb8;
	[tilespmem:$0x1E180] =	vst v63  }
0x891: {  	s23 =	simm.s32 $0xF180  }
0x892: {  	[tilespmem:s23], [sflag:$0x2] =	stream.indirect_vreg.gather [hbm4b:s2+s4], $0x80, v39, vm0, $0xb8;
	[tilespmem:$0x1E180] =	vst v63  }
0x893: {  	s23 =	simm.s32 $0xF980  }
0x894: {  	[tilespmem:s23], [sflag:$0x2] =	stream.indirect_vreg.gather [hbm4b:s24+s4], $0x80, v39, vm0, $0xb8;
	[tilespmem:$0x1E180] =	vst v63  }
0x895: {  	v38 =	vld [tilespmem:$0x90];
	_ =	sdelay $0x4  }
0x896: {  	v42 =	vshll.u32 v38, $0x2  }
0x897: {  	v38 =	vand.u32 $0x7, v38;
	v39 =	vand.u32 $0xFFFFFFE0, v42  }
0x898: {  	v38 =	vor.u32 v38, v39  }
0x899: {  	v39 =	vperm.xlane v38, v35;
	_ =	sdelay $0x1  }
0x89a: {  	v39 =	vadd.s32 v36, v39;
	_ =	sdelay $0x1  }
0x89b: {  	v38 =	vperm.xlane v38, v37;
	_ =	sdelay $0x1  }
0x89c: {  	s25 =	simm.s32 $0x10180;
	v38 =	vadd.s32 v36, v38  }
0x89d: {  	[tilespmem:s25], [sflag:$0x2] =	stream.indirect_vreg.gather [hbm4b:s2+s4], $0x80, v39, vm0, $0xb8;
	[tilespmem:$0x1E180] =	vst v63  }
0x89e: {  	s26 =	simm.s32 $0x10980  }
0x89f: {  	[tilespmem:s26], [sflag:$0x2] =	stream.indirect_vreg.gather [hbm4b:s24+s4], $0x80, v39, vm0, $0xb8;
	[tilespmem:$0x1E180] =	vst v63  }
0x8a0: {  	s26 =	simm.s32 $0x11180  }
0x8a1: {  	[tilespmem:s26], [sflag:$0x2] =	stream.indirect_vreg.gather [hbm4b:s2+s4], $0x80, v38, vm0, $0xb8;
	[tilespmem:$0x1E180] =	vst v63  }
0x8a2: {  	s21 =	simm.s32 $0x11980  }
0x8a3: {  	[tilespmem:s21], [sflag:$0x2] =	stream.indirect_vreg.gather [hbm4b:s24+s4], $0x80, v38, vm0, $0xb8;
	[tilespmem:$0x1E180] =	vst v63  }
0x8a4: {  	v38 =	vld [tilespmem:$0xA0];
	_ =	sdelay $0x4  }
0x8a5: {  	v42 =	vshll.u32 v38, $0x2  }
0x8a6: {  	v38 =	vand.u32 $0x7, v38;
	v39 =	vand.u32 $0xFFFFFFE0, v42  }
0x8a7: {  	v38 =	vor.u32 v38, v39  }
0x8a8: {  	v39 =	vperm.xlane v38, v35;
	_ =	sdelay $0x1  }
0x8a9: {  	v39 =	vadd.s32 v36, v39;
	_ =	sdelay $0x1  }
0x8aa: {  	v38 =	vperm.xlane v38, v37;
	_ =	sdelay $0x1  }
0x8ab: {  	s23 =	simm.s32 $0x12180;
	v38 =	vadd.s32 v36, v38  }
0x8ac: {  	[tilespmem:s23], [sflag:$0x2] =	stream.indirect_vreg.gather [hbm4b:s2+s4], $0x80, v39, vm0, $0xb8;
	[tilespmem:$0x1E180] =	vst v63  }
0x8ad: {  	s25 =	simm.s32 $0x12980  }
0x8ae: {  	[tilespmem:s25], [sflag:$0x2] =	stream.indirect_vreg.gather [hbm4b:s24+s4], $0x80, v39, vm0, $0xb8;
	[tilespmem:$0x1E180] =	vst v63  }
0x8af: {  	s26 =	simm.s32 $0x13180  }
0x8b0: {  	[tilespmem:s26], [sflag:$0x2] =	stream.indirect_vreg.gather [hbm4b:s2+s4], $0x80, v38, vm0, $0xb8;
	[tilespmem:$0x1E180] =	vst v63  }
0x8b1: {  	_ = 	snop  }
0x8b2: {  	[tilespmem:s1], [sflag:$0x2] =	stream.indirect_vreg.gather [hbm4b:s24+s4], $0x80, v38, vm0, $0xb8;
	[tilespmem:$0x1E180] =	vst v63  }
0x8b3: {  	v38 =	vld [tilespmem:$0xB0];
	_ =	sdelay $0x4  }
0x8b4: {  	v42 =	vshll.u32 v38, $0x2  }
0x8b5: {  	v38 =	vand.u32 $0x7, v38;
	v39 =	vand.u32 $0xFFFFFFE0, v42  }
0x8b6: {  	v38 =	vor.u32 v38, v39  }
0x8b7: {  	v39 =	vperm.xlane v38, v35;
	_ =	sdelay $0x1  }
0x8b8: {  	v39 =	vadd.s32 v36, v39;
	_ =	sdelay $0x1  }
0x8b9: {  	v38 =	vperm.xlane v38, v37;
	_ =	sdelay $0x1  }
0x8ba: {  	s8 =	simm.s32 $0x14180;
	v38 =	vadd.s32 v36, v38  }
0x8bb: {  	[tilespmem:s8], [sflag:$0x2] =	stream.indirect_vreg.gather [hbm4b:s2+s4], $0x80, v39, vm0, $0xb8;
	[tilespmem:$0x1E180] =	vst v63  }
0x8bc: {  	s9 =	simm.s32 $0x14980  }
0x8bd: {  	[tilespmem:s9], [sflag:$0x2] =	stream.indirect_vreg.gather [hbm4b:s24+s4], $0x80, v39, vm0, $0xb8;
	[tilespmem:$0x1E180] =	vst v63  }
0x8be: {  	s10 =	simm.s32 $0x15180  }
0x8bf: {  	[tilespmem:s10], [sflag:$0x2] =	stream.indirect_vreg.gather [hbm4b:s2+s4], $0x80, v38, vm0, $0xb8;
	[tilespmem:$0x1E180] =	vst v63  }
0x8c0: {  	s10 =	simm.s32 $0x15980  }
0x8c1: {  	[tilespmem:s10], [sflag:$0x2] =	stream.indirect_vreg.gather [hbm4b:s24+s4], $0x80, v38, vm0, $0xb8;
	[tilespmem:$0x1E180] =	vst v63  }
0x8c2: {  	v38 =	vld [tilespmem:$0xC0];
	_ =	sdelay $0x4  }
0x8c3: {  	v42 =	vshll.u32 v38, $0x2  }
0x8c4: {  	v38 =	vand.u32 $0x7, v38;
	v39 =	vand.u32 $0xFFFFFFE0, v42  }
0x8c5: {  	v38 =	vor.u32 v38, v39  }
0x8c6: {  	v39 =	vperm.xlane v38, v35;
	_ =	sdelay $0x1  }
0x8c7: {  	v39 =	vadd.s32 v36, v39;
	_ =	sdelay $0x1  }
0x8c8: {  	v38 =	vperm.xlane v38, v37;
	_ =	sdelay $0x1  }
0x8c9: {  	s29 =	simm.s32 $0x16180;
	v38 =	vadd.s32 v36, v38  }
0x8ca: {  	[tilespmem:s29], [sflag:$0x2] =	stream.indirect_vreg.gather [hbm4b:s2+s4], $0x80, v39, vm0, $0xb8;
	[tilespmem:$0x1E180] =	vst v63  }
0x8cb: {  	s11 =	simm.s32 $0x16980  }
0x8cc: {  	[tilespmem:s11], [sflag:$0x2] =	stream.indirect_vreg.gather [hbm4b:s24+s4], $0x80, v39, vm0, $0xb8;
	[tilespmem:$0x1E180] =	vst v63  }
0x8cd: {  	s21 =	simm.s32 $0x17180  }
0x8ce: {  	[tilespmem:s21], [sflag:$0x2] =	stream.indirect_vreg.gather [hbm4b:s2+s4], $0x80, v38, vm0, $0xb8;
	[tilespmem:$0x1E180] =	vst v63  }
0x8cf: {  	s23 =	simm.s32 $0x17980  }
0x8d0: {  	[tilespmem:s23], [sflag:$0x2] =	stream.indirect_vreg.gather [hbm4b:s24+s4], $0x80, v38, vm0, $0xb8;
	[tilespmem:$0x1E180] =	vst v63  }
0x8d1: {  	v38 =	vld [tilespmem:$0xD0];
	_ =	sdelay $0x4  }
0x8d2: {  	v42 =	vshll.u32 v38, $0x2  }
0x8d3: {  	v38 =	vand.u32 $0x7, v38;
	v39 =	vand.u32 $0xFFFFFFE0, v42  }
0x8d4: {  	v38 =	vor.u32 v38, v39  }
0x8d5: {  	v39 =	vperm.xlane v38, v35;
	_ =	sdelay $0x1  }
0x8d6: {  	v39 =	vadd.s32 v36, v39;
	_ =	sdelay $0x1  }
0x8d7: {  	v38 =	vperm.xlane v38, v37;
	_ =	sdelay $0x1  }
0x8d8: {  	s25 =	simm.s32 $0x18180;
	v38 =	vadd.s32 v36, v38  }
0x8d9: {  	[tilespmem:s25], [sflag:$0x2] =	stream.indirect_vreg.gather [hbm4b:s2+s4], $0x80, v39, vm0, $0xb8;
	[tilespmem:$0x1E180] =	vst v63  }
0x8da: {  	s26 =	simm.s32 $0x18980  }
0x8db: {  	[tilespmem:s26], [sflag:$0x2] =	stream.indirect_vreg.gather [hbm4b:s24+s4], $0x80, v39, vm0, $0xb8;
	[tilespmem:$0x1E180] =	vst v63  }
0x8dc: {  	s29 =	simm.s32 $0x19180  }
0x8dd: {  	[tilespmem:s29], [sflag:$0x2] =	stream.indirect_vreg.gather [hbm4b:s2+s4], $0x80, v38, vm0, $0xb8;
	[tilespmem:$0x1E180] =	vst v63  }
0x8de: {  	s8 =	simm.s32 $0x19980  }
0x8df: {  	[tilespmem:s8], [sflag:$0x2] =	stream.indirect_vreg.gather [hbm4b:s24+s4], $0x80, v38, vm0, $0xb8;
	[tilespmem:$0x1E180] =	vst v63  }
0x8e0: {  	v38 =	vld [tilespmem:$0xE0];
	_ =	sdelay $0x4  }
0x8e1: {  	v42 =	vshll.u32 v38, $0x2  }
0x8e2: {  	v38 =	vand.u32 $0x7, v38;
	v39 =	vand.u32 $0xFFFFFFE0, v42  }
0x8e3: {  	v38 =	vor.u32 v38, v39  }
0x8e4: {  	v39 =	vperm.xlane v38, v35;
	_ =	sdelay $0x1  }
0x8e5: {  	v39 =	vadd.s32 v36, v39;
	_ =	sdelay $0x1  }
0x8e6: {  	v38 =	vperm.xlane v38, v37;
	_ =	sdelay $0x1  }
0x8e7: {  	s9 =	simm.s32 $0x1A180;
	v38 =	vadd.s32 v36, v38  }
0x8e8: {  	[tilespmem:s9], [sflag:$0x2] =	stream.indirect_vreg.gather [hbm4b:s2+s4], $0x80, v39, vm0, $0xb8;
	[tilespmem:$0x1E180] =	vst v63  }
0x8e9: {  	s10 =	simm.s32 $0x1A980  }
0x8ea: {  	[tilespmem:s10], [sflag:$0x2] =	stream.indirect_vreg.gather [hbm4b:s24+s4], $0x80, v39, vm0, $0xb8;
	[tilespmem:$0x1E180] =	vst v63  }
0x8eb: {  	s11 =	simm.s32 $0x1B180  }
0x8ec: {  	[tilespmem:s11], [sflag:$0x2] =	stream.indirect_vreg.gather [hbm4b:s2+s4], $0x80, v38, vm0, $0xb8;
	[tilespmem:$0x1E180] =	vst v63  }
0x8ed: {  	s21 =	simm.s32 $0x1B980  }
0x8ee: {  	[tilespmem:s21], [sflag:$0x2] =	stream.indirect_vreg.gather [hbm4b:s24+s4], $0x80, v38, vm0, $0xb8;
	[tilespmem:$0x1E180] =	vst v63  }
0x8ef: {  	_ =	swait.ge [sflag:s22], $0xE000  }
0x8f0: {  	s23 =	sld [smem:$0x7F9]  }
0x8f1: {  	[sflag:s22] =	ssyncset.done $0x0  }
0x8f2: {  	s7 =	simm.s32 $0x180;
	[sflag:s22] =	ssyncadd.s32 $0xFFFF2000  }
0x8f3: {  	[hbm4b:s23+s4] =	stream.linear.scatter [tilespmem:s7], [sflag:$0x3], $0xE000, $0x38;
	[tilespmem:$0x1E180] =	vst v63  }
0x8f4: {  	_ =	swait.ge [sflag:s28], $0xE000  }
0x8f5: {  	v42 =	vld [tilespmem:$0x1FFF0];
	_ =	sdelay $0x2  }
0x8f6: {  	[sflag:s28] =	ssyncset.done $0x0  }
0x8f7: {  	[sflag:s28] =	ssyncadd.s32 $0xFFFF2000  }
0x8f8: {  	[tilespmem:$0x0] =	vst v42;
	v42 =	vld [tilespmem:$0x1FE30];
	_ =	sdelay $0x4  }
0x8f9: {  	[tilespmem:$0x10] =	vst v42;
	v42 =	vld [tilespmem:$0x1FE40];
	_ =	sdelay $0x4  }
0x8fa: {  	[tilespmem:$0x20] =	vst v42;
	v42 =	vld [tilespmem:$0x1FE50];
	_ =	sdelay $0x4  }
0x8fb: {  	[tilespmem:$0x30] =	vst v42;
	v42 =	vld [tilespmem:$0x1FE70];
	_ =	sdelay $0x4  }
0x8fc: {  	[tilespmem:$0x40] =	vst v42;
	v42 =	vld [tilespmem:$0x1FE80];
	_ =	sdelay $0x3  }
0x8fd: {  	v38 =	vperm.xlane v34, v35  }
0x8fe: {  	[tilespmem:$0x50] =	vst v42;
	v42 =	vld [tilespmem:$0x1FF30]  }
0x8ff: {  	v38 =	vadd.s32 v36, v38;
	_ =	sdelay $0x1  }
0x900: {  	v39 =	vperm.xlane v34, v37;
	_ =	sdelay $0x1  }
0x901: {  	v39 =	vadd.s32 v36, v39;
	[tilespmem:$0x60] =	vst v42  }
0x902: {  	[tilespmem:s7], [sflag:$0x1] =	stream.indirect_vreg.gather [hbm4b:s2+s4], $0x80, v38, vm0, $0xb8;
	[tilespmem:$0x1E180] =	vst v63  }
0x903: {  	_ = 	snop  }
0x904: {  	[tilespmem:s0], [sflag:$0x1] =	stream.indirect_vreg.gather [hbm4b:s24+s4], $0x80, v38, vm0, $0xb8;
	[tilespmem:$0x1E180] =	vst v63  }
0x905: {  	_ = 	snop  }
0x906: {  	[tilespmem:s5], [sflag:$0x1] =	stream.indirect_vreg.gather [hbm4b:s2+s4], $0x80, v39, vm0, $0xb8;
	[tilespmem:$0x1E180] =	vst v63  }
0x907: {  	s25 =	simm.s32 $0x1980  }
0x908: {  	[tilespmem:s25], [sflag:$0x1] =	stream.indirect_vreg.gather [hbm4b:s24+s4], $0x80, v39, vm0, $0xb8;
	[tilespmem:$0x1E180] =	vst v63  }
0x909: {  	v38 =	vld [tilespmem:$0x10];
	_ =	sdelay $0x4  }
0x90a: {  	v42 =	vshll.u32 v38, $0x2  }
0x90b: {  	v38 =	vand.u32 $0x7, v38;
	v39 =	vand.u32 $0xFFFFFFE0, v42  }
0x90c: {  	v38 =	vor.u32 v38, v39  }
0x90d: {  	v39 =	vperm.xlane v38, v35;
	_ =	sdelay $0x1  }
0x90e: {  	v39 =	vadd.s32 v36, v39;
	_ =	sdelay $0x1  }
0x90f: {  	v38 =	vperm.xlane v38, v37;
	_ =	sdelay $0x1  }
0x910: {  	v38 =	vadd.s32 v36, v38  }
0x911: {  	[tilespmem:s13], [sflag:$0x1] =	stream.indirect_vreg.gather [hbm4b:s2+s4], $0x80, v39, vm0, $0xb8;
	[tilespmem:$0x1E180] =	vst v63  }
0x912: {  	s26 =	simm.s32 $0x2980  }
0x913: {  	[tilespmem:s26], [sflag:$0x1] =	stream.indirect_vreg.gather [hbm4b:s24+s4], $0x80, v39, vm0, $0xb8;
	[tilespmem:$0x1E180] =	vst v63  }
0x914: {  	s29 =	simm.s32 $0x3180  }
0x915: {  	[tilespmem:s29], [sflag:$0x1] =	stream.indirect_vreg.gather [hbm4b:s2+s4], $0x80, v38, vm0, $0xb8;
	[tilespmem:$0x1E180] =	vst v63  }
0x916: {  	s14 =	simm.s32 $0x3980  }
0x917: {  	[tilespmem:s14], [sflag:$0x1] =	stream.indirect_vreg.gather [hbm4b:s24+s4], $0x80, v38, vm0, $0xb8;
	[tilespmem:$0x1E180] =	vst v63  }
0x918: {  	v38 =	vld [tilespmem:$0x20];
	_ =	sdelay $0x4  }
0x919: {  	v42 =	vshll.u32 v38, $0x2  }
0x91a: {  	v38 =	vand.u32 $0x7, v38;
	v39 =	vand.u32 $0xFFFFFFE0, v42  }
0x91b: {  	v38 =	vor.u32 v38, v39  }
0x91c: {  	v39 =	vperm.xlane v38, v35;
	_ =	sdelay $0x1  }
0x91d: {  	v39 =	vadd.s32 v36, v39;
	_ =	sdelay $0x1  }
0x91e: {  	v38 =	vperm.xlane v38, v37;
	_ =	sdelay $0x1  }
0x91f: {  	s1 =	simm.s32 $0x4180;
	v38 =	vadd.s32 v36, v38  }
0x920: {  	[tilespmem:s1], [sflag:$0x1] =	stream.indirect_vreg.gather [hbm4b:s2+s4], $0x80, v39, vm0, $0xb8;
	[tilespmem:$0x1E180] =	vst v63  }
0x921: {  	s5 =	simm.s32 $0x4980  }
0x922: {  	[tilespmem:s5], [sflag:$0x1] =	stream.indirect_vreg.gather [hbm4b:s24+s4], $0x80, v39, vm0, $0xb8;
	[tilespmem:$0x1E180] =	vst v63  }
0x923: {  	s8 =	simm.s32 $0x5180  }
0x924: {  	[tilespmem:s8], [sflag:$0x1] =	stream.indirect_vreg.gather [hbm4b:s2+s4], $0x80, v38, vm0, $0xb8;
	[tilespmem:$0x1E180] =	vst v63  }
0x925: {  	s15 =	simm.s32 $0x5980  }
0x926: {  	[tilespmem:s15], [sflag:$0x1] =	stream.indirect_vreg.gather [hbm4b:s24+s4], $0x80, v38, vm0, $0xb8;
	[tilespmem:$0x1E180] =	vst v63  }
0x927: {  	v38 =	vld [tilespmem:$0x30];
	_ =	sdelay $0x4  }
0x928: {  	v42 =	vshll.u32 v38, $0x2  }
0x929: {  	v38 =	vand.u32 $0x7, v38;
	v39 =	vand.u32 $0xFFFFFFE0, v42  }
0x92a: {  	v38 =	vor.u32 v38, v39  }
0x92b: {  	v39 =	vperm.xlane v38, v35;
	_ =	sdelay $0x1  }
0x92c: {  	v39 =	vadd.s32 v36, v39;
	_ =	sdelay $0x1  }
0x92d: {  	v38 =	vperm.xlane v38, v37;
	_ =	sdelay $0x1  }
0x92e: {  	s9 =	simm.s32 $0x6180;
	v38 =	vadd.s32 v36, v38  }
0x92f: {  	[tilespmem:s9], [sflag:$0x1] =	stream.indirect_vreg.gather [hbm4b:s2+s4], $0x80, v39, vm0, $0xb8;
	[tilespmem:$0x1E180] =	vst v63  }
0x930: {  	s10 =	simm.s32 $0x6980  }
0x931: {  	[tilespmem:s10], [sflag:$0x1] =	stream.indirect_vreg.gather [hbm4b:s24+s4], $0x80, v39, vm0, $0xb8;
	[tilespmem:$0x1E180] =	vst v63  }
0x932: {  	s11 =	simm.s32 $0x7180  }
0x933: {  	[tilespmem:s11], [sflag:$0x1] =	stream.indirect_vreg.gather [hbm4b:s2+s4], $0x80, v38, vm0, $0xb8;
	[tilespmem:$0x1E180] =	vst v63  }
0x934: {  	s16 =	simm.s32 $0x7980  }
0x935: {  	[tilespmem:s16], [sflag:$0x1] =	stream.indirect_vreg.gather [hbm4b:s24+s4], $0x80, v38, vm0, $0xb8;
	[tilespmem:$0x1E180] =	vst v63  }
0x936: {  	v38 =	vld [tilespmem:$0x40];
	_ =	sdelay $0x4  }
0x937: {  	v42 =	vshll.u32 v38, $0x2  }
0x938: {  	v38 =	vand.u32 $0x7, v38;
	v39 =	vand.u32 $0xFFFFFFE0, v42  }
0x939: {  	v38 =	vor.u32 v38, v39  }
0x93a: {  	v39 =	vperm.xlane v38, v35;
	_ =	sdelay $0x1  }
0x93b: {  	v39 =	vadd.s32 v36, v39;
	_ =	sdelay $0x1  }
0x93c: {  	v38 =	vperm.xlane v38, v37;
	_ =	sdelay $0x1  }
0x93d: {  	s13 =	simm.s32 $0x8180;
	v38 =	vadd.s32 v36, v38  }
0x93e: {  	[tilespmem:s13], [sflag:$0x1] =	stream.indirect_vreg.gather [hbm4b:s2+s4], $0x80, v39, vm0, $0xb8;
	[tilespmem:$0x1E180] =	vst v63  }
0x93f: {  	s14 =	simm.s32 $0x8980  }
0x940: {  	[tilespmem:s14], [sflag:$0x1] =	stream.indirect_vreg.gather [hbm4b:s24+s4], $0x80, v39, vm0, $0xb8;
	[tilespmem:$0x1E180] =	vst v63  }
0x941: {  	s15 =	simm.s32 $0x9180  }
0x942: {  	[tilespmem:s15], [sflag:$0x1] =	stream.indirect_vreg.gather [hbm4b:s2+s4], $0x80, v38, vm0, $0xb8;
	[tilespmem:$0x1E180] =	vst v63  }
0x943: {  	s17 =	simm.s32 $0x9980  }
0x944: {  	[tilespmem:s17], [sflag:$0x1] =	stream.indirect_vreg.gather [hbm4b:s24+s4], $0x80, v38, vm0, $0xb8;
	[tilespmem:$0x1E180] =	vst v63  }
0x945: {  	v38 =	vld [tilespmem:$0x50];
	_ =	sdelay $0x4  }
0x946: {  	v42 =	vshll.u32 v38, $0x2  }
0x947: {  	v38 =	vand.u32 $0x7, v38;
	v39 =	vand.u32 $0xFFFFFFE0, v42  }
0x948: {  	v38 =	vor.u32 v38, v39  }
0x949: {  	v39 =	vperm.xlane v38, v35;
	_ =	sdelay $0x1  }
0x94a: {  	v39 =	vadd.s32 v36, v39;
	_ =	sdelay $0x1  }
0x94b: {  	v38 =	vperm.xlane v38, v37;
	_ =	sdelay $0x1  }
0x94c: {  	s16 =	simm.s32 $0xA180;
	v38 =	vadd.s32 v36, v38  }
0x94d: {  	[tilespmem:s16], [sflag:$0x1] =	stream.indirect_vreg.gather [hbm4b:s2+s4], $0x80, v39, vm0, $0xb8;
	[tilespmem:$0x1E180] =	vst v63  }
0x94e: {  	s17 =	simm.s32 $0xA980  }
0x94f: {  	[tilespmem:s17], [sflag:$0x1] =	stream.indirect_vreg.gather [hbm4b:s24+s4], $0x80, v39, vm0, $0xb8;
	[tilespmem:$0x1E180] =	vst v63  }
0x950: {  	s21 =	simm.s32 $0xB180  }
0x951: {  	[tilespmem:s21], [sflag:$0x1] =	stream.indirect_vreg.gather [hbm4b:s2+s4], $0x80, v38, vm0, $0xb8;
	[tilespmem:$0x1E180] =	vst v63  }
0x952: {  	s18 =	simm.s32 $0xB980  }
0x953: {  	[tilespmem:s18], [sflag:$0x1] =	stream.indirect_vreg.gather [hbm4b:s24+s4], $0x80, v38, vm0, $0xb8;
	[tilespmem:$0x1E180] =	vst v63  }
0x954: {  	v38 =	vld [tilespmem:$0x60];
	_ =	sdelay $0x4  }
0x955: {  	v42 =	vshll.u32 v38, $0x2  }
0x956: {  	v38 =	vand.u32 $0x7, v38;
	v39 =	vand.u32 $0xFFFFFFE0, v42  }
0x957: {  	v38 =	vor.u32 v38, v39  }
0x958: {  	v39 =	vperm.xlane v38, v35;
	_ =	sdelay $0x1  }
0x959: {  	v35 =	vadd.s32 v36, v39;
	_ =	sdelay $0x1  }
0x95a: {  	v42 =	vperm.xlane v38, v37;
	_ =	sdelay $0x1  }
0x95b: {  	s23 =	simm.s32 $0xC180;
	v42 =	vadd.s32 v36, v42  }
0x95c: {  	[tilespmem:s23], [sflag:$0x1] =	stream.indirect_vreg.gather [hbm4b:s2+s4], $0x80, v35, vm0, $0xb8;
	[tilespmem:$0x1E180] =	vst v63  }
0x95d: {  	s12 =	simm.s32 $0xC980  }
0x95e: {  	[tilespmem:s12], [sflag:$0x1] =	stream.indirect_vreg.gather [hbm4b:s24+s4], $0x80, v35, vm0, $0xb8;
	[tilespmem:$0x1E180] =	vst v63  }
0x95f: {  	s19 =	simm.s32 $0xD180  }
0x960: {  	[tilespmem:s19], [sflag:$0x1] =	stream.indirect_vreg.gather [hbm4b:s2+s4], $0x80, v42, vm0, $0xb8;
	[tilespmem:$0x1E180] =	vst v63  }
0x961: {  	s25 =	simm.s32 $0xD980  }
0x962: {  	[tilespmem:s25], [sflag:$0x1] =	stream.indirect_vreg.gather [hbm4b:s24+s4], $0x80, v42, vm0, $0xb8;
	[tilespmem:$0x1E180] =	vst v63  }
0x963: {  	_ =	swait.ge [sflag:s3], $0xE000  }
0x964: {  	s26 =	sld [smem:$0x7FB]  }
0x965: {  	[sflag:s3] =	ssyncset.done $0x0  }
0x966: {  	[sflag:s3] =	ssyncadd.s32 $0xFFFF2000  }
0x967: {  	[hbm4b:s26+s4] =	stream.linear.scatter [tilespmem:s20], [sflag:$0x4], $0xE000, $0x38;
	[tilespmem:$0x1E180] =	vst v63  }
0x968: {  	_ =	swait.ge [sflag:s22], $0xE000  }
0x969: {  	s29 =	sld [smem:$0x7FC]  }
0x96a: {  	[sflag:s22] =	ssyncset.done $0x0  }
0x96b: {  	[sflag:s22] =	ssyncadd.s32 $0xFFFF2000  }
0x96c: {  	[hbm4b:s29+s4] =	stream.linear.scatter [tilespmem:s7], [sflag:$0x3], $0xD000, $0x38;
	[tilespmem:$0x1E180] =	vst v63  }
0x96d: {  	_ =	swait.ge [sflag:s31], $0xE000  }
.Ltmp3:
0x96e: {  	[sflag:s31] =	ssyncset.done $0x0;
	(pc) =	sbr.rel .LBB2_3-.Ltmp3, $4  }
0x96f: {  	[sflag:s31] =	ssyncadd.s32 $0xFFFF2000  }
0x970: {  	_ =	swait.ge [sflag:s28], $0xD000  }
0x971: {  	[sflag:s28] =	ssyncset.done $0x0  }
0x972: {  	[sflag:s28] =	ssyncadd.s32 $0xFFFF3000  }
.LBB2_4:
0x973: {  	_ =	sfence.sel $0x180000  }
0x974: {  	[bflag:$0x0] =	sbarrier.arrive $0xFFFF  }
0x975: {  	_ =	strace $0x90000047  }
0x976: {  	s0 =	stileid.u32;
	[bflag:$0x2] =	sbarrier.arrive $0xFFFF  }
0x977: {  	p0 =	sne.s32 s0, $0x0;
	s0 =	rddreg [dreg:$0x4]  }
0x978: {  	s0 =	sadd.s32 @!p0 $0x100000, s0  }
0x979: {  	[sflag:s0] =	ssyncadd.tile.s32 @!p0 $0x1;
	_ =	shalt  }
.Lfunc_end2:
_tile_overlayer_lowered:
.L_overlay_start_2:
0x97a: {  	(tag) =	ssettag $0x2  }
0x97b: {  	s0 =	rddreg [dreg:$0x0];
	s2 =	stileid.u32  }
0x97c: {  	s1 =	rddreg [dreg:$0x1];
	p0 =	sne.s32 s2, $0x0  }
0x97d: {  	s3 =	rddreg [dreg:$0x2];
	[bflag:$0x3] =	sbarrier.arrive $0xFFFF;
	s2 =	simm.s32 @!p0 $0x1C06  }
0x97e: {  	[timem:s3], [sflag:s2] =	dma.local @!p0 [hbm:s0], s1  }
0x97f: {  	s0 =	simm.s32 @!p0 $0x6  }
0x980: {  	_ =	swait.ge @!p0 [sflag:s0], s1  }
0x981: {  	s1 =	ssub.s32 @!p0 $0x0, s1;
	[sflag:s0] =	ssyncset.done @!p0 $0x0  }
0x982: {  	[sflag:s0] =	ssyncadd.s32 @!p0 s1  }
0x983: {  	[bflag:$0x3] =	sbarrier.arrive $0xFFFF  }
0x984: {  	_ =	shalt  }

</sc_bundles>
